<compile_context>
chip_gen: v7x
topology: tpu7x:2x2x1
jax: 0.10.2.dev20260603
libtpu: 0.0.44.dev20260713+nightly
codegen_flags: <defaults>
</compile_context>

<pallas_src>
import functools

import jax
import jax.numpy as jnp
from jax import lax
from jax.experimental import pallas as pl
from jax.experimental.pallas import tpu as pltpu
from jax.experimental.pallas import tpu_sc as plsc

NC = 2
NS = 16
CH = 64
DEGW = 16


def _sc_degree(n_pad: int, e_pad: int, hp: int):
    ept = e_pad // (NC * NS)
    nch = ept // CH
    rpt = n_pad // NS
    mesh = plsc.VectorSubcoreMesh(core_axis_name="c", subcore_axis_name="s")

    @functools.partial(
        pl.kernel,
        out_type=jax.ShapeDtypeStruct((NC, n_pad, hp), jnp.float32),
        mesh=mesh,
        scratch_types=[
            pltpu.VMEM((e_pad // (NC * NS * CH), CH), jnp.int32),
            pltpu.VMEM((CH, hp), jnp.float32),
            pltpu.VMEM_SHARED((n_pad, hp), jnp.float32),
        ],
    )
    def k(dst_hbm, out_hbm, ibuf, rows, acc, *, nch=nch, rpt=rpt, ept=ept):
        cid = lax.axis_index("c")
        sid = lax.axis_index("s")
        zeros16 = jnp.zeros((16,), jnp.float32)
        ones16 = jnp.full((16,), 1.0, jnp.float32)

        def fill(val):
            def f(i, _):
                rows[i // (hp // 16), pl.ds((i % (hp // 16)) * 16, 16)] = val
                return 0
            lax.fori_loop(0, CH * (hp // 16), f, 0)

        fill(zeros16)

        def zero_acc(i, _):
            pltpu.sync_copy(rows.at[pl.ds(0, 64)],
                            acc.at[pl.ds(sid * rpt + i * 64, 64)])
            return 0

        lax.fori_loop(0, rpt // 64, zero_acc, 0)
        fill(ones16)
        cbase = (cid * NS + sid) * nch

        pltpu.sync_copy(dst_hbm.at[pl.ds(cbase, nch)], ibuf)
        plsc.subcore_barrier()

        def body(ci, _):
            pltpu.sync_copy(rows, acc.at[ibuf.at[ci]], add=True)
            return 0

        lax.fori_loop(0, nch, body, 0)
        plsc.subcore_barrier()
        pltpu.sync_copy(
            acc.at[pl.ds(sid * rpt, rpt)],
            out_hbm.at[cid, pl.ds(sid * rpt, rpt)],
        )

    return k


def _sc_scatter(n_pad: int, e_pad: int, hp: int):
    ept = e_pad // (NC * NS)
    nch = ept // CH
    rpt = n_pad // NS
    mesh = plsc.VectorSubcoreMesh(core_axis_name="c", subcore_axis_name="s")

    @functools.partial(
        pl.kernel,
        out_type=jax.ShapeDtypeStruct((NC, n_pad, hp), jnp.float32),
        mesh=mesh,
        scratch_types=[
            pltpu.VMEM((e_pad // (2 * NC * NS * CH), 2 * CH), jnp.int32),
            pltpu.VMEM((CH, hp), jnp.float32),
            pltpu.VMEM((CH, hp), jnp.float32),
            pltpu.VMEM((CH, hp), jnp.float32),
            pltpu.VMEM((CH, hp), jnp.float32),
            pltpu.VMEM_SHARED((n_pad, hp), jnp.float32),
            pltpu.SemaphoreType.DMA,
            pltpu.SemaphoreType.DMA,
            pltpu.SemaphoreType.DMA,
            pltpu.SemaphoreType.DMA,
        ],
    )
    def k(y_hbm, eidx_hbm, out_hbm, ibuf, rows0, rows1, rows2, rows3, acc,
          sem0, sem1, sem2, sem3, *, nch=nch, rpt=rpt):
        cid = lax.axis_index("c")
        sid = lax.axis_index("s")
        zeros16 = jnp.zeros((16,), jnp.float32)

        def fill(i, _):
            rows0[i // (hp // 16), pl.ds((i % (hp // 16)) * 16, 16)] = zeros16
            return 0

        lax.fori_loop(0, CH * (hp // 16), fill, 0)

        def zero_acc(i, _):
            pltpu.sync_copy(rows0.at[pl.ds(0, 64)],
                            acc.at[pl.ds(sid * rpt + i * 64, 64)])
            return 0

        lax.fori_loop(0, rpt // 64, zero_acc, 0)
        cbase = (cid * NS + sid) * nch
        nh = nch // 2
        plsc.subcore_barrier()

        def start(rowsb, semb, lc):
            pltpu.async_copy(y_hbm.at[ibuf.at[lc, pl.ds(0, CH)]], rowsb, semb)

        def finish(rowsb, semb, lc):
            pltpu.make_async_copy(
                y_hbm.at[ibuf.at[lc, pl.ds(0, CH)]], rowsb, semb).wait()
            pltpu.sync_copy(rowsb, acc.at[ibuf.at[lc, pl.ds(CH, CH)]],
                            add=True)

        bufs = ((rows0, sem0), (rows1, sem1), (rows2, sem2), (rows3, sem3))
        for h in range(2):
            pltpu.sync_copy(eidx_hbm.at[pl.ds(cbase + h * nh, nh)], ibuf)
            for r in range(4):
                start(bufs[r][0], bufs[r][1], r)

            def body(p, _):
                c = 4 * p
                for r in range(4):
                    rb, sb = bufs[r]
                    finish(rb, sb, c + r)

                    @pl.when(c + r + 4 < nh)
                    def _(rb=rb, sb=sb, lc=c + r + 4):
                        start(rb, sb, lc)
                return 0

            lax.fori_loop(0, nh // 4, body, 0)

        plsc.subcore_barrier()
        pltpu.sync_copy(
            acc.at[pl.ds(sid * rpt, rpt)],
            out_hbm.at[cid, pl.ds(sid * rpt, rpt)],
        )

    return k


def _tc_xw(x_pad, w1p):
    n_pad = x_pad.shape[0]
    hp = w1p.shape[1]

    def body(x_ref, w_ref, o_ref):
        o_ref[...] = jnp.dot(x_ref[...], w_ref[...],
                             preferred_element_type=jnp.float32)

    return pl.pallas_call(
        body,
        out_shape=jax.ShapeDtypeStruct((n_pad, hp), jnp.float32),
    )(x_pad, w1p)


def _tc_stage0(xw, degp):
    n_pad, hp = xw.shape

    def body(xw_ref, deg_ref, y_ref, dinv_ref):
        deg = deg_ref[0, :, 0:DEGW] + deg_ref[1, :, 0:DEGW] + 1.0
        dinv = lax.rsqrt(deg)
        dinv_ref[...] = dinv
        y_ref[...] = dinv[:, 0:1] * xw_ref[...]

    return pl.pallas_call(
        body,
        out_shape=(
            jax.ShapeDtypeStruct((n_pad, hp), jnp.float32),
            jax.ShapeDtypeStruct((n_pad, DEGW), jnp.float32),
        ),
    )(xw, degp)


def _tc_mid(zp, y, dinv16, bp, wnext):
    n_pad, hp = y.shape

    def body(z_ref, y_ref, dinv_ref, b_ref, w_ref, out_ref):
        dinv = dinv_ref[:, 0:1]
        z = z_ref[0] + z_ref[1] + y_ref[...]
        h = jnp.maximum(dinv * z + b_ref[...], 0.0)
        out_ref[...] = dinv * jnp.dot(h, w_ref[...],
                                      preferred_element_type=jnp.float32)

    return pl.pallas_call(
        body,
        out_shape=jax.ShapeDtypeStruct((n_pad, hp), jnp.float32),
    )(zp, y, dinv16, bp, wnext)


def _tc_stage3(zp, y, dinv16, bp, l1w, l1b, l2w, l2b, n_real):
    n_pad, hp = y.shape
    cp = l2w.shape[1]

    def body(z_ref, y_ref, dinv_ref, b_ref, w1_ref, b1_ref, w2_ref, b2_ref,
             out_ref):
        dinv = dinv_ref[:, 0:1]
        z = z_ref[0] + z_ref[1] + y_ref[...]
        h = jnp.maximum(dinv * z + b_ref[...], 0.0)
        ridx = lax.broadcasted_iota(jnp.int32, h.shape, 0)
        h = jnp.where(ridx < n_real, h, 0.0)
        g = jnp.sum(h, axis=0, keepdims=True)
        g1 = jnp.maximum(
            jnp.dot(g, w1_ref[...], preferred_element_type=jnp.float32)
            + b1_ref[...], 0.0)
        out_ref[...] = (jnp.dot(g1, w2_ref[...],
                                preferred_element_type=jnp.float32)
                        + b2_ref[...])

    return pl.pallas_call(
        body,
        out_shape=jax.ShapeDtypeStruct((1, cp), jnp.float32),
    )(zp, y, dinv16, bp, l1w, l1b, l2w, l2b)


def kernel(x, edge_index, W1, b1, W2, b2, W3, b3, lin1_W, lin1_b, lin2_W,
           lin2_b):
    n, _ = x.shape
    e = edge_index.shape[1]
    h = W1.shape[1]
    h2 = lin1_W.shape[1]
    c = lin2_W.shape[1]

    n_pad = ((n + NS * CH - 1) // (NS * CH)) * (NS * CH)
    hp = ((h + 127) // 128) * 128
    eq = 8 * NC * NS * CH
    e_pad = ((e + eq - 1) // eq) * eq
    h2p = ((h2 + 7) // 8) * 8
    cp = ((c + 7) // 8) * 8

    x_pad = jnp.pad(x, ((0, n_pad - n), (0, 0)))
    pad_cnt = e_pad - e
    pad_idx = (n + jnp.arange(pad_cnt, dtype=jnp.int32) % (n_pad - n)
               ).astype(jnp.int32)
    src = jnp.concatenate([edge_index[0], pad_idx])
    dst = jnp.concatenate([edge_index[1], pad_idx])
    eidx = jnp.concatenate([src.reshape(-1, CH), dst.reshape(-1, CH)],
                           axis=1)
    w1p = jnp.pad(W1, ((0, 0), (0, hp - h)))
    w2p = jnp.pad(W2, ((0, hp - h), (0, hp - h)))
    w3p = jnp.pad(W3, ((0, hp - h), (0, hp - h)))
    b1p = jnp.pad(b1, (0, hp - h)).reshape(1, hp)
    b2p = jnp.pad(b2, (0, hp - h)).reshape(1, hp)
    b3p = jnp.pad(b3, (0, hp - h)).reshape(1, hp)
    l1wp = jnp.pad(lin1_W, ((0, hp - h), (0, h2p - h2)))
    l1bp = jnp.pad(lin1_b, (0, h2p - h2)).reshape(1, h2p)
    l2wp = jnp.pad(lin2_W, ((0, h2p - h2), (0, cp - c)))
    l2bp = jnp.pad(lin2_b, (0, cp - c)).reshape(1, cp)

    scatter = _sc_scatter(n_pad, e_pad, hp)

    xw1 = _tc_xw(x_pad, w1p)
    degp = _sc_degree(n_pad, e_pad, hp)(dst.reshape(-1, CH))
    y1, dinv16 = _tc_stage0(xw1, degp)
    z1 = scatter(y1, eidx)
    y2 = _tc_mid(z1, y1, dinv16, b1p, w2p)
    z2 = scatter(y2, eidx)
    y3 = _tc_mid(z2, y2, dinv16, b2p, w3p)
    z3 = scatter(y3, eidx)
    outp = _tc_stage3(z3, y3, dinv16, b3p, l1wp, l1bp, l2wp, l2bp, n)
    return outp[:, :c]

# --- scband reference (transcript-rebuilt; emitter-appended) ---
"""Pipeline reference for scband-survey-stars-gcn-81638738363105 (READ-ONLY COPY).

The authoritative reference and input builder live on the scoring server;
editing this copy changes nothing except your own understanding.
"""

import jax, jax.numpy as jnp
import numpy as np

N = 10000
E = 320000
F_IN = 128
H = 70
H2 = 30
C = 3

def setup_inputs(seed: int = 0) -> dict:
    key = jax.random.key(seed)
    ks = jax.random.split(key, 12)
    x = jax.random.normal(ks[0], (N, F_IN), dtype=jnp.float32)
    edge_index = jax.random.randint(ks[1], (2, E), 0, N, dtype=jnp.int32)
    W1 = jax.random.normal(ks[2], (F_IN, H), dtype=jnp.float32) * 0.05
    b1 = jnp.zeros((H,), dtype=jnp.float32)
    W2 = jax.random.normal(ks[3], (H, H), dtype=jnp.float32) * 0.05
    b2 = jnp.zeros((H,), dtype=jnp.float32)
    W3 = jax.random.normal(ks[4], (H, H), dtype=jnp.float32) * 0.05
    b3 = jnp.zeros((H,), dtype=jnp.float32)
    lin1_W = jax.random.normal(ks[5], (H, H2), dtype=jnp.float32) * 0.05
    lin1_b = jnp.zeros((H2,), dtype=jnp.float32)
    lin2_W = jax.random.normal(ks[6], (H2, C), dtype=jnp.float32) * 0.05
    lin2_b = jnp.zeros((C,), dtype=jnp.float32)
    return {"x": x, "edge_index": edge_index, "W1": W1, "b1": b1, "W2": W2, "b2": b2, "W3": W3, "b3": b3, "lin1_W": lin1_W, "lin1_b": lin1_b, "lin2_W": lin2_W, "lin2_b": lin2_b}

def _gcn_conv(x, W, b, src, dst, ew):
    # PyG GCNConv: x @ W, gcn_norm with self-loops (already appended), scatter-add at dst, + bias
    xw = x @ W
    deg = jnp.zeros((N,), dtype=xw.dtype).at[dst].add(ew)
    dinv = jnp.where(deg > 0, jax.lax.rsqrt(jnp.maximum(deg, 1e-12)), 0.0)
    norm = dinv[src] * ew * dinv[dst]
    out = jnp.zeros_like(xw).at[dst].add(norm[:, None] * xw[src])
    return out + b

def reference(x, edge_index, W1, b1, W2, b2, W3, b3, lin1_W, lin1_b, lin2_W, lin2_b):
    # add self-loops (GCNConv default, fill_value=1.0); edge_weights default to ones
    loop = jnp.arange(N, dtype=edge_index.dtype)
    src = jnp.concatenate([edge_index[0], loop])
    dst = jnp.concatenate([edge_index[1], loop])
    ew = jnp.ones((E + N,), dtype=jnp.float32)
    h = jax.nn.relu(_gcn_conv(x, W1, b1, src, dst, ew))
    h = jax.nn.relu(_gcn_conv(h, W2, b2, src, dst, ew))
    h = jax.nn.relu(_gcn_conv(h, W3, b3, src, dst, ew))
    # batch = zeros -> global_add_pool = sum over all nodes -> [1, H]
    g = jnp.sum(h, axis=0, keepdims=True)
    g = jax.nn.relu(g @ lin1_W + lin1_b)
    out = g @ lin2_W + lin2_b
    return out

if __name__ == "__main__":
    import jax
    _d = setup_inputs()
    print(jax.jit(kernel)(*tuple(_d.values())))

</pallas_src>

<mosaic_0001>
#map = affine_map<(d0, d1) -> (0, 0)>
#map1 = affine_map<(d0, d1) -> (0, 0, 0)>
module attributes {stable_mosaic.version = 14 : i64} {
  func.func @k(%arg0: i32, %arg1: i32, %arg2: memref<10240x128xf32, #tpu.memory_space<hbm>>, %arg3: memref<5120x128xi32, #tpu.memory_space<hbm>>, %arg4: memref<2x10240x128xf32, #tpu.memory_space<hbm>>, %arg5: memref<80x128xi32, #tpu.memory_space<vmem>>, %arg6: memref<64x128xf32, #tpu.memory_space<vmem>>, %arg7: memref<64x128xf32, #tpu.memory_space<vmem>>, %arg8: memref<64x128xf32, #tpu.memory_space<vmem>>, %arg9: memref<64x128xf32, #tpu.memory_space<vmem>>, %arg10: memref<10240x128xf32, #tpu.memory_space<vmem_shared>>, %arg11: memref<!tpu.dma_semaphore, #tpu.memory_space<semaphore_mem>>, %arg12: memref<!tpu.dma_semaphore, #tpu.memory_space<semaphore_mem>>, %arg13: memref<!tpu.dma_semaphore, #tpu.memory_space<semaphore_mem>>, %arg14: memref<!tpu.dma_semaphore, #tpu.memory_space<semaphore_mem>>) attributes {dimension_semantics = [#tpu.dimension_semantics<core_parallel>, #tpu.dimension_semantics<subcore_parallel>], iteration_bounds = array<i64: 2, 16>, scalar_prefetch = 0 : i64, scratch_operands = 10 : i64, tpu.core_type = #tpu.core_type<sc_vector_subcore>, window_params = [{transform_indices = #map}, {transform_indices = #map}, {transform_indices = #map1}]} {
    %broadcast_in_dim3A = arith.constant 0.000000e+00 : f32
    %broadcast_in_dim3A_0 = vector.broadcast %broadcast_in_dim3A : f32 to vector<16xf32>
    %scan3A = arith.constant 0 : i32
    %scan3A_1 = arith.constant 0 : i32
    %scan3A_2 = arith.constant 512 : i32
    %scan3A_3 = arith.addi %scan3A_1, %scan3A_2 : i32
    %scan3A_4 = arith.constant 1 : i32
    %scan3A_5 = scf.for %scan3A_95 = %scan3A_1 to %scan3A_3 step %scan3A_4 iter_args(%scan3A_96 = %scan3A) -> (i32)  : i32 {
      %jit3A = arith.constant 8 : i32
      %div3A = arith.divsi %scan3A_95, %jit3A : i32
      %sign3A = arith.constant 0 : i32
      %sign3A_97 = arith.cmpi sgt, %scan3A_95, %sign3A : i32
      %sign3A_98 = arith.extui %sign3A_97 : i1 to i32
      %sign3A_99 = arith.constant 0 : i32
      %sign3A_100 = arith.cmpi slt, %scan3A_95, %sign3A_99 : i32
      %sign3A_101 = arith.extui %sign3A_100 : i1 to i32
      %sign3A_102 = arith.subi %sign3A_98, %sign3A_101 : i32
      %sign3A_103 = arith.constant 0 : i32
      %sign3A_104 = arith.cmpi sgt, %jit3A, %sign3A_103 : i32
      %sign3A_105 = arith.extui %sign3A_104 : i1 to i32
      %sign3A_106 = arith.constant 0 : i32
      %sign3A_107 = arith.cmpi slt, %jit3A, %sign3A_106 : i32
      %sign3A_108 = arith.extui %sign3A_107 : i1 to i32
      %sign3A_109 = arith.subi %sign3A_105, %sign3A_108 : i32
      %ne3A = arith.cmpi ne, %sign3A_102, %sign3A_109 : i32
      %rem3A = arith.remsi %scan3A_95, %jit3A : i32
      %ne3A_110 = arith.constant 0 : i32
      %ne3A_111 = arith.cmpi ne, %rem3A, %ne3A_110 : i32
      %and3A = arith.andi %ne3A, %ne3A_111 : i1
      %sub3A = arith.constant 1 : i32
      %sub3A_112 = arith.subi %div3A, %sub3A : i32
      %select_n3A = arith.select %and3A, %sub3A_112, %div3A : i32
      %jit3A_113 = arith.constant 8 : i32
      %eq3A = arith.constant 0 : i32
      %eq3A_114 = arith.cmpi eq, %jit3A_113, %eq3A : i32
      %jit3A_115 = arith.constant 1 : i32
      %select_n3A_116 = arith.select %eq3A_114, %jit3A_115, %jit3A_113 : i32
      %rem3A_117 = arith.remsi %scan3A_95, %select_n3A_116 : i32
      %ne3A_118 = arith.constant 0 : i32
      %ne3A_119 = arith.cmpi ne, %rem3A_117, %ne3A_118 : i32
      %lt3A = arith.constant 0 : i32
      %lt3A_120 = arith.cmpi slt, %rem3A_117, %lt3A : i32
      %lt3A_121 = arith.constant 0 : i32
      %lt3A_122 = arith.cmpi slt, %select_n3A_116, %lt3A_121 : i32
      %ne3A_123 = arith.xori %lt3A_120, %lt3A_122 : i1
      %and3A_124 = arith.andi %ne3A_123, %ne3A_119 : i1
      %add3A_125 = arith.addi %rem3A_117, %select_n3A_116 : i32
      %select_n3A_126 = arith.select %and3A_124, %add3A_125, %rem3A_117 : i32
      %mul3A_127 = arith.constant 16 : i32
      %mul3A_128 = arith.muli %select_n3A_126, %mul3A_127 : i32
      %swap3A = arith.index_cast %select_n3A : i32 to index
      %swap3A_129 = arith.index_cast %mul3A_128 : i32 to index
      %swap3A_130 = tpu.vector_load %arg6[%swap3A, %swap3A_129] {strides = array<i32>} : memref<64x128xf32, #tpu.memory_space<vmem>>, vector<1x16xf32>,
      %swap3A_131 = vector.shape_cast %swap3A_130 : vector<1x16xf32> to vector<16xf32>
      %swap3A_132 = vector.shape_cast %broadcast_in_dim3A_0 : vector<16xf32> to vector<1x16xf32>
      tpu.vector_store %arg6[%swap3A, %swap3A_129], %swap3A_132 {strides = array<i32>} : memref<64x128xf32, #tpu.memory_space<vmem>>, vector<1x16xf32>,
      %scan3A_133 = arith.constant 0 : i32
      scf.yield %scan3A_133 : i32
    }
    %scan3A_6 = arith.constant 512 : i32
    %scan3A_7 = arith.constant 0 : i32
    %scan3A_8 = arith.constant 0 : i32
    %scan3A_9 = arith.constant 10 : i32
    %scan3A_10 = arith.addi %scan3A_8, %scan3A_9 : i32
    %scan3A_11 = arith.constant 1 : i32
    %scan3A_12 = scf.for %scan3A_95 = %scan3A_8 to %scan3A_10 step %scan3A_11 iter_args(%scan3A_96 = %scan3A_7) -> (i32)  : i32 {
      %mul3A_97 = arith.constant 640 : i32
      %mul3A_98 = arith.muli %arg1, %mul3A_97 : i32
      %mul3A_99 = arith.constant 64 : i32
      %mul3A_100 = arith.muli %scan3A_95, %mul3A_99 : i32
      %add3A_101 = arith.addi %mul3A_98, %mul3A_100 : i32
      "tpu.region"() ({
        %run_scoped3A = tpu.sem_alloc : memref<!tpu.dma_semaphore, #tpu.memory_space<semaphore_mem>>
        %dma_start3A_103 = arith.constant 0 : i32
        %dma_start3A_104 = arith.constant 0 : i32
        %dma_start3A_105 = tpu.memref_slice %arg6[%dma_start3A_103, %dma_start3A_104] : memref<64x128xf32, #tpu.memory_space<vmem>> -> memref<64x128xf32, #tpu.memory_space<vmem>>
        %dma_start3A_106 = arith.constant 0 : i32
        %dma_start3A_107 = tpu.memref_slice %arg10[%add3A_101, %dma_start3A_106] : memref<10240x128xf32, #tpu.memory_space<vmem_shared>> -> memref<64x128xf32, #tpu.memory_space<vmem_shared>>
        %dma_start3A_108 = arith.constant 0 : i32
        %dma_start3A_109 = tpu.memref_slice %arg10[%add3A_101, %dma_start3A_108] : memref<10240x128xf32, #tpu.memory_space<vmem_shared>> -> memref<64x128xf32, #tpu.memory_space<vmem_shared>>
        %dma_start3A_110 = arith.constant 0 : i32
        %dma_start3A_111 = arith.constant 0 : i32
        %dma_start3A_112 = tpu.memref_slice %arg6[%dma_start3A_110, %dma_start3A_111] : memref<64x128xf32, #tpu.memory_space<vmem>> -> memref<64x128xf32, #tpu.memory_space<vmem>>
        tpu.enqueue_dma source(%dma_start3A_112 : memref<64x128xf32, #tpu.memory_space<vmem>>) target(%dma_start3A_109 : memref<64x128xf32, #tpu.memory_space<vmem_shared>>) target_semaphore(%run_scoped3A : memref<!tpu.dma_semaphore, #tpu.memory_space<semaphore_mem>>)
        %dma_wait3A = arith.constant 0 : i32
        %dma_wait3A_113 = arith.constant 0 : i32
        %dma_wait3A_114 = tpu.memref_slice %arg6[%dma_wait3A, %dma_wait3A_113] : memref<64x128xf32, #tpu.memory_space<vmem>> -> memref<64x128xf32, #tpu.memory_space<vmem>>
        %dma_wait3A_115 = arith.constant 0 : i32
        %dma_wait3A_116 = tpu.memref_slice %arg10[%add3A_101, %dma_wait3A_115] : memref<10240x128xf32, #tpu.memory_space<vmem_shared>> -> memref<64x128xf32, #tpu.memory_space<vmem_shared>>
        %dma_wait3A_117 = arith.constant 0 : i32
        %dma_wait3A_118 = tpu.memref_slice %arg10[%add3A_101, %dma_wait3A_117] : memref<10240x128xf32, #tpu.memory_space<vmem_shared>> -> memref<64x128xf32, #tpu.memory_space<vmem_shared>>
        %dma_wait3A_119 = arith.constant 0 : i32
        %dma_wait3A_120 = arith.constant 0 : i32
        %dma_wait3A_121 = tpu.memref_slice %arg6[%dma_wait3A_119, %dma_wait3A_120] : memref<64x128xf32, #tpu.memory_space<vmem>> -> memref<64x128xf32, #tpu.memory_space<vmem>>
        tpu.wait_dma2 semaphore(%run_scoped3A : memref<!tpu.dma_semaphore, #tpu.memory_space<semaphore_mem>>) src(%dma_wait3A_121 : memref<64x128xf32, #tpu.memory_space<vmem>>) dst(%dma_wait3A_118 : memref<64x128xf32, #tpu.memory_space<vmem_shared>>)
        tpu.yield
      }) : () -> ()
      %scan3A_102 = arith.constant 0 : i32
      scf.yield %scan3A_102 : i32
    }
    %scan3A_13 = arith.constant 10 : i32
    %mul3A = arith.constant 16 : i32
    %mul3A_14 = arith.muli %arg0, %mul3A : i32
    %add3A = arith.addi %mul3A_14, %arg1 : i32
    %mul3A_15 = arith.constant 160 : i32
    %mul3A_16 = arith.muli %add3A, %mul3A_15 : i32
    %barrier3A = arith.constant 0 : index
    tpu.barrier barrier_id(%barrier3A)
    %add3A_17 = arith.constant 0 : i32
    %add3A_18 = arith.addi %mul3A_16, %add3A_17 : i32
    "tpu.region"() ({
      %run_scoped3A = tpu.sem_alloc : memref<!tpu.dma_semaphore, #tpu.memory_space<semaphore_mem>>
      %dma_start3A_95 = arith.constant 0 : i32
      %dma_start3A_96 = tpu.memref_slice %arg3[%add3A_18, %dma_start3A_95] : memref<5120x128xi32, #tpu.memory_space<hbm>> -> memref<80x128xi32, #tpu.memory_space<hbm>>
      %dma_start3A_97 = arith.constant 0 : i32
      %dma_start3A_98 = tpu.memref_slice %arg3[%add3A_18, %dma_start3A_97] : memref<5120x128xi32, #tpu.memory_space<hbm>> -> memref<80x128xi32, #tpu.memory_space<hbm>>
      tpu.enqueue_dma source(%dma_start3A_98 : memref<80x128xi32, #tpu.memory_space<hbm>>) target(%arg5 : memref<80x128xi32, #tpu.memory_space<vmem>>) target_semaphore(%run_scoped3A : memref<!tpu.dma_semaphore, #tpu.memory_space<semaphore_mem>>)
      %dma_wait3A = arith.constant 0 : i32
      %dma_wait3A_99 = tpu.memref_slice %arg3[%add3A_18, %dma_wait3A] : memref<5120x128xi32, #tpu.memory_space<hbm>> -> memref<80x128xi32, #tpu.memory_space<hbm>>
      %dma_wait3A_100 = arith.constant 0 : i32
      %dma_wait3A_101 = tpu.memref_slice %arg3[%add3A_18, %dma_wait3A_100] : memref<5120x128xi32, #tpu.memory_space<hbm>> -> memref<80x128xi32, #tpu.memory_space<hbm>>
      tpu.wait_dma2 semaphore(%run_scoped3A : memref<!tpu.dma_semaphore, #tpu.memory_space<semaphore_mem>>) src(%dma_wait3A_101 : memref<80x128xi32, #tpu.memory_space<hbm>>) dst(%arg5 : memref<80x128xi32, #tpu.memory_space<vmem>>)
      tpu.yield
    }) : () -> ()
    %dma_start3A = arith.constant 0 : i32
    %dma_start3A_19 = arith.constant 0 : i32
    %dma_start3A_20 = tpu.memref_slice %arg5[%dma_start3A, %dma_start3A_19] : memref<80x128xi32, #tpu.memory_space<vmem>> -> memref<1x64xi32, #tpu.memory_space<vmem>>
    %dma_start3A_21 = tpu.memref_squeeze %dma_start3A_20 : memref<1x64xi32, #tpu.memory_space<vmem>> -> memref<64xi32, #tpu.memory_space<vmem>>
    %dma_start3A_22 = arith.constant 0 : i32
    %dma_start3A_23 = arith.constant 0 : i32
    %dma_start3A_24 = tpu.memref_slice %arg2[%dma_start3A_22, %dma_start3A_23] : memref<10240x128xf32, #tpu.memory_space<hbm>> -> memref<10240x128xf32, #tpu.memory_space<hbm>>
    tpu.enqueue_indirect_dma source(%dma_start3A_24 : memref<10240x128xf32, #tpu.memory_space<hbm>>) target(%arg6 : memref<64x128xf32, #tpu.memory_space<vmem>>) offsets(%dma_start3A_21 : memref<64xi32, #tpu.memory_space<vmem>>) semaphore(%arg11 : memref<!tpu.dma_semaphore, #tpu.memory_space<semaphore_mem>>)
    %dma_start3A_25 = arith.constant 1 : i32
    %dma_start3A_26 = arith.constant 0 : i32
    %dma_start3A_27 = tpu.memref_slice %arg5[%dma_start3A_25, %dma_start3A_26] : memref<80x128xi32, #tpu.memory_space<vmem>> -> memref<1x64xi32, #tpu.memory_space<vmem>>
    %dma_start3A_28 = tpu.memref_squeeze %dma_start3A_27 : memref<1x64xi32, #tpu.memory_space<vmem>> -> memref<64xi32, #tpu.memory_space<vmem>>
    %dma_start3A_29 = arith.constant 0 : i32
    %dma_start3A_30 = arith.constant 0 : i32
    %dma_start3A_31 = tpu.memref_slice %arg2[%dma_start3A_29, %dma_start3A_30] : memref<10240x128xf32, #tpu.memory_space<hbm>> -> memref<10240x128xf32, #tpu.memory_space<hbm>>
    tpu.enqueue_indirect_dma source(%dma_start3A_31 : memref<10240x128xf32, #tpu.memory_space<hbm>>) target(%arg7 : memref<64x128xf32, #tpu.memory_space<vmem>>) offsets(%dma_start3A_28 : memref<64xi32, #tpu.memory_space<vmem>>) semaphore(%arg12 : memref<!tpu.dma_semaphore, #tpu.memory_space<semaphore_mem>>)
    %dma_start3A_32 = arith.constant 2 : i32
    %dma_start3A_33 = arith.constant 0 : i32
    %dma_start3A_34 = tpu.memref_slice %arg5[%dma_start3A_32, %dma_start3A_33] : memref<80x128xi32, #tpu.memory_space<vmem>> -> memref<1x64xi32, #tpu.memory_space<vmem>>
    %dma_start3A_35 = tpu.memref_squeeze %dma_start3A_34 : memref<1x64xi32, #tpu.memory_space<vmem>> -> memref<64xi32, #tpu.memory_space<vmem>>
    %dma_start3A_36 = arith.constant 0 : i32
    %dma_start3A_37 = arith.constant 0 : i32
    %dma_start3A_38 = tpu.memref_slice %arg2[%dma_start3A_36, %dma_start3A_37] : memref<10240x128xf32, #tpu.memory_space<hbm>> -> memref<10240x128xf32, #tpu.memory_space<hbm>>
    tpu.enqueue_indirect_dma source(%dma_start3A_38 : memref<10240x128xf32, #tpu.memory_space<hbm>>) target(%arg8 : memref<64x128xf32, #tpu.memory_space<vmem>>) offsets(%dma_start3A_35 : memref<64xi32, #tpu.memory_space<vmem>>) semaphore(%arg13 : memref<!tpu.dma_semaphore, #tpu.memory_space<semaphore_mem>>)
    %dma_start3A_39 = arith.constant 3 : i32
    %dma_start3A_40 = arith.constant 0 : i32
    %dma_start3A_41 = tpu.memref_slice %arg5[%dma_start3A_39, %dma_start3A_40] : memref<80x128xi32, #tpu.memory_space<vmem>> -> memref<1x64xi32, #tpu.memory_space<vmem>>
    %dma_start3A_42 = tpu.memref_squeeze %dma_start3A_41 : memref<1x64xi32, #tpu.memory_space<vmem>> -> memref<64xi32, #tpu.memory_space<vmem>>
    %dma_start3A_43 = arith.constant 0 : i32
    %dma_start3A_44 = arith.constant 0 : i32
    %dma_start3A_45 = tpu.memref_slice %arg2[%dma_start3A_43, %dma_start3A_44] : memref<10240x128xf32, #tpu.memory_space<hbm>> -> memref<10240x128xf32, #tpu.memory_space<hbm>>
    tpu.enqueue_indirect_dma source(%dma_start3A_45 : memref<10240x128xf32, #tpu.memory_space<hbm>>) target(%arg9 : memref<64x128xf32, #tpu.memory_space<vmem>>) offsets(%dma_start3A_42 : memref<64xi32, #tpu.memory_space<vmem>>) semaphore(%arg14 : memref<!tpu.dma_semaphore, #tpu.memory_space<semaphore_mem>>)
    %scan3A_46 = arith.constant 0 : i32
    %scan3A_47 = arith.constant 0 : i32
    %scan3A_48 = arith.constant 20 : i32
    %scan3A_49 = arith.addi %scan3A_47, %scan3A_48 : i32
    %scan3A_50 = arith.constant 1 : i32
    %scan3A_51 = scf.for %scan3A_95 = %scan3A_47 to %scan3A_49 step %scan3A_50 iter_args(%scan3A_96 = %scan3A_46) -> (i32)  : i32 {
      %mul3A_97 = arith.constant 4 : i32
      %mul3A_98 = arith.muli %mul3A_97, %scan3A_95 : i32
      %add3A_99 = arith.constant 0 : i32
      %add3A_100 = arith.addi %mul3A_98, %add3A_99 : i32
      %dma_wait3A = arith.constant 0 : i32
      %dma_wait3A_101 = tpu.memref_slice %arg5[%add3A_100, %dma_wait3A] : memref<80x128xi32, #tpu.memory_space<vmem>> -> memref<1x64xi32, #tpu.memory_space<vmem>>
      %dma_wait3A_102 = tpu.memref_squeeze %dma_wait3A_101 : memref<1x64xi32, #tpu.memory_space<vmem>> -> memref<64xi32, #tpu.memory_space<vmem>>
      %dma_wait3A_103 = arith.constant 0 : i32
      %dma_wait3A_104 = arith.constant 0 : i32
      %dma_wait3A_105 = tpu.memref_slice %arg2[%dma_wait3A_103, %dma_wait3A_104] : memref<10240x128xf32, #tpu.memory_space<hbm>> -> memref<10240x128xf32, #tpu.memory_space<hbm>>
      tpu.wait_indirect_dma semaphore(%arg11 : memref<!tpu.dma_semaphore, #tpu.memory_space<semaphore_mem>>) src(%dma_wait3A_105 : memref<10240x128xf32, #tpu.memory_space<hbm>>) dst(%arg6 : memref<64x128xf32, #tpu.memory_space<vmem>>)
      "tpu.region"() ({
        %run_scoped3A = tpu.sem_alloc : memref<!tpu.dma_semaphore, #tpu.memory_space<semaphore_mem>>
        %dma_start3A_180 = arith.constant 64 : i32
        %dma_start3A_181 = tpu.memref_slice %arg5[%add3A_100, %dma_start3A_180] : memref<80x128xi32, #tpu.memory_space<vmem>> -> memref<1x64xi32, #tpu.memory_space<vmem>>
        %dma_start3A_182 = tpu.memref_squeeze %dma_start3A_181 : memref<1x64xi32, #tpu.memory_space<vmem>> -> memref<64xi32, #tpu.memory_space<vmem>>
        %dma_start3A_183 = arith.constant 0 : i32
        %dma_start3A_184 = arith.constant 0 : i32
        %dma_start3A_185 = tpu.memref_slice %arg10[%dma_start3A_183, %dma_start3A_184] : memref<10240x128xf32, #tpu.memory_space<vmem_shared>> -> memref<10240x128xf32, #tpu.memory_space<vmem_shared>>
        tpu.enqueue_indirect_dma source(%arg6 : memref<64x128xf32, #tpu.memory_space<vmem>>) target(%dma_start3A_185 : memref<10240x128xf32, #tpu.memory_space<vmem_shared>>) offsets(%dma_start3A_182 : memref<64xi32, #tpu.memory_space<vmem>>) semaphore(%run_scoped3A : memref<!tpu.dma_semaphore, #tpu.memory_space<semaphore_mem>>) {add = true}
        %dma_wait3A_186 = arith.constant 64 : i32
        %dma_wait3A_187 = tpu.memref_slice %arg5[%add3A_100, %dma_wait3A_186] : memref<80x128xi32, #tpu.memory_space<vmem>> -> memref<1x64xi32, #tpu.memory_space<vmem>>
        %dma_wait3A_188 = tpu.memref_squeeze %dma_wait3A_187 : memref<1x64xi32, #tpu.memory_space<vmem>> -> memref<64xi32, #tpu.memory_space<vmem>>
        %dma_wait3A_189 = arith.constant 0 : i32
        %dma_wait3A_190 = arith.constant 0 : i32
        %dma_wait3A_191 = tpu.memref_slice %arg10[%dma_wait3A_189, %dma_wait3A_190] : memref<10240x128xf32, #tpu.memory_space<vmem_shared>> -> memref<10240x128xf32, #tpu.memory_space<vmem_shared>>
        tpu.wait_indirect_dma semaphore(%run_scoped3A : memref<!tpu.dma_semaphore, #tpu.memory_space<semaphore_mem>>) src(%arg6 : memref<64x128xf32, #tpu.memory_space<vmem>>) dst(%dma_wait3A_191 : memref<10240x128xf32, #tpu.memory_space<vmem_shared>>)
        tpu.yield
      }) : () -> ()
      %add3A_106 = arith.constant 0 : i32
      %add3A_107 = arith.addi %mul3A_98, %add3A_106 : i32
      %add3A_108 = arith.constant 4 : i32
      %add3A_109 = arith.addi %add3A_107, %add3A_108 : i32
      %lt3A = arith.constant 80 : i32
      %lt3A_110 = arith.cmpi slt, %add3A_109, %lt3A : i32
      %add3A_111 = arith.constant 0 : i32
      %add3A_112 = arith.addi %mul3A_98, %add3A_111 : i32
      %add3A_113 = arith.constant 4 : i32
      %add3A_114 = arith.addi %add3A_112, %add3A_113 : i32
      %convert_element_type3A = arith.extui %lt3A_110 : i1 to i32
      %cond3A = arith.constant 0 : i32
      %cond3A_115 = arith.cmpi ne, %convert_element_type3A, %cond3A : i32
      scf.if %cond3A_115 {
        %dma_start3A_180 = arith.constant 0 : i32
        %dma_start3A_181 = tpu.memref_slice %arg5[%add3A_114, %dma_start3A_180] : memref<80x128xi32, #tpu.memory_space<vmem>> -> memref<1x64xi32, #tpu.memory_space<vmem>>
        %dma_start3A_182 = tpu.memref_squeeze %dma_start3A_181 : memref<1x64xi32, #tpu.memory_space<vmem>> -> memref<64xi32, #tpu.memory_space<vmem>>
        %dma_start3A_183 = arith.constant 0 : i32
        %dma_start3A_184 = arith.constant 0 : i32
        %dma_start3A_185 = tpu.memref_slice %arg2[%dma_start3A_183, %dma_start3A_184] : memref<10240x128xf32, #tpu.memory_space<hbm>> -> memref<10240x128xf32, #tpu.memory_space<hbm>>
        tpu.enqueue_indirect_dma source(%dma_start3A_185 : memref<10240x128xf32, #tpu.memory_space<hbm>>) target(%arg6 : memref<64x128xf32, #tpu.memory_space<vmem>>) offsets(%dma_start3A_182 : memref<64xi32, #tpu.memory_space<vmem>>) semaphore(%arg11 : memref<!tpu.dma_semaphore, #tpu.memory_space<semaphore_mem>>)
      } else {
      }
      %add3A_116 = arith.constant 1 : i32
      %add3A_117 = arith.addi %mul3A_98, %add3A_116 : i32
      %dma_wait3A_118 = arith.constant 0 : i32
      %dma_wait3A_119 = tpu.memref_slice %arg5[%add3A_117, %dma_wait3A_118] : memref<80x128xi32, #tpu.memory_space<vmem>> -> memref<1x64xi32, #tpu.memory_space<vmem>>
      %dma_wait3A_120 = tpu.memref_squeeze %dma_wait3A_119 : memref<1x64xi32, #tpu.memory_space<vmem>> -> memref<64xi32, #tpu.memory_space<vmem>>
      %dma_wait3A_121 = arith.constant 0 : i32
      %dma_wait3A_122 = arith.constant 0 : i32
      %dma_wait3A_123 = tpu.memref_slice %arg2[%dma_wait3A_121, %dma_wait3A_122] : memref<10240x128xf32, #tpu.memory_space<hbm>> -> memref<10240x128xf32, #tpu.memory_space<hbm>>
      tpu.wait_indirect_dma semaphore(%arg12 : memref<!tpu.dma_semaphore, #tpu.memory_space<semaphore_mem>>) src(%dma_wait3A_123 : memref<10240x128xf32, #tpu.memory_space<hbm>>) dst(%arg7 : memref<64x128xf32, #tpu.memory_space<vmem>>)
      "tpu.region"() ({
        %run_scoped3A = tpu.sem_alloc : memref<!tpu.dma_semaphore, #tpu.memory_space<semaphore_mem>>
        %dma_start3A_180 = arith.constant 64 : i32
        %dma_start3A_181 = tpu.memref_slice %arg5[%add3A_117, %dma_start3A_180] : memref<80x128xi32, #tpu.memory_space<vmem>> -> memref<1x64xi32, #tpu.memory_space<vmem>>
        %dma_start3A_182 = tpu.memref_squeeze %dma_start3A_181 : memref<1x64xi32, #tpu.memory_space<vmem>> -> memref<64xi32, #tpu.memory_space<vmem>>
        %dma_start3A_183 = arith.constant 0 : i32
        %dma_start3A_184 = arith.constant 0 : i32
        %dma_start3A_185 = tpu.memref_slice %arg10[%dma_start3A_183, %dma_start3A_184] : memref<10240x128xf32, #tpu.memory_space<vmem_shared>> -> memref<10240x128xf32, #tpu.memory_space<vmem_shared>>
        tpu.enqueue_indirect_dma source(%arg7 : memref<64x128xf32, #tpu.memory_space<vmem>>) target(%dma_start3A_185 : memref<10240x128xf32, #tpu.memory_space<vmem_shared>>) offsets(%dma_start3A_182 : memref<64xi32, #tpu.memory_space<vmem>>) semaphore(%run_scoped3A : memref<!tpu.dma_semaphore, #tpu.memory_space<semaphore_mem>>) {add = true}
        %dma_wait3A_186 = arith.constant 64 : i32
        %dma_wait3A_187 = tpu.memref_slice %arg5[%add3A_117, %dma_wait3A_186] : memref<80x128xi32, #tpu.memory_space<vmem>> -> memref<1x64xi32, #tpu.memory_space<vmem>>
        %dma_wait3A_188 = tpu.memref_squeeze %dma_wait3A_187 : memref<1x64xi32, #tpu.memory_space<vmem>> -> memref<64xi32, #tpu.memory_space<vmem>>
        %dma_wait3A_189 = arith.constant 0 : i32
        %dma_wait3A_190 = arith.constant 0 : i32
        %dma_wait3A_191 = tpu.memref_slice %arg10[%dma_wait3A_189, %dma_wait3A_190] : memref<10240x128xf32, #tpu.memory_space<vmem_shared>> -> memref<10240x128xf32, #tpu.memory_space<vmem_shared>>
        tpu.wait_indirect_dma semaphore(%run_scoped3A : memref<!tpu.dma_semaphore, #tpu.memory_space<semaphore_mem>>) src(%arg7 : memref<64x128xf32, #tpu.memory_space<vmem>>) dst(%dma_wait3A_191 : memref<10240x128xf32, #tpu.memory_space<vmem_shared>>)
        tpu.yield
      }) : () -> ()
      %add3A_124 = arith.constant 1 : i32
      %add3A_125 = arith.addi %mul3A_98, %add3A_124 : i32
      %add3A_126 = arith.constant 4 : i32
      %add3A_127 = arith.addi %add3A_125, %add3A_126 : i32
      %lt3A_128 = arith.constant 80 : i32
      %lt3A_129 = arith.cmpi slt, %add3A_127, %lt3A_128 : i32
      %add3A_130 = arith.constant 1 : i32
      %add3A_131 = arith.addi %mul3A_98, %add3A_130 : i32
      %add3A_132 = arith.constant 4 : i32
      %add3A_133 = arith.addi %add3A_131, %add3A_132 : i32
      %convert_element_type3A_134 = arith.extui %lt3A_129 : i1 to i32
      %cond3A_135 = arith.constant 0 : i32
      %cond3A_136 = arith.cmpi ne, %convert_element_type3A_134, %cond3A_135 : i32
      scf.if %cond3A_136 {
        %dma_start3A_180 = arith.constant 0 : i32
        %dma_start3A_181 = tpu.memref_slice %arg5[%add3A_133, %dma_start3A_180] : memref<80x128xi32, #tpu.memory_space<vmem>> -> memref<1x64xi32, #tpu.memory_space<vmem>>
        %dma_start3A_182 = tpu.memref_squeeze %dma_start3A_181 : memref<1x64xi32, #tpu.memory_space<vmem>> -> memref<64xi32, #tpu.memory_space<vmem>>
        %dma_start3A_183 = arith.constant 0 : i32
        %dma_start3A_184 = arith.constant 0 : i32
        %dma_start3A_185 = tpu.memref_slice %arg2[%dma_start3A_183, %dma_start3A_184] : memref<10240x128xf32, #tpu.memory_space<hbm>> -> memref<10240x128xf32, #tpu.memory_space<hbm>>
        tpu.enqueue_indirect_dma source(%dma_start3A_185 : memref<10240x128xf32, #tpu.memory_space<hbm>>) target(%arg7 : memref<64x128xf32, #tpu.memory_space<vmem>>) offsets(%dma_start3A_182 : memref<64xi32, #tpu.memory_space<vmem>>) semaphore(%arg12 : memref<!tpu.dma_semaphore, #tpu.memory_space<semaphore_mem>>)
      } else {
      }
      %add3A_137 = arith.constant 2 : i32
      %add3A_138 = arith.addi %mul3A_98, %add3A_137 : i32
      %dma_wait3A_139 = arith.constant 0 : i32
      %dma_wait3A_140 = tpu.memref_slice %arg5[%add3A_138, %dma_wait3A_139] : memref<80x128xi32, #tpu.memory_space<vmem>> -> memref<1x64xi32, #tpu.memory_space<vmem>>
      %dma_wait3A_141 = tpu.memref_squeeze %dma_wait3A_140 : memref<1x64xi32, #tpu.memory_space<vmem>> -> memref<64xi32, #tpu.memory_space<vmem>>
      %dma_wait3A_142 = arith.constant 0 : i32
      %dma_wait3A_143 = arith.constant 0 : i32
      %dma_wait3A_144 = tpu.memref_slice %arg2[%dma_wait3A_142, %dma_wait3A_143] : memref<10240x128xf32, #tpu.memory_space<hbm>> -> memref<10240x128xf32, #tpu.memory_space<hbm>>
      tpu.wait_indirect_dma semaphore(%arg13 : memref<!tpu.dma_semaphore, #tpu.memory_space<semaphore_mem>>) src(%dma_wait3A_144 : memref<10240x128xf32, #tpu.memory_space<hbm>>) dst(%arg8 : memref<64x128xf32, #tpu.memory_space<vmem>>)
      "tpu.region"() ({
        %run_scoped3A = tpu.sem_alloc : memref<!tpu.dma_semaphore, #tpu.memory_space<semaphore_mem>>
        %dma_start3A_180 = arith.constant 64 : i32
        %dma_start3A_181 = tpu.memref_slice %arg5[%add3A_138, %dma_start3A_180] : memref<80x128xi32, #tpu.memory_space<vmem>> -> memref<1x64xi32, #tpu.memory_space<vmem>>
        %dma_start3A_182 = tpu.memref_squeeze %dma_start3A_181 : memref<1x64xi32, #tpu.memory_space<vmem>> -> memref<64xi32, #tpu.memory_space<vmem>>
        %dma_start3A_183 = arith.constant 0 : i32
        %dma_start3A_184 = arith.constant 0 : i32
        %dma_start3A_185 = tpu.memref_slice %arg10[%dma_start3A_183, %dma_start3A_184] : memref<10240x128xf32, #tpu.memory_space<vmem_shared>> -> memref<10240x128xf32, #tpu.memory_space<vmem_shared>>
        tpu.enqueue_indirect_dma source(%arg8 : memref<64x128xf32, #tpu.memory_space<vmem>>) target(%dma_start3A_185 : memref<10240x128xf32, #tpu.memory_space<vmem_shared>>) offsets(%dma_start3A_182 : memref<64xi32, #tpu.memory_space<vmem>>) semaphore(%run_scoped3A : memref<!tpu.dma_semaphore, #tpu.memory_space<semaphore_mem>>) {add = true}
        %dma_wait3A_186 = arith.constant 64 : i32
        %dma_wait3A_187 = tpu.memref_slice %arg5[%add3A_138, %dma_wait3A_186] : memref<80x128xi32, #tpu.memory_space<vmem>> -> memref<1x64xi32, #tpu.memory_space<vmem>>
        %dma_wait3A_188 = tpu.memref_squeeze %dma_wait3A_187 : memref<1x64xi32, #tpu.memory_space<vmem>> -> memref<64xi32, #tpu.memory_space<vmem>>
        %dma_wait3A_189 = arith.constant 0 : i32
        %dma_wait3A_190 = arith.constant 0 : i32
        %dma_wait3A_191 = tpu.memref_slice %arg10[%dma_wait3A_189, %dma_wait3A_190] : memref<10240x128xf32, #tpu.memory_space<vmem_shared>> -> memref<10240x128xf32, #tpu.memory_space<vmem_shared>>
        tpu.wait_indirect_dma semaphore(%run_scoped3A : memref<!tpu.dma_semaphore, #tpu.memory_space<semaphore_mem>>) src(%arg8 : memref<64x128xf32, #tpu.memory_space<vmem>>) dst(%dma_wait3A_191 : memref<10240x128xf32, #tpu.memory_space<vmem_shared>>)
        tpu.yield
      }) : () -> ()
      %add3A_145 = arith.constant 2 : i32
      %add3A_146 = arith.addi %mul3A_98, %add3A_145 : i32
      %add3A_147 = arith.constant 4 : i32
      %add3A_148 = arith.addi %add3A_146, %add3A_147 : i32
      %lt3A_149 = arith.constant 80 : i32
      %lt3A_150 = arith.cmpi slt, %add3A_148, %lt3A_149 : i32
      %add3A_151 = arith.constant 2 : i32
      %add3A_152 = arith.addi %mul3A_98, %add3A_151 : i32
      %add3A_153 = arith.constant 4 : i32
      %add3A_154 = arith.addi %add3A_152, %add3A_153 : i32
      %convert_element_type3A_155 = arith.extui %lt3A_150 : i1 to i32
      %cond3A_156 = arith.constant 0 : i32
      %cond3A_157 = arith.cmpi ne, %convert_element_type3A_155, %cond3A_156 : i32
      scf.if %cond3A_157 {
        %dma_start3A_180 = arith.constant 0 : i32
        %dma_start3A_181 = tpu.memref_slice %arg5[%add3A_154, %dma_start3A_180] : memref<80x128xi32, #tpu.memory_space<vmem>> -> memref<1x64xi32, #tpu.memory_space<vmem>>
        %dma_start3A_182 = tpu.memref_squeeze %dma_start3A_181 : memref<1x64xi32, #tpu.memory_space<vmem>> -> memref<64xi32, #tpu.memory_space<vmem>>
        %dma_start3A_183 = arith.constant 0 : i32
        %dma_start3A_184 = arith.constant 0 : i32
        %dma_start3A_185 = tpu.memref_slice %arg2[%dma_start3A_183, %dma_start3A_184] : memref<10240x128xf32, #tpu.memory_space<hbm>> -> memref<10240x128xf32, #tpu.memory_space<hbm>>
        tpu.enqueue_indirect_dma source(%dma_start3A_185 : memref<10240x128xf32, #tpu.memory_space<hbm>>) target(%arg8 : memref<64x128xf32, #tpu.memory_space<vmem>>) offsets(%dma_start3A_182 : memref<64xi32, #tpu.memory_space<vmem>>) semaphore(%arg13 : memref<!tpu.dma_semaphore, #tpu.memory_space<semaphore_mem>>)
      } else {
      }
      %add3A_158 = arith.constant 3 : i32
      %add3A_159 = arith.addi %mul3A_98, %add3A_158 : i32
      %dma_wait3A_160 = arith.constant 0 : i32
      %dma_wait3A_161 = tpu.memref_slice %arg5[%add3A_159, %dma_wait3A_160] : memref<80x128xi32, #tpu.memory_space<vmem>> -> memref<1x64xi32, #tpu.memory_space<vmem>>
      %dma_wait3A_162 = tpu.memref_squeeze %dma_wait3A_161 : memref<1x64xi32, #tpu.memory_space<vmem>> -> memref<64xi32, #tpu.memory_space<vmem>>
      %dma_wait3A_163 = arith.constant 0 : i32
      %dma_wait3A_164 = arith.constant 0 : i32
      %dma_wait3A_165 = tpu.memref_slice %arg2[%dma_wait3A_163, %dma_wait3A_164] : memref<10240x128xf32, #tpu.memory_space<hbm>> -> memref<10240x128xf32, #tpu.memory_space<hbm>>
      tpu.wait_indirect_dma semaphore(%arg14 : memref<!tpu.dma_semaphore, #tpu.memory_space<semaphore_mem>>) src(%dma_wait3A_165 : memref<10240x128xf32, #tpu.memory_space<hbm>>) dst(%arg9 : memref<64x128xf32, #tpu.memory_space<vmem>>)
      "tpu.region"() ({
        %run_scoped3A = tpu.sem_alloc : memref<!tpu.dma_semaphore, #tpu.memory_space<semaphore_mem>>
        %dma_start3A_180 = arith.constant 64 : i32
        %dma_start3A_181 = tpu.memref_slice %arg5[%add3A_159, %dma_start3A_180] : memref<80x128xi32, #tpu.memory_space<vmem>> -> memref<1x64xi32, #tpu.memory_space<vmem>>
        %dma_start3A_182 = tpu.memref_squeeze %dma_start3A_181 : memref<1x64xi32, #tpu.memory_space<vmem>> -> memref<64xi32, #tpu.memory_space<vmem>>
        %dma_start3A_183 = arith.constant 0 : i32
        %dma_start3A_184 = arith.constant 0 : i32
        %dma_start3A_185 = tpu.memref_slice %arg10[%dma_start3A_183, %dma_start3A_184] : memref<10240x128xf32, #tpu.memory_space<vmem_shared>> -> memref<10240x128xf32, #tpu.memory_space<vmem_shared>>
        tpu.enqueue_indirect_dma source(%arg9 : memref<64x128xf32, #tpu.memory_space<vmem>>) target(%dma_start3A_185 : memref<10240x128xf32, #tpu.memory_space<vmem_shared>>) offsets(%dma_start3A_182 : memref<64xi32, #tpu.memory_space<vmem>>) semaphore(%run_scoped3A : memref<!tpu.dma_semaphore, #tpu.memory_space<semaphore_mem>>) {add = true}
        %dma_wait3A_186 = arith.constant 64 : i32
        %dma_wait3A_187 = tpu.memref_slice %arg5[%add3A_159, %dma_wait3A_186] : memref<80x128xi32, #tpu.memory_space<vmem>> -> memref<1x64xi32, #tpu.memory_space<vmem>>
        %dma_wait3A_188 = tpu.memref_squeeze %dma_wait3A_187 : memref<1x64xi32, #tpu.memory_space<vmem>> -> memref<64xi32, #tpu.memory_space<vmem>>
        %dma_wait3A_189 = arith.constant 0 : i32
        %dma_wait3A_190 = arith.constant 0 : i32
        %dma_wait3A_191 = tpu.memref_slice %arg10[%dma_wait3A_189, %dma_wait3A_190] : memref<10240x128xf32, #tpu.memory_space<vmem_shared>> -> memref<10240x128xf32, #tpu.memory_space<vmem_shared>>
        tpu.wait_indirect_dma semaphore(%run_scoped3A : memref<!tpu.dma_semaphore, #tpu.memory_space<semaphore_mem>>) src(%arg9 : memref<64x128xf32, #tpu.memory_space<vmem>>) dst(%dma_wait3A_191 : memref<10240x128xf32, #tpu.memory_space<vmem_shared>>)
        tpu.yield
      }) : () -> ()
      %add3A_166 = arith.constant 3 : i32
      %add3A_167 = arith.addi %mul3A_98, %add3A_166 : i32
      %add3A_168 = arith.constant 4 : i32
      %add3A_169 = arith.addi %add3A_167, %add3A_168 : i32
      %lt3A_170 = arith.constant 80 : i32
      %lt3A_171 = arith.cmpi slt, %add3A_169, %lt3A_170 : i32
      %add3A_172 = arith.constant 3 : i32
      %add3A_173 = arith.addi %mul3A_98, %add3A_172 : i32
      %add3A_174 = arith.constant 4 : i32
      %add3A_175 = arith.addi %add3A_173, %add3A_174 : i32
      %convert_element_type3A_176 = arith.extui %lt3A_171 : i1 to i32
      %cond3A_177 = arith.constant 0 : i32
      %cond3A_178 = arith.cmpi ne, %convert_element_type3A_176, %cond3A_177 : i32
      scf.if %cond3A_178 {
        %dma_start3A_180 = arith.constant 0 : i32
        %dma_start3A_181 = tpu.memref_slice %arg5[%add3A_175, %dma_start3A_180] : memref<80x128xi32, #tpu.memory_space<vmem>> -> memref<1x64xi32, #tpu.memory_space<vmem>>
        %dma_start3A_182 = tpu.memref_squeeze %dma_start3A_181 : memref<1x64xi32, #tpu.memory_space<vmem>> -> memref<64xi32, #tpu.memory_space<vmem>>
        %dma_start3A_183 = arith.constant 0 : i32
        %dma_start3A_184 = arith.constant 0 : i32
        %dma_start3A_185 = tpu.memref_slice %arg2[%dma_start3A_183, %dma_start3A_184] : memref<10240x128xf32, #tpu.memory_space<hbm>> -> memref<10240x128xf32, #tpu.memory_space<hbm>>
        tpu.enqueue_indirect_dma source(%dma_start3A_185 : memref<10240x128xf32, #tpu.memory_space<hbm>>) target(%arg9 : memref<64x128xf32, #tpu.memory_space<vmem>>) offsets(%dma_start3A_182 : memref<64xi32, #tpu.memory_space<vmem>>) semaphore(%arg14 : memref<!tpu.dma_semaphore, #tpu.memory_space<semaphore_mem>>)
      } else {
      }
      %scan3A_179 = arith.constant 0 : i32
      scf.yield %scan3A_179 : i32
    }
    %scan3A_52 = arith.constant 20 : i32
    %add3A_53 = arith.constant 80 : i32
    %add3A_54 = arith.addi %mul3A_16, %add3A_53 : i32
    "tpu.region"() ({
      %run_scoped3A = tpu.sem_alloc : memref<!tpu.dma_semaphore, #tpu.memory_space<semaphore_mem>>
      %dma_start3A_95 = arith.constant 0 : i32
      %dma_start3A_96 = tpu.memref_slice %arg3[%add3A_54, %dma_start3A_95] : memref<5120x128xi32, #tpu.memory_space<hbm>> -> memref<80x128xi32, #tpu.memory_space<hbm>>
      %dma_start3A_97 = arith.constant 0 : i32
      %dma_start3A_98 = tpu.memref_slice %arg3[%add3A_54, %dma_start3A_97] : memref<5120x128xi32, #tpu.memory_space<hbm>> -> memref<80x128xi32, #tpu.memory_space<hbm>>
      tpu.enqueue_dma source(%dma_start3A_98 : memref<80x128xi32, #tpu.memory_space<hbm>>) target(%arg5 : memref<80x128xi32, #tpu.memory_space<vmem>>) target_semaphore(%run_scoped3A : memref<!tpu.dma_semaphore, #tpu.memory_space<semaphore_mem>>)
      %dma_wait3A = arith.constant 0 : i32
      %dma_wait3A_99 = tpu.memref_slice %arg3[%add3A_54, %dma_wait3A] : memref<5120x128xi32, #tpu.memory_space<hbm>> -> memref<80x128xi32, #tpu.memory_space<hbm>>
      %dma_wait3A_100 = arith.constant 0 : i32
      %dma_wait3A_101 = tpu.memref_slice %arg3[%add3A_54, %dma_wait3A_100] : memref<5120x128xi32, #tpu.memory_space<hbm>> -> memref<80x128xi32, #tpu.memory_space<hbm>>
      tpu.wait_dma2 semaphore(%run_scoped3A : memref<!tpu.dma_semaphore, #tpu.memory_space<semaphore_mem>>) src(%dma_wait3A_101 : memref<80x128xi32, #tpu.memory_space<hbm>>) dst(%arg5 : memref<80x128xi32, #tpu.memory_space<vmem>>)
      tpu.yield
    }) : () -> ()
    %dma_start3A_55 = arith.constant 0 : i32
    %dma_start3A_56 = arith.constant 0 : i32
    %dma_start3A_57 = tpu.memref_slice %arg5[%dma_start3A_55, %dma_start3A_56] : memref<80x128xi32, #tpu.memory_space<vmem>> -> memref<1x64xi32, #tpu.memory_space<vmem>>
    %dma_start3A_58 = tpu.memref_squeeze %dma_start3A_57 : memref<1x64xi32, #tpu.memory_space<vmem>> -> memref<64xi32, #tpu.memory_space<vmem>>
    %dma_start3A_59 = arith.constant 0 : i32
    %dma_start3A_60 = arith.constant 0 : i32
    %dma_start3A_61 = tpu.memref_slice %arg2[%dma_start3A_59, %dma_start3A_60] : memref<10240x128xf32, #tpu.memory_space<hbm>> -> memref<10240x128xf32, #tpu.memory_space<hbm>>
    tpu.enqueue_indirect_dma source(%dma_start3A_61 : memref<10240x128xf32, #tpu.memory_space<hbm>>) target(%arg6 : memref<64x128xf32, #tpu.memory_space<vmem>>) offsets(%dma_start3A_58 : memref<64xi32, #tpu.memory_space<vmem>>) semaphore(%arg11 : memref<!tpu.dma_semaphore, #tpu.memory_space<semaphore_mem>>)
    %dma_start3A_62 = arith.constant 1 : i32
    %dma_start3A_63 = arith.constant 0 : i32
    %dma_start3A_64 = tpu.memref_slice %arg5[%dma_start3A_62, %dma_start3A_63] : memref<80x128xi32, #tpu.memory_space<vmem>> -> memref<1x64xi32, #tpu.memory_space<vmem>>
    %dma_start3A_65 = tpu.memref_squeeze %dma_start3A_64 : memref<1x64xi32, #tpu.memory_space<vmem>> -> memref<64xi32, #tpu.memory_space<vmem>>
    %dma_start3A_66 = arith.constant 0 : i32
    %dma_start3A_67 = arith.constant 0 : i32
    %dma_start3A_68 = tpu.memref_slice %arg2[%dma_start3A_66, %dma_start3A_67] : memref<10240x128xf32, #tpu.memory_space<hbm>> -> memref<10240x128xf32, #tpu.memory_space<hbm>>
    tpu.enqueue_indirect_dma source(%dma_start3A_68 : memref<10240x128xf32, #tpu.memory_space<hbm>>) target(%arg7 : memref<64x128xf32, #tpu.memory_space<vmem>>) offsets(%dma_start3A_65 : memref<64xi32, #tpu.memory_space<vmem>>) semaphore(%arg12 : memref<!tpu.dma_semaphore, #tpu.memory_space<semaphore_mem>>)
    %dma_start3A_69 = arith.constant 2 : i32
    %dma_start3A_70 = arith.constant 0 : i32
    %dma_start3A_71 = tpu.memref_slice %arg5[%dma_start3A_69, %dma_start3A_70] : memref<80x128xi32, #tpu.memory_space<vmem>> -> memref<1x64xi32, #tpu.memory_space<vmem>>
    %dma_start3A_72 = tpu.memref_squeeze %dma_start3A_71 : memref<1x64xi32, #tpu.memory_space<vmem>> -> memref<64xi32, #tpu.memory_space<vmem>>
    %dma_start3A_73 = arith.constant 0 : i32
    %dma_start3A_74 = arith.constant 0 : i32
    %dma_start3A_75 = tpu.memref_slice %arg2[%dma_start3A_73, %dma_start3A_74] : memref<10240x128xf32, #tpu.memory_space<hbm>> -> memref<10240x128xf32, #tpu.memory_space<hbm>>
    tpu.enqueue_indirect_dma source(%dma_start3A_75 : memref<10240x128xf32, #tpu.memory_space<hbm>>) target(%arg8 : memref<64x128xf32, #tpu.memory_space<vmem>>) offsets(%dma_start3A_72 : memref<64xi32, #tpu.memory_space<vmem>>) semaphore(%arg13 : memref<!tpu.dma_semaphore, #tpu.memory_space<semaphore_mem>>)
    %dma_start3A_76 = arith.constant 3 : i32
    %dma_start3A_77 = arith.constant 0 : i32
    %dma_start3A_78 = tpu.memref_slice %arg5[%dma_start3A_76, %dma_start3A_77] : memref<80x128xi32, #tpu.memory_space<vmem>> -> memref<1x64xi32, #tpu.memory_space<vmem>>
    %dma_start3A_79 = tpu.memref_squeeze %dma_start3A_78 : memref<1x64xi32, #tpu.memory_space<vmem>> -> memref<64xi32, #tpu.memory_space<vmem>>
    %dma_start3A_80 = arith.constant 0 : i32
    %dma_start3A_81 = arith.constant 0 : i32
    %dma_start3A_82 = tpu.memref_slice %arg2[%dma_start3A_80, %dma_start3A_81] : memref<10240x128xf32, #tpu.memory_space<hbm>> -> memref<10240x128xf32, #tpu.memory_space<hbm>>
    tpu.enqueue_indirect_dma source(%dma_start3A_82 : memref<10240x128xf32, #tpu.memory_space<hbm>>) target(%arg9 : memref<64x128xf32, #tpu.memory_space<vmem>>) offsets(%dma_start3A_79 : memref<64xi32, #tpu.memory_space<vmem>>) semaphore(%arg14 : memref<!tpu.dma_semaphore, #tpu.memory_space<semaphore_mem>>)
    %scan3A_83 = arith.constant 0 : i32
    %scan3A_84 = arith.constant 0 : i32
    %scan3A_85 = arith.constant 20 : i32
    %scan3A_86 = arith.addi %scan3A_84, %scan3A_85 : i32
    %scan3A_87 = arith.constant 1 : i32
    %scan3A_88 = scf.for %scan3A_95 = %scan3A_84 to %scan3A_86 step %scan3A_87 iter_args(%scan3A_96 = %scan3A_83) -> (i32)  : i32 {
      %mul3A_97 = arith.constant 4 : i32
      %mul3A_98 = arith.muli %mul3A_97, %scan3A_95 : i32
      %add3A_99 = arith.constant 0 : i32
      %add3A_100 = arith.addi %mul3A_98, %add3A_99 : i32
      %dma_wait3A = arith.constant 0 : i32
      %dma_wait3A_101 = tpu.memref_slice %arg5[%add3A_100, %dma_wait3A] : memref<80x128xi32, #tpu.memory_space<vmem>> -> memref<1x64xi32, #tpu.memory_space<vmem>>
      %dma_wait3A_102 = tpu.memref_squeeze %dma_wait3A_101 : memref<1x64xi32, #tpu.memory_space<vmem>> -> memref<64xi32, #tpu.memory_space<vmem>>
      %dma_wait3A_103 = arith.constant 0 : i32
      %dma_wait3A_104 = arith.constant 0 : i32
      %dma_wait3A_105 = tpu.memref_slice %arg2[%dma_wait3A_103, %dma_wait3A_104] : memref<10240x128xf32, #tpu.memory_space<hbm>> -> memref<10240x128xf32, #tpu.memory_space<hbm>>
      tpu.wait_indirect_dma semaphore(%arg11 : memref<!tpu.dma_semaphore, #tpu.memory_space<semaphore_mem>>) src(%dma_wait3A_105 : memref<10240x128xf32, #tpu.memory_space<hbm>>) dst(%arg6 : memref<64x128xf32, #tpu.memory_space<vmem>>)
      "tpu.region"() ({
        %run_scoped3A = tpu.sem_alloc : memref<!tpu.dma_semaphore, #tpu.memory_space<semaphore_mem>>
        %dma_start3A_180 = arith.constant 64 : i32
        %dma_start3A_181 = tpu.memref_slice %arg5[%add3A_100, %dma_start3A_180] : memref<80x128xi32, #tpu.memory_space<vmem>> -> memref<1x64xi32, #tpu.memory_space<vmem>>
        %dma_start3A_182 = tpu.memref_squeeze %dma_start3A_181 : memref<1x64xi32, #tpu.memory_space<vmem>> -> memref<64xi32, #tpu.memory_space<vmem>>
        %dma_start3A_183 = arith.constant 0 : i32
        %dma_start3A_184 = arith.constant 0 : i32
        %dma_start3A_185 = tpu.memref_slice %arg10[%dma_start3A_183, %dma_start3A_184] : memref<10240x128xf32, #tpu.memory_space<vmem_shared>> -> memref<10240x128xf32, #tpu.memory_space<vmem_shared>>
        tpu.enqueue_indirect_dma source(%arg6 : memref<64x128xf32, #tpu.memory_space<vmem>>) target(%dma_start3A_185 : memref<10240x128xf32, #tpu.memory_space<vmem_shared>>) offsets(%dma_start3A_182 : memref<64xi32, #tpu.memory_space<vmem>>) semaphore(%run_scoped3A : memref<!tpu.dma_semaphore, #tpu.memory_space<semaphore_mem>>) {add = true}
        %dma_wait3A_186 = arith.constant 64 : i32
        %dma_wait3A_187 = tpu.memref_slice %arg5[%add3A_100, %dma_wait3A_186] : memref<80x128xi32, #tpu.memory_space<vmem>> -> memref<1x64xi32, #tpu.memory_space<vmem>>
        %dma_wait3A_188 = tpu.memref_squeeze %dma_wait3A_187 : memref<1x64xi32, #tpu.memory_space<vmem>> -> memref<64xi32, #tpu.memory_space<vmem>>
        %dma_wait3A_189 = arith.constant 0 : i32
        %dma_wait3A_190 = arith.constant 0 : i32
        %dma_wait3A_191 = tpu.memref_slice %arg10[%dma_wait3A_189, %dma_wait3A_190] : memref<10240x128xf32, #tpu.memory_space<vmem_shared>> -> memref<10240x128xf32, #tpu.memory_space<vmem_shared>>
        tpu.wait_indirect_dma semaphore(%run_scoped3A : memref<!tpu.dma_semaphore, #tpu.memory_space<semaphore_mem>>) src(%arg6 : memref<64x128xf32, #tpu.memory_space<vmem>>) dst(%dma_wait3A_191 : memref<10240x128xf32, #tpu.memory_space<vmem_shared>>)
        tpu.yield
      }) : () -> ()
      %add3A_106 = arith.constant 0 : i32
      %add3A_107 = arith.addi %mul3A_98, %add3A_106 : i32
      %add3A_108 = arith.constant 4 : i32
      %add3A_109 = arith.addi %add3A_107, %add3A_108 : i32
      %lt3A = arith.constant 80 : i32
      %lt3A_110 = arith.cmpi slt, %add3A_109, %lt3A : i32
      %add3A_111 = arith.constant 0 : i32
      %add3A_112 = arith.addi %mul3A_98, %add3A_111 : i32
      %add3A_113 = arith.constant 4 : i32
      %add3A_114 = arith.addi %add3A_112, %add3A_113 : i32
      %convert_element_type3A = arith.extui %lt3A_110 : i1 to i32
      %cond3A = arith.constant 0 : i32
      %cond3A_115 = arith.cmpi ne, %convert_element_type3A, %cond3A : i32
      scf.if %cond3A_115 {
        %dma_start3A_180 = arith.constant 0 : i32
        %dma_start3A_181 = tpu.memref_slice %arg5[%add3A_114, %dma_start3A_180] : memref<80x128xi32, #tpu.memory_space<vmem>> -> memref<1x64xi32, #tpu.memory_space<vmem>>
        %dma_start3A_182 = tpu.memref_squeeze %dma_start3A_181 : memref<1x64xi32, #tpu.memory_space<vmem>> -> memref<64xi32, #tpu.memory_space<vmem>>
        %dma_start3A_183 = arith.constant 0 : i32
        %dma_start3A_184 = arith.constant 0 : i32
        %dma_start3A_185 = tpu.memref_slice %arg2[%dma_start3A_183, %dma_start3A_184] : memref<10240x128xf32, #tpu.memory_space<hbm>> -> memref<10240x128xf32, #tpu.memory_space<hbm>>
        tpu.enqueue_indirect_dma source(%dma_start3A_185 : memref<10240x128xf32, #tpu.memory_space<hbm>>) target(%arg6 : memref<64x128xf32, #tpu.memory_space<vmem>>) offsets(%dma_start3A_182 : memref<64xi32, #tpu.memory_space<vmem>>) semaphore(%arg11 : memref<!tpu.dma_semaphore, #tpu.memory_space<semaphore_mem>>)
      } else {
      }
      %add3A_116 = arith.constant 1 : i32
      %add3A_117 = arith.addi %mul3A_98, %add3A_116 : i32
      %dma_wait3A_118 = arith.constant 0 : i32
      %dma_wait3A_119 = tpu.memref_slice %arg5[%add3A_117, %dma_wait3A_118] : memref<80x128xi32, #tpu.memory_space<vmem>> -> memref<1x64xi32, #tpu.memory_space<vmem>>
      %dma_wait3A_120 = tpu.memref_squeeze %dma_wait3A_119 : memref<1x64xi32, #tpu.memory_space<vmem>> -> memref<64xi32, #tpu.memory_space<vmem>>
      %dma_wait3A_121 = arith.constant 0 : i32
      %dma_wait3A_122 = arith.constant 0 : i32
      %dma_wait3A_123 = tpu.memref_slice %arg2[%dma_wait3A_121, %dma_wait3A_122] : memref<10240x128xf32, #tpu.memory_space<hbm>> -> memref<10240x128xf32, #tpu.memory_space<hbm>>
      tpu.wait_indirect_dma semaphore(%arg12 : memref<!tpu.dma_semaphore, #tpu.memory_space<semaphore_mem>>) src(%dma_wait3A_123 : memref<10240x128xf32, #tpu.memory_space<hbm>>) dst(%arg7 : memref<64x128xf32, #tpu.memory_space<vmem>>)
      "tpu.region"() ({
        %run_scoped3A = tpu.sem_alloc : memref<!tpu.dma_semaphore, #tpu.memory_space<semaphore_mem>>
        %dma_start3A_180 = arith.constant 64 : i32
        %dma_start3A_181 = tpu.memref_slice %arg5[%add3A_117, %dma_start3A_180] : memref<80x128xi32, #tpu.memory_space<vmem>> -> memref<1x64xi32, #tpu.memory_space<vmem>>
        %dma_start3A_182 = tpu.memref_squeeze %dma_start3A_181 : memref<1x64xi32, #tpu.memory_space<vmem>> -> memref<64xi32, #tpu.memory_space<vmem>>
        %dma_start3A_183 = arith.constant 0 : i32
        %dma_start3A_184 = arith.constant 0 : i32
        %dma_start3A_185 = tpu.memref_slice %arg10[%dma_start3A_183, %dma_start3A_184] : memref<10240x128xf32, #tpu.memory_space<vmem_shared>> -> memref<10240x128xf32, #tpu.memory_space<vmem_shared>>
        tpu.enqueue_indirect_dma source(%arg7 : memref<64x128xf32, #tpu.memory_space<vmem>>) target(%dma_start3A_185 : memref<10240x128xf32, #tpu.memory_space<vmem_shared>>) offsets(%dma_start3A_182 : memref<64xi32, #tpu.memory_space<vmem>>) semaphore(%run_scoped3A : memref<!tpu.dma_semaphore, #tpu.memory_space<semaphore_mem>>) {add = true}
        %dma_wait3A_186 = arith.constant 64 : i32
        %dma_wait3A_187 = tpu.memref_slice %arg5[%add3A_117, %dma_wait3A_186] : memref<80x128xi32, #tpu.memory_space<vmem>> -> memref<1x64xi32, #tpu.memory_space<vmem>>
        %dma_wait3A_188 = tpu.memref_squeeze %dma_wait3A_187 : memref<1x64xi32, #tpu.memory_space<vmem>> -> memref<64xi32, #tpu.memory_space<vmem>>
        %dma_wait3A_189 = arith.constant 0 : i32
        %dma_wait3A_190 = arith.constant 0 : i32
        %dma_wait3A_191 = tpu.memref_slice %arg10[%dma_wait3A_189, %dma_wait3A_190] : memref<10240x128xf32, #tpu.memory_space<vmem_shared>> -> memref<10240x128xf32, #tpu.memory_space<vmem_shared>>
        tpu.wait_indirect_dma semaphore(%run_scoped3A : memref<!tpu.dma_semaphore, #tpu.memory_space<semaphore_mem>>) src(%arg7 : memref<64x128xf32, #tpu.memory_space<vmem>>) dst(%dma_wait3A_191 : memref<10240x128xf32, #tpu.memory_space<vmem_shared>>)
        tpu.yield
      }) : () -> ()
      %add3A_124 = arith.constant 1 : i32
      %add3A_125 = arith.addi %mul3A_98, %add3A_124 : i32
      %add3A_126 = arith.constant 4 : i32
      %add3A_127 = arith.addi %add3A_125, %add3A_126 : i32
      %lt3A_128 = arith.constant 80 : i32
      %lt3A_129 = arith.cmpi slt, %add3A_127, %lt3A_128 : i32
      %add3A_130 = arith.constant 1 : i32
      %add3A_131 = arith.addi %mul3A_98, %add3A_130 : i32
      %add3A_132 = arith.constant 4 : i32
      %add3A_133 = arith.addi %add3A_131, %add3A_132 : i32
      %convert_element_type3A_134 = arith.extui %lt3A_129 : i1 to i32
      %cond3A_135 = arith.constant 0 : i32
      %cond3A_136 = arith.cmpi ne, %convert_element_type3A_134, %cond3A_135 : i32
      scf.if %cond3A_136 {
        %dma_start3A_180 = arith.constant 0 : i32
        %dma_start3A_181 = tpu.memref_slice %arg5[%add3A_133, %dma_start3A_180] : memref<80x128xi32, #tpu.memory_space<vmem>> -> memref<1x64xi32, #tpu.memory_space<vmem>>
        %dma_start3A_182 = tpu.memref_squeeze %dma_start3A_181 : memref<1x64xi32, #tpu.memory_space<vmem>> -> memref<64xi32, #tpu.memory_space<vmem>>
        %dma_start3A_183 = arith.constant 0 : i32
        %dma_start3A_184 = arith.constant 0 : i32
        %dma_start3A_185 = tpu.memref_slice %arg2[%dma_start3A_183, %dma_start3A_184] : memref<10240x128xf32, #tpu.memory_space<hbm>> -> memref<10240x128xf32, #tpu.memory_space<hbm>>
        tpu.enqueue_indirect_dma source(%dma_start3A_185 : memref<10240x128xf32, #tpu.memory_space<hbm>>) target(%arg7 : memref<64x128xf32, #tpu.memory_space<vmem>>) offsets(%dma_start3A_182 : memref<64xi32, #tpu.memory_space<vmem>>) semaphore(%arg12 : memref<!tpu.dma_semaphore, #tpu.memory_space<semaphore_mem>>)
      } else {
      }
      %add3A_137 = arith.constant 2 : i32
      %add3A_138 = arith.addi %mul3A_98, %add3A_137 : i32
      %dma_wait3A_139 = arith.constant 0 : i32
      %dma_wait3A_140 = tpu.memref_slice %arg5[%add3A_138, %dma_wait3A_139] : memref<80x128xi32, #tpu.memory_space<vmem>> -> memref<1x64xi32, #tpu.memory_space<vmem>>
      %dma_wait3A_141 = tpu.memref_squeeze %dma_wait3A_140 : memref<1x64xi32, #tpu.memory_space<vmem>> -> memref<64xi32, #tpu.memory_space<vmem>>
      %dma_wait3A_142 = arith.constant 0 : i32
      %dma_wait3A_143 = arith.constant 0 : i32
      %dma_wait3A_144 = tpu.memref_slice %arg2[%dma_wait3A_142, %dma_wait3A_143] : memref<10240x128xf32, #tpu.memory_space<hbm>> -> memref<10240x128xf32, #tpu.memory_space<hbm>>
      tpu.wait_indirect_dma semaphore(%arg13 : memref<!tpu.dma_semaphore, #tpu.memory_space<semaphore_mem>>) src(%dma_wait3A_144 : memref<10240x128xf32, #tpu.memory_space<hbm>>) dst(%arg8 : memref<64x128xf32, #tpu.memory_space<vmem>>)
      "tpu.region"() ({
        %run_scoped3A = tpu.sem_alloc : memref<!tpu.dma_semaphore, #tpu.memory_space<semaphore_mem>>
        %dma_start3A_180 = arith.constant 64 : i32
        %dma_start3A_181 = tpu.memref_slice %arg5[%add3A_138, %dma_start3A_180] : memref<80x128xi32, #tpu.memory_space<vmem>> -> memref<1x64xi32, #tpu.memory_space<vmem>>
        %dma_start3A_182 = tpu.memref_squeeze %dma_start3A_181 : memref<1x64xi32, #tpu.memory_space<vmem>> -> memref<64xi32, #tpu.memory_space<vmem>>
        %dma_start3A_183 = arith.constant 0 : i32
        %dma_start3A_184 = arith.constant 0 : i32
        %dma_start3A_185 = tpu.memref_slice %arg10[%dma_start3A_183, %dma_start3A_184] : memref<10240x128xf32, #tpu.memory_space<vmem_shared>> -> memref<10240x128xf32, #tpu.memory_space<vmem_shared>>
        tpu.enqueue_indirect_dma source(%arg8 : memref<64x128xf32, #tpu.memory_space<vmem>>) target(%dma_start3A_185 : memref<10240x128xf32, #tpu.memory_space<vmem_shared>>) offsets(%dma_start3A_182 : memref<64xi32, #tpu.memory_space<vmem>>) semaphore(%run_scoped3A : memref<!tpu.dma_semaphore, #tpu.memory_space<semaphore_mem>>) {add = true}
        %dma_wait3A_186 = arith.constant 64 : i32
        %dma_wait3A_187 = tpu.memref_slice %arg5[%add3A_138, %dma_wait3A_186] : memref<80x128xi32, #tpu.memory_space<vmem>> -> memref<1x64xi32, #tpu.memory_space<vmem>>
        %dma_wait3A_188 = tpu.memref_squeeze %dma_wait3A_187 : memref<1x64xi32, #tpu.memory_space<vmem>> -> memref<64xi32, #tpu.memory_space<vmem>>
        %dma_wait3A_189 = arith.constant 0 : i32
        %dma_wait3A_190 = arith.constant 0 : i32
        %dma_wait3A_191 = tpu.memref_slice %arg10[%dma_wait3A_189, %dma_wait3A_190] : memref<10240x128xf32, #tpu.memory_space<vmem_shared>> -> memref<10240x128xf32, #tpu.memory_space<vmem_shared>>
        tpu.wait_indirect_dma semaphore(%run_scoped3A : memref<!tpu.dma_semaphore, #tpu.memory_space<semaphore_mem>>) src(%arg8 : memref<64x128xf32, #tpu.memory_space<vmem>>) dst(%dma_wait3A_191 : memref<10240x128xf32, #tpu.memory_space<vmem_shared>>)
        tpu.yield
      }) : () -> ()
      %add3A_145 = arith.constant 2 : i32
      %add3A_146 = arith.addi %mul3A_98, %add3A_145 : i32
      %add3A_147 = arith.constant 4 : i32
      %add3A_148 = arith.addi %add3A_146, %add3A_147 : i32
      %lt3A_149 = arith.constant 80 : i32
      %lt3A_150 = arith.cmpi slt, %add3A_148, %lt3A_149 : i32
      %add3A_151 = arith.constant 2 : i32
      %add3A_152 = arith.addi %mul3A_98, %add3A_151 : i32
      %add3A_153 = arith.constant 4 : i32
      %add3A_154 = arith.addi %add3A_152, %add3A_153 : i32
      %convert_element_type3A_155 = arith.extui %lt3A_150 : i1 to i32
      %cond3A_156 = arith.constant 0 : i32
      %cond3A_157 = arith.cmpi ne, %convert_element_type3A_155, %cond3A_156 : i32
      scf.if %cond3A_157 {
        %dma_start3A_180 = arith.constant 0 : i32
        %dma_start3A_181 = tpu.memref_slice %arg5[%add3A_154, %dma_start3A_180] : memref<80x128xi32, #tpu.memory_space<vmem>> -> memref<1x64xi32, #tpu.memory_space<vmem>>
        %dma_start3A_182 = tpu.memref_squeeze %dma_start3A_181 : memref<1x64xi32, #tpu.memory_space<vmem>> -> memref<64xi32, #tpu.memory_space<vmem>>
        %dma_start3A_183 = arith.constant 0 : i32
        %dma_start3A_184 = arith.constant 0 : i32
        %dma_start3A_185 = tpu.memref_slice %arg2[%dma_start3A_183, %dma_start3A_184] : memref<10240x128xf32, #tpu.memory_space<hbm>> -> memref<10240x128xf32, #tpu.memory_space<hbm>>
        tpu.enqueue_indirect_dma source(%dma_start3A_185 : memref<10240x128xf32, #tpu.memory_space<hbm>>) target(%arg8 : memref<64x128xf32, #tpu.memory_space<vmem>>) offsets(%dma_start3A_182 : memref<64xi32, #tpu.memory_space<vmem>>) semaphore(%arg13 : memref<!tpu.dma_semaphore, #tpu.memory_space<semaphore_mem>>)
      } else {
      }
      %add3A_158 = arith.constant 3 : i32
      %add3A_159 = arith.addi %mul3A_98, %add3A_158 : i32
      %dma_wait3A_160 = arith.constant 0 : i32
      %dma_wait3A_161 = tpu.memref_slice %arg5[%add3A_159, %dma_wait3A_160] : memref<80x128xi32, #tpu.memory_space<vmem>> -> memref<1x64xi32, #tpu.memory_space<vmem>>
      %dma_wait3A_162 = tpu.memref_squeeze %dma_wait3A_161 : memref<1x64xi32, #tpu.memory_space<vmem>> -> memref<64xi32, #tpu.memory_space<vmem>>
      %dma_wait3A_163 = arith.constant 0 : i32
      %dma_wait3A_164 = arith.constant 0 : i32
      %dma_wait3A_165 = tpu.memref_slice %arg2[%dma_wait3A_163, %dma_wait3A_164] : memref<10240x128xf32, #tpu.memory_space<hbm>> -> memref<10240x128xf32, #tpu.memory_space<hbm>>
      tpu.wait_indirect_dma semaphore(%arg14 : memref<!tpu.dma_semaphore, #tpu.memory_space<semaphore_mem>>) src(%dma_wait3A_165 : memref<10240x128xf32, #tpu.memory_space<hbm>>) dst(%arg9 : memref<64x128xf32, #tpu.memory_space<vmem>>)
      "tpu.region"() ({
        %run_scoped3A = tpu.sem_alloc : memref<!tpu.dma_semaphore, #tpu.memory_space<semaphore_mem>>
        %dma_start3A_180 = arith.constant 64 : i32
        %dma_start3A_181 = tpu.memref_slice %arg5[%add3A_159, %dma_start3A_180] : memref<80x128xi32, #tpu.memory_space<vmem>> -> memref<1x64xi32, #tpu.memory_space<vmem>>
        %dma_start3A_182 = tpu.memref_squeeze %dma_start3A_181 : memref<1x64xi32, #tpu.memory_space<vmem>> -> memref<64xi32, #tpu.memory_space<vmem>>
        %dma_start3A_183 = arith.constant 0 : i32
        %dma_start3A_184 = arith.constant 0 : i32
        %dma_start3A_185 = tpu.memref_slice %arg10[%dma_start3A_183, %dma_start3A_184] : memref<10240x128xf32, #tpu.memory_space<vmem_shared>> -> memref<10240x128xf32, #tpu.memory_space<vmem_shared>>
        tpu.enqueue_indirect_dma source(%arg9 : memref<64x128xf32, #tpu.memory_space<vmem>>) target(%dma_start3A_185 : memref<10240x128xf32, #tpu.memory_space<vmem_shared>>) offsets(%dma_start3A_182 : memref<64xi32, #tpu.memory_space<vmem>>) semaphore(%run_scoped3A : memref<!tpu.dma_semaphore, #tpu.memory_space<semaphore_mem>>) {add = true}
        %dma_wait3A_186 = arith.constant 64 : i32
        %dma_wait3A_187 = tpu.memref_slice %arg5[%add3A_159, %dma_wait3A_186] : memref<80x128xi32, #tpu.memory_space<vmem>> -> memref<1x64xi32, #tpu.memory_space<vmem>>
        %dma_wait3A_188 = tpu.memref_squeeze %dma_wait3A_187 : memref<1x64xi32, #tpu.memory_space<vmem>> -> memref<64xi32, #tpu.memory_space<vmem>>
        %dma_wait3A_189 = arith.constant 0 : i32
        %dma_wait3A_190 = arith.constant 0 : i32
        %dma_wait3A_191 = tpu.memref_slice %arg10[%dma_wait3A_189, %dma_wait3A_190] : memref<10240x128xf32, #tpu.memory_space<vmem_shared>> -> memref<10240x128xf32, #tpu.memory_space<vmem_shared>>
        tpu.wait_indirect_dma semaphore(%run_scoped3A : memref<!tpu.dma_semaphore, #tpu.memory_space<semaphore_mem>>) src(%arg9 : memref<64x128xf32, #tpu.memory_space<vmem>>) dst(%dma_wait3A_191 : memref<10240x128xf32, #tpu.memory_space<vmem_shared>>)
        tpu.yield
      }) : () -> ()
      %add3A_166 = arith.constant 3 : i32
      %add3A_167 = arith.addi %mul3A_98, %add3A_166 : i32
      %add3A_168 = arith.constant 4 : i32
      %add3A_169 = arith.addi %add3A_167, %add3A_168 : i32
      %lt3A_170 = arith.constant 80 : i32
      %lt3A_171 = arith.cmpi slt, %add3A_169, %lt3A_170 : i32
      %add3A_172 = arith.constant 3 : i32
      %add3A_173 = arith.addi %mul3A_98, %add3A_172 : i32
      %add3A_174 = arith.constant 4 : i32
      %add3A_175 = arith.addi %add3A_173, %add3A_174 : i32
      %convert_element_type3A_176 = arith.extui %lt3A_171 : i1 to i32
      %cond3A_177 = arith.constant 0 : i32
      %cond3A_178 = arith.cmpi ne, %convert_element_type3A_176, %cond3A_177 : i32
      scf.if %cond3A_178 {
        %dma_start3A_180 = arith.constant 0 : i32
        %dma_start3A_181 = tpu.memref_slice %arg5[%add3A_175, %dma_start3A_180] : memref<80x128xi32, #tpu.memory_space<vmem>> -> memref<1x64xi32, #tpu.memory_space<vmem>>
        %dma_start3A_182 = tpu.memref_squeeze %dma_start3A_181 : memref<1x64xi32, #tpu.memory_space<vmem>> -> memref<64xi32, #tpu.memory_space<vmem>>
        %dma_start3A_183 = arith.constant 0 : i32
        %dma_start3A_184 = arith.constant 0 : i32
        %dma_start3A_185 = tpu.memref_slice %arg2[%dma_start3A_183, %dma_start3A_184] : memref<10240x128xf32, #tpu.memory_space<hbm>> -> memref<10240x128xf32, #tpu.memory_space<hbm>>
        tpu.enqueue_indirect_dma source(%dma_start3A_185 : memref<10240x128xf32, #tpu.memory_space<hbm>>) target(%arg9 : memref<64x128xf32, #tpu.memory_space<vmem>>) offsets(%dma_start3A_182 : memref<64xi32, #tpu.memory_space<vmem>>) semaphore(%arg14 : memref<!tpu.dma_semaphore, #tpu.memory_space<semaphore_mem>>)
      } else {
      }
      %scan3A_179 = arith.constant 0 : i32
      scf.yield %scan3A_179 : i32
    }
    %scan3A_89 = arith.constant 20 : i32
    %barrier3A_90 = arith.constant 0 : index
    tpu.barrier barrier_id(%barrier3A_90)
    %mul3A_91 = arith.constant 640 : i32
    %mul3A_92 = arith.muli %arg1, %mul3A_91 : i32
    %mul3A_93 = arith.constant 640 : i32
    %mul3A_94 = arith.muli %arg1, %mul3A_93 : i32
    "tpu.region"() ({
      %run_scoped3A = tpu.sem_alloc : memref<!tpu.dma_semaphore, #tpu.memory_space<semaphore_mem>>
      %dma_start3A_95 = arith.constant 0 : i32
      %dma_start3A_96 = tpu.memref_slice %arg4[%arg0, %mul3A_94, %dma_start3A_95] : memref<2x10240x128xf32, #tpu.memory_space<hbm>> -> memref<1x640x128xf32, #tpu.memory_space<hbm>>
      %dma_start3A_97 = tpu.memref_squeeze %dma_start3A_96 : memref<1x640x128xf32, #tpu.memory_space<hbm>> -> memref<640x128xf32, #tpu.memory_space<hbm>>
      %dma_start3A_98 = arith.constant 0 : i32
      %dma_start3A_99 = tpu.memref_slice %arg10[%mul3A_92, %dma_start3A_98] : memref<10240x128xf32, #tpu.memory_space<vmem_shared>> -> memref<640x128xf32, #tpu.memory_space<vmem_shared>>
      tpu.enqueue_dma source(%dma_start3A_99 : memref<640x128xf32, #tpu.memory_space<vmem_shared>>) target(%dma_start3A_97 : memref<640x128xf32, #tpu.memory_space<hbm>>) target_semaphore(%run_scoped3A : memref<!tpu.dma_semaphore, #tpu.memory_space<semaphore_mem>>)
      %dma_wait3A = arith.constant 0 : i32
      %dma_wait3A_100 = tpu.memref_slice %arg4[%arg0, %mul3A_94, %dma_wait3A] : memref<2x10240x128xf32, #tpu.memory_space<hbm>> -> memref<1x640x128xf32, #tpu.memory_space<hbm>>
      %dma_wait3A_101 = tpu.memref_squeeze %dma_wait3A_100 : memref<1x640x128xf32, #tpu.memory_space<hbm>> -> memref<640x128xf32, #tpu.memory_space<hbm>>
      %dma_wait3A_102 = arith.constant 0 : i32
      %dma_wait3A_103 = tpu.memref_slice %arg10[%mul3A_92, %dma_wait3A_102] : memref<10240x128xf32, #tpu.memory_space<vmem_shared>> -> memref<640x128xf32, #tpu.memory_space<vmem_shared>>
      tpu.wait_dma2 semaphore(%run_scoped3A : memref<!tpu.dma_semaphore, #tpu.memory_space<semaphore_mem>>) src(%dma_wait3A_103 : memref<640x128xf32, #tpu.memory_space<vmem_shared>>) dst(%dma_wait3A_101 : memref<640x128xf32, #tpu.memory_space<hbm>>)
      tpu.yield
    }) : () -> ()
    return
  }
}

#map = affine_map<(d0, d1) -> (0, 0)>
#map1 = affine_map<(d0, d1) -> (0, 0, 0)>
module attributes {stable_mosaic.version = 14 : i64} {
  func.func @k(%arg0: i32, %arg1: i32, %arg2: memref<5120x64xi32, #tpu.memory_space<hbm>>, %arg3: memref<2x10240x128xf32, #tpu.memory_space<hbm>>, %arg4: memref<160x64xi32, #tpu.memory_space<vmem>>, %arg5: memref<64x128xf32, #tpu.memory_space<vmem>>, %arg6: memref<10240x128xf32, #tpu.memory_space<vmem_shared>>) attributes {dimension_semantics = [#tpu.dimension_semantics<core_parallel>, #tpu.dimension_semantics<subcore_parallel>], iteration_bounds = array<i64: 2, 16>, scalar_prefetch = 0 : i64, scratch_operands = 3 : i64, tpu.core_type = #tpu.core_type<sc_vector_subcore>, window_params = [{transform_indices = #map}, {transform_indices = #map1}]} {
    %broadcast_in_dim3A = arith.constant 0.000000e+00 : f32
    %broadcast_in_dim3A_0 = vector.broadcast %broadcast_in_dim3A : f32 to vector<16xf32>
    %broadcast_in_dim3A_1 = arith.constant 1.000000e+00 : f32
    %broadcast_in_dim3A_2 = vector.broadcast %broadcast_in_dim3A_1 : f32 to vector<16xf32>
    %scan3A = arith.constant 0 : i32
    %scan3A_3 = arith.constant 0 : i32
    %scan3A_4 = arith.constant 512 : i32
    %scan3A_5 = arith.addi %scan3A_3, %scan3A_4 : i32
    %scan3A_6 = arith.constant 1 : i32
    %scan3A_7 = scf.for %scan3A_38 = %scan3A_3 to %scan3A_5 step %scan3A_6 iter_args(%scan3A_39 = %scan3A) -> (i32)  : i32 {
      %jit3A = arith.constant 8 : i32
      %div3A = arith.divsi %scan3A_38, %jit3A : i32
      %sign3A = arith.constant 0 : i32
      %sign3A_40 = arith.cmpi sgt, %scan3A_38, %sign3A : i32
      %sign3A_41 = arith.extui %sign3A_40 : i1 to i32
      %sign3A_42 = arith.constant 0 : i32
      %sign3A_43 = arith.cmpi slt, %scan3A_38, %sign3A_42 : i32
      %sign3A_44 = arith.extui %sign3A_43 : i1 to i32
      %sign3A_45 = arith.subi %sign3A_41, %sign3A_44 : i32
      %sign3A_46 = arith.constant 0 : i32
      %sign3A_47 = arith.cmpi sgt, %jit3A, %sign3A_46 : i32
      %sign3A_48 = arith.extui %sign3A_47 : i1 to i32
      %sign3A_49 = arith.constant 0 : i32
      %sign3A_50 = arith.cmpi slt, %jit3A, %sign3A_49 : i32
      %sign3A_51 = arith.extui %sign3A_50 : i1 to i32
      %sign3A_52 = arith.subi %sign3A_48, %sign3A_51 : i32
      %ne3A = arith.cmpi ne, %sign3A_45, %sign3A_52 : i32
      %rem3A = arith.remsi %scan3A_38, %jit3A : i32
      %ne3A_53 = arith.constant 0 : i32
      %ne3A_54 = arith.cmpi ne, %rem3A, %ne3A_53 : i32
      %and3A = arith.andi %ne3A, %ne3A_54 : i1
      %sub3A = arith.constant 1 : i32
      %sub3A_55 = arith.subi %div3A, %sub3A : i32
      %select_n3A = arith.select %and3A, %sub3A_55, %div3A : i32
      %jit3A_56 = arith.constant 8 : i32
      %eq3A = arith.constant 0 : i32
      %eq3A_57 = arith.cmpi eq, %jit3A_56, %eq3A : i32
      %jit3A_58 = arith.constant 1 : i32
      %select_n3A_59 = arith.select %eq3A_57, %jit3A_58, %jit3A_56 : i32
      %rem3A_60 = arith.remsi %scan3A_38, %select_n3A_59 : i32
      %ne3A_61 = arith.constant 0 : i32
      %ne3A_62 = arith.cmpi ne, %rem3A_60, %ne3A_61 : i32
      %lt3A = arith.constant 0 : i32
      %lt3A_63 = arith.cmpi slt, %rem3A_60, %lt3A : i32
      %lt3A_64 = arith.constant 0 : i32
      %lt3A_65 = arith.cmpi slt, %select_n3A_59, %lt3A_64 : i32
      %ne3A_66 = arith.xori %lt3A_63, %lt3A_65 : i1
      %and3A_67 = arith.andi %ne3A_66, %ne3A_62 : i1
      %add3A_68 = arith.addi %rem3A_60, %select_n3A_59 : i32
      %select_n3A_69 = arith.select %and3A_67, %add3A_68, %rem3A_60 : i32
      %mul3A_70 = arith.constant 16 : i32
      %mul3A_71 = arith.muli %select_n3A_69, %mul3A_70 : i32
      %swap3A = arith.index_cast %select_n3A : i32 to index
      %swap3A_72 = arith.index_cast %mul3A_71 : i32 to index
      %swap3A_73 = tpu.vector_load %arg5[%swap3A, %swap3A_72] {strides = array<i32>} : memref<64x128xf32, #tpu.memory_space<vmem>>, vector<1x16xf32>,
      %swap3A_74 = vector.shape_cast %swap3A_73 : vector<1x16xf32> to vector<16xf32>
      %swap3A_75 = vector.shape_cast %broadcast_in_dim3A_0 : vector<16xf32> to vector<1x16xf32>
      tpu.vector_store %arg5[%swap3A, %swap3A_72], %swap3A_75 {strides = array<i32>} : memref<64x128xf32, #tpu.memory_space<vmem>>, vector<1x16xf32>,
      %scan3A_76 = arith.constant 0 : i32
      scf.yield %scan3A_76 : i32
    }
    %scan3A_8 = arith.constant 512 : i32
    %scan3A_9 = arith.constant 0 : i32
    %scan3A_10 = arith.constant 0 : i32
    %scan3A_11 = arith.constant 10 : i32
    %scan3A_12 = arith.addi %scan3A_10, %scan3A_11 : i32
    %scan3A_13 = arith.constant 1 : i32
    %scan3A_14 = scf.for %scan3A_38 = %scan3A_10 to %scan3A_12 step %scan3A_13 iter_args(%scan3A_39 = %scan3A_9) -> (i32)  : i32 {
      %mul3A_40 = arith.constant 640 : i32
      %mul3A_41 = arith.muli %arg1, %mul3A_40 : i32
      %mul3A_42 = arith.constant 64 : i32
      %mul3A_43 = arith.muli %scan3A_38, %mul3A_42 : i32
      %add3A_44 = arith.addi %mul3A_41, %mul3A_43 : i32
      "tpu.region"() ({
        %run_scoped3A = tpu.sem_alloc : memref<!tpu.dma_semaphore, #tpu.memory_space<semaphore_mem>>
        %dma_start3A = arith.constant 0 : i32
        %dma_start3A_46 = arith.constant 0 : i32
        %dma_start3A_47 = tpu.memref_slice %arg5[%dma_start3A, %dma_start3A_46] : memref<64x128xf32, #tpu.memory_space<vmem>> -> memref<64x128xf32, #tpu.memory_space<vmem>>
        %dma_start3A_48 = arith.constant 0 : i32
        %dma_start3A_49 = tpu.memref_slice %arg6[%add3A_44, %dma_start3A_48] : memref<10240x128xf32, #tpu.memory_space<vmem_shared>> -> memref<64x128xf32, #tpu.memory_space<vmem_shared>>
        %dma_start3A_50 = arith.constant 0 : i32
        %dma_start3A_51 = tpu.memref_slice %arg6[%add3A_44, %dma_start3A_50] : memref<10240x128xf32, #tpu.memory_space<vmem_shared>> -> memref<64x128xf32, #tpu.memory_space<vmem_shared>>
        %dma_start3A_52 = arith.constant 0 : i32
        %dma_start3A_53 = arith.constant 0 : i32
        %dma_start3A_54 = tpu.memref_slice %arg5[%dma_start3A_52, %dma_start3A_53] : memref<64x128xf32, #tpu.memory_space<vmem>> -> memref<64x128xf32, #tpu.memory_space<vmem>>
        tpu.enqueue_dma source(%dma_start3A_54 : memref<64x128xf32, #tpu.memory_space<vmem>>) target(%dma_start3A_51 : memref<64x128xf32, #tpu.memory_space<vmem_shared>>) target_semaphore(%run_scoped3A : memref<!tpu.dma_semaphore, #tpu.memory_space<semaphore_mem>>)
        %dma_wait3A = arith.constant 0 : i32
        %dma_wait3A_55 = arith.constant 0 : i32
        %dma_wait3A_56 = tpu.memref_slice %arg5[%dma_wait3A, %dma_wait3A_55] : memref<64x128xf32, #tpu.memory_space<vmem>> -> memref<64x128xf32, #tpu.memory_space<vmem>>
        %dma_wait3A_57 = arith.constant 0 : i32
        %dma_wait3A_58 = tpu.memref_slice %arg6[%add3A_44, %dma_wait3A_57] : memref<10240x128xf32, #tpu.memory_space<vmem_shared>> -> memref<64x128xf32, #tpu.memory_space<vmem_shared>>
        %dma_wait3A_59 = arith.constant 0 : i32
        %dma_wait3A_60 = tpu.memref_slice %arg6[%add3A_44, %dma_wait3A_59] : memref<10240x128xf32, #tpu.memory_space<vmem_shared>> -> memref<64x128xf32, #tpu.memory_space<vmem_shared>>
        %dma_wait3A_61 = arith.constant 0 : i32
        %dma_wait3A_62 = arith.constant 0 : i32
        %dma_wait3A_63 = tpu.memref_slice %arg5[%dma_wait3A_61, %dma_wait3A_62] : memref<64x128xf32, #tpu.memory_space<vmem>> -> memref<64x128xf32, #tpu.memory_space<vmem>>
        tpu.wait_dma2 semaphore(%run_scoped3A : memref<!tpu.dma_semaphore, #tpu.memory_space<semaphore_mem>>) src(%dma_wait3A_63 : memref<64x128xf32, #tpu.memory_space<vmem>>) dst(%dma_wait3A_60 : memref<64x128xf32, #tpu.memory_space<vmem_shared>>)
        tpu.yield
      }) : () -> ()
      %scan3A_45 = arith.constant 0 : i32
      scf.yield %scan3A_45 : i32
    }
    %scan3A_15 = arith.constant 10 : i32
    %scan3A_16 = arith.constant 0 : i32
    %scan3A_17 = arith.constant 0 : i32
    %scan3A_18 = arith.constant 512 : i32
    %scan3A_19 = arith.addi %scan3A_17, %scan3A_18 : i32
    %scan3A_20 = arith.constant 1 : i32
    %scan3A_21 = scf.for %scan3A_38 = %scan3A_17 to %scan3A_19 step %scan3A_20 iter_args(%scan3A_39 = %scan3A_16) -> (i32)  : i32 {
      %jit3A = arith.constant 8 : i32
      %div3A = arith.divsi %scan3A_38, %jit3A : i32
      %sign3A = arith.constant 0 : i32
      %sign3A_40 = arith.cmpi sgt, %scan3A_38, %sign3A : i32
      %sign3A_41 = arith.extui %sign3A_40 : i1 to i32
      %sign3A_42 = arith.constant 0 : i32
      %sign3A_43 = arith.cmpi slt, %scan3A_38, %sign3A_42 : i32
      %sign3A_44 = arith.extui %sign3A_43 : i1 to i32
      %sign3A_45 = arith.subi %sign3A_41, %sign3A_44 : i32
      %sign3A_46 = arith.constant 0 : i32
      %sign3A_47 = arith.cmpi sgt, %jit3A, %sign3A_46 : i32
      %sign3A_48 = arith.extui %sign3A_47 : i1 to i32
      %sign3A_49 = arith.constant 0 : i32
      %sign3A_50 = arith.cmpi slt, %jit3A, %sign3A_49 : i32
      %sign3A_51 = arith.extui %sign3A_50 : i1 to i32
      %sign3A_52 = arith.subi %sign3A_48, %sign3A_51 : i32
      %ne3A = arith.cmpi ne, %sign3A_45, %sign3A_52 : i32
      %rem3A = arith.remsi %scan3A_38, %jit3A : i32
      %ne3A_53 = arith.constant 0 : i32
      %ne3A_54 = arith.cmpi ne, %rem3A, %ne3A_53 : i32
      %and3A = arith.andi %ne3A, %ne3A_54 : i1
      %sub3A = arith.constant 1 : i32
      %sub3A_55 = arith.subi %div3A, %sub3A : i32
      %select_n3A = arith.select %and3A, %sub3A_55, %div3A : i32
      %jit3A_56 = arith.constant 8 : i32
      %eq3A = arith.constant 0 : i32
      %eq3A_57 = arith.cmpi eq, %jit3A_56, %eq3A : i32
      %jit3A_58 = arith.constant 1 : i32
      %select_n3A_59 = arith.select %eq3A_57, %jit3A_58, %jit3A_56 : i32
      %rem3A_60 = arith.remsi %scan3A_38, %select_n3A_59 : i32
      %ne3A_61 = arith.constant 0 : i32
      %ne3A_62 = arith.cmpi ne, %rem3A_60, %ne3A_61 : i32
      %lt3A = arith.constant 0 : i32
      %lt3A_63 = arith.cmpi slt, %rem3A_60, %lt3A : i32
      %lt3A_64 = arith.constant 0 : i32
      %lt3A_65 = arith.cmpi slt, %select_n3A_59, %lt3A_64 : i32
      %ne3A_66 = arith.xori %lt3A_63, %lt3A_65 : i1
      %and3A_67 = arith.andi %ne3A_66, %ne3A_62 : i1
      %add3A_68 = arith.addi %rem3A_60, %select_n3A_59 : i32
      %select_n3A_69 = arith.select %and3A_67, %add3A_68, %rem3A_60 : i32
      %mul3A_70 = arith.constant 16 : i32
      %mul3A_71 = arith.muli %select_n3A_69, %mul3A_70 : i32
      %swap3A = arith.index_cast %select_n3A : i32 to index
      %swap3A_72 = arith.index_cast %mul3A_71 : i32 to index
      %swap3A_73 = tpu.vector_load %arg5[%swap3A, %swap3A_72] {strides = array<i32>} : memref<64x128xf32, #tpu.memory_space<vmem>>, vector<1x16xf32>,
      %swap3A_74 = vector.shape_cast %swap3A_73 : vector<1x16xf32> to vector<16xf32>
      %swap3A_75 = vector.shape_cast %broadcast_in_dim3A_2 : vector<16xf32> to vector<1x16xf32>
      tpu.vector_store %arg5[%swap3A, %swap3A_72], %swap3A_75 {strides = array<i32>} : memref<64x128xf32, #tpu.memory_space<vmem>>, vector<1x16xf32>,
      %scan3A_76 = arith.constant 0 : i32
      scf.yield %scan3A_76 : i32
    }
    %scan3A_22 = arith.constant 512 : i32
    %mul3A = arith.constant 16 : i32
    %mul3A_23 = arith.muli %arg0, %mul3A : i32
    %add3A = arith.addi %mul3A_23, %arg1 : i32
    %mul3A_24 = arith.constant 160 : i32
    %mul3A_25 = arith.muli %add3A, %mul3A_24 : i32
    "tpu.region"() ({
      %run_scoped3A = tpu.sem_alloc : memref<!tpu.dma_semaphore, #tpu.memory_space<semaphore_mem>>
      %dma_start3A = arith.constant 0 : i32
      %dma_start3A_38 = tpu.memref_slice %arg2[%mul3A_25, %dma_start3A] : memref<5120x64xi32, #tpu.memory_space<hbm>> -> memref<160x64xi32, #tpu.memory_space<hbm>>
      %dma_start3A_39 = arith.constant 0 : i32
      %dma_start3A_40 = tpu.memref_slice %arg2[%mul3A_25, %dma_start3A_39] : memref<5120x64xi32, #tpu.memory_space<hbm>> -> memref<160x64xi32, #tpu.memory_space<hbm>>
      tpu.enqueue_dma source(%dma_start3A_40 : memref<160x64xi32, #tpu.memory_space<hbm>>) target(%arg4 : memref<160x64xi32, #tpu.memory_space<vmem>>) target_semaphore(%run_scoped3A : memref<!tpu.dma_semaphore, #tpu.memory_space<semaphore_mem>>)
      %dma_wait3A = arith.constant 0 : i32
      %dma_wait3A_41 = tpu.memref_slice %arg2[%mul3A_25, %dma_wait3A] : memref<5120x64xi32, #tpu.memory_space<hbm>> -> memref<160x64xi32, #tpu.memory_space<hbm>>
      %dma_wait3A_42 = arith.constant 0 : i32
      %dma_wait3A_43 = tpu.memref_slice %arg2[%mul3A_25, %dma_wait3A_42] : memref<5120x64xi32, #tpu.memory_space<hbm>> -> memref<160x64xi32, #tpu.memory_space<hbm>>
      tpu.wait_dma2 semaphore(%run_scoped3A : memref<!tpu.dma_semaphore, #tpu.memory_space<semaphore_mem>>) src(%dma_wait3A_43 : memref<160x64xi32, #tpu.memory_space<hbm>>) dst(%arg4 : memref<160x64xi32, #tpu.memory_space<vmem>>)
      tpu.yield
    }) : () -> ()
    %barrier3A = arith.constant 0 : index
    tpu.barrier barrier_id(%barrier3A)
    %scan3A_26 = arith.constant 0 : i32
    %scan3A_27 = arith.constant 0 : i32
    %scan3A_28 = arith.constant 160 : i32
    %scan3A_29 = arith.addi %scan3A_27, %scan3A_28 : i32
    %scan3A_30 = arith.constant 1 : i32
    %scan3A_31 = scf.for %scan3A_38 = %scan3A_27 to %scan3A_29 step %scan3A_30 iter_args(%scan3A_39 = %scan3A_26) -> (i32)  : i32 {
      "tpu.region"() ({
        %run_scoped3A = tpu.sem_alloc : memref<!tpu.dma_semaphore, #tpu.memory_space<semaphore_mem>>
        %dma_start3A = arith.constant 0 : i32
        %dma_start3A_41 = tpu.memref_slice %arg4[%scan3A_38, %dma_start3A] : memref<160x64xi32, #tpu.memory_space<vmem>> -> memref<1x64xi32, #tpu.memory_space<vmem>>
        %dma_start3A_42 = tpu.memref_squeeze %dma_start3A_41 : memref<1x64xi32, #tpu.memory_space<vmem>> -> memref<64xi32, #tpu.memory_space<vmem>>
        %dma_start3A_43 = arith.constant 0 : i32
        %dma_start3A_44 = arith.constant 0 : i32
        %dma_start3A_45 = tpu.memref_slice %arg6[%dma_start3A_43, %dma_start3A_44] : memref<10240x128xf32, #tpu.memory_space<vmem_shared>> -> memref<10240x128xf32, #tpu.memory_space<vmem_shared>>
        tpu.enqueue_indirect_dma source(%arg5 : memref<64x128xf32, #tpu.memory_space<vmem>>) target(%dma_start3A_45 : memref<10240x128xf32, #tpu.memory_space<vmem_shared>>) offsets(%dma_start3A_42 : memref<64xi32, #tpu.memory_space<vmem>>) semaphore(%run_scoped3A : memref<!tpu.dma_semaphore, #tpu.memory_space<semaphore_mem>>) {add = true}
        %dma_wait3A = arith.constant 0 : i32
        %dma_wait3A_46 = tpu.memref_slice %arg4[%scan3A_38, %dma_wait3A] : memref<160x64xi32, #tpu.memory_space<vmem>> -> memref<1x64xi32, #tpu.memory_space<vmem>>
        %dma_wait3A_47 = tpu.memref_squeeze %dma_wait3A_46 : memref<1x64xi32, #tpu.memory_space<vmem>> -> memref<64xi32, #tpu.memory_space<vmem>>
        %dma_wait3A_48 = arith.constant 0 : i32
        %dma_wait3A_49 = arith.constant 0 : i32
        %dma_wait3A_50 = tpu.memref_slice %arg6[%dma_wait3A_48, %dma_wait3A_49] : memref<10240x128xf32, #tpu.memory_space<vmem_shared>> -> memref<10240x128xf32, #tpu.memory_space<vmem_shared>>
        tpu.wait_indirect_dma semaphore(%run_scoped3A : memref<!tpu.dma_semaphore, #tpu.memory_space<semaphore_mem>>) src(%arg5 : memref<64x128xf32, #tpu.memory_space<vmem>>) dst(%dma_wait3A_50 : memref<10240x128xf32, #tpu.memory_space<vmem_shared>>)
        tpu.yield
      }) : () -> ()
      %scan3A_40 = arith.constant 0 : i32
      scf.yield %scan3A_40 : i32
    }
    %scan3A_32 = arith.constant 160 : i32
    %barrier3A_33 = arith.constant 0 : index
    tpu.barrier barrier_id(%barrier3A_33)
    %mul3A_34 = arith.constant 640 : i32
    %mul3A_35 = arith.muli %arg1, %mul3A_34 : i32
    %mul3A_36 = arith.constant 640 : i32
    %mul3A_37 = arith.muli %arg1, %mul3A_36 : i32
    "tpu.region"() ({
      %run_scoped3A = tpu.sem_alloc : memref<!tpu.dma_semaphore, #tpu.memory_space<semaphore_mem>>
      %dma_start3A = arith.constant 0 : i32
      %dma_start3A_38 = tpu.memref_slice %arg3[%arg0, %mul3A_37, %dma_start3A] : memref<2x10240x128xf32, #tpu.memory_space<hbm>> -> memref<1x640x128xf32, #tpu.memory_space<hbm>>
      %dma_start3A_39 = tpu.memref_squeeze %dma_start3A_38 : memref<1x640x128xf32, #tpu.memory_space<hbm>> -> memref<640x128xf32, #tpu.memory_space<hbm>>
      %dma_start3A_40 = arith.constant 0 : i32
      %dma_start3A_41 = tpu.memref_slice %arg6[%mul3A_35, %dma_start3A_40] : memref<10240x128xf32, #tpu.memory_space<vmem_shared>> -> memref<640x128xf32, #tpu.memory_space<vmem_shared>>
      tpu.enqueue_dma source(%dma_start3A_41 : memref<640x128xf32, #tpu.memory_space<vmem_shared>>) target(%dma_start3A_39 : memref<640x128xf32, #tpu.memory_space<hbm>>) target_semaphore(%run_scoped3A : memref<!tpu.dma_semaphore, #tpu.memory_space<semaphore_mem>>)
      %dma_wait3A = arith.constant 0 : i32
      %dma_wait3A_42 = tpu.memref_slice %arg3[%arg0, %mul3A_37, %dma_wait3A] : memref<2x10240x128xf32, #tpu.memory_space<hbm>> -> memref<1x640x128xf32, #tpu.memory_space<hbm>>
      %dma_wait3A_43 = tpu.memref_squeeze %dma_wait3A_42 : memref<1x640x128xf32, #tpu.memory_space<hbm>> -> memref<640x128xf32, #tpu.memory_space<hbm>>
      %dma_wait3A_44 = arith.constant 0 : i32
      %dma_wait3A_45 = tpu.memref_slice %arg6[%mul3A_35, %dma_wait3A_44] : memref<10240x128xf32, #tpu.memory_space<vmem_shared>> -> memref<640x128xf32, #tpu.memory_space<vmem_shared>>
      tpu.wait_dma2 semaphore(%run_scoped3A : memref<!tpu.dma_semaphore, #tpu.memory_space<semaphore_mem>>) src(%dma_wait3A_45 : memref<640x128xf32, #tpu.memory_space<vmem_shared>>) dst(%dma_wait3A_43 : memref<640x128xf32, #tpu.memory_space<hbm>>)
      tpu.yield
    }) : () -> ()
    return
  }
}

#map = affine_map<(d0, d1) -> (0, 0)>
#map1 = affine_map<(d0, d1) -> (0, 0, 0)>
module attributes {stable_mosaic.version = 14 : i64} {
  func.func @k(%arg0: i32, %arg1: i32, %arg2: memref<10240x128xf32, #tpu.memory_space<hbm>>, %arg3: memref<5120x128xi32, #tpu.memory_space<hbm>>, %arg4: memref<2x10240x128xf32, #tpu.memory_space<hbm>>, %arg5: memref<80x128xi32, #tpu.memory_space<vmem>>, %arg6: memref<64x128xf32, #tpu.memory_space<vmem>>, %arg7: memref<64x128xf32, #tpu.memory_space<vmem>>, %arg8: memref<64x128xf32, #tpu.memory_space<vmem>>, %arg9: memref<64x128xf32, #tpu.memory_space<vmem>>, %arg10: memref<10240x128xf32, #tpu.memory_space<vmem_shared>>, %arg11: memref<!tpu.dma_semaphore, #tpu.memory_space<semaphore_mem>>, %arg12: memref<!tpu.dma_semaphore, #tpu.memory_space<semaphore_mem>>, %arg13: memref<!tpu.dma_semaphore, #tpu.memory_space<semaphore_mem>>, %arg14: memref<!tpu.dma_semaphore, #tpu.memory_space<semaphore_mem>>) attributes {dimension_semantics = [#tpu.dimension_semantics<core_parallel>, #tpu.dimension_semantics<subcore_parallel>], iteration_bounds = array<i64: 2, 16>, scalar_prefetch = 0 : i64, scratch_operands = 10 : i64, tpu.core_type = #tpu.core_type<sc_vector_subcore>, window_params = [{transform_indices = #map}, {transform_indices = #map}, {transform_indices = #map1}]} {
    %broadcast_in_dim3A = arith.constant 0.000000e+00 : f32
    %broadcast_in_dim3A_0 = vector.broadcast %broadcast_in_dim3A : f32 to vector<16xf32>
    %scan3A = arith.constant 0 : i32
    %scan3A_1 = arith.constant 0 : i32
    %scan3A_2 = arith.constant 512 : i32
    %scan3A_3 = arith.addi %scan3A_1, %scan3A_2 : i32
    %scan3A_4 = arith.constant 1 : i32
    %scan3A_5 = scf.for %scan3A_95 = %scan3A_1 to %scan3A_3 step %scan3A_4 iter_args(%scan3A_96 = %scan3A) -> (i32)  : i32 {
      %jit3A = arith.constant 8 : i32
      %div3A = arith.divsi %scan3A_95, %jit3A : i32
      %sign3A = arith.constant 0 : i32
      %sign3A_97 = arith.cmpi sgt, %scan3A_95, %sign3A : i32
      %sign3A_98 = arith.extui %sign3A_97 : i1 to i32
      %sign3A_99 = arith.constant 0 : i32
      %sign3A_100 = arith.cmpi slt, %scan3A_95, %sign3A_99 : i32
      %sign3A_101 = arith.extui %sign3A_100 : i1 to i32
      %sign3A_102 = arith.subi %sign3A_98, %sign3A_101 : i32
      %sign3A_103 = arith.constant 0 : i32
      %sign3A_104 = arith.cmpi sgt, %jit3A, %sign3A_103 : i32
      %sign3A_105 = arith.extui %sign3A_104 : i1 to i32
      %sign3A_106 = arith.constant 0 : i32
      %sign3A_107 = arith.cmpi slt, %jit3A, %sign3A_106 : i32
      %sign3A_108 = arith.extui %sign3A_107 : i1 to i32
      %sign3A_109 = arith.subi %sign3A_105, %sign3A_108 : i32
      %ne3A = arith.cmpi ne, %sign3A_102, %sign3A_109 : i32
      %rem3A = arith.remsi %scan3A_95, %jit3A : i32
      %ne3A_110 = arith.constant 0 : i32
      %ne3A_111 = arith.cmpi ne, %rem3A, %ne3A_110 : i32
      %and3A = arith.andi %ne3A, %ne3A_111 : i1
      %sub3A = arith.constant 1 : i32
      %sub3A_112 = arith.subi %div3A, %sub3A : i32
      %select_n3A = arith.select %and3A, %sub3A_112, %div3A : i32
      %jit3A_113 = arith.constant 8 : i32
      %eq3A = arith.constant 0 : i32
      %eq3A_114 = arith.cmpi eq, %jit3A_113, %eq3A : i32
      %jit3A_115 = arith.constant 1 : i32
      %select_n3A_116 = arith.select %eq3A_114, %jit3A_115, %jit3A_113 : i32
      %rem3A_117 = arith.remsi %scan3A_95, %select_n3A_116 : i32
      %ne3A_118 = arith.constant 0 : i32
      %ne3A_119 = arith.cmpi ne, %rem3A_117, %ne3A_118 : i32
      %lt3A = arith.constant 0 : i32
      %lt3A_120 = arith.cmpi slt, %rem3A_117, %lt3A : i32
      %lt3A_121 = arith.constant 0 : i32
      %lt3A_122 = arith.cmpi slt, %select_n3A_116, %lt3A_121 : i32
      %ne3A_123 = arith.xori %lt3A_120, %lt3A_122 : i1
      %and3A_124 = arith.andi %ne3A_123, %ne3A_119 : i1
      %add3A_125 = arith.addi %rem3A_117, %select_n3A_116 : i32
      %select_n3A_126 = arith.select %and3A_124, %add3A_125, %rem3A_117 : i32
      %mul3A_127 = arith.constant 16 : i32
      %mul3A_128 = arith.muli %select_n3A_126, %mul3A_127 : i32
      %swap3A = arith.index_cast %select_n3A : i32 to index
      %swap3A_129 = arith.index_cast %mul3A_128 : i32 to index
      %swap3A_130 = tpu.vector_load %arg6[%swap3A, %swap3A_129] {strides = array<i32>} : memref<64x128xf32, #tpu.memory_space<vmem>>, vector<1x16xf32>,
      %swap3A_131 = vector.shape_cast %swap3A_130 : vector<1x16xf32> to vector<16xf32>
      %swap3A_132 = vector.shape_cast %broadcast_in_dim3A_0 : vector<16xf32> to vector<1x16xf32>
      tpu.vector_store %arg6[%swap3A, %swap3A_129], %swap3A_132 {strides = array<i32>} : memref<64x128xf32, #tpu.memory_space<vmem>>, vector<1x16xf32>,
      %scan3A_133 = arith.constant 0 : i32
      scf.yield %scan3A_133 : i32
    }
    %scan3A_6 = arith.constant 512 : i32
    %scan3A_7 = arith.constant 0 : i32
    %scan3A_8 = arith.constant 0 : i32
    %scan3A_9 = arith.constant 10 : i32
    %scan3A_10 = arith.addi %scan3A_8, %scan3A_9 : i32
    %scan3A_11 = arith.constant 1 : i32
    %scan3A_12 = scf.for %scan3A_95 = %scan3A_8 to %scan3A_10 step %scan3A_11 iter_args(%scan3A_96 = %scan3A_7) -> (i32)  : i32 {
      %mul3A_97 = arith.constant 640 : i32
      %mul3A_98 = arith.muli %arg1, %mul3A_97 : i32
      %mul3A_99 = arith.constant 64 : i32
      %mul3A_100 = arith.muli %scan3A_95, %mul3A_99 : i32
      %add3A_101 = arith.addi %mul3A_98, %mul3A_100 : i32
      "tpu.region"() ({
        %run_scoped3A = tpu.sem_alloc : memref<!tpu.dma_semaphore, #tpu.memory_space<semaphore_mem>>
        %dma_start3A_103 = arith.constant 0 : i32
        %dma_start3A_104 = arith.constant 0 : i32
        %dma_start3A_105 = tpu.memref_slice %arg6[%dma_start3A_103, %dma_start3A_104] : memref<64x128xf32, #tpu.memory_space<vmem>> -> memref<64x128xf32, #tpu.memory_space<vmem>>
        %dma_start3A_106 = arith.constant 0 : i32
        %dma_start3A_107 = tpu.memref_slice %arg10[%add3A_101, %dma_start3A_106] : memref<10240x128xf32, #tpu.memory_space<vmem_shared>> -> memref<64x128xf32, #tpu.memory_space<vmem_shared>>
        %dma_start3A_108 = arith.constant 0 : i32
        %dma_start3A_109 = tpu.memref_slice %arg10[%add3A_101, %dma_start3A_108] : memref<10240x128xf32, #tpu.memory_space<vmem_shared>> -> memref<64x128xf32, #tpu.memory_space<vmem_shared>>
        %dma_start3A_110 = arith.constant 0 : i32
        %dma_start3A_111 = arith.constant 0 : i32
        %dma_start3A_112 = tpu.memref_slice %arg6[%dma_start3A_110, %dma_start3A_111] : memref<64x128xf32, #tpu.memory_space<vmem>> -> memref<64x128xf32, #tpu.memory_space<vmem>>
        tpu.enqueue_dma source(%dma_start3A_112 : memref<64x128xf32, #tpu.memory_space<vmem>>) target(%dma_start3A_109 : memref<64x128xf32, #tpu.memory_space<vmem_shared>>) target_semaphore(%run_scoped3A : memref<!tpu.dma_semaphore, #tpu.memory_space<semaphore_mem>>)
        %dma_wait3A = arith.constant 0 : i32
        %dma_wait3A_113 = arith.constant 0 : i32
        %dma_wait3A_114 = tpu.memref_slice %arg6[%dma_wait3A, %dma_wait3A_113] : memref<64x128xf32, #tpu.memory_space<vmem>> -> memref<64x128xf32, #tpu.memory_space<vmem>>
        %dma_wait3A_115 = arith.constant 0 : i32
        %dma_wait3A_116 = tpu.memref_slice %arg10[%add3A_101, %dma_wait3A_115] : memref<10240x128xf32, #tpu.memory_space<vmem_shared>> -> memref<64x128xf32, #tpu.memory_space<vmem_shared>>
        %dma_wait3A_117 = arith.constant 0 : i32
        %dma_wait3A_118 = tpu.memref_slice %arg10[%add3A_101, %dma_wait3A_117] : memref<10240x128xf32, #tpu.memory_space<vmem_shared>> -> memref<64x128xf32, #tpu.memory_space<vmem_shared>>
        %dma_wait3A_119 = arith.constant 0 : i32
        %dma_wait3A_120 = arith.constant 0 : i32
        %dma_wait3A_121 = tpu.memref_slice %arg6[%dma_wait3A_119, %dma_wait3A_120] : memref<64x128xf32, #tpu.memory_space<vmem>> -> memref<64x128xf32, #tpu.memory_space<vmem>>
        tpu.wait_dma2 semaphore(%run_scoped3A : memref<!tpu.dma_semaphore, #tpu.memory_space<semaphore_mem>>) src(%dma_wait3A_121 : memref<64x128xf32, #tpu.memory_space<vmem>>) dst(%dma_wait3A_118 : memref<64x128xf32, #tpu.memory_space<vmem_shared>>)
        tpu.yield
      }) : () -> ()
      %scan3A_102 = arith.constant 0 : i32
      scf.yield %scan3A_102 : i32
    }
    %scan3A_13 = arith.constant 10 : i32
    %mul3A = arith.constant 16 : i32
    %mul3A_14 = arith.muli %arg0, %mul3A : i32
    %add3A = arith.addi %mul3A_14, %arg1 : i32
    %mul3A_15 = arith.constant 160 : i32
    %mul3A_16 = arith.muli %add3A, %mul3A_15 : i32
    %barrier3A = arith.constant 0 : index
    tpu.barrier barrier_id(%barrier3A)
    %add3A_17 = arith.constant 0 : i32
    %add3A_18 = arith.addi %mul3A_16, %add3A_17 : i32
    "tpu.region"() ({
      %run_scoped3A = tpu.sem_alloc : memref<!tpu.dma_semaphore, #tpu.memory_space<semaphore_mem>>
      %dma_start3A_95 = arith.constant 0 : i32
      %dma_start3A_96 = tpu.memref_slice %arg3[%add3A_18, %dma_start3A_95] : memref<5120x128xi32, #tpu.memory_space<hbm>> -> memref<80x128xi32, #tpu.memory_space<hbm>>
      %dma_start3A_97 = arith.constant 0 : i32
      %dma_start3A_98 = tpu.memref_slice %arg3[%add3A_18, %dma_start3A_97] : memref<5120x128xi32, #tpu.memory_space<hbm>> -> memref<80x128xi32, #tpu.memory_space<hbm>>
      tpu.enqueue_dma source(%dma_start3A_98 : memref<80x128xi32, #tpu.memory_space<hbm>>) target(%arg5 : memref<80x128xi32, #tpu.memory_space<vmem>>) target_semaphore(%run_scoped3A : memref<!tpu.dma_semaphore, #tpu.memory_space<semaphore_mem>>)
      %dma_wait3A = arith.constant 0 : i32
      %dma_wait3A_99 = tpu.memref_slice %arg3[%add3A_18, %dma_wait3A] : memref<5120x128xi32, #tpu.memory_space<hbm>> -> memref<80x128xi32, #tpu.memory_space<hbm>>
      %dma_wait3A_100 = arith.constant 0 : i32
      %dma_wait3A_101 = tpu.memref_slice %arg3[%add3A_18, %dma_wait3A_100] : memref<5120x128xi32, #tpu.memory_space<hbm>> -> memref<80x128xi32, #tpu.memory_space<hbm>>
      tpu.wait_dma2 semaphore(%run_scoped3A : memref<!tpu.dma_semaphore, #tpu.memory_space<semaphore_mem>>) src(%dma_wait3A_101 : memref<80x128xi32, #tpu.memory_space<hbm>>) dst(%arg5 : memref<80x128xi32, #tpu.memory_space<vmem>>)
      tpu.yield
    }) : () -> ()
    %dma_start3A = arith.constant 0 : i32
    %dma_start3A_19 = arith.constant 0 : i32
    %dma_start3A_20 = tpu.memref_slice %arg5[%dma_start3A, %dma_start3A_19] : memref<80x128xi32, #tpu.memory_space<vmem>> -> memref<1x64xi32, #tpu.memory_space<vmem>>
    %dma_start3A_21 = tpu.memref_squeeze %dma_start3A_20 : memref<1x64xi32, #tpu.memory_space<vmem>> -> memref<64xi32, #tpu.memory_space<vmem>>
    %dma_start3A_22 = arith.constant 0 : i32
    %dma_start3A_23 = arith.constant 0 : i32
    %dma_start3A_24 = tpu.memref_slice %arg2[%dma_start3A_22, %dma_start3A_23] : memref<10240x128xf32, #tpu.memory_space<hbm>> -> memref<10240x128xf32, #tpu.memory_space<hbm>>
    tpu.enqueue_indirect_dma source(%dma_start3A_24 : memref<10240x128xf32, #tpu.memory_space<hbm>>) target(%arg6 : memref<64x128xf32, #tpu.memory_space<vmem>>) offsets(%dma_start3A_21 : memref<64xi32, #tpu.memory_space<vmem>>) semaphore(%arg11 : memref<!tpu.dma_semaphore, #tpu.memory_space<semaphore_mem>>)
    %dma_start3A_25 = arith.constant 1 : i32
    %dma_start3A_26 = arith.constant 0 : i32
    %dma_start3A_27 = tpu.memref_slice %arg5[%dma_start3A_25, %dma_start3A_26] : memref<80x128xi32, #tpu.memory_space<vmem>> -> memref<1x64xi32, #tpu.memory_space<vmem>>
    %dma_start3A_28 = tpu.memref_squeeze %dma_start3A_27 : memref<1x64xi32, #tpu.memory_space<vmem>> -> memref<64xi32, #tpu.memory_space<vmem>>
    %dma_start3A_29 = arith.constant 0 : i32
    %dma_start3A_30 = arith.constant 0 : i32
    %dma_start3A_31 = tpu.memref_slice %arg2[%dma_start3A_29, %dma_start3A_30] : memref<10240x128xf32, #tpu.memory_space<hbm>> -> memref<10240x128xf32, #tpu.memory_space<hbm>>
    tpu.enqueue_indirect_dma source(%dma_start3A_31 : memref<10240x128xf32, #tpu.memory_space<hbm>>) target(%arg7 : memref<64x128xf32, #tpu.memory_space<vmem>>) offsets(%dma_start3A_28 : memref<64xi32, #tpu.memory_space<vmem>>) semaphore(%arg12 : memref<!tpu.dma_semaphore, #tpu.memory_space<semaphore_mem>>)
    %dma_start3A_32 = arith.constant 2 : i32
    %dma_start3A_33 = arith.constant 0 : i32
    %dma_start3A_34 = tpu.memref_slice %arg5[%dma_start3A_32, %dma_start3A_33] : memref<80x128xi32, #tpu.memory_space<vmem>> -> memref<1x64xi32, #tpu.memory_space<vmem>>
    %dma_start3A_35 = tpu.memref_squeeze %dma_start3A_34 : memref<1x64xi32, #tpu.memory_space<vmem>> -> memref<64xi32, #tpu.memory_space<vmem>>
    %dma_start3A_36 = arith.constant 0 : i32
    %dma_start3A_37 = arith.constant 0 : i32
    %dma_start3A_38 = tpu.memref_slice %arg2[%dma_start3A_36, %dma_start3A_37] : memref<10240x128xf32, #tpu.memory_space<hbm>> -> memref<10240x128xf32, #tpu.memory_space<hbm>>
    tpu.enqueue_indirect_dma source(%dma_start3A_38 : memref<10240x128xf32, #tpu.memory_space<hbm>>) target(%arg8 : memref<64x128xf32, #tpu.memory_space<vmem>>) offsets(%dma_start3A_35 : memref<64xi32, #tpu.memory_space<vmem>>) semaphore(%arg13 : memref<!tpu.dma_semaphore, #tpu.memory_space<semaphore_mem>>)
    %dma_start3A_39 = arith.constant 3 : i32
    %dma_start3A_40 = arith.constant 0 : i32
    %dma_start3A_41 = tpu.memref_slice %arg5[%dma_start3A_39, %dma_start3A_40] : memref<80x128xi32, #tpu.memory_space<vmem>> -> memref<1x64xi32, #tpu.memory_space<vmem>>
    %dma_start3A_42 = tpu.memref_squeeze %dma_start3A_41 : memref<1x64xi32, #tpu.memory_space<vmem>> -> memref<64xi32, #tpu.memory_space<vmem>>
    %dma_start3A_43 = arith.constant 0 : i32
    %dma_start3A_44 = arith.constant 0 : i32
    %dma_start3A_45 = tpu.memref_slice %arg2[%dma_start3A_43, %dma_start3A_44] : memref<10240x128xf32, #tpu.memory_space<hbm>> -> memref<10240x128xf32, #tpu.memory_space<hbm>>
    tpu.enqueue_indirect_dma source(%dma_start3A_45 : memref<10240x128xf32, #tpu.memory_space<hbm>>) target(%arg9 : memref<64x128xf32, #tpu.memory_space<vmem>>) offsets(%dma_start3A_42 : memref<64xi32, #tpu.memory_space<vmem>>) semaphore(%arg14 : memref<!tpu.dma_semaphore, #tpu.memory_space<semaphore_mem>>)
    %scan3A_46 = arith.constant 0 : i32
    %scan3A_47 = arith.constant 0 : i32
    %scan3A_48 = arith.constant 20 : i32
    %scan3A_49 = arith.addi %scan3A_47, %scan3A_48 : i32
    %scan3A_50 = arith.constant 1 : i32
    %scan3A_51 = scf.for %scan3A_95 = %scan3A_47 to %scan3A_49 step %scan3A_50 iter_args(%scan3A_96 = %scan3A_46) -> (i32)  : i32 {
      %mul3A_97 = arith.constant 4 : i32
      %mul3A_98 = arith.muli %mul3A_97, %scan3A_95 : i32
      %add3A_99 = arith.constant 0 : i32
      %add3A_100 = arith.addi %mul3A_98, %add3A_99 : i32
      %dma_wait3A = arith.constant 0 : i32
      %dma_wait3A_101 = tpu.memref_slice %arg5[%add3A_100, %dma_wait3A] : memref<80x128xi32, #tpu.memory_space<vmem>> -> memref<1x64xi32, #tpu.memory_space<vmem>>
      %dma_wait3A_102 = tpu.memref_squeeze %dma_wait3A_101 : memref<1x64xi32, #tpu.memory_space<vmem>> -> memref<64xi32, #tpu.memory_space<vmem>>
      %dma_wait3A_103 = arith.constant 0 : i32
      %dma_wait3A_104 = arith.constant 0 : i32
      %dma_wait3A_105 = tpu.memref_slice %arg2[%dma_wait3A_103, %dma_wait3A_104] : memref<10240x128xf32, #tpu.memory_space<hbm>> -> memref<10240x128xf32, #tpu.memory_space<hbm>>
      tpu.wait_indirect_dma semaphore(%arg11 : memref<!tpu.dma_semaphore, #tpu.memory_space<semaphore_mem>>) src(%dma_wait3A_105 : memref<10240x128xf32, #tpu.memory_space<hbm>>) dst(%arg6 : memref<64x128xf32, #tpu.memory_space<vmem>>)
      "tpu.region"() ({
        %run_scoped3A = tpu.sem_alloc : memref<!tpu.dma_semaphore, #tpu.memory_space<semaphore_mem>>
        %dma_start3A_180 = arith.constant 64 : i32
        %dma_start3A_181 = tpu.memref_slice %arg5[%add3A_100, %dma_start3A_180] : memref<80x128xi32, #tpu.memory_space<vmem>> -> memref<1x64xi32, #tpu.memory_space<vmem>>
        %dma_start3A_182 = tpu.memref_squeeze %dma_start3A_181 : memref<1x64xi32, #tpu.memory_space<vmem>> -> memref<64xi32, #tpu.memory_space<vmem>>
        %dma_start3A_183 = arith.constant 0 : i32
        %dma_start3A_184 = arith.constant 0 : i32
        %dma_start3A_185 = tpu.memref_slice %arg10[%dma_start3A_183, %dma_start3A_184] : memref<10240x128xf32, #tpu.memory_space<vmem_shared>> -> memref<10240x128xf32, #tpu.memory_space<vmem_shared>>
        tpu.enqueue_indirect_dma source(%arg6 : memref<64x128xf32, #tpu.memory_space<vmem>>) target(%dma_start3A_185 : memref<10240x128xf32, #tpu.memory_space<vmem_shared>>) offsets(%dma_start3A_182 : memref<64xi32, #tpu.memory_space<vmem>>) semaphore(%run_scoped3A : memref<!tpu.dma_semaphore, #tpu.memory_space<semaphore_mem>>) {add = true}
        %dma_wait3A_186 = arith.constant 64 : i32
        %dma_wait3A_187 = tpu.memref_slice %arg5[%add3A_100, %dma_wait3A_186] : memref<80x128xi32, #tpu.memory_space<vmem>> -> memref<1x64xi32, #tpu.memory_space<vmem>>
        %dma_wait3A_188 = tpu.memref_squeeze %dma_wait3A_187 : memref<1x64xi32, #tpu.memory_space<vmem>> -> memref<64xi32, #tpu.memory_space<vmem>>
        %dma_wait3A_189 = arith.constant 0 : i32
        %dma_wait3A_190 = arith.constant 0 : i32
        %dma_wait3A_191 = tpu.memref_slice %arg10[%dma_wait3A_189, %dma_wait3A_190] : memref<10240x128xf32, #tpu.memory_space<vmem_shared>> -> memref<10240x128xf32, #tpu.memory_space<vmem_shared>>
        tpu.wait_indirect_dma semaphore(%run_scoped3A : memref<!tpu.dma_semaphore, #tpu.memory_space<semaphore_mem>>) src(%arg6 : memref<64x128xf32, #tpu.memory_space<vmem>>) dst(%dma_wait3A_191 : memref<10240x128xf32, #tpu.memory_space<vmem_shared>>)
        tpu.yield
      }) : () -> ()
      %add3A_106 = arith.constant 0 : i32
      %add3A_107 = arith.addi %mul3A_98, %add3A_106 : i32
      %add3A_108 = arith.constant 4 : i32
      %add3A_109 = arith.addi %add3A_107, %add3A_108 : i32
      %lt3A = arith.constant 80 : i32
      %lt3A_110 = arith.cmpi slt, %add3A_109, %lt3A : i32
      %add3A_111 = arith.constant 0 : i32
      %add3A_112 = arith.addi %mul3A_98, %add3A_111 : i32
      %add3A_113 = arith.constant 4 : i32
      %add3A_114 = arith.addi %add3A_112, %add3A_113 : i32
      %convert_element_type3A = arith.extui %lt3A_110 : i1 to i32
      %cond3A = arith.constant 0 : i32
      %cond3A_115 = arith.cmpi ne, %convert_element_type3A, %cond3A : i32
      scf.if %cond3A_115 {
        %dma_start3A_180 = arith.constant 0 : i32
        %dma_start3A_181 = tpu.memref_slice %arg5[%add3A_114, %dma_start3A_180] : memref<80x128xi32, #tpu.memory_space<vmem>> -> memref<1x64xi32, #tpu.memory_space<vmem>>
        %dma_start3A_182 = tpu.memref_squeeze %dma_start3A_181 : memref<1x64xi32, #tpu.memory_space<vmem>> -> memref<64xi32, #tpu.memory_space<vmem>>
        %dma_start3A_183 = arith.constant 0 : i32
        %dma_start3A_184 = arith.constant 0 : i32
        %dma_start3A_185 = tpu.memref_slice %arg2[%dma_start3A_183, %dma_start3A_184] : memref<10240x128xf32, #tpu.memory_space<hbm>> -> memref<10240x128xf32, #tpu.memory_space<hbm>>
        tpu.enqueue_indirect_dma source(%dma_start3A_185 : memref<10240x128xf32, #tpu.memory_space<hbm>>) target(%arg6 : memref<64x128xf32, #tpu.memory_space<vmem>>) offsets(%dma_start3A_182 : memref<64xi32, #tpu.memory_space<vmem>>) semaphore(%arg11 : memref<!tpu.dma_semaphore, #tpu.memory_space<semaphore_mem>>)
      } else {
      }
      %add3A_116 = arith.constant 1 : i32
      %add3A_117 = arith.addi %mul3A_98, %add3A_116 : i32
      %dma_wait3A_118 = arith.constant 0 : i32
      %dma_wait3A_119 = tpu.memref_slice %arg5[%add3A_117, %dma_wait3A_118] : memref<80x128xi32, #tpu.memory_space<vmem>> -> memref<1x64xi32, #tpu.memory_space<vmem>>
      %dma_wait3A_120 = tpu.memref_squeeze %dma_wait3A_119 : memref<1x64xi32, #tpu.memory_space<vmem>> -> memref<64xi32, #tpu.memory_space<vmem>>
      %dma_wait3A_121 = arith.constant 0 : i32
      %dma_wait3A_122 = arith.constant 0 : i32
      %dma_wait3A_123 = tpu.memref_slice %arg2[%dma_wait3A_121, %dma_wait3A_122] : memref<10240x128xf32, #tpu.memory_space<hbm>> -> memref<10240x128xf32, #tpu.memory_space<hbm>>
      tpu.wait_indirect_dma semaphore(%arg12 : memref<!tpu.dma_semaphore, #tpu.memory_space<semaphore_mem>>) src(%dma_wait3A_123 : memref<10240x128xf32, #tpu.memory_space<hbm>>) dst(%arg7 : memref<64x128xf32, #tpu.memory_space<vmem>>)
      "tpu.region"() ({
        %run_scoped3A = tpu.sem_alloc : memref<!tpu.dma_semaphore, #tpu.memory_space<semaphore_mem>>
        %dma_start3A_180 = arith.constant 64 : i32
        %dma_start3A_181 = tpu.memref_slice %arg5[%add3A_117, %dma_start3A_180] : memref<80x128xi32, #tpu.memory_space<vmem>> -> memref<1x64xi32, #tpu.memory_space<vmem>>
        %dma_start3A_182 = tpu.memref_squeeze %dma_start3A_181 : memref<1x64xi32, #tpu.memory_space<vmem>> -> memref<64xi32, #tpu.memory_space<vmem>>
        %dma_start3A_183 = arith.constant 0 : i32
        %dma_start3A_184 = arith.constant 0 : i32
        %dma_start3A_185 = tpu.memref_slice %arg10[%dma_start3A_183, %dma_start3A_184] : memref<10240x128xf32, #tpu.memory_space<vmem_shared>> -> memref<10240x128xf32, #tpu.memory_space<vmem_shared>>
        tpu.enqueue_indirect_dma source(%arg7 : memref<64x128xf32, #tpu.memory_space<vmem>>) target(%dma_start3A_185 : memref<10240x128xf32, #tpu.memory_space<vmem_shared>>) offsets(%dma_start3A_182 : memref<64xi32, #tpu.memory_space<vmem>>) semaphore(%run_scoped3A : memref<!tpu.dma_semaphore, #tpu.memory_space<semaphore_mem>>) {add = true}
        %dma_wait3A_186 = arith.constant 64 : i32
        %dma_wait3A_187 = tpu.memref_slice %arg5[%add3A_117, %dma_wait3A_186] : memref<80x128xi32, #tpu.memory_space<vmem>> -> memref<1x64xi32, #tpu.memory_space<vmem>>
        %dma_wait3A_188 = tpu.memref_squeeze %dma_wait3A_187 : memref<1x64xi32, #tpu.memory_space<vmem>> -> memref<64xi32, #tpu.memory_space<vmem>>
        %dma_wait3A_189 = arith.constant 0 : i32
        %dma_wait3A_190 = arith.constant 0 : i32
        %dma_wait3A_191 = tpu.memref_slice %arg10[%dma_wait3A_189, %dma_wait3A_190] : memref<10240x128xf32, #tpu.memory_space<vmem_shared>> -> memref<10240x128xf32, #tpu.memory_space<vmem_shared>>
        tpu.wait_indirect_dma semaphore(%run_scoped3A : memref<!tpu.dma_semaphore, #tpu.memory_space<semaphore_mem>>) src(%arg7 : memref<64x128xf32, #tpu.memory_space<vmem>>) dst(%dma_wait3A_191 : memref<10240x128xf32, #tpu.memory_space<vmem_shared>>)
        tpu.yield
      }) : () -> ()
      %add3A_124 = arith.constant 1 : i32
      %add3A_125 = arith.addi %mul3A_98, %add3A_124 : i32
      %add3A_126 = arith.constant 4 : i32
      %add3A_127 = arith.addi %add3A_125, %add3A_126 : i32
      %lt3A_128 = arith.constant 80 : i32
      %lt3A_129 = arith.cmpi slt, %add3A_127, %lt3A_128 : i32
      %add3A_130 = arith.constant 1 : i32
      %add3A_131 = arith.addi %mul3A_98, %add3A_130 : i32
      %add3A_132 = arith.constant 4 : i32
      %add3A_133 = arith.addi %add3A_131, %add3A_132 : i32
      %convert_element_type3A_134 = arith.extui %lt3A_129 : i1 to i32
      %cond3A_135 = arith.constant 0 : i32
      %cond3A_136 = arith.cmpi ne, %convert_element_type3A_134, %cond3A_135 : i32
      scf.if %cond3A_136 {
        %dma_start3A_180 = arith.constant 0 : i32
        %dma_start3A_181 = tpu.memref_slice %arg5[%add3A_133, %dma_start3A_180] : memref<80x128xi32, #tpu.memory_space<vmem>> -> memref<1x64xi32, #tpu.memory_space<vmem>>
        %dma_start3A_182 = tpu.memref_squeeze %dma_start3A_181 : memref<1x64xi32, #tpu.memory_space<vmem>> -> memref<64xi32, #tpu.memory_space<vmem>>
        %dma_start3A_183 = arith.constant 0 : i32
        %dma_start3A_184 = arith.constant 0 : i32
        %dma_start3A_185 = tpu.memref_slice %arg2[%dma_start3A_183, %dma_start3A_184] : memref<10240x128xf32, #tpu.memory_space<hbm>> -> memref<10240x128xf32, #tpu.memory_space<hbm>>
        tpu.enqueue_indirect_dma source(%dma_start3A_185 : memref<10240x128xf32, #tpu.memory_space<hbm>>) target(%arg7 : memref<64x128xf32, #tpu.memory_space<vmem>>) offsets(%dma_start3A_182 : memref<64xi32, #tpu.memory_space<vmem>>) semaphore(%arg12 : memref<!tpu.dma_semaphore, #tpu.memory_space<semaphore_mem>>)
      } else {
      }
      %add3A_137 = arith.constant 2 : i32
      %add3A_138 = arith.addi %mul3A_98, %add3A_137 : i32
      %dma_wait3A_139 = arith.constant 0 : i32
      %dma_wait3A_140 = tpu.memref_slice %arg5[%add3A_138, %dma_wait3A_139] : memref<80x128xi32, #tpu.memory_space<vmem>> -> memref<1x64xi32, #tpu.memory_space<vmem>>
      %dma_wait3A_141 = tpu.memref_squeeze %dma_wait3A_140 : memref<1x64xi32, #tpu.memory_space<vmem>> -> memref<64xi32, #tpu.memory_space<vmem>>
      %dma_wait3A_142 = arith.constant 0 : i32
      %dma_wait3A_143 = arith.constant 0 : i32
      %dma_wait3A_144 = tpu.memref_slice %arg2[%dma_wait3A_142, %dma_wait3A_143] : memref<10240x128xf32, #tpu.memory_space<hbm>> -> memref<10240x128xf32, #tpu.memory_space<hbm>>
      tpu.wait_indirect_dma semaphore(%arg13 : memref<!tpu.dma_semaphore, #tpu.memory_space<semaphore_mem>>) src(%dma_wait3A_144 : memref<10240x128xf32, #tpu.memory_space<hbm>>) dst(%arg8 : memref<64x128xf32, #tpu.memory_space<vmem>>)
      "tpu.region"() ({
        %run_scoped3A = tpu.sem_alloc : memref<!tpu.dma_semaphore, #tpu.memory_space<semaphore_mem>>
        %dma_start3A_180 = arith.constant 64 : i32
        %dma_start3A_181 = tpu.memref_slice %arg5[%add3A_138, %dma_start3A_180] : memref<80x128xi32, #tpu.memory_space<vmem>> -> memref<1x64xi32, #tpu.memory_space<vmem>>
        %dma_start3A_182 = tpu.memref_squeeze %dma_start3A_181 : memref<1x64xi32, #tpu.memory_space<vmem>> -> memref<64xi32, #tpu.memory_space<vmem>>
        %dma_start3A_183 = arith.constant 0 : i32
        %dma_start3A_184 = arith.constant 0 : i32
        %dma_start3A_185 = tpu.memref_slice %arg10[%dma_start3A_183, %dma_start3A_184] : memref<10240x128xf32, #tpu.memory_space<vmem_shared>> -> memref<10240x128xf32, #tpu.memory_space<vmem_shared>>
        tpu.enqueue_indirect_dma source(%arg8 : memref<64x128xf32, #tpu.memory_space<vmem>>) target(%dma_start3A_185 : memref<10240x128xf32, #tpu.memory_space<vmem_shared>>) offsets(%dma_start3A_182 : memref<64xi32, #tpu.memory_space<vmem>>) semaphore(%run_scoped3A : memref<!tpu.dma_semaphore, #tpu.memory_space<semaphore_mem>>) {add = true}
        %dma_wait3A_186 = arith.constant 64 : i32
        %dma_wait3A_187 = tpu.memref_slice %arg5[%add3A_138, %dma_wait3A_186] : memref<80x128xi32, #tpu.memory_space<vmem>> -> memref<1x64xi32, #tpu.memory_space<vmem>>
        %dma_wait3A_188 = tpu.memref_squeeze %dma_wait3A_187 : memref<1x64xi32, #tpu.memory_space<vmem>> -> memref<64xi32, #tpu.memory_space<vmem>>
        %dma_wait3A_189 = arith.constant 0 : i32
        %dma_wait3A_190 = arith.constant 0 : i32
        %dma_wait3A_191 = tpu.memref_slice %arg10[%dma_wait3A_189, %dma_wait3A_190] : memref<10240x128xf32, #tpu.memory_space<vmem_shared>> -> memref<10240x128xf32, #tpu.memory_space<vmem_shared>>
        tpu.wait_indirect_dma semaphore(%run_scoped3A : memref<!tpu.dma_semaphore, #tpu.memory_space<semaphore_mem>>) src(%arg8 : memref<64x128xf32, #tpu.memory_space<vmem>>) dst(%dma_wait3A_191 : memref<10240x128xf32, #tpu.memory_space<vmem_shared>>)
        tpu.yield
      }) : () -> ()
      %add3A_145 = arith.constant 2 : i32
      %add3A_146 = arith.addi %mul3A_98, %add3A_145 : i32
      %add3A_147 = arith.constant 4 : i32
      %add3A_148 = arith.addi %add3A_146, %add3A_147 : i32
      %lt3A_149 = arith.constant 80 : i32
      %lt3A_150 = arith.cmpi slt, %add3A_148, %lt3A_149 : i32
      %add3A_151 = arith.constant 2 : i32
      %add3A_152 = arith.addi %mul3A_98, %add3A_151 : i32
      %add3A_153 = arith.constant 4 : i32
      %add3A_154 = arith.addi %add3A_152, %add3A_153 : i32
      %convert_element_type3A_155 = arith.extui %lt3A_150 : i1 to i32
      %cond3A_156 = arith.constant 0 : i32
      %cond3A_157 = arith.cmpi ne, %convert_element_type3A_155, %cond3A_156 : i32
      scf.if %cond3A_157 {
        %dma_start3A_180 = arith.constant 0 : i32
        %dma_start3A_181 = tpu.memref_slice %arg5[%add3A_154, %dma_start3A_180] : memref<80x128xi32, #tpu.memory_space<vmem>> -> memref<1x64xi32, #tpu.memory_space<vmem>>
        %dma_start3A_182 = tpu.memref_squeeze %dma_start3A_181 : memref<1x64xi32, #tpu.memory_space<vmem>> -> memref<64xi32, #tpu.memory_space<vmem>>
        %dma_start3A_183 = arith.constant 0 : i32
        %dma_start3A_184 = arith.constant 0 : i32
        %dma_start3A_185 = tpu.memref_slice %arg2[%dma_start3A_183, %dma_start3A_184] : memref<10240x128xf32, #tpu.memory_space<hbm>> -> memref<10240x128xf32, #tpu.memory_space<hbm>>
        tpu.enqueue_indirect_dma source(%dma_start3A_185 : memref<10240x128xf32, #tpu.memory_space<hbm>>) target(%arg8 : memref<64x128xf32, #tpu.memory_space<vmem>>) offsets(%dma_start3A_182 : memref<64xi32, #tpu.memory_space<vmem>>) semaphore(%arg13 : memref<!tpu.dma_semaphore, #tpu.memory_space<semaphore_mem>>)
      } else {
      }
      %add3A_158 = arith.constant 3 : i32
      %add3A_159 = arith.addi %mul3A_98, %add3A_158 : i32
      %dma_wait3A_160 = arith.constant 0 : i32
      %dma_wait3A_161 = tpu.memref_slice %arg5[%add3A_159, %dma_wait3A_160] : memref<80x128xi32, #tpu.memory_space<vmem>> -> memref<1x64xi32, #tpu.memory_space<vmem>>
      %dma_wait3A_162 = tpu.memref_squeeze %dma_wait3A_161 : memref<1x64xi32, #tpu.memory_space<vmem>> -> memref<64xi32, #tpu.memory_space<vmem>>
      %dma_wait3A_163 = arith.constant 0 : i32
      %dma_wait3A_164 = arith.constant 0 : i32
      %dma_wait3A_165 = tpu.memref_slice %arg2[%dma_wait3A_163, %dma_wait3A_164] : memref<10240x128xf32, #tpu.memory_space<hbm>> -> memref<10240x128xf32, #tpu.memory_space<hbm>>
      tpu.wait_indirect_dma semaphore(%arg14 : memref<!tpu.dma_semaphore, #tpu.memory_space<semaphore_mem>>) src(%dma_wait3A_165 : memref<10240x128xf32, #tpu.memory_space<hbm>>) dst(%arg9 : memref<64x128xf32, #tpu.memory_space<vmem>>)
      "tpu.region"() ({
        %run_scoped3A = tpu.sem_alloc : memref<!tpu.dma_semaphore, #tpu.memory_space<semaphore_mem>>
        %dma_start3A_180 = arith.constant 64 : i32
        %dma_start3A_181 = tpu.memref_slice %arg5[%add3A_159, %dma_start3A_180] : memref<80x128xi32, #tpu.memory_space<vmem>> -> memref<1x64xi32, #tpu.memory_space<vmem>>
        %dma_start3A_182 = tpu.memref_squeeze %dma_start3A_181 : memref<1x64xi32, #tpu.memory_space<vmem>> -> memref<64xi32, #tpu.memory_space<vmem>>
        %dma_start3A_183 = arith.constant 0 : i32
        %dma_start3A_184 = arith.constant 0 : i32
        %dma_start3A_185 = tpu.memref_slice %arg10[%dma_start3A_183, %dma_start3A_184] : memref<10240x128xf32, #tpu.memory_space<vmem_shared>> -> memref<10240x128xf32, #tpu.memory_space<vmem_shared>>
        tpu.enqueue_indirect_dma source(%arg9 : memref<64x128xf32, #tpu.memory_space<vmem>>) target(%dma_start3A_185 : memref<10240x128xf32, #tpu.memory_space<vmem_shared>>) offsets(%dma_start3A_182 : memref<64xi32, #tpu.memory_space<vmem>>) semaphore(%run_scoped3A : memref<!tpu.dma_semaphore, #tpu.memory_space<semaphore_mem>>) {add = true}
        %dma_wait3A_186 = arith.constant 64 : i32
        %dma_wait3A_187 = tpu.memref_slice %arg5[%add3A_159, %dma_wait3A_186] : memref<80x128xi32, #tpu.memory_space<vmem>> -> memref<1x64xi32, #tpu.memory_space<vmem>>
        %dma_wait3A_188 = tpu.memref_squeeze %dma_wait3A_187 : memref<1x64xi32, #tpu.memory_space<vmem>> -> memref<64xi32, #tpu.memory_space<vmem>>
        %dma_wait3A_189 = arith.constant 0 : i32
        %dma_wait3A_190 = arith.constant 0 : i32
        %dma_wait3A_191 = tpu.memref_slice %arg10[%dma_wait3A_189, %dma_wait3A_190] : memref<10240x128xf32, #tpu.memory_space<vmem_shared>> -> memref<10240x128xf32, #tpu.memory_space<vmem_shared>>
        tpu.wait_indirect_dma semaphore(%run_scoped3A : memref<!tpu.dma_semaphore, #tpu.memory_space<semaphore_mem>>) src(%arg9 : memref<64x128xf32, #tpu.memory_space<vmem>>) dst(%dma_wait3A_191 : memref<10240x128xf32, #tpu.memory_space<vmem_shared>>)
        tpu.yield
      }) : () -> ()
      %add3A_166 = arith.constant 3 : i32
      %add3A_167 = arith.addi %mul3A_98, %add3A_166 : i32
      %add3A_168 = arith.constant 4 : i32
      %add3A_169 = arith.addi %add3A_167, %add3A_168 : i32
      %lt3A_170 = arith.constant 80 : i32
      %lt3A_171 = arith.cmpi slt, %add3A_169, %lt3A_170 : i32
      %add3A_172 = arith.constant 3 : i32
      %add3A_173 = arith.addi %mul3A_98, %add3A_172 : i32
      %add3A_174 = arith.constant 4 : i32
      %add3A_175 = arith.addi %add3A_173, %add3A_174 : i32
      %convert_element_type3A_176 = arith.extui %lt3A_171 : i1 to i32
      %cond3A_177 = arith.constant 0 : i32
      %cond3A_178 = arith.cmpi ne, %convert_element_type3A_176, %cond3A_177 : i32
      scf.if %cond3A_178 {
        %dma_start3A_180 = arith.constant 0 : i32
        %dma_start3A_181 = tpu.memref_slice %arg5[%add3A_175, %dma_start3A_180] : memref<80x128xi32, #tpu.memory_space<vmem>> -> memref<1x64xi32, #tpu.memory_space<vmem>>
        %dma_start3A_182 = tpu.memref_squeeze %dma_start3A_181 : memref<1x64xi32, #tpu.memory_space<vmem>> -> memref<64xi32, #tpu.memory_space<vmem>>
        %dma_start3A_183 = arith.constant 0 : i32
        %dma_start3A_184 = arith.constant 0 : i32
        %dma_start3A_185 = tpu.memref_slice %arg2[%dma_start3A_183, %dma_start3A_184] : memref<10240x128xf32, #tpu.memory_space<hbm>> -> memref<10240x128xf32, #tpu.memory_space<hbm>>
        tpu.enqueue_indirect_dma source(%dma_start3A_185 : memref<10240x128xf32, #tpu.memory_space<hbm>>) target(%arg9 : memref<64x128xf32, #tpu.memory_space<vmem>>) offsets(%dma_start3A_182 : memref<64xi32, #tpu.memory_space<vmem>>) semaphore(%arg14 : memref<!tpu.dma_semaphore, #tpu.memory_space<semaphore_mem>>)
      } else {
      }
      %scan3A_179 = arith.constant 0 : i32
      scf.yield %scan3A_179 : i32
    }
    %scan3A_52 = arith.constant 20 : i32
    %add3A_53 = arith.constant 80 : i32
    %add3A_54 = arith.addi %mul3A_16, %add3A_53 : i32
    "tpu.region"() ({
      %run_scoped3A = tpu.sem_alloc : memref<!tpu.dma_semaphore, #tpu.memory_space<semaphore_mem>>
      %dma_start3A_95 = arith.constant 0 : i32
      %dma_start3A_96 = tpu.memref_slice %arg3[%add3A_54, %dma_start3A_95] : memref<5120x128xi32, #tpu.memory_space<hbm>> -> memref<80x128xi32, #tpu.memory_space<hbm>>
      %dma_start3A_97 = arith.constant 0 : i32
      %dma_start3A_98 = tpu.memref_slice %arg3[%add3A_54, %dma_start3A_97] : memref<5120x128xi32, #tpu.memory_space<hbm>> -> memref<80x128xi32, #tpu.memory_space<hbm>>
      tpu.enqueue_dma source(%dma_start3A_98 : memref<80x128xi32, #tpu.memory_space<hbm>>) target(%arg5 : memref<80x128xi32, #tpu.memory_space<vmem>>) target_semaphore(%run_scoped3A : memref<!tpu.dma_semaphore, #tpu.memory_space<semaphore_mem>>)
      %dma_wait3A = arith.constant 0 : i32
      %dma_wait3A_99 = tpu.memref_slice %arg3[%add3A_54, %dma_wait3A] : memref<5120x128xi32, #tpu.memory_space<hbm>> -> memref<80x128xi32, #tpu.memory_space<hbm>>
      %dma_wait3A_100 = arith.constant 0 : i32
      %dma_wait3A_101 = tpu.memref_slice %arg3[%add3A_54, %dma_wait3A_100] : memref<5120x128xi32, #tpu.memory_space<hbm>> -> memref<80x128xi32, #tpu.memory_space<hbm>>
      tpu.wait_dma2 semaphore(%run_scoped3A : memref<!tpu.dma_semaphore, #tpu.memory_space<semaphore_mem>>) src(%dma_wait3A_101 : memref<80x128xi32, #tpu.memory_space<hbm>>) dst(%arg5 : memref<80x128xi32, #tpu.memory_space<vmem>>)
      tpu.yield
    }) : () -> ()
    %dma_start3A_55 = arith.constant 0 : i32
    %dma_start3A_56 = arith.constant 0 : i32
    %dma_start3A_57 = tpu.memref_slice %arg5[%dma_start3A_55, %dma_start3A_56] : memref<80x128xi32, #tpu.memory_space<vmem>> -> memref<1x64xi32, #tpu.memory_space<vmem>>
    %dma_start3A_58 = tpu.memref_squeeze %dma_start3A_57 : memref<1x64xi32, #tpu.memory_space<vmem>> -> memref<64xi32, #tpu.memory_space<vmem>>
    %dma_start3A_59 = arith.constant 0 : i32
    %dma_start3A_60 = arith.constant 0 : i32
    %dma_start3A_61 = tpu.memref_slice %arg2[%dma_start3A_59, %dma_start3A_60] : memref<10240x128xf32, #tpu.memory_space<hbm>> -> memref<10240x128xf32, #tpu.memory_space<hbm>>
    tpu.enqueue_indirect_dma source(%dma_start3A_61 : memref<10240x128xf32, #tpu.memory_space<hbm>>) target(%arg6 : memref<64x128xf32, #tpu.memory_space<vmem>>) offsets(%dma_start3A_58 : memref<64xi32, #tpu.memory_space<vmem>>) semaphore(%arg11 : memref<!tpu.dma_semaphore, #tpu.memory_space<semaphore_mem>>)
    %dma_start3A_62 = arith.constant 1 : i32
    %dma_start3A_63 = arith.constant 0 : i32
    %dma_start3A_64 = tpu.memref_slice %arg5[%dma_start3A_62, %dma_start3A_63] : memref<80x128xi32, #tpu.memory_space<vmem>> -> memref<1x64xi32, #tpu.memory_space<vmem>>
    %dma_start3A_65 = tpu.memref_squeeze %dma_start3A_64 : memref<1x64xi32, #tpu.memory_space<vmem>> -> memref<64xi32, #tpu.memory_space<vmem>>
    %dma_start3A_66 = arith.constant 0 : i32
    %dma_start3A_67 = arith.constant 0 : i32
    %dma_start3A_68 = tpu.memref_slice %arg2[%dma_start3A_66, %dma_start3A_67] : memref<10240x128xf32, #tpu.memory_space<hbm>> -> memref<10240x128xf32, #tpu.memory_space<hbm>>
    tpu.enqueue_indirect_dma source(%dma_start3A_68 : memref<10240x128xf32, #tpu.memory_space<hbm>>) target(%arg7 : memref<64x128xf32, #tpu.memory_space<vmem>>) offsets(%dma_start3A_65 : memref<64xi32, #tpu.memory_space<vmem>>) semaphore(%arg12 : memref<!tpu.dma_semaphore, #tpu.memory_space<semaphore_mem>>)
    %dma_start3A_69 = arith.constant 2 : i32
    %dma_start3A_70 = arith.constant 0 : i32
    %dma_start3A_71 = tpu.memref_slice %arg5[%dma_start3A_69, %dma_start3A_70] : memref<80x128xi32, #tpu.memory_space<vmem>> -> memref<1x64xi32, #tpu.memory_space<vmem>>
    %dma_start3A_72 = tpu.memref_squeeze %dma_start3A_71 : memref<1x64xi32, #tpu.memory_space<vmem>> -> memref<64xi32, #tpu.memory_space<vmem>>
    %dma_start3A_73 = arith.constant 0 : i32
    %dma_start3A_74 = arith.constant 0 : i32
    %dma_start3A_75 = tpu.memref_slice %arg2[%dma_start3A_73, %dma_start3A_74] : memref<10240x128xf32, #tpu.memory_space<hbm>> -> memref<10240x128xf32, #tpu.memory_space<hbm>>
    tpu.enqueue_indirect_dma source(%dma_start3A_75 : memref<10240x128xf32, #tpu.memory_space<hbm>>) target(%arg8 : memref<64x128xf32, #tpu.memory_space<vmem>>) offsets(%dma_start3A_72 : memref<64xi32, #tpu.memory_space<vmem>>) semaphore(%arg13 : memref<!tpu.dma_semaphore, #tpu.memory_space<semaphore_mem>>)
    %dma_start3A_76 = arith.constant 3 : i32
    %dma_start3A_77 = arith.constant 0 : i32
    %dma_start3A_78 = tpu.memref_slice %arg5[%dma_start3A_76, %dma_start3A_77] : memref<80x128xi32, #tpu.memory_space<vmem>> -> memref<1x64xi32, #tpu.memory_space<vmem>>
    %dma_start3A_79 = tpu.memref_squeeze %dma_start3A_78 : memref<1x64xi32, #tpu.memory_space<vmem>> -> memref<64xi32, #tpu.memory_space<vmem>>
    %dma_start3A_80 = arith.constant 0 : i32
    %dma_start3A_81 = arith.constant 0 : i32
    %dma_start3A_82 = tpu.memref_slice %arg2[%dma_start3A_80, %dma_start3A_81] : memref<10240x128xf32, #tpu.memory_space<hbm>> -> memref<10240x128xf32, #tpu.memory_space<hbm>>
    tpu.enqueue_indirect_dma source(%dma_start3A_82 : memref<10240x128xf32, #tpu.memory_space<hbm>>) target(%arg9 : memref<64x128xf32, #tpu.memory_space<vmem>>) offsets(%dma_start3A_79 : memref<64xi32, #tpu.memory_space<vmem>>) semaphore(%arg14 : memref<!tpu.dma_semaphore, #tpu.memory_space<semaphore_mem>>)
    %scan3A_83 = arith.constant 0 : i32
    %scan3A_84 = arith.constant 0 : i32
    %scan3A_85 = arith.constant 20 : i32
    %scan3A_86 = arith.addi %scan3A_84, %scan3A_85 : i32
    %scan3A_87 = arith.constant 1 : i32
    %scan3A_88 = scf.for %scan3A_95 = %scan3A_84 to %scan3A_86 step %scan3A_87 iter_args(%scan3A_96 = %scan3A_83) -> (i32)  : i32 {
      %mul3A_97 = arith.constant 4 : i32
      %mul3A_98 = arith.muli %mul3A_97, %scan3A_95 : i32
      %add3A_99 = arith.constant 0 : i32
      %add3A_100 = arith.addi %mul3A_98, %add3A_99 : i32
      %dma_wait3A = arith.constant 0 : i32
      %dma_wait3A_101 = tpu.memref_slice %arg5[%add3A_100, %dma_wait3A] : memref<80x128xi32, #tpu.memory_space<vmem>> -> memref<1x64xi32, #tpu.memory_space<vmem>>
      %dma_wait3A_102 = tpu.memref_squeeze %dma_wait3A_101 : memref<1x64xi32, #tpu.memory_space<vmem>> -> memref<64xi32, #tpu.memory_space<vmem>>
      %dma_wait3A_103 = arith.constant 0 : i32
      %dma_wait3A_104 = arith.constant 0 : i32
      %dma_wait3A_105 = tpu.memref_slice %arg2[%dma_wait3A_103, %dma_wait3A_104] : memref<10240x128xf32, #tpu.memory_space<hbm>> -> memref<10240x128xf32, #tpu.memory_space<hbm>>
      tpu.wait_indirect_dma semaphore(%arg11 : memref<!tpu.dma_semaphore, #tpu.memory_space<semaphore_mem>>) src(%dma_wait3A_105 : memref<10240x128xf32, #tpu.memory_space<hbm>>) dst(%arg6 : memref<64x128xf32, #tpu.memory_space<vmem>>)
      "tpu.region"() ({
        %run_scoped3A = tpu.sem_alloc : memref<!tpu.dma_semaphore, #tpu.memory_space<semaphore_mem>>
        %dma_start3A_180 = arith.constant 64 : i32
        %dma_start3A_181 = tpu.memref_slice %arg5[%add3A_100, %dma_start3A_180] : memref<80x128xi32, #tpu.memory_space<vmem>> -> memref<1x64xi32, #tpu.memory_space<vmem>>
        %dma_start3A_182 = tpu.memref_squeeze %dma_start3A_181 : memref<1x64xi32, #tpu.memory_space<vmem>> -> memref<64xi32, #tpu.memory_space<vmem>>
        %dma_start3A_183 = arith.constant 0 : i32
        %dma_start3A_184 = arith.constant 0 : i32
        %dma_start3A_185 = tpu.memref_slice %arg10[%dma_start3A_183, %dma_start3A_184] : memref<10240x128xf32, #tpu.memory_space<vmem_shared>> -> memref<10240x128xf32, #tpu.memory_space<vmem_shared>>
        tpu.enqueue_indirect_dma source(%arg6 : memref<64x128xf32, #tpu.memory_space<vmem>>) target(%dma_start3A_185 : memref<10240x128xf32, #tpu.memory_space<vmem_shared>>) offsets(%dma_start3A_182 : memref<64xi32, #tpu.memory_space<vmem>>) semaphore(%run_scoped3A : memref<!tpu.dma_semaphore, #tpu.memory_space<semaphore_mem>>) {add = true}
        %dma_wait3A_186 = arith.constant 64 : i32
        %dma_wait3A_187 = tpu.memref_slice %arg5[%add3A_100, %dma_wait3A_186] : memref<80x128xi32, #tpu.memory_space<vmem>> -> memref<1x64xi32, #tpu.memory_space<vmem>>
        %dma_wait3A_188 = tpu.memref_squeeze %dma_wait3A_187 : memref<1x64xi32, #tpu.memory_space<vmem>> -> memref<64xi32, #tpu.memory_space<vmem>>
        %dma_wait3A_189 = arith.constant 0 : i32
        %dma_wait3A_190 = arith.constant 0 : i32
        %dma_wait3A_191 = tpu.memref_slice %arg10[%dma_wait3A_189, %dma_wait3A_190] : memref<10240x128xf32, #tpu.memory_space<vmem_shared>> -> memref<10240x128xf32, #tpu.memory_space<vmem_shared>>
        tpu.wait_indirect_dma semaphore(%run_scoped3A : memref<!tpu.dma_semaphore, #tpu.memory_space<semaphore_mem>>) src(%arg6 : memref<64x128xf32, #tpu.memory_space<vmem>>) dst(%dma_wait3A_191 : memref<10240x128xf32, #tpu.memory_space<vmem_shared>>)
        tpu.yield
      }) : () -> ()
      %add3A_106 = arith.constant 0 : i32
      %add3A_107 = arith.addi %mul3A_98, %add3A_106 : i32
      %add3A_108 = arith.constant 4 : i32
      %add3A_109 = arith.addi %add3A_107, %add3A_108 : i32
      %lt3A = arith.constant 80 : i32
      %lt3A_110 = arith.cmpi slt, %add3A_109, %lt3A : i32
      %add3A_111 = arith.constant 0 : i32
      %add3A_112 = arith.addi %mul3A_98, %add3A_111 : i32
      %add3A_113 = arith.constant 4 : i32
      %add3A_114 = arith.addi %add3A_112, %add3A_113 : i32
      %convert_element_type3A = arith.extui %lt3A_110 : i1 to i32
      %cond3A = arith.constant 0 : i32
      %cond3A_115 = arith.cmpi ne, %convert_element_type3A, %cond3A : i32
      scf.if %cond3A_115 {
        %dma_start3A_180 = arith.constant 0 : i32
        %dma_start3A_181 = tpu.memref_slice %arg5[%add3A_114, %dma_start3A_180] : memref<80x128xi32, #tpu.memory_space<vmem>> -> memref<1x64xi32, #tpu.memory_space<vmem>>
        %dma_start3A_182 = tpu.memref_squeeze %dma_start3A_181 : memref<1x64xi32, #tpu.memory_space<vmem>> -> memref<64xi32, #tpu.memory_space<vmem>>
        %dma_start3A_183 = arith.constant 0 : i32
        %dma_start3A_184 = arith.constant 0 : i32
        %dma_start3A_185 = tpu.memref_slice %arg2[%dma_start3A_183, %dma_start3A_184] : memref<10240x128xf32, #tpu.memory_space<hbm>> -> memref<10240x128xf32, #tpu.memory_space<hbm>>
        tpu.enqueue_indirect_dma source(%dma_start3A_185 : memref<10240x128xf32, #tpu.memory_space<hbm>>) target(%arg6 : memref<64x128xf32, #tpu.memory_space<vmem>>) offsets(%dma_start3A_182 : memref<64xi32, #tpu.memory_space<vmem>>) semaphore(%arg11 : memref<!tpu.dma_semaphore, #tpu.memory_space<semaphore_mem>>)
      } else {
      }
      %add3A_116 = arith.constant 1 : i32
      %add3A_117 = arith.addi %mul3A_98, %add3A_116 : i32
      %dma_wait3A_118 = arith.constant 0 : i32
      %dma_wait3A_119 = tpu.memref_slice %arg5[%add3A_117, %dma_wait3A_118] : memref<80x128xi32, #tpu.memory_space<vmem>> -> memref<1x64xi32, #tpu.memory_space<vmem>>
      %dma_wait3A_120 = tpu.memref_squeeze %dma_wait3A_119 : memref<1x64xi32, #tpu.memory_space<vmem>> -> memref<64xi32, #tpu.memory_space<vmem>>
      %dma_wait3A_121 = arith.constant 0 : i32
      %dma_wait3A_122 = arith.constant 0 : i32
      %dma_wait3A_123 = tpu.memref_slice %arg2[%dma_wait3A_121, %dma_wait3A_122] : memref<10240x128xf32, #tpu.memory_space<hbm>> -> memref<10240x128xf32, #tpu.memory_space<hbm>>
      tpu.wait_indirect_dma semaphore(%arg12 : memref<!tpu.dma_semaphore, #tpu.memory_space<semaphore_mem>>) src(%dma_wait3A_123 : memref<10240x128xf32, #tpu.memory_space<hbm>>) dst(%arg7 : memref<64x128xf32, #tpu.memory_space<vmem>>)
      "tpu.region"() ({
        %run_scoped3A = tpu.sem_alloc : memref<!tpu.dma_semaphore, #tpu.memory_space<semaphore_mem>>
        %dma_start3A_180 = arith.constant 64 : i32
        %dma_start3A_181 = tpu.memref_slice %arg5[%add3A_117, %dma_start3A_180] : memref<80x128xi32, #tpu.memory_space<vmem>> -> memref<1x64xi32, #tpu.memory_space<vmem>>
        %dma_start3A_182 = tpu.memref_squeeze %dma_start3A_181 : memref<1x64xi32, #tpu.memory_space<vmem>> -> memref<64xi32, #tpu.memory_space<vmem>>
        %dma_start3A_183 = arith.constant 0 : i32
        %dma_start3A_184 = arith.constant 0 : i32
        %dma_start3A_185 = tpu.memref_slice %arg10[%dma_start3A_183, %dma_start3A_184] : memref<10240x128xf32, #tpu.memory_space<vmem_shared>> -> memref<10240x128xf32, #tpu.memory_space<vmem_shared>>
        tpu.enqueue_indirect_dma source(%arg7 : memref<64x128xf32, #tpu.memory_space<vmem>>) target(%dma_start3A_185 : memref<10240x128xf32, #tpu.memory_space<vmem_shared>>) offsets(%dma_start3A_182 : memref<64xi32, #tpu.memory_space<vmem>>) semaphore(%run_scoped3A : memref<!tpu.dma_semaphore, #tpu.memory_space<semaphore_mem>>) {add = true}
        %dma_wait3A_186 = arith.constant 64 : i32
        %dma_wait3A_187 = tpu.memref_slice %arg5[%add3A_117, %dma_wait3A_186] : memref<80x128xi32, #tpu.memory_space<vmem>> -> memref<1x64xi32, #tpu.memory_space<vmem>>
        %dma_wait3A_188 = tpu.memref_squeeze %dma_wait3A_187 : memref<1x64xi32, #tpu.memory_space<vmem>> -> memref<64xi32, #tpu.memory_space<vmem>>
        %dma_wait3A_189 = arith.constant 0 : i32
        %dma_wait3A_190 = arith.constant 0 : i32
        %dma_wait3A_191 = tpu.memref_slice %arg10[%dma_wait3A_189, %dma_wait3A_190] : memref<10240x128xf32, #tpu.memory_space<vmem_shared>> -> memref<10240x128xf32, #tpu.memory_space<vmem_shared>>
        tpu.wait_indirect_dma semaphore(%run_scoped3A : memref<!tpu.dma_semaphore, #tpu.memory_space<semaphore_mem>>) src(%arg7 : memref<64x128xf32, #tpu.memory_space<vmem>>) dst(%dma_wait3A_191 : memref<10240x128xf32, #tpu.memory_space<vmem_shared>>)
        tpu.yield
      }) : () -> ()
      %add3A_124 = arith.constant 1 : i32
      %add3A_125 = arith.addi %mul3A_98, %add3A_124 : i32
      %add3A_126 = arith.constant 4 : i32
      %add3A_127 = arith.addi %add3A_125, %add3A_126 : i32
      %lt3A_128 = arith.constant 80 : i32
      %lt3A_129 = arith.cmpi slt, %add3A_127, %lt3A_128 : i32
      %add3A_130 = arith.constant 1 : i32
      %add3A_131 = arith.addi %mul3A_98, %add3A_130 : i32
      %add3A_132 = arith.constant 4 : i32
      %add3A_133 = arith.addi %add3A_131, %add3A_132 : i32
      %convert_element_type3A_134 = arith.extui %lt3A_129 : i1 to i32
      %cond3A_135 = arith.constant 0 : i32
      %cond3A_136 = arith.cmpi ne, %convert_element_type3A_134, %cond3A_135 : i32
      scf.if %cond3A_136 {
        %dma_start3A_180 = arith.constant 0 : i32
        %dma_start3A_181 = tpu.memref_slice %arg5[%add3A_133, %dma_start3A_180] : memref<80x128xi32, #tpu.memory_space<vmem>> -> memref<1x64xi32, #tpu.memory_space<vmem>>
        %dma_start3A_182 = tpu.memref_squeeze %dma_start3A_181 : memref<1x64xi32, #tpu.memory_space<vmem>> -> memref<64xi32, #tpu.memory_space<vmem>>
        %dma_start3A_183 = arith.constant 0 : i32
        %dma_start3A_184 = arith.constant 0 : i32
        %dma_start3A_185 = tpu.memref_slice %arg2[%dma_start3A_183, %dma_start3A_184] : memref<10240x128xf32, #tpu.memory_space<hbm>> -> memref<10240x128xf32, #tpu.memory_space<hbm>>
        tpu.enqueue_indirect_dma source(%dma_start3A_185 : memref<10240x128xf32, #tpu.memory_space<hbm>>) target(%arg7 : memref<64x128xf32, #tpu.memory_space<vmem>>) offsets(%dma_start3A_182 : memref<64xi32, #tpu.memory_space<vmem>>) semaphore(%arg12 : memref<!tpu.dma_semaphore, #tpu.memory_space<semaphore_mem>>)
      } else {
      }
      %add3A_137 = arith.constant 2 : i32
      %add3A_138 = arith.addi %mul3A_98, %add3A_137 : i32
      %dma_wait3A_139 = arith.constant 0 : i32
      %dma_wait3A_140 = tpu.memref_slice %arg5[%add3A_138, %dma_wait3A_139] : memref<80x128xi32, #tpu.memory_space<vmem>> -> memref<1x64xi32, #tpu.memory_space<vmem>>
      %dma_wait3A_141 = tpu.memref_squeeze %dma_wait3A_140 : memref<1x64xi32, #tpu.memory_space<vmem>> -> memref<64xi32, #tpu.memory_space<vmem>>
      %dma_wait3A_142 = arith.constant 0 : i32
      %dma_wait3A_143 = arith.constant 0 : i32
      %dma_wait3A_144 = tpu.memref_slice %arg2[%dma_wait3A_142, %dma_wait3A_143] : memref<10240x128xf32, #tpu.memory_space<hbm>> -> memref<10240x128xf32, #tpu.memory_space<hbm>>
      tpu.wait_indirect_dma semaphore(%arg13 : memref<!tpu.dma_semaphore, #tpu.memory_space<semaphore_mem>>) src(%dma_wait3A_144 : memref<10240x128xf32, #tpu.memory_space<hbm>>) dst(%arg8 : memref<64x128xf32, #tpu.memory_space<vmem>>)
      "tpu.region"() ({
        %run_scoped3A = tpu.sem_alloc : memref<!tpu.dma_semaphore, #tpu.memory_space<semaphore_mem>>
        %dma_start3A_180 = arith.constant 64 : i32
        %dma_start3A_181 = tpu.memref_slice %arg5[%add3A_138, %dma_start3A_180] : memref<80x128xi32, #tpu.memory_space<vmem>> -> memref<1x64xi32, #tpu.memory_space<vmem>>
        %dma_start3A_182 = tpu.memref_squeeze %dma_start3A_181 : memref<1x64xi32, #tpu.memory_space<vmem>> -> memref<64xi32, #tpu.memory_space<vmem>>
        %dma_start3A_183 = arith.constant 0 : i32
        %dma_start3A_184 = arith.constant 0 : i32
        %dma_start3A_185 = tpu.memref_slice %arg10[%dma_start3A_183, %dma_start3A_184] : memref<10240x128xf32, #tpu.memory_space<vmem_shared>> -> memref<10240x128xf32, #tpu.memory_space<vmem_shared>>
        tpu.enqueue_indirect_dma source(%arg8 : memref<64x128xf32, #tpu.memory_space<vmem>>) target(%dma_start3A_185 : memref<10240x128xf32, #tpu.memory_space<vmem_shared>>) offsets(%dma_start3A_182 : memref<64xi32, #tpu.memory_space<vmem>>) semaphore(%run_scoped3A : memref<!tpu.dma_semaphore, #tpu.memory_space<semaphore_mem>>) {add = true}
        %dma_wait3A_186 = arith.constant 64 : i32
        %dma_wait3A_187 = tpu.memref_slice %arg5[%add3A_138, %dma_wait3A_186] : memref<80x128xi32, #tpu.memory_space<vmem>> -> memref<1x64xi32, #tpu.memory_space<vmem>>
        %dma_wait3A_188 = tpu.memref_squeeze %dma_wait3A_187 : memref<1x64xi32, #tpu.memory_space<vmem>> -> memref<64xi32, #tpu.memory_space<vmem>>
        %dma_wait3A_189 = arith.constant 0 : i32
        %dma_wait3A_190 = arith.constant 0 : i32
        %dma_wait3A_191 = tpu.memref_slice %arg10[%dma_wait3A_189, %dma_wait3A_190] : memref<10240x128xf32, #tpu.memory_space<vmem_shared>> -> memref<10240x128xf32, #tpu.memory_space<vmem_shared>>
        tpu.wait_indirect_dma semaphore(%run_scoped3A : memref<!tpu.dma_semaphore, #tpu.memory_space<semaphore_mem>>) src(%arg8 : memref<64x128xf32, #tpu.memory_space<vmem>>) dst(%dma_wait3A_191 : memref<10240x128xf32, #tpu.memory_space<vmem_shared>>)
        tpu.yield
      }) : () -> ()
      %add3A_145 = arith.constant 2 : i32
      %add3A_146 = arith.addi %mul3A_98, %add3A_145 : i32
      %add3A_147 = arith.constant 4 : i32
      %add3A_148 = arith.addi %add3A_146, %add3A_147 : i32
      %lt3A_149 = arith.constant 80 : i32
      %lt3A_150 = arith.cmpi slt, %add3A_148, %lt3A_149 : i32
      %add3A_151 = arith.constant 2 : i32
      %add3A_152 = arith.addi %mul3A_98, %add3A_151 : i32
      %add3A_153 = arith.constant 4 : i32
      %add3A_154 = arith.addi %add3A_152, %add3A_153 : i32
      %convert_element_type3A_155 = arith.extui %lt3A_150 : i1 to i32
      %cond3A_156 = arith.constant 0 : i32
      %cond3A_157 = arith.cmpi ne, %convert_element_type3A_155, %cond3A_156 : i32
      scf.if %cond3A_157 {
        %dma_start3A_180 = arith.constant 0 : i32
        %dma_start3A_181 = tpu.memref_slice %arg5[%add3A_154, %dma_start3A_180] : memref<80x128xi32, #tpu.memory_space<vmem>> -> memref<1x64xi32, #tpu.memory_space<vmem>>
        %dma_start3A_182 = tpu.memref_squeeze %dma_start3A_181 : memref<1x64xi32, #tpu.memory_space<vmem>> -> memref<64xi32, #tpu.memory_space<vmem>>
        %dma_start3A_183 = arith.constant 0 : i32
        %dma_start3A_184 = arith.constant 0 : i32
        %dma_start3A_185 = tpu.memref_slice %arg2[%dma_start3A_183, %dma_start3A_184] : memref<10240x128xf32, #tpu.memory_space<hbm>> -> memref<10240x128xf32, #tpu.memory_space<hbm>>
        tpu.enqueue_indirect_dma source(%dma_start3A_185 : memref<10240x128xf32, #tpu.memory_space<hbm>>) target(%arg8 : memref<64x128xf32, #tpu.memory_space<vmem>>) offsets(%dma_start3A_182 : memref<64xi32, #tpu.memory_space<vmem>>) semaphore(%arg13 : memref<!tpu.dma_semaphore, #tpu.memory_space<semaphore_mem>>)
      } else {
      }
      %add3A_158 = arith.constant 3 : i32
      %add3A_159 = arith.addi %mul3A_98, %add3A_158 : i32
      %dma_wait3A_160 = arith.constant 0 : i32
      %dma_wait3A_161 = tpu.memref_slice %arg5[%add3A_159, %dma_wait3A_160] : memref<80x128xi32, #tpu.memory_space<vmem>> -> memref<1x64xi32, #tpu.memory_space<vmem>>
      %dma_wait3A_162 = tpu.memref_squeeze %dma_wait3A_161 : memref<1x64xi32, #tpu.memory_space<vmem>> -> memref<64xi32, #tpu.memory_space<vmem>>
      %dma_wait3A_163 = arith.constant 0 : i32
      %dma_wait3A_164 = arith.constant 0 : i32
      %dma_wait3A_165 = tpu.memref_slice %arg2[%dma_wait3A_163, %dma_wait3A_164] : memref<10240x128xf32, #tpu.memory_space<hbm>> -> memref<10240x128xf32, #tpu.memory_space<hbm>>
      tpu.wait_indirect_dma semaphore(%arg14 : memref<!tpu.dma_semaphore, #tpu.memory_space<semaphore_mem>>) src(%dma_wait3A_165 : memref<10240x128xf32, #tpu.memory_space<hbm>>) dst(%arg9 : memref<64x128xf32, #tpu.memory_space<vmem>>)
      "tpu.region"() ({
        %run_scoped3A = tpu.sem_alloc : memref<!tpu.dma_semaphore, #tpu.memory_space<semaphore_mem>>
        %dma_start3A_180 = arith.constant 64 : i32
        %dma_start3A_181 = tpu.memref_slice %arg5[%add3A_159, %dma_start3A_180] : memref<80x128xi32, #tpu.memory_space<vmem>> -> memref<1x64xi32, #tpu.memory_space<vmem>>
        %dma_start3A_182 = tpu.memref_squeeze %dma_start3A_181 : memref<1x64xi32, #tpu.memory_space<vmem>> -> memref<64xi32, #tpu.memory_space<vmem>>
        %dma_start3A_183 = arith.constant 0 : i32
        %dma_start3A_184 = arith.constant 0 : i32
        %dma_start3A_185 = tpu.memref_slice %arg10[%dma_start3A_183, %dma_start3A_184] : memref<10240x128xf32, #tpu.memory_space<vmem_shared>> -> memref<10240x128xf32, #tpu.memory_space<vmem_shared>>
        tpu.enqueue_indirect_dma source(%arg9 : memref<64x128xf32, #tpu.memory_space<vmem>>) target(%dma_start3A_185 : memref<10240x128xf32, #tpu.memory_space<vmem_shared>>) offsets(%dma_start3A_182 : memref<64xi32, #tpu.memory_space<vmem>>) semaphore(%run_scoped3A : memref<!tpu.dma_semaphore, #tpu.memory_space<semaphore_mem>>) {add = true}
        %dma_wait3A_186 = arith.constant 64 : i32
        %dma_wait3A_187 = tpu.memref_slice %arg5[%add3A_159, %dma_wait3A_186] : memref<80x128xi32, #tpu.memory_space<vmem>> -> memref<1x64xi32, #tpu.memory_space<vmem>>
        %dma_wait3A_188 = tpu.memref_squeeze %dma_wait3A_187 : memref<1x64xi32, #tpu.memory_space<vmem>> -> memref<64xi32, #tpu.memory_space<vmem>>
        %dma_wait3A_189 = arith.constant 0 : i32
        %dma_wait3A_190 = arith.constant 0 : i32
        %dma_wait3A_191 = tpu.memref_slice %arg10[%dma_wait3A_189, %dma_wait3A_190] : memref<10240x128xf32, #tpu.memory_space<vmem_shared>> -> memref<10240x128xf32, #tpu.memory_space<vmem_shared>>
        tpu.wait_indirect_dma semaphore(%run_scoped3A : memref<!tpu.dma_semaphore, #tpu.memory_space<semaphore_mem>>) src(%arg9 : memref<64x128xf32, #tpu.memory_space<vmem>>) dst(%dma_wait3A_191 : memref<10240x128xf32, #tpu.memory_space<vmem_shared>>)
        tpu.yield
      }) : () -> ()
      %add3A_166 = arith.constant 3 : i32
      %add3A_167 = arith.addi %mul3A_98, %add3A_166 : i32
      %add3A_168 = arith.constant 4 : i32
      %add3A_169 = arith.addi %add3A_167, %add3A_168 : i32
      %lt3A_170 = arith.constant 80 : i32
      %lt3A_171 = arith.cmpi slt, %add3A_169, %lt3A_170 : i32
      %add3A_172 = arith.constant 3 : i32
      %add3A_173 = arith.addi %mul3A_98, %add3A_172 : i32
      %add3A_174 = arith.constant 4 : i32
      %add3A_175 = arith.addi %add3A_173, %add3A_174 : i32
      %convert_element_type3A_176 = arith.extui %lt3A_171 : i1 to i32
      %cond3A_177 = arith.constant 0 : i32
      %cond3A_178 = arith.cmpi ne, %convert_element_type3A_176, %cond3A_177 : i32
      scf.if %cond3A_178 {
        %dma_start3A_180 = arith.constant 0 : i32
        %dma_start3A_181 = tpu.memref_slice %arg5[%add3A_175, %dma_start3A_180] : memref<80x128xi32, #tpu.memory_space<vmem>> -> memref<1x64xi32, #tpu.memory_space<vmem>>
        %dma_start3A_182 = tpu.memref_squeeze %dma_start3A_181 : memref<1x64xi32, #tpu.memory_space<vmem>> -> memref<64xi32, #tpu.memory_space<vmem>>
        %dma_start3A_183 = arith.constant 0 : i32
        %dma_start3A_184 = arith.constant 0 : i32
        %dma_start3A_185 = tpu.memref_slice %arg2[%dma_start3A_183, %dma_start3A_184] : memref<10240x128xf32, #tpu.memory_space<hbm>> -> memref<10240x128xf32, #tpu.memory_space<hbm>>
        tpu.enqueue_indirect_dma source(%dma_start3A_185 : memref<10240x128xf32, #tpu.memory_space<hbm>>) target(%arg9 : memref<64x128xf32, #tpu.memory_space<vmem>>) offsets(%dma_start3A_182 : memref<64xi32, #tpu.memory_space<vmem>>) semaphore(%arg14 : memref<!tpu.dma_semaphore, #tpu.memory_space<semaphore_mem>>)
      } else {
      }
      %scan3A_179 = arith.constant 0 : i32
      scf.yield %scan3A_179 : i32
    }
    %scan3A_89 = arith.constant 20 : i32
    %barrier3A_90 = arith.constant 0 : index
    tpu.barrier barrier_id(%barrier3A_90)
    %mul3A_91 = arith.constant 640 : i32
    %mul3A_92 = arith.muli %arg1, %mul3A_91 : i32
    %mul3A_93 = arith.constant 640 : i32
    %mul3A_94 = arith.muli %arg1, %mul3A_93 : i32
    "tpu.region"() ({
      %run_scoped3A = tpu.sem_alloc : memref<!tpu.dma_semaphore, #tpu.memory_space<semaphore_mem>>
      %dma_start3A_95 = arith.constant 0 : i32
      %dma_start3A_96 = tpu.memref_slice %arg4[%arg0, %mul3A_94, %dma_start3A_95] : memref<2x10240x128xf32, #tpu.memory_space<hbm>> -> memref<1x640x128xf32, #tpu.memory_space<hbm>>
      %dma_start3A_97 = tpu.memref_squeeze %dma_start3A_96 : memref<1x640x128xf32, #tpu.memory_space<hbm>> -> memref<640x128xf32, #tpu.memory_space<hbm>>
      %dma_start3A_98 = arith.constant 0 : i32
      %dma_start3A_99 = tpu.memref_slice %arg10[%mul3A_92, %dma_start3A_98] : memref<10240x128xf32, #tpu.memory_space<vmem_shared>> -> memref<640x128xf32, #tpu.memory_space<vmem_shared>>
      tpu.enqueue_dma source(%dma_start3A_99 : memref<640x128xf32, #tpu.memory_space<vmem_shared>>) target(%dma_start3A_97 : memref<640x128xf32, #tpu.memory_space<hbm>>) target_semaphore(%run_scoped3A : memref<!tpu.dma_semaphore, #tpu.memory_space<semaphore_mem>>)
      %dma_wait3A = arith.constant 0 : i32
      %dma_wait3A_100 = tpu.memref_slice %arg4[%arg0, %mul3A_94, %dma_wait3A] : memref<2x10240x128xf32, #tpu.memory_space<hbm>> -> memref<1x640x128xf32, #tpu.memory_space<hbm>>
      %dma_wait3A_101 = tpu.memref_squeeze %dma_wait3A_100 : memref<1x640x128xf32, #tpu.memory_space<hbm>> -> memref<640x128xf32, #tpu.memory_space<hbm>>
      %dma_wait3A_102 = arith.constant 0 : i32
      %dma_wait3A_103 = tpu.memref_slice %arg10[%mul3A_92, %dma_wait3A_102] : memref<10240x128xf32, #tpu.memory_space<vmem_shared>> -> memref<640x128xf32, #tpu.memory_space<vmem_shared>>
      tpu.wait_dma2 semaphore(%run_scoped3A : memref<!tpu.dma_semaphore, #tpu.memory_space<semaphore_mem>>) src(%dma_wait3A_103 : memref<640x128xf32, #tpu.memory_space<vmem_shared>>) dst(%dma_wait3A_101 : memref<640x128xf32, #tpu.memory_space<hbm>>)
      tpu.yield
    }) : () -> ()
    return
  }
}

#map = affine_map<(d0, d1) -> (0, 0)>
#map1 = affine_map<(d0, d1) -> (0, 0, 0)>
module attributes {stable_mosaic.version = 14 : i64} {
  func.func @k(%arg0: i32, %arg1: i32, %arg2: memref<10240x128xf32, #tpu.memory_space<hbm>>, %arg3: memref<5120x128xi32, #tpu.memory_space<hbm>>, %arg4: memref<2x10240x128xf32, #tpu.memory_space<hbm>>, %arg5: memref<80x128xi32, #tpu.memory_space<vmem>>, %arg6: memref<64x128xf32, #tpu.memory_space<vmem>>, %arg7: memref<64x128xf32, #tpu.memory_space<vmem>>, %arg8: memref<64x128xf32, #tpu.memory_space<vmem>>, %arg9: memref<64x128xf32, #tpu.memory_space<vmem>>, %arg10: memref<10240x128xf32, #tpu.memory_space<vmem_shared>>, %arg11: memref<!tpu.dma_semaphore, #tpu.memory_space<semaphore_mem>>, %arg12: memref<!tpu.dma_semaphore, #tpu.memory_space<semaphore_mem>>, %arg13: memref<!tpu.dma_semaphore, #tpu.memory_space<semaphore_mem>>, %arg14: memref<!tpu.dma_semaphore, #tpu.memory_space<semaphore_mem>>) attributes {dimension_semantics = [#tpu.dimension_semantics<core_parallel>, #tpu.dimension_semantics<subcore_parallel>], iteration_bounds = array<i64: 2, 16>, scalar_prefetch = 0 : i64, scratch_operands = 10 : i64, tpu.core_type = #tpu.core_type<sc_vector_subcore>, window_params = [{transform_indices = #map}, {transform_indices = #map}, {transform_indices = #map1}]} {
    %broadcast_in_dim3A = arith.constant 0.000000e+00 : f32
    %broadcast_in_dim3A_0 = vector.broadcast %broadcast_in_dim3A : f32 to vector<16xf32>
    %scan3A = arith.constant 0 : i32
    %scan3A_1 = arith.constant 0 : i32
    %scan3A_2 = arith.constant 512 : i32
    %scan3A_3 = arith.addi %scan3A_1, %scan3A_2 : i32
    %scan3A_4 = arith.constant 1 : i32
    %scan3A_5 = scf.for %scan3A_95 = %scan3A_1 to %scan3A_3 step %scan3A_4 iter_args(%scan3A_96 = %scan3A) -> (i32)  : i32 {
      %jit3A = arith.constant 8 : i32
      %div3A = arith.divsi %scan3A_95, %jit3A : i32
      %sign3A = arith.constant 0 : i32
      %sign3A_97 = arith.cmpi sgt, %scan3A_95, %sign3A : i32
      %sign3A_98 = arith.extui %sign3A_97 : i1 to i32
      %sign3A_99 = arith.constant 0 : i32
      %sign3A_100 = arith.cmpi slt, %scan3A_95, %sign3A_99 : i32
      %sign3A_101 = arith.extui %sign3A_100 : i1 to i32
      %sign3A_102 = arith.subi %sign3A_98, %sign3A_101 : i32
      %sign3A_103 = arith.constant 0 : i32
      %sign3A_104 = arith.cmpi sgt, %jit3A, %sign3A_103 : i32
      %sign3A_105 = arith.extui %sign3A_104 : i1 to i32
      %sign3A_106 = arith.constant 0 : i32
      %sign3A_107 = arith.cmpi slt, %jit3A, %sign3A_106 : i32
      %sign3A_108 = arith.extui %sign3A_107 : i1 to i32
      %sign3A_109 = arith.subi %sign3A_105, %sign3A_108 : i32
      %ne3A = arith.cmpi ne, %sign3A_102, %sign3A_109 : i32
      %rem3A = arith.remsi %scan3A_95, %jit3A : i32
      %ne3A_110 = arith.constant 0 : i32
      %ne3A_111 = arith.cmpi ne, %rem3A, %ne3A_110 : i32
      %and3A = arith.andi %ne3A, %ne3A_111 : i1
      %sub3A = arith.constant 1 : i32
      %sub3A_112 = arith.subi %div3A, %sub3A : i32
      %select_n3A = arith.select %and3A, %sub3A_112, %div3A : i32
      %jit3A_113 = arith.constant 8 : i32
      %eq3A = arith.constant 0 : i32
      %eq3A_114 = arith.cmpi eq, %jit3A_113, %eq3A : i32
      %jit3A_115 = arith.constant 1 : i32
      %select_n3A_116 = arith.select %eq3A_114, %jit3A_115, %jit3A_113 : i32
      %rem3A_117 = arith.remsi %scan3A_95, %select_n3A_116 : i32
      %ne3A_118 = arith.constant 0 : i32
      %ne3A_119 = arith.cmpi ne, %rem3A_117, %ne3A_118 : i32
      %lt3A = arith.constant 0 : i32
      %lt3A_120 = arith.cmpi slt, %rem3A_117, %lt3A : i32
      %lt3A_121 = arith.constant 0 : i32
      %lt3A_122 = arith.cmpi slt, %select_n3A_116, %lt3A_121 : i32
      %ne3A_123 = arith.xori %lt3A_120, %lt3A_122 : i1
      %and3A_124 = arith.andi %ne3A_123, %ne3A_119 : i1
      %add3A_125 = arith.addi %rem3A_117, %select_n3A_116 : i32
      %select_n3A_126 = arith.select %and3A_124, %add3A_125, %rem3A_117 : i32
      %mul3A_127 = arith.constant 16 : i32
      %mul3A_128 = arith.muli %select_n3A_126, %mul3A_127 : i32
      %swap3A = arith.index_cast %select_n3A : i32 to index
      %swap3A_129 = arith.index_cast %mul3A_128 : i32 to index
      %swap3A_130 = tpu.vector_load %arg6[%swap3A, %swap3A_129] {strides = array<i32>} : memref<64x128xf32, #tpu.memory_space<vmem>>, vector<1x16xf32>,
      %swap3A_131 = vector.shape_cast %swap3A_130 : vector<1x16xf32> to vector<16xf32>
      %swap3A_132 = vector.shape_cast %broadcast_in_dim3A_0 : vector<16xf32> to vector<1x16xf32>
      tpu.vector_store %arg6[%swap3A, %swap3A_129], %swap3A_132 {strides = array<i32>} : memref<64x128xf32, #tpu.memory_space<vmem>>, vector<1x16xf32>,
      %scan3A_133 = arith.constant 0 : i32
      scf.yield %scan3A_133 : i32
    }
    %scan3A_6 = arith.constant 512 : i32
    %scan3A_7 = arith.constant 0 : i32
    %scan3A_8 = arith.constant 0 : i32
    %scan3A_9 = arith.constant 10 : i32
    %scan3A_10 = arith.addi %scan3A_8, %scan3A_9 : i32
    %scan3A_11 = arith.constant 1 : i32
    %scan3A_12 = scf.for %scan3A_95 = %scan3A_8 to %scan3A_10 step %scan3A_11 iter_args(%scan3A_96 = %scan3A_7) -> (i32)  : i32 {
      %mul3A_97 = arith.constant 640 : i32
      %mul3A_98 = arith.muli %arg1, %mul3A_97 : i32
      %mul3A_99 = arith.constant 64 : i32
      %mul3A_100 = arith.muli %scan3A_95, %mul3A_99 : i32
      %add3A_101 = arith.addi %mul3A_98, %mul3A_100 : i32
      "tpu.region"() ({
        %run_scoped3A = tpu.sem_alloc : memref<!tpu.dma_semaphore, #tpu.memory_space<semaphore_mem>>
        %dma_start3A_103 = arith.constant 0 : i32
        %dma_start3A_104 = arith.constant 0 : i32
        %dma_start3A_105 = tpu.memref_slice %arg6[%dma_start3A_103, %dma_start3A_104] : memref<64x128xf32, #tpu.memory_space<vmem>> -> memref<64x128xf32, #tpu.memory_space<vmem>>
        %dma_start3A_106 = arith.constant 0 : i32
        %dma_start3A_107 = tpu.memref_slice %arg10[%add3A_101, %dma_start3A_106] : memref<10240x128xf32, #tpu.memory_space<vmem_shared>> -> memref<64x128xf32, #tpu.memory_space<vmem_shared>>
        %dma_start3A_108 = arith.constant 0 : i32
        %dma_start3A_109 = tpu.memref_slice %arg10[%add3A_101, %dma_start3A_108] : memref<10240x128xf32, #tpu.memory_space<vmem_shared>> -> memref<64x128xf32, #tpu.memory_space<vmem_shared>>
        %dma_start3A_110 = arith.constant 0 : i32
        %dma_start3A_111 = arith.constant 0 : i32
        %dma_start3A_112 = tpu.memref_slice %arg6[%dma_start3A_110, %dma_start3A_111] : memref<64x128xf32, #tpu.memory_space<vmem>> -> memref<64x128xf32, #tpu.memory_space<vmem>>
        tpu.enqueue_dma source(%dma_start3A_112 : memref<64x128xf32, #tpu.memory_space<vmem>>) target(%dma_start3A_109 : memref<64x128xf32, #tpu.memory_space<vmem_shared>>) target_semaphore(%run_scoped3A : memref<!tpu.dma_semaphore, #tpu.memory_space<semaphore_mem>>)
        %dma_wait3A = arith.constant 0 : i32
        %dma_wait3A_113 = arith.constant 0 : i32
        %dma_wait3A_114 = tpu.memref_slice %arg6[%dma_wait3A, %dma_wait3A_113] : memref<64x128xf32, #tpu.memory_space<vmem>> -> memref<64x128xf32, #tpu.memory_space<vmem>>
        %dma_wait3A_115 = arith.constant 0 : i32
        %dma_wait3A_116 = tpu.memref_slice %arg10[%add3A_101, %dma_wait3A_115] : memref<10240x128xf32, #tpu.memory_space<vmem_shared>> -> memref<64x128xf32, #tpu.memory_space<vmem_shared>>
        %dma_wait3A_117 = arith.constant 0 : i32
        %dma_wait3A_118 = tpu.memref_slice %arg10[%add3A_101, %dma_wait3A_117] : memref<10240x128xf32, #tpu.memory_space<vmem_shared>> -> memref<64x128xf32, #tpu.memory_space<vmem_shared>>
        %dma_wait3A_119 = arith.constant 0 : i32
        %dma_wait3A_120 = arith.constant 0 : i32
        %dma_wait3A_121 = tpu.memref_slice %arg6[%dma_wait3A_119, %dma_wait3A_120] : memref<64x128xf32, #tpu.memory_space<vmem>> -> memref<64x128xf32, #tpu.memory_space<vmem>>
        tpu.wait_dma2 semaphore(%run_scoped3A : memref<!tpu.dma_semaphore, #tpu.memory_space<semaphore_mem>>) src(%dma_wait3A_121 : memref<64x128xf32, #tpu.memory_space<vmem>>) dst(%dma_wait3A_118 : memref<64x128xf32, #tpu.memory_space<vmem_shared>>)
        tpu.yield
      }) : () -> ()
      %scan3A_102 = arith.constant 0 : i32
      scf.yield %scan3A_102 : i32
    }
    %scan3A_13 = arith.constant 10 : i32
    %mul3A = arith.constant 16 : i32
    %mul3A_14 = arith.muli %arg0, %mul3A : i32
    %add3A = arith.addi %mul3A_14, %arg1 : i32
    %mul3A_15 = arith.constant 160 : i32
    %mul3A_16 = arith.muli %add3A, %mul3A_15 : i32
    %barrier3A = arith.constant 0 : index
    tpu.barrier barrier_id(%barrier3A)
    %add3A_17 = arith.constant 0 : i32
    %add3A_18 = arith.addi %mul3A_16, %add3A_17 : i32
    "tpu.region"() ({
      %run_scoped3A = tpu.sem_alloc : memref<!tpu.dma_semaphore, #tpu.memory_space<semaphore_mem>>
      %dma_start3A_95 = arith.constant 0 : i32
      %dma_start3A_96 = tpu.memref_slice %arg3[%add3A_18, %dma_start3A_95] : memref<5120x128xi32, #tpu.memory_space<hbm>> -> memref<80x128xi32, #tpu.memory_space<hbm>>
      %dma_start3A_97 = arith.constant 0 : i32
      %dma_start3A_98 = tpu.memref_slice %arg3[%add3A_18, %dma_start3A_97] : memref<5120x128xi32, #tpu.memory_space<hbm>> -> memref<80x128xi32, #tpu.memory_space<hbm>>
      tpu.enqueue_dma source(%dma_start3A_98 : memref<80x128xi32, #tpu.memory_space<hbm>>) target(%arg5 : memref<80x128xi32, #tpu.memory_space<vmem>>) target_semaphore(%run_scoped3A : memref<!tpu.dma_semaphore, #tpu.memory_space<semaphore_mem>>)
      %dma_wait3A = arith.constant 0 : i32
      %dma_wait3A_99 = tpu.memref_slice %arg3[%add3A_18, %dma_wait3A] : memref<5120x128xi32, #tpu.memory_space<hbm>> -> memref<80x128xi32, #tpu.memory_space<hbm>>
      %dma_wait3A_100 = arith.constant 0 : i32
      %dma_wait3A_101 = tpu.memref_slice %arg3[%add3A_18, %dma_wait3A_100] : memref<5120x128xi32, #tpu.memory_space<hbm>> -> memref<80x128xi32, #tpu.memory_space<hbm>>
      tpu.wait_dma2 semaphore(%run_scoped3A : memref<!tpu.dma_semaphore, #tpu.memory_space<semaphore_mem>>) src(%dma_wait3A_101 : memref<80x128xi32, #tpu.memory_space<hbm>>) dst(%arg5 : memref<80x128xi32, #tpu.memory_space<vmem>>)
      tpu.yield
    }) : () -> ()
    %dma_start3A = arith.constant 0 : i32
    %dma_start3A_19 = arith.constant 0 : i32
    %dma_start3A_20 = tpu.memref_slice %arg5[%dma_start3A, %dma_start3A_19] : memref<80x128xi32, #tpu.memory_space<vmem>> -> memref<1x64xi32, #tpu.memory_space<vmem>>
    %dma_start3A_21 = tpu.memref_squeeze %dma_start3A_20 : memref<1x64xi32, #tpu.memory_space<vmem>> -> memref<64xi32, #tpu.memory_space<vmem>>
    %dma_start3A_22 = arith.constant 0 : i32
    %dma_start3A_23 = arith.constant 0 : i32
    %dma_start3A_24 = tpu.memref_slice %arg2[%dma_start3A_22, %dma_start3A_23] : memref<10240x128xf32, #tpu.memory_space<hbm>> -> memref<10240x128xf32, #tpu.memory_space<hbm>>
    tpu.enqueue_indirect_dma source(%dma_start3A_24 : memref<10240x128xf32, #tpu.memory_space<hbm>>) target(%arg6 : memref<64x128xf32, #tpu.memory_space<vmem>>) offsets(%dma_start3A_21 : memref<64xi32, #tpu.memory_space<vmem>>) semaphore(%arg11 : memref<!tpu.dma_semaphore, #tpu.memory_space<semaphore_mem>>)
    %dma_start3A_25 = arith.constant 1 : i32
    %dma_start3A_26 = arith.constant 0 : i32
    %dma_start3A_27 = tpu.memref_slice %arg5[%dma_start3A_25, %dma_start3A_26] : memref<80x128xi32, #tpu.memory_space<vmem>> -> memref<1x64xi32, #tpu.memory_space<vmem>>
    %dma_start3A_28 = tpu.memref_squeeze %dma_start3A_27 : memref<1x64xi32, #tpu.memory_space<vmem>> -> memref<64xi32, #tpu.memory_space<vmem>>
    %dma_start3A_29 = arith.constant 0 : i32
    %dma_start3A_30 = arith.constant 0 : i32
    %dma_start3A_31 = tpu.memref_slice %arg2[%dma_start3A_29, %dma_start3A_30] : memref<10240x128xf32, #tpu.memory_space<hbm>> -> memref<10240x128xf32, #tpu.memory_space<hbm>>
    tpu.enqueue_indirect_dma source(%dma_start3A_31 : memref<10240x128xf32, #tpu.memory_space<hbm>>) target(%arg7 : memref<64x128xf32, #tpu.memory_space<vmem>>) offsets(%dma_start3A_28 : memref<64xi32, #tpu.memory_space<vmem>>) semaphore(%arg12 : memref<!tpu.dma_semaphore, #tpu.memory_space<semaphore_mem>>)
    %dma_start3A_32 = arith.constant 2 : i32
    %dma_start3A_33 = arith.constant 0 : i32
    %dma_start3A_34 = tpu.memref_slice %arg5[%dma_start3A_32, %dma_start3A_33] : memref<80x128xi32, #tpu.memory_space<vmem>> -> memref<1x64xi32, #tpu.memory_space<vmem>>
    %dma_start3A_35 = tpu.memref_squeeze %dma_start3A_34 : memref<1x64xi32, #tpu.memory_space<vmem>> -> memref<64xi32, #tpu.memory_space<vmem>>
    %dma_start3A_36 = arith.constant 0 : i32
    %dma_start3A_37 = arith.constant 0 : i32
    %dma_start3A_38 = tpu.memref_slice %arg2[%dma_start3A_36, %dma_start3A_37] : memref<10240x128xf32, #tpu.memory_space<hbm>> -> memref<10240x128xf32, #tpu.memory_space<hbm>>
    tpu.enqueue_indirect_dma source(%dma_start3A_38 : memref<10240x128xf32, #tpu.memory_space<hbm>>) target(%arg8 : memref<64x128xf32, #tpu.memory_space<vmem>>) offsets(%dma_start3A_35 : memref<64xi32, #tpu.memory_space<vmem>>) semaphore(%arg13 : memref<!tpu.dma_semaphore, #tpu.memory_space<semaphore_mem>>)
    %dma_start3A_39 = arith.constant 3 : i32
    %dma_start3A_40 = arith.constant 0 : i32
    %dma_start3A_41 = tpu.memref_slice %arg5[%dma_start3A_39, %dma_start3A_40] : memref<80x128xi32, #tpu.memory_space<vmem>> -> memref<1x64xi32, #tpu.memory_space<vmem>>
    %dma_start3A_42 = tpu.memref_squeeze %dma_start3A_41 : memref<1x64xi32, #tpu.memory_space<vmem>> -> memref<64xi32, #tpu.memory_space<vmem>>
    %dma_start3A_43 = arith.constant 0 : i32
    %dma_start3A_44 = arith.constant 0 : i32
    %dma_start3A_45 = tpu.memref_slice %arg2[%dma_start3A_43, %dma_start3A_44] : memref<10240x128xf32, #tpu.memory_space<hbm>> -> memref<10240x128xf32, #tpu.memory_space<hbm>>
    tpu.enqueue_indirect_dma source(%dma_start3A_45 : memref<10240x128xf32, #tpu.memory_space<hbm>>) target(%arg9 : memref<64x128xf32, #tpu.memory_space<vmem>>) offsets(%dma_start3A_42 : memref<64xi32, #tpu.memory_space<vmem>>) semaphore(%arg14 : memref<!tpu.dma_semaphore, #tpu.memory_space<semaphore_mem>>)
    %scan3A_46 = arith.constant 0 : i32
    %scan3A_47 = arith.constant 0 : i32
    %scan3A_48 = arith.constant 20 : i32
    %scan3A_49 = arith.addi %scan3A_47, %scan3A_48 : i32
    %scan3A_50 = arith.constant 1 : i32
    %scan3A_51 = scf.for %scan3A_95 = %scan3A_47 to %scan3A_49 step %scan3A_50 iter_args(%scan3A_96 = %scan3A_46) -> (i32)  : i32 {
      %mul3A_97 = arith.constant 4 : i32
      %mul3A_98 = arith.muli %mul3A_97, %scan3A_95 : i32
      %add3A_99 = arith.constant 0 : i32
      %add3A_100 = arith.addi %mul3A_98, %add3A_99 : i32
      %dma_wait3A = arith.constant 0 : i32
      %dma_wait3A_101 = tpu.memref_slice %arg5[%add3A_100, %dma_wait3A] : memref<80x128xi32, #tpu.memory_space<vmem>> -> memref<1x64xi32, #tpu.memory_space<vmem>>
      %dma_wait3A_102 = tpu.memref_squeeze %dma_wait3A_101 : memref<1x64xi32, #tpu.memory_space<vmem>> -> memref<64xi32, #tpu.memory_space<vmem>>
      %dma_wait3A_103 = arith.constant 0 : i32
      %dma_wait3A_104 = arith.constant 0 : i32
      %dma_wait3A_105 = tpu.memref_slice %arg2[%dma_wait3A_103, %dma_wait3A_104] : memref<10240x128xf32, #tpu.memory_space<hbm>> -> memref<10240x128xf32, #tpu.memory_space<hbm>>
      tpu.wait_indirect_dma semaphore(%arg11 : memref<!tpu.dma_semaphore, #tpu.memory_space<semaphore_mem>>) src(%dma_wait3A_105 : memref<10240x128xf32, #tpu.memory_space<hbm>>) dst(%arg6 : memref<64x128xf32, #tpu.memory_space<vmem>>)
      "tpu.region"() ({
        %run_scoped3A = tpu.sem_alloc : memref<!tpu.dma_semaphore, #tpu.memory_space<semaphore_mem>>
        %dma_start3A_180 = arith.constant 64 : i32
        %dma_start3A_181 = tpu.memref_slice %arg5[%add3A_100, %dma_start3A_180] : memref<80x128xi32, #tpu.memory_space<vmem>> -> memref<1x64xi32, #tpu.memory_space<vmem>>
        %dma_start3A_182 = tpu.memref_squeeze %dma_start3A_181 : memref<1x64xi32, #tpu.memory_space<vmem>> -> memref<64xi32, #tpu.memory_space<vmem>>
        %dma_start3A_183 = arith.constant 0 : i32
        %dma_start3A_184 = arith.constant 0 : i32
        %dma_start3A_185 = tpu.memref_slice %arg10[%dma_start3A_183, %dma_start3A_184] : memref<10240x128xf32, #tpu.memory_space<vmem_shared>> -> memref<10240x128xf32, #tpu.memory_space<vmem_shared>>
        tpu.enqueue_indirect_dma source(%arg6 : memref<64x128xf32, #tpu.memory_space<vmem>>) target(%dma_start3A_185 : memref<10240x128xf32, #tpu.memory_space<vmem_shared>>) offsets(%dma_start3A_182 : memref<64xi32, #tpu.memory_space<vmem>>) semaphore(%run_scoped3A : memref<!tpu.dma_semaphore, #tpu.memory_space<semaphore_mem>>) {add = true}
        %dma_wait3A_186 = arith.constant 64 : i32
        %dma_wait3A_187 = tpu.memref_slice %arg5[%add3A_100, %dma_wait3A_186] : memref<80x128xi32, #tpu.memory_space<vmem>> -> memref<1x64xi32, #tpu.memory_space<vmem>>
        %dma_wait3A_188 = tpu.memref_squeeze %dma_wait3A_187 : memref<1x64xi32, #tpu.memory_space<vmem>> -> memref<64xi32, #tpu.memory_space<vmem>>
        %dma_wait3A_189 = arith.constant 0 : i32
        %dma_wait3A_190 = arith.constant 0 : i32
        %dma_wait3A_191 = tpu.memref_slice %arg10[%dma_wait3A_189, %dma_wait3A_190] : memref<10240x128xf32, #tpu.memory_space<vmem_shared>> -> memref<10240x128xf32, #tpu.memory_space<vmem_shared>>
        tpu.wait_indirect_dma semaphore(%run_scoped3A : memref<!tpu.dma_semaphore, #tpu.memory_space<semaphore_mem>>) src(%arg6 : memref<64x128xf32, #tpu.memory_space<vmem>>) dst(%dma_wait3A_191 : memref<10240x128xf32, #tpu.memory_space<vmem_shared>>)
        tpu.yield
      }) : () -> ()
      %add3A_106 = arith.constant 0 : i32
      %add3A_107 = arith.addi %mul3A_98, %add3A_106 : i32
      %add3A_108 = arith.constant 4 : i32
      %add3A_109 = arith.addi %add3A_107, %add3A_108 : i32
      %lt3A = arith.constant 80 : i32
      %lt3A_110 = arith.cmpi slt, %add3A_109, %lt3A : i32
      %add3A_111 = arith.constant 0 : i32
      %add3A_112 = arith.addi %mul3A_98, %add3A_111 : i32
      %add3A_113 = arith.constant 4 : i32
      %add3A_114 = arith.addi %add3A_112, %add3A_113 : i32
      %convert_element_type3A = arith.extui %lt3A_110 : i1 to i32
      %cond3A = arith.constant 0 : i32
      %cond3A_115 = arith.cmpi ne, %convert_element_type3A, %cond3A : i32
      scf.if %cond3A_115 {
        %dma_start3A_180 = arith.constant 0 : i32
        %dma_start3A_181 = tpu.memref_slice %arg5[%add3A_114, %dma_start3A_180] : memref<80x128xi32, #tpu.memory_space<vmem>> -> memref<1x64xi32, #tpu.memory_space<vmem>>
        %dma_start3A_182 = tpu.memref_squeeze %dma_start3A_181 : memref<1x64xi32, #tpu.memory_space<vmem>> -> memref<64xi32, #tpu.memory_space<vmem>>
        %dma_start3A_183 = arith.constant 0 : i32
        %dma_start3A_184 = arith.constant 0 : i32
        %dma_start3A_185 = tpu.memref_slice %arg2[%dma_start3A_183, %dma_start3A_184] : memref<10240x128xf32, #tpu.memory_space<hbm>> -> memref<10240x128xf32, #tpu.memory_space<hbm>>
        tpu.enqueue_indirect_dma source(%dma_start3A_185 : memref<10240x128xf32, #tpu.memory_space<hbm>>) target(%arg6 : memref<64x128xf32, #tpu.memory_space<vmem>>) offsets(%dma_start3A_182 : memref<64xi32, #tpu.memory_space<vmem>>) semaphore(%arg11 : memref<!tpu.dma_semaphore, #tpu.memory_space<semaphore_mem>>)
      } else {
      }
      %add3A_116 = arith.constant 1 : i32
      %add3A_117 = arith.addi %mul3A_98, %add3A_116 : i32
      %dma_wait3A_118 = arith.constant 0 : i32
      %dma_wait3A_119 = tpu.memref_slice %arg5[%add3A_117, %dma_wait3A_118] : memref<80x128xi32, #tpu.memory_space<vmem>> -> memref<1x64xi32, #tpu.memory_space<vmem>>
      %dma_wait3A_120 = tpu.memref_squeeze %dma_wait3A_119 : memref<1x64xi32, #tpu.memory_space<vmem>> -> memref<64xi32, #tpu.memory_space<vmem>>
      %dma_wait3A_121 = arith.constant 0 : i32
      %dma_wait3A_122 = arith.constant 0 : i32
      %dma_wait3A_123 = tpu.memref_slice %arg2[%dma_wait3A_121, %dma_wait3A_122] : memref<10240x128xf32, #tpu.memory_space<hbm>> -> memref<10240x128xf32, #tpu.memory_space<hbm>>
      tpu.wait_indirect_dma semaphore(%arg12 : memref<!tpu.dma_semaphore, #tpu.memory_space<semaphore_mem>>) src(%dma_wait3A_123 : memref<10240x128xf32, #tpu.memory_space<hbm>>) dst(%arg7 : memref<64x128xf32, #tpu.memory_space<vmem>>)
      "tpu.region"() ({
        %run_scoped3A = tpu.sem_alloc : memref<!tpu.dma_semaphore, #tpu.memory_space<semaphore_mem>>
        %dma_start3A_180 = arith.constant 64 : i32
        %dma_start3A_181 = tpu.memref_slice %arg5[%add3A_117, %dma_start3A_180] : memref<80x128xi32, #tpu.memory_space<vmem>> -> memref<1x64xi32, #tpu.memory_space<vmem>>
        %dma_start3A_182 = tpu.memref_squeeze %dma_start3A_181 : memref<1x64xi32, #tpu.memory_space<vmem>> -> memref<64xi32, #tpu.memory_space<vmem>>
        %dma_start3A_183 = arith.constant 0 : i32
        %dma_start3A_184 = arith.constant 0 : i32
        %dma_start3A_185 = tpu.memref_slice %arg10[%dma_start3A_183, %dma_start3A_184] : memref<10240x128xf32, #tpu.memory_space<vmem_shared>> -> memref<10240x128xf32, #tpu.memory_space<vmem_shared>>
        tpu.enqueue_indirect_dma source(%arg7 : memref<64x128xf32, #tpu.memory_space<vmem>>) target(%dma_start3A_185 : memref<10240x128xf32, #tpu.memory_space<vmem_shared>>) offsets(%dma_start3A_182 : memref<64xi32, #tpu.memory_space<vmem>>) semaphore(%run_scoped3A : memref<!tpu.dma_semaphore, #tpu.memory_space<semaphore_mem>>) {add = true}
        %dma_wait3A_186 = arith.constant 64 : i32
        %dma_wait3A_187 = tpu.memref_slice %arg5[%add3A_117, %dma_wait3A_186] : memref<80x128xi32, #tpu.memory_space<vmem>> -> memref<1x64xi32, #tpu.memory_space<vmem>>
        %dma_wait3A_188 = tpu.memref_squeeze %dma_wait3A_187 : memref<1x64xi32, #tpu.memory_space<vmem>> -> memref<64xi32, #tpu.memory_space<vmem>>
        %dma_wait3A_189 = arith.constant 0 : i32
        %dma_wait3A_190 = arith.constant 0 : i32
        %dma_wait3A_191 = tpu.memref_slice %arg10[%dma_wait3A_189, %dma_wait3A_190] : memref<10240x128xf32, #tpu.memory_space<vmem_shared>> -> memref<10240x128xf32, #tpu.memory_space<vmem_shared>>
        tpu.wait_indirect_dma semaphore(%run_scoped3A : memref<!tpu.dma_semaphore, #tpu.memory_space<semaphore_mem>>) src(%arg7 : memref<64x128xf32, #tpu.memory_space<vmem>>) dst(%dma_wait3A_191 : memref<10240x128xf32, #tpu.memory_space<vmem_shared>>)
        tpu.yield
      }) : () -> ()
      %add3A_124 = arith.constant 1 : i32
      %add3A_125 = arith.addi %mul3A_98, %add3A_124 : i32
      %add3A_126 = arith.constant 4 : i32
      %add3A_127 = arith.addi %add3A_125, %add3A_126 : i32
      %lt3A_128 = arith.constant 80 : i32
      %lt3A_129 = arith.cmpi slt, %add3A_127, %lt3A_128 : i32
      %add3A_130 = arith.constant 1 : i32
      %add3A_131 = arith.addi %mul3A_98, %add3A_130 : i32
      %add3A_132 = arith.constant 4 : i32
      %add3A_133 = arith.addi %add3A_131, %add3A_132 : i32
      %convert_element_type3A_134 = arith.extui %lt3A_129 : i1 to i32
      %cond3A_135 = arith.constant 0 : i32
      %cond3A_136 = arith.cmpi ne, %convert_element_type3A_134, %cond3A_135 : i32
      scf.if %cond3A_136 {
        %dma_start3A_180 = arith.constant 0 : i32
        %dma_start3A_181 = tpu.memref_slice %arg5[%add3A_133, %dma_start3A_180] : memref<80x128xi32, #tpu.memory_space<vmem>> -> memref<1x64xi32, #tpu.memory_space<vmem>>
        %dma_start3A_182 = tpu.memref_squeeze %dma_start3A_181 : memref<1x64xi32, #tpu.memory_space<vmem>> -> memref<64xi32, #tpu.memory_space<vmem>>
        %dma_start3A_183 = arith.constant 0 : i32
        %dma_start3A_184 = arith.constant 0 : i32
        %dma_start3A_185 = tpu.memref_slice %arg2[%dma_start3A_183, %dma_start3A_184] : memref<10240x128xf32, #tpu.memory_space<hbm>> -> memref<10240x128xf32, #tpu.memory_space<hbm>>
        tpu.enqueue_indirect_dma source(%dma_start3A_185 : memref<10240x128xf32, #tpu.memory_space<hbm>>) target(%arg7 : memref<64x128xf32, #tpu.memory_space<vmem>>) offsets(%dma_start3A_182 : memref<64xi32, #tpu.memory_space<vmem>>) semaphore(%arg12 : memref<!tpu.dma_semaphore, #tpu.memory_space<semaphore_mem>>)
      } else {
      }
      %add3A_137 = arith.constant 2 : i32
      %add3A_138 = arith.addi %mul3A_98, %add3A_137 : i32
      %dma_wait3A_139 = arith.constant 0 : i32
      %dma_wait3A_140 = tpu.memref_slice %arg5[%add3A_138, %dma_wait3A_139] : memref<80x128xi32, #tpu.memory_space<vmem>> -> memref<1x64xi32, #tpu.memory_space<vmem>>
      %dma_wait3A_141 = tpu.memref_squeeze %dma_wait3A_140 : memref<1x64xi32, #tpu.memory_space<vmem>> -> memref<64xi32, #tpu.memory_space<vmem>>
      %dma_wait3A_142 = arith.constant 0 : i32
      %dma_wait3A_143 = arith.constant 0 : i32
      %dma_wait3A_144 = tpu.memref_slice %arg2[%dma_wait3A_142, %dma_wait3A_143] : memref<10240x128xf32, #tpu.memory_space<hbm>> -> memref<10240x128xf32, #tpu.memory_space<hbm>>
      tpu.wait_indirect_dma semaphore(%arg13 : memref<!tpu.dma_semaphore, #tpu.memory_space<semaphore_mem>>) src(%dma_wait3A_144 : memref<10240x128xf32, #tpu.memory_space<hbm>>) dst(%arg8 : memref<64x128xf32, #tpu.memory_space<vmem>>)
      "tpu.region"() ({
        %run_scoped3A = tpu.sem_alloc : memref<!tpu.dma_semaphore, #tpu.memory_space<semaphore_mem>>
        %dma_start3A_180 = arith.constant 64 : i32
        %dma_start3A_181 = tpu.memref_slice %arg5[%add3A_138, %dma_start3A_180] : memref<80x128xi32, #tpu.memory_space<vmem>> -> memref<1x64xi32, #tpu.memory_space<vmem>>
        %dma_start3A_182 = tpu.memref_squeeze %dma_start3A_181 : memref<1x64xi32, #tpu.memory_space<vmem>> -> memref<64xi32, #tpu.memory_space<vmem>>
        %dma_start3A_183 = arith.constant 0 : i32
        %dma_start3A_184 = arith.constant 0 : i32
        %dma_start3A_185 = tpu.memref_slice %arg10[%dma_start3A_183, %dma_start3A_184] : memref<10240x128xf32, #tpu.memory_space<vmem_shared>> -> memref<10240x128xf32, #tpu.memory_space<vmem_shared>>
        tpu.enqueue_indirect_dma source(%arg8 : memref<64x128xf32, #tpu.memory_space<vmem>>) target(%dma_start3A_185 : memref<10240x128xf32, #tpu.memory_space<vmem_shared>>) offsets(%dma_start3A_182 : memref<64xi32, #tpu.memory_space<vmem>>) semaphore(%run_scoped3A : memref<!tpu.dma_semaphore, #tpu.memory_space<semaphore_mem>>) {add = true}
        %dma_wait3A_186 = arith.constant 64 : i32
        %dma_wait3A_187 = tpu.memref_slice %arg5[%add3A_138, %dma_wait3A_186] : memref<80x128xi32, #tpu.memory_space<vmem>> -> memref<1x64xi32, #tpu.memory_space<vmem>>
        %dma_wait3A_188 = tpu.memref_squeeze %dma_wait3A_187 : memref<1x64xi32, #tpu.memory_space<vmem>> -> memref<64xi32, #tpu.memory_space<vmem>>
        %dma_wait3A_189 = arith.constant 0 : i32
        %dma_wait3A_190 = arith.constant 0 : i32
        %dma_wait3A_191 = tpu.memref_slice %arg10[%dma_wait3A_189, %dma_wait3A_190] : memref<10240x128xf32, #tpu.memory_space<vmem_shared>> -> memref<10240x128xf32, #tpu.memory_space<vmem_shared>>
        tpu.wait_indirect_dma semaphore(%run_scoped3A : memref<!tpu.dma_semaphore, #tpu.memory_space<semaphore_mem>>) src(%arg8 : memref<64x128xf32, #tpu.memory_space<vmem>>) dst(%dma_wait3A_191 : memref<10240x128xf32, #tpu.memory_space<vmem_shared>>)
        tpu.yield
      }) : () -> ()
      %add3A_145 = arith.constant 2 : i32
      %add3A_146 = arith.addi %mul3A_98, %add3A_145 : i32
      %add3A_147 = arith.constant 4 : i32
      %add3A_148 = arith.addi %add3A_146, %add3A_147 : i32
      %lt3A_149 = arith.constant 80 : i32
      %lt3A_150 = arith.cmpi slt, %add3A_148, %lt3A_149 : i32
      %add3A_151 = arith.constant 2 : i32
      %add3A_152 = arith.addi %mul3A_98, %add3A_151 : i32
      %add3A_153 = arith.constant 4 : i32
      %add3A_154 = arith.addi %add3A_152, %add3A_153 : i32
      %convert_element_type3A_155 = arith.extui %lt3A_150 : i1 to i32
      %cond3A_156 = arith.constant 0 : i32
      %cond3A_157 = arith.cmpi ne, %convert_element_type3A_155, %cond3A_156 : i32
      scf.if %cond3A_157 {
        %dma_start3A_180 = arith.constant 0 : i32
        %dma_start3A_181 = tpu.memref_slice %arg5[%add3A_154, %dma_start3A_180] : memref<80x128xi32, #tpu.memory_space<vmem>> -> memref<1x64xi32, #tpu.memory_space<vmem>>
        %dma_start3A_182 = tpu.memref_squeeze %dma_start3A_181 : memref<1x64xi32, #tpu.memory_space<vmem>> -> memref<64xi32, #tpu.memory_space<vmem>>
        %dma_start3A_183 = arith.constant 0 : i32
        %dma_start3A_184 = arith.constant 0 : i32
        %dma_start3A_185 = tpu.memref_slice %arg2[%dma_start3A_183, %dma_start3A_184] : memref<10240x128xf32, #tpu.memory_space<hbm>> -> memref<10240x128xf32, #tpu.memory_space<hbm>>
        tpu.enqueue_indirect_dma source(%dma_start3A_185 : memref<10240x128xf32, #tpu.memory_space<hbm>>) target(%arg8 : memref<64x128xf32, #tpu.memory_space<vmem>>) offsets(%dma_start3A_182 : memref<64xi32, #tpu.memory_space<vmem>>) semaphore(%arg13 : memref<!tpu.dma_semaphore, #tpu.memory_space<semaphore_mem>>)
      } else {
      }
      %add3A_158 = arith.constant 3 : i32
      %add3A_159 = arith.addi %mul3A_98, %add3A_158 : i32
      %dma_wait3A_160 = arith.constant 0 : i32
      %dma_wait3A_161 = tpu.memref_slice %arg5[%add3A_159, %dma_wait3A_160] : memref<80x128xi32, #tpu.memory_space<vmem>> -> memref<1x64xi32, #tpu.memory_space<vmem>>
      %dma_wait3A_162 = tpu.memref_squeeze %dma_wait3A_161 : memref<1x64xi32, #tpu.memory_space<vmem>> -> memref<64xi32, #tpu.memory_space<vmem>>
      %dma_wait3A_163 = arith.constant 0 : i32
      %dma_wait3A_164 = arith.constant 0 : i32
      %dma_wait3A_165 = tpu.memref_slice %arg2[%dma_wait3A_163, %dma_wait3A_164] : memref<10240x128xf32, #tpu.memory_space<hbm>> -> memref<10240x128xf32, #tpu.memory_space<hbm>>
      tpu.wait_indirect_dma semaphore(%arg14 : memref<!tpu.dma_semaphore, #tpu.memory_space<semaphore_mem>>) src(%dma_wait3A_165 : memref<10240x128xf32, #tpu.memory_space<hbm>>) dst(%arg9 : memref<64x128xf32, #tpu.memory_space<vmem>>)
      "tpu.region"() ({
        %run_scoped3A = tpu.sem_alloc : memref<!tpu.dma_semaphore, #tpu.memory_space<semaphore_mem>>
        %dma_start3A_180 = arith.constant 64 : i32
        %dma_start3A_181 = tpu.memref_slice %arg5[%add3A_159, %dma_start3A_180] : memref<80x128xi32, #tpu.memory_space<vmem>> -> memref<1x64xi32, #tpu.memory_space<vmem>>
        %dma_start3A_182 = tpu.memref_squeeze %dma_start3A_181 : memref<1x64xi32, #tpu.memory_space<vmem>> -> memref<64xi32, #tpu.memory_space<vmem>>
        %dma_start3A_183 = arith.constant 0 : i32
        %dma_start3A_184 = arith.constant 0 : i32
        %dma_start3A_185 = tpu.memref_slice %arg10[%dma_start3A_183, %dma_start3A_184] : memref<10240x128xf32, #tpu.memory_space<vmem_shared>> -> memref<10240x128xf32, #tpu.memory_space<vmem_shared>>
        tpu.enqueue_indirect_dma source(%arg9 : memref<64x128xf32, #tpu.memory_space<vmem>>) target(%dma_start3A_185 : memref<10240x128xf32, #tpu.memory_space<vmem_shared>>) offsets(%dma_start3A_182 : memref<64xi32, #tpu.memory_space<vmem>>) semaphore(%run_scoped3A : memref<!tpu.dma_semaphore, #tpu.memory_space<semaphore_mem>>) {add = true}
        %dma_wait3A_186 = arith.constant 64 : i32
        %dma_wait3A_187 = tpu.memref_slice %arg5[%add3A_159, %dma_wait3A_186] : memref<80x128xi32, #tpu.memory_space<vmem>> -> memref<1x64xi32, #tpu.memory_space<vmem>>
        %dma_wait3A_188 = tpu.memref_squeeze %dma_wait3A_187 : memref<1x64xi32, #tpu.memory_space<vmem>> -> memref<64xi32, #tpu.memory_space<vmem>>
        %dma_wait3A_189 = arith.constant 0 : i32
        %dma_wait3A_190 = arith.constant 0 : i32
        %dma_wait3A_191 = tpu.memref_slice %arg10[%dma_wait3A_189, %dma_wait3A_190] : memref<10240x128xf32, #tpu.memory_space<vmem_shared>> -> memref<10240x128xf32, #tpu.memory_space<vmem_shared>>
        tpu.wait_indirect_dma semaphore(%run_scoped3A : memref<!tpu.dma_semaphore, #tpu.memory_space<semaphore_mem>>) src(%arg9 : memref<64x128xf32, #tpu.memory_space<vmem>>) dst(%dma_wait3A_191 : memref<10240x128xf32, #tpu.memory_space<vmem_shared>>)
        tpu.yield
      }) : () -> ()
      %add3A_166 = arith.constant 3 : i32
      %add3A_167 = arith.addi %mul3A_98, %add3A_166 : i32
      %add3A_168 = arith.constant 4 : i32
      %add3A_169 = arith.addi %add3A_167, %add3A_168 : i32
      %lt3A_170 = arith.constant 80 : i32
      %lt3A_171 = arith.cmpi slt, %add3A_169, %lt3A_170 : i32
      %add3A_172 = arith.constant 3 : i32
      %add3A_173 = arith.addi %mul3A_98, %add3A_172 : i32
      %add3A_174 = arith.constant 4 : i32
      %add3A_175 = arith.addi %add3A_173, %add3A_174 : i32
      %convert_element_type3A_176 = arith.extui %lt3A_171 : i1 to i32
      %cond3A_177 = arith.constant 0 : i32
      %cond3A_178 = arith.cmpi ne, %convert_element_type3A_176, %cond3A_177 : i32
      scf.if %cond3A_178 {
        %dma_start3A_180 = arith.constant 0 : i32
        %dma_start3A_181 = tpu.memref_slice %arg5[%add3A_175, %dma_start3A_180] : memref<80x128xi32, #tpu.memory_space<vmem>> -> memref<1x64xi32, #tpu.memory_space<vmem>>
        %dma_start3A_182 = tpu.memref_squeeze %dma_start3A_181 : memref<1x64xi32, #tpu.memory_space<vmem>> -> memref<64xi32, #tpu.memory_space<vmem>>
        %dma_start3A_183 = arith.constant 0 : i32
        %dma_start3A_184 = arith.constant 0 : i32
        %dma_start3A_185 = tpu.memref_slice %arg2[%dma_start3A_183, %dma_start3A_184] : memref<10240x128xf32, #tpu.memory_space<hbm>> -> memref<10240x128xf32, #tpu.memory_space<hbm>>
        tpu.enqueue_indirect_dma source(%dma_start3A_185 : memref<10240x128xf32, #tpu.memory_space<hbm>>) target(%arg9 : memref<64x128xf32, #tpu.memory_space<vmem>>) offsets(%dma_start3A_182 : memref<64xi32, #tpu.memory_space<vmem>>) semaphore(%arg14 : memref<!tpu.dma_semaphore, #tpu.memory_space<semaphore_mem>>)
      } else {
      }
      %scan3A_179 = arith.constant 0 : i32
      scf.yield %scan3A_179 : i32
    }
    %scan3A_52 = arith.constant 20 : i32
    %add3A_53 = arith.constant 80 : i32
    %add3A_54 = arith.addi %mul3A_16, %add3A_53 : i32
    "tpu.region"() ({
      %run_scoped3A = tpu.sem_alloc : memref<!tpu.dma_semaphore, #tpu.memory_space<semaphore_mem>>
      %dma_start3A_95 = arith.constant 0 : i32
      %dma_start3A_96 = tpu.memref_slice %arg3[%add3A_54, %dma_start3A_95] : memref<5120x128xi32, #tpu.memory_space<hbm>> -> memref<80x128xi32, #tpu.memory_space<hbm>>
      %dma_start3A_97 = arith.constant 0 : i32
      %dma_start3A_98 = tpu.memref_slice %arg3[%add3A_54, %dma_start3A_97] : memref<5120x128xi32, #tpu.memory_space<hbm>> -> memref<80x128xi32, #tpu.memory_space<hbm>>
      tpu.enqueue_dma source(%dma_start3A_98 : memref<80x128xi32, #tpu.memory_space<hbm>>) target(%arg5 : memref<80x128xi32, #tpu.memory_space<vmem>>) target_semaphore(%run_scoped3A : memref<!tpu.dma_semaphore, #tpu.memory_space<semaphore_mem>>)
      %dma_wait3A = arith.constant 0 : i32
      %dma_wait3A_99 = tpu.memref_slice %arg3[%add3A_54, %dma_wait3A] : memref<5120x128xi32, #tpu.memory_space<hbm>> -> memref<80x128xi32, #tpu.memory_space<hbm>>
      %dma_wait3A_100 = arith.constant 0 : i32
      %dma_wait3A_101 = tpu.memref_slice %arg3[%add3A_54, %dma_wait3A_100] : memref<5120x128xi32, #tpu.memory_space<hbm>> -> memref<80x128xi32, #tpu.memory_space<hbm>>
      tpu.wait_dma2 semaphore(%run_scoped3A : memref<!tpu.dma_semaphore, #tpu.memory_space<semaphore_mem>>) src(%dma_wait3A_101 : memref<80x128xi32, #tpu.memory_space<hbm>>) dst(%arg5 : memref<80x128xi32, #tpu.memory_space<vmem>>)
      tpu.yield
    }) : () -> ()
    %dma_start3A_55 = arith.constant 0 : i32
    %dma_start3A_56 = arith.constant 0 : i32
    %dma_start3A_57 = tpu.memref_slice %arg5[%dma_start3A_55, %dma_start3A_56] : memref<80x128xi32, #tpu.memory_space<vmem>> -> memref<1x64xi32, #tpu.memory_space<vmem>>
    %dma_start3A_58 = tpu.memref_squeeze %dma_start3A_57 : memref<1x64xi32, #tpu.memory_space<vmem>> -> memref<64xi32, #tpu.memory_space<vmem>>
    %dma_start3A_59 = arith.constant 0 : i32
    %dma_start3A_60 = arith.constant 0 : i32
    %dma_start3A_61 = tpu.memref_slice %arg2[%dma_start3A_59, %dma_start3A_60] : memref<10240x128xf32, #tpu.memory_space<hbm>> -> memref<10240x128xf32, #tpu.memory_space<hbm>>
    tpu.enqueue_indirect_dma source(%dma_start3A_61 : memref<10240x128xf32, #tpu.memory_space<hbm>>) target(%arg6 : memref<64x128xf32, #tpu.memory_space<vmem>>) offsets(%dma_start3A_58 : memref<64xi32, #tpu.memory_space<vmem>>) semaphore(%arg11 : memref<!tpu.dma_semaphore, #tpu.memory_space<semaphore_mem>>)
    %dma_start3A_62 = arith.constant 1 : i32
    %dma_start3A_63 = arith.constant 0 : i32
    %dma_start3A_64 = tpu.memref_slice %arg5[%dma_start3A_62, %dma_start3A_63] : memref<80x128xi32, #tpu.memory_space<vmem>> -> memref<1x64xi32, #tpu.memory_space<vmem>>
    %dma_start3A_65 = tpu.memref_squeeze %dma_start3A_64 : memref<1x64xi32, #tpu.memory_space<vmem>> -> memref<64xi32, #tpu.memory_space<vmem>>
    %dma_start3A_66 = arith.constant 0 : i32
    %dma_start3A_67 = arith.constant 0 : i32
    %dma_start3A_68 = tpu.memref_slice %arg2[%dma_start3A_66, %dma_start3A_67] : memref<10240x128xf32, #tpu.memory_space<hbm>> -> memref<10240x128xf32, #tpu.memory_space<hbm>>
    tpu.enqueue_indirect_dma source(%dma_start3A_68 : memref<10240x128xf32, #tpu.memory_space<hbm>>) target(%arg7 : memref<64x128xf32, #tpu.memory_space<vmem>>) offsets(%dma_start3A_65 : memref<64xi32, #tpu.memory_space<vmem>>) semaphore(%arg12 : memref<!tpu.dma_semaphore, #tpu.memory_space<semaphore_mem>>)
    %dma_start3A_69 = arith.constant 2 : i32
    %dma_start3A_70 = arith.constant 0 : i32
    %dma_start3A_71 = tpu.memref_slice %arg5[%dma_start3A_69, %dma_start3A_70] : memref<80x128xi32, #tpu.memory_space<vmem>> -> memref<1x64xi32, #tpu.memory_space<vmem>>
    %dma_start3A_72 = tpu.memref_squeeze %dma_start3A_71 : memref<1x64xi32, #tpu.memory_space<vmem>> -> memref<64xi32, #tpu.memory_space<vmem>>
    %dma_start3A_73 = arith.constant 0 : i32
    %dma_start3A_74 = arith.constant 0 : i32
    %dma_start3A_75 = tpu.memref_slice %arg2[%dma_start3A_73, %dma_start3A_74] : memref<10240x128xf32, #tpu.memory_space<hbm>> -> memref<10240x128xf32, #tpu.memory_space<hbm>>
    tpu.enqueue_indirect_dma source(%dma_start3A_75 : memref<10240x128xf32, #tpu.memory_space<hbm>>) target(%arg8 : memref<64x128xf32, #tpu.memory_space<vmem>>) offsets(%dma_start3A_72 : memref<64xi32, #tpu.memory_space<vmem>>) semaphore(%arg13 : memref<!tpu.dma_semaphore, #tpu.memory_space<semaphore_mem>>)
    %dma_start3A_76 = arith.constant 3 : i32
    %dma_start3A_77 = arith.constant 0 : i32
    %dma_start3A_78 = tpu.memref_slice %arg5[%dma_start3A_76, %dma_start3A_77] : memref<80x128xi32, #tpu.memory_space<vmem>> -> memref<1x64xi32, #tpu.memory_space<vmem>>
    %dma_start3A_79 = tpu.memref_squeeze %dma_start3A_78 : memref<1x64xi32, #tpu.memory_space<vmem>> -> memref<64xi32, #tpu.memory_space<vmem>>
    %dma_start3A_80 = arith.constant 0 : i32
    %dma_start3A_81 = arith.constant 0 : i32
    %dma_start3A_82 = tpu.memref_slice %arg2[%dma_start3A_80, %dma_start3A_81] : memref<10240x128xf32, #tpu.memory_space<hbm>> -> memref<10240x128xf32, #tpu.memory_space<hbm>>
    tpu.enqueue_indirect_dma source(%dma_start3A_82 : memref<10240x128xf32, #tpu.memory_space<hbm>>) target(%arg9 : memref<64x128xf32, #tpu.memory_space<vmem>>) offsets(%dma_start3A_79 : memref<64xi32, #tpu.memory_space<vmem>>) semaphore(%arg14 : memref<!tpu.dma_semaphore, #tpu.memory_space<semaphore_mem>>)
    %scan3A_83 = arith.constant 0 : i32
    %scan3A_84 = arith.constant 0 : i32
    %scan3A_85 = arith.constant 20 : i32
    %scan3A_86 = arith.addi %scan3A_84, %scan3A_85 : i32
    %scan3A_87 = arith.constant 1 : i32
    %scan3A_88 = scf.for %scan3A_95 = %scan3A_84 to %scan3A_86 step %scan3A_87 iter_args(%scan3A_96 = %scan3A_83) -> (i32)  : i32 {
      %mul3A_97 = arith.constant 4 : i32
      %mul3A_98 = arith.muli %mul3A_97, %scan3A_95 : i32
      %add3A_99 = arith.constant 0 : i32
      %add3A_100 = arith.addi %mul3A_98, %add3A_99 : i32
      %dma_wait3A = arith.constant 0 : i32
      %dma_wait3A_101 = tpu.memref_slice %arg5[%add3A_100, %dma_wait3A] : memref<80x128xi32, #tpu.memory_space<vmem>> -> memref<1x64xi32, #tpu.memory_space<vmem>>
      %dma_wait3A_102 = tpu.memref_squeeze %dma_wait3A_101 : memref<1x64xi32, #tpu.memory_space<vmem>> -> memref<64xi32, #tpu.memory_space<vmem>>
      %dma_wait3A_103 = arith.constant 0 : i32
      %dma_wait3A_104 = arith.constant 0 : i32
      %dma_wait3A_105 = tpu.memref_slice %arg2[%dma_wait3A_103, %dma_wait3A_104] : memref<10240x128xf32, #tpu.memory_space<hbm>> -> memref<10240x128xf32, #tpu.memory_space<hbm>>
      tpu.wait_indirect_dma semaphore(%arg11 : memref<!tpu.dma_semaphore, #tpu.memory_space<semaphore_mem>>) src(%dma_wait3A_105 : memref<10240x128xf32, #tpu.memory_space<hbm>>) dst(%arg6 : memref<64x128xf32, #tpu.memory_space<vmem>>)
      "tpu.region"() ({
        %run_scoped3A = tpu.sem_alloc : memref<!tpu.dma_semaphore, #tpu.memory_space<semaphore_mem>>
        %dma_start3A_180 = arith.constant 64 : i32
        %dma_start3A_181 = tpu.memref_slice %arg5[%add3A_100, %dma_start3A_180] : memref<80x128xi32, #tpu.memory_space<vmem>> -> memref<1x64xi32, #tpu.memory_space<vmem>>
        %dma_start3A_182 = tpu.memref_squeeze %dma_start3A_181 : memref<1x64xi32, #tpu.memory_space<vmem>> -> memref<64xi32, #tpu.memory_space<vmem>>
        %dma_start3A_183 = arith.constant 0 : i32
        %dma_start3A_184 = arith.constant 0 : i32
        %dma_start3A_185 = tpu.memref_slice %arg10[%dma_start3A_183, %dma_start3A_184] : memref<10240x128xf32, #tpu.memory_space<vmem_shared>> -> memref<10240x128xf32, #tpu.memory_space<vmem_shared>>
        tpu.enqueue_indirect_dma source(%arg6 : memref<64x128xf32, #tpu.memory_space<vmem>>) target(%dma_start3A_185 : memref<10240x128xf32, #tpu.memory_space<vmem_shared>>) offsets(%dma_start3A_182 : memref<64xi32, #tpu.memory_space<vmem>>) semaphore(%run_scoped3A : memref<!tpu.dma_semaphore, #tpu.memory_space<semaphore_mem>>) {add = true}
        %dma_wait3A_186 = arith.constant 64 : i32
        %dma_wait3A_187 = tpu.memref_slice %arg5[%add3A_100, %dma_wait3A_186] : memref<80x128xi32, #tpu.memory_space<vmem>> -> memref<1x64xi32, #tpu.memory_space<vmem>>
        %dma_wait3A_188 = tpu.memref_squeeze %dma_wait3A_187 : memref<1x64xi32, #tpu.memory_space<vmem>> -> memref<64xi32, #tpu.memory_space<vmem>>
        %dma_wait3A_189 = arith.constant 0 : i32
        %dma_wait3A_190 = arith.constant 0 : i32
        %dma_wait3A_191 = tpu.memref_slice %arg10[%dma_wait3A_189, %dma_wait3A_190] : memref<10240x128xf32, #tpu.memory_space<vmem_shared>> -> memref<10240x128xf32, #tpu.memory_space<vmem_shared>>
        tpu.wait_indirect_dma semaphore(%run_scoped3A : memref<!tpu.dma_semaphore, #tpu.memory_space<semaphore_mem>>) src(%arg6 : memref<64x128xf32, #tpu.memory_space<vmem>>) dst(%dma_wait3A_191 : memref<10240x128xf32, #tpu.memory_space<vmem_shared>>)
        tpu.yield
      }) : () -> ()
      %add3A_106 = arith.constant 0 : i32
      %add3A_107 = arith.addi %mul3A_98, %add3A_106 : i32
      %add3A_108 = arith.constant 4 : i32
      %add3A_109 = arith.addi %add3A_107, %add3A_108 : i32
      %lt3A = arith.constant 80 : i32
      %lt3A_110 = arith.cmpi slt, %add3A_109, %lt3A : i32
      %add3A_111 = arith.constant 0 : i32
      %add3A_112 = arith.addi %mul3A_98, %add3A_111 : i32
      %add3A_113 = arith.constant 4 : i32
      %add3A_114 = arith.addi %add3A_112, %add3A_113 : i32
      %convert_element_type3A = arith.extui %lt3A_110 : i1 to i32
      %cond3A = arith.constant 0 : i32
      %cond3A_115 = arith.cmpi ne, %convert_element_type3A, %cond3A : i32
      scf.if %cond3A_115 {
        %dma_start3A_180 = arith.constant 0 : i32
        %dma_start3A_181 = tpu.memref_slice %arg5[%add3A_114, %dma_start3A_180] : memref<80x128xi32, #tpu.memory_space<vmem>> -> memref<1x64xi32, #tpu.memory_space<vmem>>
        %dma_start3A_182 = tpu.memref_squeeze %dma_start3A_181 : memref<1x64xi32, #tpu.memory_space<vmem>> -> memref<64xi32, #tpu.memory_space<vmem>>
        %dma_start3A_183 = arith.constant 0 : i32
        %dma_start3A_184 = arith.constant 0 : i32
        %dma_start3A_185 = tpu.memref_slice %arg2[%dma_start3A_183, %dma_start3A_184] : memref<10240x128xf32, #tpu.memory_space<hbm>> -> memref<10240x128xf32, #tpu.memory_space<hbm>>
        tpu.enqueue_indirect_dma source(%dma_start3A_185 : memref<10240x128xf32, #tpu.memory_space<hbm>>) target(%arg6 : memref<64x128xf32, #tpu.memory_space<vmem>>) offsets(%dma_start3A_182 : memref<64xi32, #tpu.memory_space<vmem>>) semaphore(%arg11 : memref<!tpu.dma_semaphore, #tpu.memory_space<semaphore_mem>>)
      } else {
      }
      %add3A_116 = arith.constant 1 : i32
      %add3A_117 = arith.addi %mul3A_98, %add3A_116 : i32
      %dma_wait3A_118 = arith.constant 0 : i32
      %dma_wait3A_119 = tpu.memref_slice %arg5[%add3A_117, %dma_wait3A_118] : memref<80x128xi32, #tpu.memory_space<vmem>> -> memref<1x64xi32, #tpu.memory_space<vmem>>
      %dma_wait3A_120 = tpu.memref_squeeze %dma_wait3A_119 : memref<1x64xi32, #tpu.memory_space<vmem>> -> memref<64xi32, #tpu.memory_space<vmem>>
      %dma_wait3A_121 = arith.constant 0 : i32
      %dma_wait3A_122 = arith.constant 0 : i32
      %dma_wait3A_123 = tpu.memref_slice %arg2[%dma_wait3A_121, %dma_wait3A_122] : memref<10240x128xf32, #tpu.memory_space<hbm>> -> memref<10240x128xf32, #tpu.memory_space<hbm>>
      tpu.wait_indirect_dma semaphore(%arg12 : memref<!tpu.dma_semaphore, #tpu.memory_space<semaphore_mem>>) src(%dma_wait3A_123 : memref<10240x128xf32, #tpu.memory_space<hbm>>) dst(%arg7 : memref<64x128xf32, #tpu.memory_space<vmem>>)
      "tpu.region"() ({
        %run_scoped3A = tpu.sem_alloc : memref<!tpu.dma_semaphore, #tpu.memory_space<semaphore_mem>>
        %dma_start3A_180 = arith.constant 64 : i32
        %dma_start3A_181 = tpu.memref_slice %arg5[%add3A_117, %dma_start3A_180] : memref<80x128xi32, #tpu.memory_space<vmem>> -> memref<1x64xi32, #tpu.memory_space<vmem>>
        %dma_start3A_182 = tpu.memref_squeeze %dma_start3A_181 : memref<1x64xi32, #tpu.memory_space<vmem>> -> memref<64xi32, #tpu.memory_space<vmem>>
        %dma_start3A_183 = arith.constant 0 : i32
        %dma_start3A_184 = arith.constant 0 : i32
        %dma_start3A_185 = tpu.memref_slice %arg10[%dma_start3A_183, %dma_start3A_184] : memref<10240x128xf32, #tpu.memory_space<vmem_shared>> -> memref<10240x128xf32, #tpu.memory_space<vmem_shared>>
        tpu.enqueue_indirect_dma source(%arg7 : memref<64x128xf32, #tpu.memory_space<vmem>>) target(%dma_start3A_185 : memref<10240x128xf32, #tpu.memory_space<vmem_shared>>) offsets(%dma_start3A_182 : memref<64xi32, #tpu.memory_space<vmem>>) semaphore(%run_scoped3A : memref<!tpu.dma_semaphore, #tpu.memory_space<semaphore_mem>>) {add = true}
        %dma_wait3A_186 = arith.constant 64 : i32
        %dma_wait3A_187 = tpu.memref_slice %arg5[%add3A_117, %dma_wait3A_186] : memref<80x128xi32, #tpu.memory_space<vmem>> -> memref<1x64xi32, #tpu.memory_space<vmem>>
        %dma_wait3A_188 = tpu.memref_squeeze %dma_wait3A_187 : memref<1x64xi32, #tpu.memory_space<vmem>> -> memref<64xi32, #tpu.memory_space<vmem>>
        %dma_wait3A_189 = arith.constant 0 : i32
        %dma_wait3A_190 = arith.constant 0 : i32
        %dma_wait3A_191 = tpu.memref_slice %arg10[%dma_wait3A_189, %dma_wait3A_190] : memref<10240x128xf32, #tpu.memory_space<vmem_shared>> -> memref<10240x128xf32, #tpu.memory_space<vmem_shared>>
        tpu.wait_indirect_dma semaphore(%run_scoped3A : memref<!tpu.dma_semaphore, #tpu.memory_space<semaphore_mem>>) src(%arg7 : memref<64x128xf32, #tpu.memory_space<vmem>>) dst(%dma_wait3A_191 : memref<10240x128xf32, #tpu.memory_space<vmem_shared>>)
        tpu.yield
      }) : () -> ()
      %add3A_124 = arith.constant 1 : i32
      %add3A_125 = arith.addi %mul3A_98, %add3A_124 : i32
      %add3A_126 = arith.constant 4 : i32
      %add3A_127 = arith.addi %add3A_125, %add3A_126 : i32
      %lt3A_128 = arith.constant 80 : i32
      %lt3A_129 = arith.cmpi slt, %add3A_127, %lt3A_128 : i32
      %add3A_130 = arith.constant 1 : i32
      %add3A_131 = arith.addi %mul3A_98, %add3A_130 : i32
      %add3A_132 = arith.constant 4 : i32
      %add3A_133 = arith.addi %add3A_131, %add3A_132 : i32
      %convert_element_type3A_134 = arith.extui %lt3A_129 : i1 to i32
      %cond3A_135 = arith.constant 0 : i32
      %cond3A_136 = arith.cmpi ne, %convert_element_type3A_134, %cond3A_135 : i32
      scf.if %cond3A_136 {
        %dma_start3A_180 = arith.constant 0 : i32
        %dma_start3A_181 = tpu.memref_slice %arg5[%add3A_133, %dma_start3A_180] : memref<80x128xi32, #tpu.memory_space<vmem>> -> memref<1x64xi32, #tpu.memory_space<vmem>>
        %dma_start3A_182 = tpu.memref_squeeze %dma_start3A_181 : memref<1x64xi32, #tpu.memory_space<vmem>> -> memref<64xi32, #tpu.memory_space<vmem>>
        %dma_start3A_183 = arith.constant 0 : i32
        %dma_start3A_184 = arith.constant 0 : i32
        %dma_start3A_185 = tpu.memref_slice %arg2[%dma_start3A_183, %dma_start3A_184] : memref<10240x128xf32, #tpu.memory_space<hbm>> -> memref<10240x128xf32, #tpu.memory_space<hbm>>
        tpu.enqueue_indirect_dma source(%dma_start3A_185 : memref<10240x128xf32, #tpu.memory_space<hbm>>) target(%arg7 : memref<64x128xf32, #tpu.memory_space<vmem>>) offsets(%dma_start3A_182 : memref<64xi32, #tpu.memory_space<vmem>>) semaphore(%arg12 : memref<!tpu.dma_semaphore, #tpu.memory_space<semaphore_mem>>)
      } else {
      }
      %add3A_137 = arith.constant 2 : i32
      %add3A_138 = arith.addi %mul3A_98, %add3A_137 : i32
      %dma_wait3A_139 = arith.constant 0 : i32
      %dma_wait3A_140 = tpu.memref_slice %arg5[%add3A_138, %dma_wait3A_139] : memref<80x128xi32, #tpu.memory_space<vmem>> -> memref<1x64xi32, #tpu.memory_space<vmem>>
      %dma_wait3A_141 = tpu.memref_squeeze %dma_wait3A_140 : memref<1x64xi32, #tpu.memory_space<vmem>> -> memref<64xi32, #tpu.memory_space<vmem>>
      %dma_wait3A_142 = arith.constant 0 : i32
      %dma_wait3A_143 = arith.constant 0 : i32
      %dma_wait3A_144 = tpu.memref_slice %arg2[%dma_wait3A_142, %dma_wait3A_143] : memref<10240x128xf32, #tpu.memory_space<hbm>> -> memref<10240x128xf32, #tpu.memory_space<hbm>>
      tpu.wait_indirect_dma semaphore(%arg13 : memref<!tpu.dma_semaphore, #tpu.memory_space<semaphore_mem>>) src(%dma_wait3A_144 : memref<10240x128xf32, #tpu.memory_space<hbm>>) dst(%arg8 : memref<64x128xf32, #tpu.memory_space<vmem>>)
      "tpu.region"() ({
        %run_scoped3A = tpu.sem_alloc : memref<!tpu.dma_semaphore, #tpu.memory_space<semaphore_mem>>
        %dma_start3A_180 = arith.constant 64 : i32
        %dma_start3A_181 = tpu.memref_slice %arg5[%add3A_138, %dma_start3A_180] : memref<80x128xi32, #tpu.memory_space<vmem>> -> memref<1x64xi32, #tpu.memory_space<vmem>>
        %dma_start3A_182 = tpu.memref_squeeze %dma_start3A_181 : memref<1x64xi32, #tpu.memory_space<vmem>> -> memref<64xi32, #tpu.memory_space<vmem>>
        %dma_start3A_183 = arith.constant 0 : i32
        %dma_start3A_184 = arith.constant 0 : i32
        %dma_start3A_185 = tpu.memref_slice %arg10[%dma_start3A_183, %dma_start3A_184] : memref<10240x128xf32, #tpu.memory_space<vmem_shared>> -> memref<10240x128xf32, #tpu.memory_space<vmem_shared>>
        tpu.enqueue_indirect_dma source(%arg8 : memref<64x128xf32, #tpu.memory_space<vmem>>) target(%dma_start3A_185 : memref<10240x128xf32, #tpu.memory_space<vmem_shared>>) offsets(%dma_start3A_182 : memref<64xi32, #tpu.memory_space<vmem>>) semaphore(%run_scoped3A : memref<!tpu.dma_semaphore, #tpu.memory_space<semaphore_mem>>) {add = true}
        %dma_wait3A_186 = arith.constant 64 : i32
        %dma_wait3A_187 = tpu.memref_slice %arg5[%add3A_138, %dma_wait3A_186] : memref<80x128xi32, #tpu.memory_space<vmem>> -> memref<1x64xi32, #tpu.memory_space<vmem>>
        %dma_wait3A_188 = tpu.memref_squeeze %dma_wait3A_187 : memref<1x64xi32, #tpu.memory_space<vmem>> -> memref<64xi32, #tpu.memory_space<vmem>>
        %dma_wait3A_189 = arith.constant 0 : i32
        %dma_wait3A_190 = arith.constant 0 : i32
        %dma_wait3A_191 = tpu.memref_slice %arg10[%dma_wait3A_189, %dma_wait3A_190] : memref<10240x128xf32, #tpu.memory_space<vmem_shared>> -> memref<10240x128xf32, #tpu.memory_space<vmem_shared>>
        tpu.wait_indirect_dma semaphore(%run_scoped3A : memref<!tpu.dma_semaphore, #tpu.memory_space<semaphore_mem>>) src(%arg8 : memref<64x128xf32, #tpu.memory_space<vmem>>) dst(%dma_wait3A_191 : memref<10240x128xf32, #tpu.memory_space<vmem_shared>>)
        tpu.yield
      }) : () -> ()
      %add3A_145 = arith.constant 2 : i32
      %add3A_146 = arith.addi %mul3A_98, %add3A_145 : i32
      %add3A_147 = arith.constant 4 : i32
      %add3A_148 = arith.addi %add3A_146, %add3A_147 : i32
      %lt3A_149 = arith.constant 80 : i32
      %lt3A_150 = arith.cmpi slt, %add3A_148, %lt3A_149 : i32
      %add3A_151 = arith.constant 2 : i32
      %add3A_152 = arith.addi %mul3A_98, %add3A_151 : i32
      %add3A_153 = arith.constant 4 : i32
      %add3A_154 = arith.addi %add3A_152, %add3A_153 : i32
      %convert_element_type3A_155 = arith.extui %lt3A_150 : i1 to i32
      %cond3A_156 = arith.constant 0 : i32
      %cond3A_157 = arith.cmpi ne, %convert_element_type3A_155, %cond3A_156 : i32
      scf.if %cond3A_157 {
        %dma_start3A_180 = arith.constant 0 : i32
        %dma_start3A_181 = tpu.memref_slice %arg5[%add3A_154, %dma_start3A_180] : memref<80x128xi32, #tpu.memory_space<vmem>> -> memref<1x64xi32, #tpu.memory_space<vmem>>
        %dma_start3A_182 = tpu.memref_squeeze %dma_start3A_181 : memref<1x64xi32, #tpu.memory_space<vmem>> -> memref<64xi32, #tpu.memory_space<vmem>>
        %dma_start3A_183 = arith.constant 0 : i32
        %dma_start3A_184 = arith.constant 0 : i32
        %dma_start3A_185 = tpu.memref_slice %arg2[%dma_start3A_183, %dma_start3A_184] : memref<10240x128xf32, #tpu.memory_space<hbm>> -> memref<10240x128xf32, #tpu.memory_space<hbm>>
        tpu.enqueue_indirect_dma source(%dma_start3A_185 : memref<10240x128xf32, #tpu.memory_space<hbm>>) target(%arg8 : memref<64x128xf32, #tpu.memory_space<vmem>>) offsets(%dma_start3A_182 : memref<64xi32, #tpu.memory_space<vmem>>) semaphore(%arg13 : memref<!tpu.dma_semaphore, #tpu.memory_space<semaphore_mem>>)
      } else {
      }
      %add3A_158 = arith.constant 3 : i32
      %add3A_159 = arith.addi %mul3A_98, %add3A_158 : i32
      %dma_wait3A_160 = arith.constant 0 : i32
      %dma_wait3A_161 = tpu.memref_slice %arg5[%add3A_159, %dma_wait3A_160] : memref<80x128xi32, #tpu.memory_space<vmem>> -> memref<1x64xi32, #tpu.memory_space<vmem>>
      %dma_wait3A_162 = tpu.memref_squeeze %dma_wait3A_161 : memref<1x64xi32, #tpu.memory_space<vmem>> -> memref<64xi32, #tpu.memory_space<vmem>>
      %dma_wait3A_163 = arith.constant 0 : i32
      %dma_wait3A_164 = arith.constant 0 : i32
      %dma_wait3A_165 = tpu.memref_slice %arg2[%dma_wait3A_163, %dma_wait3A_164] : memref<10240x128xf32, #tpu.memory_space<hbm>> -> memref<10240x128xf32, #tpu.memory_space<hbm>>
      tpu.wait_indirect_dma semaphore(%arg14 : memref<!tpu.dma_semaphore, #tpu.memory_space<semaphore_mem>>) src(%dma_wait3A_165 : memref<10240x128xf32, #tpu.memory_space<hbm>>) dst(%arg9 : memref<64x128xf32, #tpu.memory_space<vmem>>)
      "tpu.region"() ({
        %run_scoped3A = tpu.sem_alloc : memref<!tpu.dma_semaphore, #tpu.memory_space<semaphore_mem>>
        %dma_start3A_180 = arith.constant 64 : i32
        %dma_start3A_181 = tpu.memref_slice %arg5[%add3A_159, %dma_start3A_180] : memref<80x128xi32, #tpu.memory_space<vmem>> -> memref<1x64xi32, #tpu.memory_space<vmem>>
        %dma_start3A_182 = tpu.memref_squeeze %dma_start3A_181 : memref<1x64xi32, #tpu.memory_space<vmem>> -> memref<64xi32, #tpu.memory_space<vmem>>
        %dma_start3A_183 = arith.constant 0 : i32
        %dma_start3A_184 = arith.constant 0 : i32
        %dma_start3A_185 = tpu.memref_slice %arg10[%dma_start3A_183, %dma_start3A_184] : memref<10240x128xf32, #tpu.memory_space<vmem_shared>> -> memref<10240x128xf32, #tpu.memory_space<vmem_shared>>
        tpu.enqueue_indirect_dma source(%arg9 : memref<64x128xf32, #tpu.memory_space<vmem>>) target(%dma_start3A_185 : memref<10240x128xf32, #tpu.memory_space<vmem_shared>>) offsets(%dma_start3A_182 : memref<64xi32, #tpu.memory_space<vmem>>) semaphore(%run_scoped3A : memref<!tpu.dma_semaphore, #tpu.memory_space<semaphore_mem>>) {add = true}
        %dma_wait3A_186 = arith.constant 64 : i32
        %dma_wait3A_187 = tpu.memref_slice %arg5[%add3A_159, %dma_wait3A_186] : memref<80x128xi32, #tpu.memory_space<vmem>> -> memref<1x64xi32, #tpu.memory_space<vmem>>
        %dma_wait3A_188 = tpu.memref_squeeze %dma_wait3A_187 : memref<1x64xi32, #tpu.memory_space<vmem>> -> memref<64xi32, #tpu.memory_space<vmem>>
        %dma_wait3A_189 = arith.constant 0 : i32
        %dma_wait3A_190 = arith.constant 0 : i32
        %dma_wait3A_191 = tpu.memref_slice %arg10[%dma_wait3A_189, %dma_wait3A_190] : memref<10240x128xf32, #tpu.memory_space<vmem_shared>> -> memref<10240x128xf32, #tpu.memory_space<vmem_shared>>
        tpu.wait_indirect_dma semaphore(%run_scoped3A : memref<!tpu.dma_semaphore, #tpu.memory_space<semaphore_mem>>) src(%arg9 : memref<64x128xf32, #tpu.memory_space<vmem>>) dst(%dma_wait3A_191 : memref<10240x128xf32, #tpu.memory_space<vmem_shared>>)
        tpu.yield
      }) : () -> ()
      %add3A_166 = arith.constant 3 : i32
      %add3A_167 = arith.addi %mul3A_98, %add3A_166 : i32
      %add3A_168 = arith.constant 4 : i32
      %add3A_169 = arith.addi %add3A_167, %add3A_168 : i32
      %lt3A_170 = arith.constant 80 : i32
      %lt3A_171 = arith.cmpi slt, %add3A_169, %lt3A_170 : i32
      %add3A_172 = arith.constant 3 : i32
      %add3A_173 = arith.addi %mul3A_98, %add3A_172 : i32
      %add3A_174 = arith.constant 4 : i32
      %add3A_175 = arith.addi %add3A_173, %add3A_174 : i32
      %convert_element_type3A_176 = arith.extui %lt3A_171 : i1 to i32
      %cond3A_177 = arith.constant 0 : i32
      %cond3A_178 = arith.cmpi ne, %convert_element_type3A_176, %cond3A_177 : i32
      scf.if %cond3A_178 {
        %dma_start3A_180 = arith.constant 0 : i32
        %dma_start3A_181 = tpu.memref_slice %arg5[%add3A_175, %dma_start3A_180] : memref<80x128xi32, #tpu.memory_space<vmem>> -> memref<1x64xi32, #tpu.memory_space<vmem>>
        %dma_start3A_182 = tpu.memref_squeeze %dma_start3A_181 : memref<1x64xi32, #tpu.memory_space<vmem>> -> memref<64xi32, #tpu.memory_space<vmem>>
        %dma_start3A_183 = arith.constant 0 : i32
        %dma_start3A_184 = arith.constant 0 : i32
        %dma_start3A_185 = tpu.memref_slice %arg2[%dma_start3A_183, %dma_start3A_184] : memref<10240x128xf32, #tpu.memory_space<hbm>> -> memref<10240x128xf32, #tpu.memory_space<hbm>>
        tpu.enqueue_indirect_dma source(%dma_start3A_185 : memref<10240x128xf32, #tpu.memory_space<hbm>>) target(%arg9 : memref<64x128xf32, #tpu.memory_space<vmem>>) offsets(%dma_start3A_182 : memref<64xi32, #tpu.memory_space<vmem>>) semaphore(%arg14 : memref<!tpu.dma_semaphore, #tpu.memory_space<semaphore_mem>>)
      } else {
      }
      %scan3A_179 = arith.constant 0 : i32
      scf.yield %scan3A_179 : i32
    }
    %scan3A_89 = arith.constant 20 : i32
    %barrier3A_90 = arith.constant 0 : index
    tpu.barrier barrier_id(%barrier3A_90)
    %mul3A_91 = arith.constant 640 : i32
    %mul3A_92 = arith.muli %arg1, %mul3A_91 : i32
    %mul3A_93 = arith.constant 640 : i32
    %mul3A_94 = arith.muli %arg1, %mul3A_93 : i32
    "tpu.region"() ({
      %run_scoped3A = tpu.sem_alloc : memref<!tpu.dma_semaphore, #tpu.memory_space<semaphore_mem>>
      %dma_start3A_95 = arith.constant 0 : i32
      %dma_start3A_96 = tpu.memref_slice %arg4[%arg0, %mul3A_94, %dma_start3A_95] : memref<2x10240x128xf32, #tpu.memory_space<hbm>> -> memref<1x640x128xf32, #tpu.memory_space<hbm>>
      %dma_start3A_97 = tpu.memref_squeeze %dma_start3A_96 : memref<1x640x128xf32, #tpu.memory_space<hbm>> -> memref<640x128xf32, #tpu.memory_space<hbm>>
      %dma_start3A_98 = arith.constant 0 : i32
      %dma_start3A_99 = tpu.memref_slice %arg10[%mul3A_92, %dma_start3A_98] : memref<10240x128xf32, #tpu.memory_space<vmem_shared>> -> memref<640x128xf32, #tpu.memory_space<vmem_shared>>
      tpu.enqueue_dma source(%dma_start3A_99 : memref<640x128xf32, #tpu.memory_space<vmem_shared>>) target(%dma_start3A_97 : memref<640x128xf32, #tpu.memory_space<hbm>>) target_semaphore(%run_scoped3A : memref<!tpu.dma_semaphore, #tpu.memory_space<semaphore_mem>>)
      %dma_wait3A = arith.constant 0 : i32
      %dma_wait3A_100 = tpu.memref_slice %arg4[%arg0, %mul3A_94, %dma_wait3A] : memref<2x10240x128xf32, #tpu.memory_space<hbm>> -> memref<1x640x128xf32, #tpu.memory_space<hbm>>
      %dma_wait3A_101 = tpu.memref_squeeze %dma_wait3A_100 : memref<1x640x128xf32, #tpu.memory_space<hbm>> -> memref<640x128xf32, #tpu.memory_space<hbm>>
      %dma_wait3A_102 = arith.constant 0 : i32
      %dma_wait3A_103 = tpu.memref_slice %arg10[%mul3A_92, %dma_wait3A_102] : memref<10240x128xf32, #tpu.memory_space<vmem_shared>> -> memref<640x128xf32, #tpu.memory_space<vmem_shared>>
      tpu.wait_dma2 semaphore(%run_scoped3A : memref<!tpu.dma_semaphore, #tpu.memory_space<semaphore_mem>>) src(%dma_wait3A_103 : memref<640x128xf32, #tpu.memory_space<vmem_shared>>) dst(%dma_wait3A_101 : memref<640x128xf32, #tpu.memory_space<hbm>>)
      tpu.yield
    }) : () -> ()
    return
  }
}

module attributes {stable_mosaic.version = 14 : i64} {
  func.func @body(%arg0: memref<10240x128xf32, #tpu.memory_space<vmem>>, %arg1: memref<128x128xf32, #tpu.memory_space<vmem>>, %arg2: memref<10240x128xf32, #tpu.memory_space<vmem>>) attributes {dimension_semantics = [], scalar_prefetch = 0 : i64, scratch_operands = 0 : i64, tpu.core_type = #tpu.core_type<tc>} {
    %get3A = arith.constant 0 : index
    %get3A_0 = arith.constant 0 : index
    %get3A_1 = vector.load %arg0[%get3A, %get3A_0] : memref<10240x128xf32, #tpu.memory_space<vmem>>, vector<10240x128xf32>
    %get3A_2 = arith.constant 0 : index
    %get3A_3 = arith.constant 0 : index
    %get3A_4 = vector.load %arg1[%get3A_2, %get3A_3] : memref<128x128xf32, #tpu.memory_space<vmem>>, vector<128x128xf32>
    %dot_general3A = arith.constant dense<0.000000e+00> : vector<10240x128xf32>
    %dot_general3A_5 = tpu.matmul %get3A_1, %get3A_4, %dot_general3A {dimension_numbers = #tpu.dot_dimension_numbers<[1], [0], [0], [1], [0, 0, 1, 1], [], []>, transpose_lhs_hint = false} : vector<10240x128xf32>, vector<128x128xf32>, vector<10240x128xf32> -> vector<10240x128xf32>
    %swap3A = arith.constant 0 : index
    %swap3A_6 = arith.constant 0 : index
    %swap3A_7 = vector.load %arg2[%swap3A, %swap3A_6] : memref<10240x128xf32, #tpu.memory_space<vmem>>, vector<10240x128xf32>
    tpu.vector_store %arg2[%swap3A, %swap3A_6], %dot_general3A_5 {strides = array<i32>} : memref<10240x128xf32, #tpu.memory_space<vmem>>, vector<10240x128xf32>,
    return
  }
}

module attributes {stable_mosaic.version = 14 : i64} {
  func.func @body(%arg0: memref<10240x128xf32, #tpu.memory_space<vmem>>, %arg1: memref<2x10240x128xf32, #tpu.memory_space<vmem>>, %arg2: memref<10240x128xf32, #tpu.memory_space<vmem>>, %arg3: memref<10240x16xf32, #tpu.memory_space<vmem>>) attributes {dimension_semantics = [], scalar_prefetch = 0 : i64, scratch_operands = 0 : i64, tpu.core_type = #tpu.core_type<tc>} {
    %get3A = arith.constant 0 : index
    %get3A_0 = arith.constant 0 : index
    %get3A_1 = arith.constant 0 : index
    %get3A_2 = vector.load %arg1[%get3A, %get3A_0, %get3A_1] : memref<2x10240x128xf32, #tpu.memory_space<vmem>>, vector<1x10240x16xf32>
    %get3A_3 = vector.shape_cast %get3A_2 : vector<1x10240x16xf32> to vector<10240x16xf32>
    %get3A_4 = arith.constant 1 : index
    %get3A_5 = arith.constant 0 : index
    %get3A_6 = arith.constant 0 : index
    %get3A_7 = vector.load %arg1[%get3A_4, %get3A_5, %get3A_6] : memref<2x10240x128xf32, #tpu.memory_space<vmem>>, vector<1x10240x16xf32>
    %get3A_8 = vector.shape_cast %get3A_7 : vector<1x10240x16xf32> to vector<10240x16xf32>
    %add3A = arith.addf %get3A_3, %get3A_8 : vector<10240x16xf32>
    %add3A_9 = arith.constant 1.000000e+00 : f32
    %add3A_10 = vector.broadcast %add3A_9 : f32 to vector<10240x16xf32>
    %add3A_11 = arith.addf %add3A, %add3A_10 : vector<10240x16xf32>
    %rsqrt3A = math.rsqrt %add3A_11 : vector<10240x16xf32>
    %swap3A = arith.constant 0 : index
    %swap3A_12 = arith.constant 0 : index
    %swap3A_13 = vector.load %arg3[%swap3A, %swap3A_12] : memref<10240x16xf32, #tpu.memory_space<vmem>>, vector<10240x16xf32>
    tpu.vector_store %arg3[%swap3A, %swap3A_12], %rsqrt3A {strides = array<i32>} : memref<10240x16xf32, #tpu.memory_space<vmem>>, vector<10240x16xf32>,
    %slice3A = vector.extract_strided_slice %rsqrt3A {offsets = [0, 0], sizes = [10240, 1], strides = [1, 1]} : vector<10240x16xf32> to vector<10240x1xf32>
    %get3A_14 = arith.constant 0 : index
    %get3A_15 = arith.constant 0 : index
    %get3A_16 = vector.load %arg0[%get3A_14, %get3A_15] : memref<10240x128xf32, #tpu.memory_space<vmem>>, vector<10240x128xf32>
    %mul3A = vector.broadcast %slice3A : vector<10240x1xf32> to vector<10240x128xf32>
    %mul3A_17 = arith.mulf %mul3A, %get3A_16 : vector<10240x128xf32>
    %swap3A_18 = arith.constant 0 : index
    %swap3A_19 = arith.constant 0 : index
    %swap3A_20 = vector.load %arg2[%swap3A_18, %swap3A_19] : memref<10240x128xf32, #tpu.memory_space<vmem>>, vector<10240x128xf32>
    tpu.vector_store %arg2[%swap3A_18, %swap3A_19], %mul3A_17 {strides = array<i32>} : memref<10240x128xf32, #tpu.memory_space<vmem>>, vector<10240x128xf32>,
    return
  }
}

module attributes {stable_mosaic.version = 14 : i64} {
  func.func @body(%arg0: memref<2x10240x128xf32, #tpu.memory_space<vmem>>, %arg1: memref<10240x128xf32, #tpu.memory_space<vmem>>, %arg2: memref<10240x16xf32, #tpu.memory_space<vmem>>, %arg3: memref<1x128xf32, #tpu.memory_space<vmem>>, %arg4: memref<128x128xf32, #tpu.memory_space<vmem>>, %arg5: memref<10240x128xf32, #tpu.memory_space<vmem>>) attributes {dimension_semantics = [], scalar_prefetch = 0 : i64, scratch_operands = 0 : i64, tpu.core_type = #tpu.core_type<tc>} {
    %get3A = arith.constant 0 : index
    %get3A_0 = arith.constant 0 : index
    %get3A_1 = vector.load %arg2[%get3A, %get3A_0] : memref<10240x16xf32, #tpu.memory_space<vmem>>, vector<10240x1xf32>
    %get3A_2 = arith.constant 0 : index
    %get3A_3 = arith.constant 0 : index
    %get3A_4 = arith.constant 0 : index
    %get3A_5 = vector.load %arg0[%get3A_2, %get3A_3, %get3A_4] : memref<2x10240x128xf32, #tpu.memory_space<vmem>>, vector<1x10240x128xf32>
    %get3A_6 = vector.shape_cast %get3A_5 : vector<1x10240x128xf32> to vector<10240x128xf32>
    %get3A_7 = arith.constant 1 : index
    %get3A_8 = arith.constant 0 : index
    %get3A_9 = arith.constant 0 : index
    %get3A_10 = vector.load %arg0[%get3A_7, %get3A_8, %get3A_9] : memref<2x10240x128xf32, #tpu.memory_space<vmem>>, vector<1x10240x128xf32>
    %get3A_11 = vector.shape_cast %get3A_10 : vector<1x10240x128xf32> to vector<10240x128xf32>
    %add3A = arith.addf %get3A_6, %get3A_11 : vector<10240x128xf32>
    %get3A_12 = arith.constant 0 : index
    %get3A_13 = arith.constant 0 : index
    %get3A_14 = vector.load %arg1[%get3A_12, %get3A_13] : memref<10240x128xf32, #tpu.memory_space<vmem>>, vector<10240x128xf32>
    %add3A_15 = arith.addf %add3A, %get3A_14 : vector<10240x128xf32>
    %mul3A = vector.broadcast %get3A_1 : vector<10240x1xf32> to vector<10240x128xf32>
    %mul3A_16 = arith.mulf %mul3A, %add3A_15 : vector<10240x128xf32>
    %get3A_17 = arith.constant 0 : index
    %get3A_18 = arith.constant 0 : index
    %get3A_19 = vector.load %arg3[%get3A_17, %get3A_18] : memref<1x128xf32, #tpu.memory_space<vmem>>, vector<1x128xf32>
    %add3A_20 = vector.broadcast %get3A_19 : vector<1x128xf32> to vector<10240x128xf32>
    %add3A_21 = arith.addf %mul3A_16, %add3A_20 : vector<10240x128xf32>
    %max3A = arith.constant 0.000000e+00 : f32
    %max3A_22 = vector.broadcast %max3A : f32 to vector<10240x128xf32>
    %max3A_23 = arith.maximumf %add3A_21, %max3A_22 : vector<10240x128xf32>
    %get3A_24 = arith.constant 0 : index
    %get3A_25 = arith.constant 0 : index
    %get3A_26 = vector.load %arg4[%get3A_24, %get3A_25] : memref<128x128xf32, #tpu.memory_space<vmem>>, vector<128x128xf32>
    %dot_general3A = arith.constant dense<0.000000e+00> : vector<10240x128xf32>
    %dot_general3A_27 = tpu.matmul %max3A_23, %get3A_26, %dot_general3A {dimension_numbers = #tpu.dot_dimension_numbers<[1], [0], [0], [1], [0, 0, 1, 1], [], []>, transpose_lhs_hint = false} : vector<10240x128xf32>, vector<128x128xf32>, vector<10240x128xf32> -> vector<10240x128xf32>
    %mul3A_28 = vector.broadcast %get3A_1 : vector<10240x1xf32> to vector<10240x128xf32>
    %mul3A_29 = arith.mulf %mul3A_28, %dot_general3A_27 : vector<10240x128xf32>
    %swap3A = arith.constant 0 : index
    %swap3A_30 = arith.constant 0 : index
    %swap3A_31 = vector.load %arg5[%swap3A, %swap3A_30] : memref<10240x128xf32, #tpu.memory_space<vmem>>, vector<10240x128xf32>
    tpu.vector_store %arg5[%swap3A, %swap3A_30], %mul3A_29 {strides = array<i32>} : memref<10240x128xf32, #tpu.memory_space<vmem>>, vector<10240x128xf32>,
    return
  }
}

module attributes {stable_mosaic.version = 14 : i64} {
  func.func @body(%arg0: memref<2x10240x128xf32, #tpu.memory_space<vmem>>, %arg1: memref<10240x128xf32, #tpu.memory_space<vmem>>, %arg2: memref<10240x16xf32, #tpu.memory_space<vmem>>, %arg3: memref<1x128xf32, #tpu.memory_space<vmem>>, %arg4: memref<128x32xf32, #tpu.memory_space<vmem>>, %arg5: memref<1x32xf32, #tpu.memory_space<vmem>>, %arg6: memref<32x8xf32, #tpu.memory_space<vmem>>, %arg7: memref<1x8xf32, #tpu.memory_space<vmem>>, %arg8: memref<1x8xf32, #tpu.memory_space<vmem>>) attributes {dimension_semantics = [], scalar_prefetch = 0 : i64, scratch_operands = 0 : i64, tpu.core_type = #tpu.core_type<tc>} {
    %get3A = arith.constant 0 : index
    %get3A_0 = arith.constant 0 : index
    %get3A_1 = vector.load %arg2[%get3A, %get3A_0] : memref<10240x16xf32, #tpu.memory_space<vmem>>, vector<10240x1xf32>
    %get3A_2 = arith.constant 0 : index
    %get3A_3 = arith.constant 0 : index
    %get3A_4 = arith.constant 0 : index
    %get3A_5 = vector.load %arg0[%get3A_2, %get3A_3, %get3A_4] : memref<2x10240x128xf32, #tpu.memory_space<vmem>>, vector<1x10240x128xf32>
    %get3A_6 = vector.shape_cast %get3A_5 : vector<1x10240x128xf32> to vector<10240x128xf32>
    %get3A_7 = arith.constant 1 : index
    %get3A_8 = arith.constant 0 : index
    %get3A_9 = arith.constant 0 : index
    %get3A_10 = vector.load %arg0[%get3A_7, %get3A_8, %get3A_9] : memref<2x10240x128xf32, #tpu.memory_space<vmem>>, vector<1x10240x128xf32>
    %get3A_11 = vector.shape_cast %get3A_10 : vector<1x10240x128xf32> to vector<10240x128xf32>
    %add3A = arith.addf %get3A_6, %get3A_11 : vector<10240x128xf32>
    %get3A_12 = arith.constant 0 : index
    %get3A_13 = arith.constant 0 : index
    %get3A_14 = vector.load %arg1[%get3A_12, %get3A_13] : memref<10240x128xf32, #tpu.memory_space<vmem>>, vector<10240x128xf32>
    %add3A_15 = arith.addf %add3A, %get3A_14 : vector<10240x128xf32>
    %mul3A = vector.broadcast %get3A_1 : vector<10240x1xf32> to vector<10240x128xf32>
    %mul3A_16 = arith.mulf %mul3A, %add3A_15 : vector<10240x128xf32>
    %get3A_17 = arith.constant 0 : index
    %get3A_18 = arith.constant 0 : index
    %get3A_19 = vector.load %arg3[%get3A_17, %get3A_18] : memref<1x128xf32, #tpu.memory_space<vmem>>, vector<1x128xf32>
    %add3A_20 = vector.broadcast %get3A_19 : vector<1x128xf32> to vector<10240x128xf32>
    %add3A_21 = arith.addf %mul3A_16, %add3A_20 : vector<10240x128xf32>
    %max3A = arith.constant 0.000000e+00 : f32
    %max3A_22 = vector.broadcast %max3A : f32 to vector<10240x128xf32>
    %max3A_23 = arith.maximumf %add3A_21, %max3A_22 : vector<10240x128xf32>
    %iota3A = tpu.iota {dimensions = array<i32: 0>} : vector<10240x128xi32>
    %lt3A = arith.constant 10000 : i32
    %lt3A_24 = vector.broadcast %lt3A : i32 to vector<10240x128xi32>
    %lt3A_25 = arith.cmpi slt, %iota3A, %lt3A_24 : vector<10240x128xi32>
    %jit3A = arith.constant 0.000000e+00 : f32
    %broadcast_in_dim3A = vector.broadcast %jit3A : f32 to vector<10240x128xf32>
    %select_n3A = arith.select %lt3A_25, %max3A_23, %broadcast_in_dim3A : vector<10240x128xi1>, vector<10240x128xf32>
    %reduce_sum3A = arith.constant dense<0.000000e+00> : vector<128xf32>
    %reduce_sum3A_26 = vector.multi_reduction <add>, %select_n3A, %reduce_sum3A [0] : vector<10240x128xf32> to vector<128xf32>
    %broadcast_in_dim3A_27 = vector.shape_cast %reduce_sum3A_26 : vector<128xf32> to vector<1x128xf32>
    %get3A_28 = arith.constant 0 : index
    %get3A_29 = arith.constant 0 : index
    %get3A_30 = vector.load %arg4[%get3A_28, %get3A_29] : memref<128x32xf32, #tpu.memory_space<vmem>>, vector<128x32xf32>
    %dot_general3A = arith.constant dense<0.000000e+00> : vector<1x32xf32>
    %dot_general3A_31 = tpu.matmul %broadcast_in_dim3A_27, %get3A_30, %dot_general3A {dimension_numbers = #tpu.dot_dimension_numbers<[1], [0], [0], [1], [0, 0, 1, 1], [], []>, transpose_lhs_hint = false} : vector<1x128xf32>, vector<128x32xf32>, vector<1x32xf32> -> vector<1x32xf32>
    %get3A_32 = arith.constant 0 : index
    %get3A_33 = arith.constant 0 : index
    %get3A_34 = vector.load %arg5[%get3A_32, %get3A_33] : memref<1x32xf32, #tpu.memory_space<vmem>>, vector<1x32xf32>
    %add3A_35 = arith.addf %dot_general3A_31, %get3A_34 : vector<1x32xf32>
    %max3A_36 = arith.constant 0.000000e+00 : f32
    %max3A_37 = vector.broadcast %max3A_36 : f32 to vector<1x32xf32>
    %max3A_38 = arith.maximumf %add3A_35, %max3A_37 : vector<1x32xf32>
    %get3A_39 = arith.constant 0 : index
    %get3A_40 = arith.constant 0 : index
    %get3A_41 = vector.load %arg6[%get3A_39, %get3A_40] : memref<32x8xf32, #tpu.memory_space<vmem>>, vector<32x8xf32>
    %dot_general3A_42 = arith.constant dense<0.000000e+00> : vector<1x8xf32>
    %dot_general3A_43 = tpu.matmul %max3A_38, %get3A_41, %dot_general3A_42 {dimension_numbers = #tpu.dot_dimension_numbers<[1], [0], [0], [1], [0, 0, 1, 1], [], []>, transpose_lhs_hint = false} : vector<1x32xf32>, vector<32x8xf32>, vector<1x8xf32> -> vector<1x8xf32>
    %get3A_44 = arith.constant 0 : index
    %get3A_45 = arith.constant 0 : index
    %get3A_46 = vector.load %arg7[%get3A_44, %get3A_45] : memref<1x8xf32, #tpu.memory_space<vmem>>, vector<1x8xf32>
    %add3A_47 = arith.addf %dot_general3A_43, %get3A_46 : vector<1x8xf32>
    %swap3A = arith.constant 0 : index
    %swap3A_48 = arith.constant 0 : index
    %swap3A_49 = vector.load %arg8[%swap3A, %swap3A_48] : memref<1x8xf32, #tpu.memory_space<vmem>>, vector<1x8xf32>
    tpu.vector_store %arg8[%swap3A, %swap3A_48], %add3A_47 {strides = array<i32>} : memref<1x8xf32, #tpu.memory_space<vmem>>, vector<1x8xf32>,
    return
  }
}

</mosaic_0001>

<sc_bundles>
// kernel: kernel.11.cloned.1.call-start
scs
__scs_entry_jumppad:
0x0: {  	(pc) =	sbr.rel $0x88, $3  }
0x1: {  	(tag) =	ssettag $0x0;
	lr =	simm.s32 $0x1  }
0x2: {  	[smem:$0x3F95] =	sst lr;
	_ =	strace $0xD0000000  }
0x3: {  	_ = 	snop  }
0x4: {  	_ = 	snop  }
0x5: {  	_ = 	snop  }
0x6: {  	_ = 	snop  }
0x7: {  	_ = 	snop  }
__scs_overlays_trampoline_lowered:
0x8: {  	[smem:$0x3FA4] =	sst s0  }
0x9: {  	[smem:$0x3FA5] =	sst s1  }
0xa: {  	[smem:$0x3FA6] =	sst s2  }
0xb: {  	[smem:$0x3FA7] =	sst s3  }
0xc: {  	[smem:$0x3FA8] =	sst s4  }
0xd: {  	[smem:$0x3FA9] =	sst s5  }
0xe: {  	[smem:$0x3FAA] =	sst s6  }
0xf: {  	[smem:$0x3FAB] =	sst s7  }
0x10: {  	[smem:$0x3FAC] =	sst s8  }
0x11: {  	[smem:$0x3FAD] =	sst s9;
	s0 =	simm.s32 @!p0 $0x0  }
0x12: {  	s1 =	sld [smem:$0x3F93];
	s0 =	simm.s32 @p0 $0x1  }
0x13: {  	[smem:$0x3FAE] =	sst s0;
	s0 =	simm.s32 @!p1 $0x0  }
0x14: {  	s2 =	sld [smem:$0x3F92];
	s0 =	simm.s32 @p1 $0x1  }
0x15: {  	[smem:$0x3FAF] =	sst s0;
	s0 =	simm.s32 @!p2 $0x0  }
0x16: {  	s3 =	sld [smem:$0x3FDB];
	s0 =	simm.s32 @p2 $0x1  }
0x17: {  	s4 =	simm.s32 $0x1BF5;
	[smem:$0x3FB1] =	sst s0  }
0x18: {  	s0 =	sld [smem:$0x3F94];
	_ =	swait.ge [sflag:s4], $0x0  }
0x19: {  	s7 =	sld [smem:$0x3F95]  }
0x1a: {  	s8 =	sadd.s32 $0xFFFFE003, lr  }
0x1b: {  	s9 =	sadd.s32 $0xFFFFFEF7, lr;
	s5 =	simm.s32 $0xFFFFFFFF;
	p2 =	slt.u32 s8, $0xFFFFF086  }
0x1c: {  	p1 =	slt.u32 s9, $0xF7A;
	s5 =	simm.s32 @!p2 $0x0  }
0x1d: {  	s5 =	simm.s32 @p1 $0x1;
	p0 =	seq.s32 s7, s2  }
0x1e: {  	s7 =	smul.u32 @!p0 $0xF7A, s2;
	p2 =	seq.s32 @!p0 s5, $0x0  }
0x1f: {  	s9 =	smul.u32 $0xF7A, s1;
	s8 =	simm.s32 @!p0 $0x1BF5;
	p2 =	por !p2, p0  }
0x20: {  	[sflag:s8] =	ssyncset.s32 @!p0 $0xFFFFF086;
	s6 =	sadd.s32 @!p0 s3, s7;
	s7 =	simm.s32 @!p0 $0x108  }
0x21: {  	s3 =	sadd.s32 s3, s9;
	s6 =	sadd.s32 @!p0 $0x88, s6;
	s7 =	simm.s32 @p2 $0x1082  }
0x22: {  	[simem:s7], [sflag:s8] =	dma.local @!p0 [hbm:s6], $0xF7A  }
0x23: {  	s9 =	sor.u32 $0xD0000000, s2;
	s6 =	simm.s32 $0x108;
	_ =	swait.ge @!p0 [sflag:s8], $0x0  }
0x24: {  	s3 =	sadd.s32 $0x88, s3;
	s6 =	simm.s32 @!p1 $0x1082;
	[sflag:s4] =	ssyncset.s32 $0xFFFFF086  }
0x25: {  	[simem:s6], [sflag:s4] =	dma.local [hbm:s3], $0xF7A  }
0x26: {  	[smem:$0x3F95] =	sst s1;
	(tag) =	ssettag s2;
	_ =	strace s9  }
0x27: {  	s1 =	sld [smem:$0x3FA5]  }
0x28: {  	s2 =	sld [smem:$0x3FA6]  }
0x29: {  	s4 =	sld [smem:$0x3FA8]  }
0x2a: {  	p0 =	seq.s32 s5, $0x0;
	s5 =	sld [smem:$0x3FA9]  }
0x2b: {  	s6 =	sld [smem:$0x3FAA]  }
0x2c: {  	s7 =	sld [smem:$0x3FAB]  }
0x2d: {  	s3 =	simm.s32 $0x108;
	s8 =	sld [smem:$0x3FAC]  }
0x2e: {  	s3 =	simm.s32 @!p0 $0x1082;
	s9 =	sld [smem:$0x3FAD]  }
0x2f: {  	lr =	sadd.s32 s0, s3;
	s0 =	sld [smem:$0x3FA4]  }
0x30: {  	s3 =	sld [smem:$0x3FA7]  }
0x31: {  	[smem:$0x3FB0] =	sst s10  }
0x32: {  	s10 =	sld [smem:$0x3FAE];
	_ =	sdelay $0x3  }
0x33: {  	p0 =	seq.s32 s10, $0x1;
	s10 =	sld [smem:$0x3FB0];
	_ =	sdelay $0x3  }
0x34: {  	[smem:$0x3FB0] =	sst s10  }
0x35: {  	s10 =	sld [smem:$0x3FAF];
	_ =	sdelay $0x3  }
0x36: {  	p1 =	seq.s32 s10, $0x1;
	s10 =	sld [smem:$0x3FB0];
	_ =	sdelay $0x3  }
0x37: {  	[smem:$0x3FB0] =	sst s10  }
0x38: {  	s10 =	sld [smem:$0x3FB1]  }
0x39: {  	_ = 	snop;
	(pc) =	sbr.ind lr, $3  }
0x3a: {  	_ = 	snop  }
0x3b: {  	_ = 	snop  }
0x3c: {  	p2 =	seq.s32 s10, $0x1;
	s10 =	sld [smem:$0x3FB0]  }
0x3d: {  	_ =	shalt  }
0x3e: {  	_ =	shalt  }
0x3f: {  	_ =	shalt  }
0x40: {  	_ =	shalt  }
0x41: {  	_ =	shalt  }
0x42: {  	_ =	shalt  }
0x43: {  	_ =	shalt  }
0x44: {  	_ =	shalt  }
0x45: {  	_ =	shalt  }
0x46: {  	_ =	shalt  }
0x47: {  	_ =	shalt  }
0x48: {  	_ =	shalt  }
0x49: {  	_ =	shalt  }
0x4a: {  	_ =	shalt  }
0x4b: {  	_ =	shalt  }
0x4c: {  	_ =	shalt  }
0x4d: {  	_ =	shalt  }
0x4e: {  	_ =	shalt  }
0x4f: {  	_ =	shalt  }
0x50: {  	_ =	shalt  }
0x51: {  	_ =	shalt  }
0x52: {  	_ =	shalt  }
0x53: {  	_ =	shalt  }
0x54: {  	_ =	shalt  }
0x55: {  	_ =	shalt  }
0x56: {  	_ =	shalt  }
0x57: {  	_ =	shalt  }
0x58: {  	_ =	shalt  }
0x59: {  	_ =	shalt  }
0x5a: {  	_ =	shalt  }
0x5b: {  	_ =	shalt  }
0x5c: {  	_ =	shalt  }
0x5d: {  	_ =	shalt  }
0x5e: {  	_ =	shalt  }
0x5f: {  	_ =	shalt  }
0x60: {  	_ =	shalt  }
0x61: {  	_ =	shalt  }
0x62: {  	_ =	shalt  }
0x63: {  	_ =	shalt  }
0x64: {  	_ =	shalt  }
0x65: {  	_ =	shalt  }
0x66: {  	_ =	shalt  }
0x67: {  	_ =	shalt  }
0x68: {  	_ =	shalt  }
0x69: {  	_ =	shalt  }
0x6a: {  	_ =	shalt  }
0x6b: {  	_ =	shalt  }
0x6c: {  	_ =	shalt  }
0x6d: {  	_ =	shalt  }
0x6e: {  	_ =	shalt  }
0x6f: {  	_ =	shalt  }
0x70: {  	_ =	shalt  }
0x71: {  	_ =	shalt  }
0x72: {  	_ =	shalt  }
0x73: {  	_ =	shalt  }
0x74: {  	_ =	shalt  }
0x75: {  	_ =	shalt  }
0x76: {  	_ =	shalt  }
0x77: {  	_ =	shalt  }
0x78: {  	_ =	shalt  }
0x79: {  	_ =	shalt  }
0x7a: {  	_ =	shalt  }
0x7b: {  	_ =	shalt  }
0x7c: {  	_ =	shalt  }
0x7d: {  	_ =	shalt  }
0x7e: {  	_ =	shalt  }
0x7f: {  	_ =	shalt  }
0x80: {  	_ =	shalt  }
0x81: {  	_ =	shalt  }
0x82: {  	_ =	shalt  }
0x83: {  	_ =	shalt  }
0x84: {  	_ =	shalt  }
0x85: {  	_ =	shalt  }
0x86: {  	_ =	shalt  }
0x87: {  	_ =	shalt  }
.Lfunc_end0:
.L_simem_size_0:
called_computation_lowered:
.L_overlay_start_0:
0x88: {  	s2 =	sld [smem:$0x3FD9]  }
0x89: {  	s3 =	sld [smem:$0x3FFE];
	_ =	sdelay $0x1  }
0x8a: {  	s1 =	srdreg.scid  }
0x8b: {  	s0 =	sand.u32 $0x1, s1  }
0x8c: {  	s16 =	sshll.u32 s0, $0xA;
	s2 =	sadd.s32 s3, s2  }
0x8d: {  	s2 =	sadd.s32 s2, s16  }
0x8e: {  	[smem:$0x3FBC] =	sst s2  }
0x8f: {  	_ = 	snop  }
0x90: {  	(tm) =	ssettm $0x1  }
0x91: {  	s17 =	sld [smem:$0x3FFB];
	_ =	sdelay $0x3  }
0x92: {  	_ =	strace s17  }
0x93: {  	s2 =	sld [smem:$0x3FFC];
	_ =	sdelay $0x3  }
0x94: {  	_ =	strace s2  }
0x95: {  	s2 =	sld [smem:$0x3FFD];
	_ =	sdelay $0x3  }
0x96: {  	_ =	strace s2  }
0x97: {  	_ =	strace $0x8FFFFFFF  }
0x98: {  	s18 =	sld [smem:$0x3FDB];
	_ =	sdelay $0x1  }
0x99: {  	s19 =	simm.s32 $_scs_section_size  }
0x9a: {  	s4 =	simm.s32 $_size__tile_overlayer_lowered;
	s5 =	simm.s32 $_tile_overlayer_lowered  }
0x9b: {  	s22 =	simm.s32 $0x1BFF;
	s21 =	sshll.u32 s5, $0x1;
	s2 =	sadd.s32 s19, s18  }
0x9c: {  	s6 =	simm.s32 $0x0;
	s20 =	sshll.u32 s4, $0x1;
	s4 =	sadd.s32 s21, s2  }
0x9d: {  	[timem:s6], [sflag:s22] =	dma.local [hbm:s4], s20  }
0x9e: {  	_ =	swait.ge [sflag:s22], s20  }
0x9f: {  	s3 =	ssub.s32 $0x0, s20;
	[sflag:s22] =	ssyncset.done $0x0  }
0xa0: {  	[sflag:s22] =	ssyncadd.s32 s3;
	_ =	sdelay $0x1  }
0xa1: {  	s23 =	simm.s32 $0x1B8B  }
0xa2: {  	_ =	swait.ge [sflag:s23], $0x1  }
0xa3: {  	[sflag:s23] =	ssyncset.done $0x0  }
0xa4: {  	s25 =	simm.s32 $0x1B8E;
	s24 =	sld [smem:$0x3FFE];
	[sflag:s23] =	ssyncadd.s32 $0xFFFFFFFF  }
0xa5: {  	s26 =	simm.s32 $execute0_lowered;
	[smem:$0x3FD2] =	sst s25  }
0xa6: {  	s4 =	sshll.u32 s26, $0x1;
	_ =	strace $0x80000046;
	[dreg:$0x1] =	wrdreg $0xFFFFFFFF  }
0xa7: {  	s28 =	simm.s32 $_size_execute0_lowered;
	s2 =	sadd.s32 s2, s4;
	[dreg:$0x0] =	wrdreg $0x0  }
0xa8: {  	s4 =	sshll.u32 s28, $0x1;
	[dreg:$0x2] =	wrdreg s2  }
0xa9: {  	[dreg:$0x3] =	wrdreg s4  }
0xaa: {  	[dreg:$0x4] =	wrdreg $0xC0  }
0xab: {  	_ =	task [dreg:s6], $0x5FFFF  }
0xac: {  	[dreg:$0x1] =	wrdreg $0xFFFFFFFF  }
0xad: {  	[dreg:$0x0] =	wrdreg $0x60  }
0xae: {  	[dreg:$0x2] =	wrdreg s24  }
0xaf: {  	[dreg:$0x3] =	wrdreg $0x70000  }
0xb0: {  	[dreg:$0x4] =	wrdreg $0x9  }
0xb1: {  	_ =	task.clear_ibuf [dreg:s6], $0x5FFFF;
	_ =	strace $0x90000046  }
0xb2: {  	s29 =	simm.s32 $0x9;
	_ =	strace $0x80000048  }
0xb3: {  	_ =	swait.ge [sflag:s29], $0x1  }
0xb4: {  	[sflag:s29] =	ssyncadd.s32 $0xFFFFFFFF  }
0xb5: {  	_ =	strace $0x90000048  }
0xb6: {  	_ =	sfence  }
0xb7: {  	s30 =	sld [smem:$0x0];
	_ =	sdelay $0x2  }
0xb8: {  	s31 =	sshll.u32 s1, $0xD;
	s1 =	sshrl.u32 s1, $0x2  }
0xb9: {  	s3 =	sand.u32 $0x4000, s31;
	s1 =	sadd.s32 s1, s30  }
0xba: {  	s0 =	sor.u32 s3, s0;
	s1 =	sshll.u32 s1, $0x11  }
0xbb: {  	s0 =	sor.u32 s1, s0  }
0xbc: {  	s0 =	sadd.s32 $0x8F2B, s0  }
0xbd: {  	[sflag:s0] =	ssyncadd.remote.s32 $0x1  }
0xbe: {  	_ =	sfence.sel $0xFFFF  }
0xbf: {  	[dreg:$0x0] =	wrdreg $0xFFFFFFFF;
	(pc) =	sbr.abs _section_cstart, $3  }
0xc0: {  	[dreg:$0x1] =	wrdreg $0xFFFFFFFF  }
0xc1: {  	_ =	task.clear_ibuf [dreg:s6], $0x2FFFF;
	_ =	strace $0x9FFFFFFF  }
0xc2: {  	(tm) =	ssettm $0x7FFFFFFF  }
0xc3: {  	_ =	shalt  }
tec
execute0_lowered:
.L_overlay_start_1:
0x0: {  	(tag) =	ssettag $0x1  }
0x1: {  	s4 =	rddreg [dreg:$0x0]  }
0x2: {  	s2 =	rddreg [dreg:$0x1]  }
0x3: {  	s1 =	srdreg.scid;
	s0 =	rddreg [dreg:$0x2]  }
0x4: {  	s3 =	simm.s32 $0x0;
	s17 =	simm.s32 $0x5000;
	s18 =	simm.s32 $0x1  }
0x5: {  	s19 =	simm.s32 $0x40;
	s5 =	sand.u32 $0x1, s1;
	s1 =	stileid.u32  }
0x6: {  	s22 =	simm.s32 $0x0;
	[smem:$0x7FF] =	sst s3;
	s7 =	smul.u32 $0x140000, s5  }
0x7: {  	s6 =	sshll.u32 s5, $0x4;
	s8 =	smul.u32 $0x14000, s1;
	_ =	strace $0x80000047  }
0x8: {  	s30 =	smul.u32 $0x50000, s1;
	s5 =	ssub.s32 $0x2, s5;
	s6 =	sor.u32 s1, s6  }
0x9: {  	s20 =	sshll.u32 s1, $0x6;
	s31 =	sshrl.u32 s5, $0x1;
	s6 =	smul.u32 $0xA00, s6  }
0xa: {  	s20 =	sor.u32 $0x1C01, s20;
	s7 =	sadd.s32 s8, s7;
	s8 =	sshrl.u32 s30, $0x2  }
0xb: {  	s9 =	ssub.s32 s5, s31;
	s7 =	sshrl.u32 s7, $0x3;
	s6 =	sadd.s32 s6, s4  }
0xc: {  	s7 =	sadd.s32 s7, s4;
	s4 =	sadd.s32 s8, s2;
	s5 =	sadd.s32 $0x3E00, s6  }
0xd: {  	s6 =	sadd.s32 $0x17E00, s7;
	s7 =	smax.u32 s9, $0x1;
	s8 =	sadd.s32 $0x2000, s4  }
0xe: {  	s9 =	sadd.s32 $0x4000, s4;
	s10 =	sadd.s32 $0x6000, s4;
	s11 =	sadd.s32 $0x8000, s4  }
0xf: {  	s12 =	sadd.s32 $0xA000, s4;
	s13 =	sadd.s32 $0xC000, s4;
	s14 =	sadd.s32 $0xE000, s4  }
0x10: {  	v0 =	vimm.f32 $0.0e+00;
	v1 =	vimm.f32 $1.000000000e+00;
	s15 =	sadd.s32 $0x10000, s4;
	s16 =	sadd.s32 $0x12000, s4;
	s21 =	sshrl.u32 s4, $0x3  }
.LBB2_1:
0x11: {  	s23 =	sand.u32 $0x7E00, s3  }
0x12: {  	s24 =	sand.u32 $0x70, s3;
	s25 =	sshrl.u32 s23, $0x2  }
0x13: {  	s23 =	simm.s32 $0x40;
	s25 =	sor.u32 s24, s25;
	s24 =	simm.s32 $0x0  }
.LBB2_2:
0x14: {  	p0 =	sne.s32 s23, $0x7FC0  }
0x15: {  	[tilespmem:s25+$0x5000] =	vst v0;
	s24 =	sadd.s32 $0x10, s24;
	s25 =	smov.u32 s23;
	s23 =	sadd.s32 $0x40, s23  }
.Ltmp0:
0x16: {  	(pc) =	sbr.rel @p0 .LBB2_2-.Ltmp0, $4  }
0x17: {  	_ = 	snop  }
0x18: {  	s25 =	sand.u32 $0x7E00, s25  }
0x19: {  	s26 =	sand.u32 $0x70, s24;
	s25 =	sshrl.u32 s25, $0x2  }
0x1a: {  	s25 =	sor.u32 s26, s25  }
0x1b: {  	[tilespmem:s25+$0x5000] =	vst v0  }
0x1c: {  	[spmem:s4] =	stream.linear.scatter [tilespmem:s17], [sflag:$0x1], $0x2000, $0x38;
	[tilespmem:$0x1B000] =	vst v63  }
0x1d: {  	_ =	swait.ge [sflag:s18], $0x2000  }
0x1e: {  	[sflag:s18] =	ssyncset.done $0x0  }
0x1f: {  	[sflag:s18] =	ssyncadd.s32 $0xFFFFE000  }
0x20: {  	[spmem:s8] =	stream.linear.scatter [tilespmem:s17], [sflag:$0x1], $0x2000, $0x38;
	[tilespmem:$0x1B000] =	vst v63  }
0x21: {  	_ =	swait.ge [sflag:s18], $0x2000  }
0x22: {  	[sflag:s18] =	ssyncset.done $0x0  }
0x23: {  	[sflag:s18] =	ssyncadd.s32 $0xFFFFE000  }
0x24: {  	[spmem:s9] =	stream.linear.scatter [tilespmem:s17], [sflag:$0x1], $0x2000, $0x38;
	[tilespmem:$0x1B000] =	vst v63  }
0x25: {  	_ =	swait.ge [sflag:s18], $0x2000  }
0x26: {  	[sflag:s18] =	ssyncset.done $0x0  }
0x27: {  	[sflag:s18] =	ssyncadd.s32 $0xFFFFE000  }
0x28: {  	[spmem:s10] =	stream.linear.scatter [tilespmem:s17], [sflag:$0x1], $0x2000, $0x38;
	[tilespmem:$0x1B000] =	vst v63  }
0x29: {  	_ =	swait.ge [sflag:s18], $0x2000  }
0x2a: {  	[sflag:s18] =	ssyncset.done $0x0  }
0x2b: {  	[sflag:s18] =	ssyncadd.s32 $0xFFFFE000  }
0x2c: {  	[spmem:s11] =	stream.linear.scatter [tilespmem:s17], [sflag:$0x1], $0x2000, $0x38;
	[tilespmem:$0x1B000] =	vst v63  }
0x2d: {  	_ =	swait.ge [sflag:s18], $0x2000  }
0x2e: {  	[sflag:s18] =	ssyncset.done $0x0  }
0x2f: {  	[sflag:s18] =	ssyncadd.s32 $0xFFFFE000  }
0x30: {  	[spmem:s12] =	stream.linear.scatter [tilespmem:s17], [sflag:$0x1], $0x2000, $0x38;
	[tilespmem:$0x1B000] =	vst v63  }
0x31: {  	_ =	swait.ge [sflag:s18], $0x2000  }
0x32: {  	[sflag:s18] =	ssyncset.done $0x0  }
0x33: {  	[sflag:s18] =	ssyncadd.s32 $0xFFFFE000  }
0x34: {  	[spmem:s13] =	stream.linear.scatter [tilespmem:s17], [sflag:$0x1], $0x2000, $0x38;
	[tilespmem:$0x1B000] =	vst v63  }
0x35: {  	_ =	swait.ge [sflag:s18], $0x2000  }
0x36: {  	[sflag:s18] =	ssyncset.done $0x0  }
0x37: {  	[sflag:s18] =	ssyncadd.s32 $0xFFFFE000  }
0x38: {  	[spmem:s14] =	stream.linear.scatter [tilespmem:s17], [sflag:$0x1], $0x2000, $0x38;
	[tilespmem:$0x1B000] =	vst v63  }
0x39: {  	_ =	swait.ge [sflag:s18], $0x2000  }
0x3a: {  	[sflag:s18] =	ssyncset.done $0x0  }
0x3b: {  	[sflag:s18] =	ssyncadd.s32 $0xFFFFE000  }
0x3c: {  	[spmem:s15] =	stream.linear.scatter [tilespmem:s17], [sflag:$0x1], $0x2000, $0x38;
	[tilespmem:$0x1B000] =	vst v63  }
0x3d: {  	_ =	swait.ge [sflag:s18], $0x2000  }
0x3e: {  	[sflag:s18] =	ssyncset.done $0x0  }
0x3f: {  	s23 =	simm.s32 $0x0;
	[sflag:s18] =	ssyncadd.s32 $0xFFFFE000  }
0x40: {  	[spmem:s16] =	stream.linear.scatter [tilespmem:s17], [sflag:$0x1], $0x2000, $0x38;
	[tilespmem:$0x1B000] =	vst v63  }
0x41: {  	s24 =	sand.u32 $0x7E00, s23;
	_ =	swait.ge [sflag:s18], $0x2000  }
0x42: {  	s31 =	sand.u32 $0x70, s23;
	s26 =	sshrl.u32 s24, $0x2;
	[sflag:s18] =	ssyncset.done $0x0  }
0x43: {  	s24 =	simm.s32 $0x40;
	s25 =	sor.u32 s31, s26;
	[sflag:s18] =	ssyncadd.s32 $0xFFFFE000  }
.LBB2_4:
0x44: {  	p0 =	sne.s32 s24, $0x7FC0  }
0x45: {  	[tilespmem:s25+$0x5000] =	vst v1;
	s23 =	sadd.s32 $0x10, s23;
	s25 =	smov.u32 s24;
	s24 =	sadd.s32 $0x40, s24  }
.Ltmp1:
0x46: {  	(pc) =	sbr.rel @p0 .LBB2_4-.Ltmp1, $4  }
0x47: {  	_ = 	snop  }
0x48: {  	s25 =	sand.u32 $0x7E00, s25  }
0x49: {  	s26 =	sand.u32 $0x70, s23;
	s25 =	sshrl.u32 s25, $0x2  }
0x4a: {  	s25 =	sor.u32 s26, s25  }
0x4b: {  	[tilespmem:s25+$0x5000] =	vst v1;
	s23 =	simm.s32 $0x0  }
0x4c: {  	[tilespmem:s23], [sflag:$0x1] =	stream.linear.gather [hbm4b:s5+s23], $0x5000, $0x38;
	[tilespmem:$0x1B000] =	vst v63  }
0x4d: {  	_ =	swait.ge [sflag:s18], $0x5000  }
0x4e: {  	[sflag:s18] =	ssyncset.done $0x0  }
0x4f: {  	[sflag:s18] =	ssyncadd.s32 $0xFFFFB000  }
0x50: {  	s31 =	simm.s32 $0x0;
	[bflag:$0x0] =	sbarrier.arrive $0xFFFF  }
0x51: {  	[spmem:s2] =	stream.indirect.scatter.add.f32 [tilespmem:s17], [sflag:$0x1], $0x80, s31, s19, $0xb8;
	[tilespmem:$0x1B000] =	vst v63  }
0x52: {  	_ =	swait.ge [sflag:s18], $0x2000  }
0x53: {  	s23 =	simm.s32 $0x200;
	[sflag:s18] =	ssyncset.done $0x0  }
.LBB2_6:
0x54: {  	s24 =	sshra.s32 s23, $0x2;
	[sflag:s18] =	ssyncadd.s32 $0xFFFFE000;
	p0 =	sne.s32 s23, $0x13E00  }
0x55: {  	[spmem:s2] =	stream.indirect.scatter.add.f32 [tilespmem:s17], [sflag:$0x1], $0x80, s24, s19, $0xb8;
	[tilespmem:$0x1B000] =	vst v63  }
.Ltmp2:
0x56: {  	_ = 	snop;
	(pc) =	sbr.rel @p0 .LBB2_6-.Ltmp2, $4  }
0x57: {  	_ = 	snop  }
0x58: {  	s23 =	sadd.s32 $0x200, s23  }
0x59: {  	_ =	swait.ge [sflag:s18], $0x2000  }
0x5a: {  	[sflag:s18] =	ssyncset.done $0x0  }
0x5b: {  	s22 =	sadd.s32 $0x1, s22  }
0x5c: {  	[sflag:s18] =	ssyncadd.s32 $0xFFFFE000;
	p0 =	sne.s32 s22, s7  }
.Ltmp3:
0x5d: {  	[bflag:$0x0] =	sbarrier.arrive $0xFFFF;
	(pc) =	sbr.rel @p0 .LBB2_1-.Ltmp3, $4  }
0x5e: {  	[hbm:s6], [sflag:s20] =	dma.local [spmem:s21], $0x2800  }
0x5f: {  	_ =	swait.ge [sflag:s18], $0x2800  }
0x60: {  	[sflag:s18] =	ssyncset.done $0x0  }
0x61: {  	[sflag:s18] =	ssyncadd.s32 $0xFFFFD800  }
0x62: {  	_ =	sfence.sel $0x180000  }
0x63: {  	[bflag:$0x0] =	sbarrier.arrive $0xFFFF  }
0x64: {  	p0 =	sne.s32 s1, $0x0;
	_ =	strace $0x90000047  }
0x65: {  	s0 =	sadd.s32 @!p0 $0x100000, s0;
	[bflag:$0x2] =	sbarrier.arrive $0xFFFF  }
0x66: {  	[sflag:s0] =	ssyncadd.tile.s32 @!p0 $0x1;
	_ =	shalt  }
.Lfunc_end2:
_tile_overlayer_lowered:
.L_overlay_start_2:
0x67: {  	(tag) =	ssettag $0x2  }
0x68: {  	s0 =	rddreg [dreg:$0x0];
	s2 =	stileid.u32  }
0x69: {  	s1 =	rddreg [dreg:$0x1];
	p0 =	sne.s32 s2, $0x0  }
0x6a: {  	s3 =	rddreg [dreg:$0x2];
	[bflag:$0x3] =	sbarrier.arrive $0xFFFF;
	s2 =	simm.s32 @!p0 $0x1C01  }
0x6b: {  	[timem:s3], [sflag:s2] =	dma.local @!p0 [hbm:s0], s1  }
0x6c: {  	s0 =	simm.s32 @!p0 $0x1  }
0x6d: {  	_ =	swait.ge @!p0 [sflag:s0], s1  }
0x6e: {  	s1 =	ssub.s32 @!p0 $0x0, s1;
	[sflag:s0] =	ssyncset.done @!p0 $0x0  }
0x6f: {  	[sflag:s0] =	ssyncadd.s32 @!p0 s1  }
0x70: {  	[bflag:$0x3] =	sbarrier.arrive $0xFFFF  }
0x71: {  	_ =	shalt  }

// kernel: kernel.14.cloned.1.call-start
scs
__scs_entry_jumppad:
0x0: {  	(pc) =	sbr.rel $0x88, $3  }
0x1: {  	(tag) =	ssettag $0x0;
	lr =	simm.s32 $0x1  }
0x2: {  	[smem:$0x3F95] =	sst lr;
	_ =	strace $0xD0000000  }
0x3: {  	_ = 	snop  }
0x4: {  	_ = 	snop  }
0x5: {  	_ = 	snop  }
0x6: {  	_ = 	snop  }
0x7: {  	_ = 	snop  }
__scs_overlays_trampoline_lowered:
0x8: {  	[smem:$0x3FA4] =	sst s0  }
0x9: {  	[smem:$0x3FA5] =	sst s1  }
0xa: {  	[smem:$0x3FA6] =	sst s2  }
0xb: {  	[smem:$0x3FA7] =	sst s3  }
0xc: {  	[smem:$0x3FA8] =	sst s4  }
0xd: {  	[smem:$0x3FA9] =	sst s5  }
0xe: {  	[smem:$0x3FAA] =	sst s6  }
0xf: {  	[smem:$0x3FAB] =	sst s7  }
0x10: {  	[smem:$0x3FAC] =	sst s8  }
0x11: {  	[smem:$0x3FAD] =	sst s9;
	s0 =	simm.s32 @!p0 $0x0  }
0x12: {  	s1 =	sld [smem:$0x3F93];
	s0 =	simm.s32 @p0 $0x1  }
0x13: {  	[smem:$0x3FAE] =	sst s0;
	s0 =	simm.s32 @!p1 $0x0  }
0x14: {  	s2 =	sld [smem:$0x3F92];
	s0 =	simm.s32 @p1 $0x1  }
0x15: {  	[smem:$0x3FAF] =	sst s0;
	s0 =	simm.s32 @!p2 $0x0  }
0x16: {  	s3 =	sld [smem:$0x3FDB];
	s0 =	simm.s32 @p2 $0x1  }
0x17: {  	s4 =	simm.s32 $0x1BF5;
	[smem:$0x3FB1] =	sst s0  }
0x18: {  	s0 =	sld [smem:$0x3F94];
	_ =	swait.ge [sflag:s4], $0x0  }
0x19: {  	s7 =	sld [smem:$0x3F95]  }
0x1a: {  	s8 =	sadd.s32 $0xFFFFE003, lr  }
0x1b: {  	s9 =	sadd.s32 $0xFFFFFEF7, lr;
	s5 =	simm.s32 $0xFFFFFFFF;
	p2 =	slt.u32 s8, $0xFFFFF086  }
0x1c: {  	p1 =	slt.u32 s9, $0xF7A;
	s5 =	simm.s32 @!p2 $0x0  }
0x1d: {  	s5 =	simm.s32 @p1 $0x1;
	p0 =	seq.s32 s7, s2  }
0x1e: {  	s7 =	smul.u32 @!p0 $0xF7A, s2;
	p2 =	seq.s32 @!p0 s5, $0x0  }
0x1f: {  	s9 =	smul.u32 $0xF7A, s1;
	s8 =	simm.s32 @!p0 $0x1BF5;
	p2 =	por !p2, p0  }
0x20: {  	[sflag:s8] =	ssyncset.s32 @!p0 $0xFFFFF086;
	s6 =	sadd.s32 @!p0 s3, s7;
	s7 =	simm.s32 @!p0 $0x108  }
0x21: {  	s3 =	sadd.s32 s3, s9;
	s6 =	sadd.s32 @!p0 $0x88, s6;
	s7 =	simm.s32 @p2 $0x1082  }
0x22: {  	[simem:s7], [sflag:s8] =	dma.local @!p0 [hbm:s6], $0xF7A  }
0x23: {  	s9 =	sor.u32 $0xD0000000, s2;
	s6 =	simm.s32 $0x108;
	_ =	swait.ge @!p0 [sflag:s8], $0x0  }
0x24: {  	s3 =	sadd.s32 $0x88, s3;
	s6 =	simm.s32 @!p1 $0x1082;
	[sflag:s4] =	ssyncset.s32 $0xFFFFF086  }
0x25: {  	[simem:s6], [sflag:s4] =	dma.local [hbm:s3], $0xF7A  }
0x26: {  	[smem:$0x3F95] =	sst s1;
	(tag) =	ssettag s2;
	_ =	strace s9  }
0x27: {  	s1 =	sld [smem:$0x3FA5]  }
0x28: {  	s2 =	sld [smem:$0x3FA6]  }
0x29: {  	s4 =	sld [smem:$0x3FA8]  }
0x2a: {  	p0 =	seq.s32 s5, $0x0;
	s5 =	sld [smem:$0x3FA9]  }
0x2b: {  	s6 =	sld [smem:$0x3FAA]  }
0x2c: {  	s7 =	sld [smem:$0x3FAB]  }
0x2d: {  	s3 =	simm.s32 $0x108;
	s8 =	sld [smem:$0x3FAC]  }
0x2e: {  	s3 =	simm.s32 @!p0 $0x1082;
	s9 =	sld [smem:$0x3FAD]  }
0x2f: {  	lr =	sadd.s32 s0, s3;
	s0 =	sld [smem:$0x3FA4]  }
0x30: {  	s3 =	sld [smem:$0x3FA7]  }
0x31: {  	[smem:$0x3FB0] =	sst s10  }
0x32: {  	s10 =	sld [smem:$0x3FAE];
	_ =	sdelay $0x3  }
0x33: {  	p0 =	seq.s32 s10, $0x1;
	s10 =	sld [smem:$0x3FB0];
	_ =	sdelay $0x3  }
0x34: {  	[smem:$0x3FB0] =	sst s10  }
0x35: {  	s10 =	sld [smem:$0x3FAF];
	_ =	sdelay $0x3  }
0x36: {  	p1 =	seq.s32 s10, $0x1;
	s10 =	sld [smem:$0x3FB0];
	_ =	sdelay $0x3  }
0x37: {  	[smem:$0x3FB0] =	sst s10  }
0x38: {  	s10 =	sld [smem:$0x3FB1]  }
0x39: {  	_ = 	snop;
	(pc) =	sbr.ind lr, $3  }
0x3a: {  	_ = 	snop  }
0x3b: {  	_ = 	snop  }
0x3c: {  	p2 =	seq.s32 s10, $0x1;
	s10 =	sld [smem:$0x3FB0]  }
0x3d: {  	_ =	shalt  }
0x3e: {  	_ =	shalt  }
0x3f: {  	_ =	shalt  }
0x40: {  	_ =	shalt  }
0x41: {  	_ =	shalt  }
0x42: {  	_ =	shalt  }
0x43: {  	_ =	shalt  }
0x44: {  	_ =	shalt  }
0x45: {  	_ =	shalt  }
0x46: {  	_ =	shalt  }
0x47: {  	_ =	shalt  }
0x48: {  	_ =	shalt  }
0x49: {  	_ =	shalt  }
0x4a: {  	_ =	shalt  }
0x4b: {  	_ =	shalt  }
0x4c: {  	_ =	shalt  }
0x4d: {  	_ =	shalt  }
0x4e: {  	_ =	shalt  }
0x4f: {  	_ =	shalt  }
0x50: {  	_ =	shalt  }
0x51: {  	_ =	shalt  }
0x52: {  	_ =	shalt  }
0x53: {  	_ =	shalt  }
0x54: {  	_ =	shalt  }
0x55: {  	_ =	shalt  }
0x56: {  	_ =	shalt  }
0x57: {  	_ =	shalt  }
0x58: {  	_ =	shalt  }
0x59: {  	_ =	shalt  }
0x5a: {  	_ =	shalt  }
0x5b: {  	_ =	shalt  }
0x5c: {  	_ =	shalt  }
0x5d: {  	_ =	shalt  }
0x5e: {  	_ =	shalt  }
0x5f: {  	_ =	shalt  }
0x60: {  	_ =	shalt  }
0x61: {  	_ =	shalt  }
0x62: {  	_ =	shalt  }
0x63: {  	_ =	shalt  }
0x64: {  	_ =	shalt  }
0x65: {  	_ =	shalt  }
0x66: {  	_ =	shalt  }
0x67: {  	_ =	shalt  }
0x68: {  	_ =	shalt  }
0x69: {  	_ =	shalt  }
0x6a: {  	_ =	shalt  }
0x6b: {  	_ =	shalt  }
0x6c: {  	_ =	shalt  }
0x6d: {  	_ =	shalt  }
0x6e: {  	_ =	shalt  }
0x6f: {  	_ =	shalt  }
0x70: {  	_ =	shalt  }
0x71: {  	_ =	shalt  }
0x72: {  	_ =	shalt  }
0x73: {  	_ =	shalt  }
0x74: {  	_ =	shalt  }
0x75: {  	_ =	shalt  }
0x76: {  	_ =	shalt  }
0x77: {  	_ =	shalt  }
0x78: {  	_ =	shalt  }
0x79: {  	_ =	shalt  }
0x7a: {  	_ =	shalt  }
0x7b: {  	_ =	shalt  }
0x7c: {  	_ =	shalt  }
0x7d: {  	_ =	shalt  }
0x7e: {  	_ =	shalt  }
0x7f: {  	_ =	shalt  }
0x80: {  	_ =	shalt  }
0x81: {  	_ =	shalt  }
0x82: {  	_ =	shalt  }
0x83: {  	_ =	shalt  }
0x84: {  	_ =	shalt  }
0x85: {  	_ =	shalt  }
0x86: {  	_ =	shalt  }
0x87: {  	_ =	shalt  }
.Lfunc_end0:
.L_simem_size_0:
called_computation.1_lowered:
.L_overlay_start_0:
0x88: {  	s2 =	sld [smem:$0x3FD9]  }
0x89: {  	s3 =	sld [smem:$0x3FFE];
	_ =	sdelay $0x1  }
0x8a: {  	s1 =	srdreg.scid  }
0x8b: {  	s0 =	sand.u32 $0x1, s1  }
0x8c: {  	s16 =	sshll.u32 s0, $0xA;
	s2 =	sadd.s32 s3, s2  }
0x8d: {  	s2 =	sadd.s32 s2, s16  }
0x8e: {  	[smem:$0x3FBC] =	sst s2  }
0x8f: {  	_ = 	snop  }
0x90: {  	(tm) =	ssettm $0x1  }
0x91: {  	s17 =	sld [smem:$0x3FFB];
	_ =	sdelay $0x3  }
0x92: {  	_ =	strace s17  }
0x93: {  	s2 =	sld [smem:$0x3FFC];
	_ =	sdelay $0x3  }
0x94: {  	_ =	strace s2  }
0x95: {  	s2 =	sld [smem:$0x3FFD];
	_ =	sdelay $0x3  }
0x96: {  	_ =	strace s2  }
0x97: {  	_ =	strace $0x8FFFFFFF  }
0x98: {  	s18 =	sld [smem:$0x3FDB];
	_ =	sdelay $0x1  }
0x99: {  	s19 =	simm.s32 $_scs_section_size  }
0x9a: {  	s4 =	simm.s32 $_size__tile_overlayer_lowered;
	s5 =	simm.s32 $_tile_overlayer_lowered  }
0x9b: {  	s22 =	simm.s32 $0x1BFF;
	s21 =	sshll.u32 s5, $0x1;
	s2 =	sadd.s32 s19, s18  }
0x9c: {  	s6 =	simm.s32 $0x0;
	s20 =	sshll.u32 s4, $0x1;
	s4 =	sadd.s32 s21, s2  }
0x9d: {  	[timem:s6], [sflag:s22] =	dma.local [hbm:s4], s20  }
0x9e: {  	_ =	swait.ge [sflag:s22], s20  }
0x9f: {  	s3 =	ssub.s32 $0x0, s20;
	[sflag:s22] =	ssyncset.done $0x0  }
0xa0: {  	[sflag:s22] =	ssyncadd.s32 s3;
	_ =	sdelay $0x1  }
0xa1: {  	s23 =	simm.s32 $0x1B8B  }
0xa2: {  	_ =	swait.ge [sflag:s23], $0x1  }
0xa3: {  	[sflag:s23] =	ssyncset.done $0x0  }
0xa4: {  	s25 =	simm.s32 $0x1B8E;
	s24 =	sld [smem:$0x3FFE];
	[sflag:s23] =	ssyncadd.s32 $0xFFFFFFFF  }
0xa5: {  	s26 =	simm.s32 $execute0_lowered;
	[smem:$0x3FD2] =	sst s25  }
0xa6: {  	s4 =	sshll.u32 s26, $0x1;
	_ =	strace $0x80000049;
	[dreg:$0x1] =	wrdreg $0xFFFFFFFF  }
0xa7: {  	s28 =	simm.s32 $_size_execute0_lowered;
	s2 =	sadd.s32 s2, s4;
	[dreg:$0x0] =	wrdreg $0x0  }
0xa8: {  	s4 =	sshll.u32 s28, $0x1;
	[dreg:$0x2] =	wrdreg s2  }
0xa9: {  	[dreg:$0x3] =	wrdreg s4  }
0xaa: {  	[dreg:$0x4] =	wrdreg $0xC0  }
0xab: {  	_ =	task [dreg:s6], $0x5FFFF  }
0xac: {  	[dreg:$0x1] =	wrdreg $0xFFFFFFFF  }
0xad: {  	[dreg:$0x0] =	wrdreg $0x60  }
0xae: {  	[dreg:$0x2] =	wrdreg s24  }
0xaf: {  	[dreg:$0x3] =	wrdreg $0xA8000  }
0xb0: {  	[dreg:$0x4] =	wrdreg $0x9  }
0xb1: {  	_ =	task.clear_ibuf [dreg:s6], $0x5FFFF;
	_ =	strace $0x90000049  }
0xb2: {  	s29 =	simm.s32 $0x9;
	_ =	strace $0x8000004B  }
0xb3: {  	_ =	swait.ge [sflag:s29], $0x1  }
0xb4: {  	[sflag:s29] =	ssyncadd.s32 $0xFFFFFFFF  }
0xb5: {  	_ =	strace $0x9000004B  }
0xb6: {  	_ =	sfence  }
0xb7: {  	s30 =	sld [smem:$0x0];
	_ =	sdelay $0x2  }
0xb8: {  	s31 =	sshll.u32 s1, $0xD;
	s1 =	sshrl.u32 s1, $0x2  }
0xb9: {  	s3 =	sand.u32 $0x4000, s31;
	s1 =	sadd.s32 s1, s30  }
0xba: {  	s0 =	sor.u32 s3, s0;
	s1 =	sshll.u32 s1, $0x11  }
0xbb: {  	s0 =	sor.u32 s1, s0  }
0xbc: {  	s0 =	sadd.s32 $0x8F2B, s0  }
0xbd: {  	[sflag:s0] =	ssyncadd.remote.s32 $0x1  }
0xbe: {  	_ =	sfence.sel $0xFFFF  }
0xbf: {  	[dreg:$0x0] =	wrdreg $0xFFFFFFFF;
	(pc) =	sbr.abs _section_cstart, $3  }
0xc0: {  	[dreg:$0x1] =	wrdreg $0xFFFFFFFF  }
0xc1: {  	_ =	task.clear_ibuf [dreg:s6], $0x2FFFF;
	_ =	strace $0x9FFFFFFF  }
0xc2: {  	(tm) =	ssettm $0x7FFFFFFF  }
0xc3: {  	_ =	shalt  }
tec
execute0_lowered:
.L_overlay_start_1:
0x0: {  	(tag) =	ssettag $0x1  }
0x1: {  	s0 =	rddreg [dreg:$0x0]  }
0x2: {  	s1 =	rddreg [dreg:$0x1]  }
0x3: {  	s3 =	simm.s32 $0x0;
	s2 =	srdreg.scid;
	s8 =	stileid.u32  }
0x4: {  	s28 =	simm.s32 $0x8800;
	s29 =	simm.s32 $0x1;
	s30 =	simm.s32 $0x2  }
0x5: {  	s31 =	simm.s32 $0x3;
	[smem:$0x7FF] =	sst s3;
	s5 =	smul.u32 $0x14000, s8  }
0x6: {  	s2 =	sand.u32 $0x1, s2;
	s4 =	sadd.s32 $0x3E00, s0;
	s18 =	smul.u32 $0x50000, s8  }
0x7: {  	s6 =	sadd.s32 $0x67E00, s0;
	s17 =	smul.u32 $0x140000, s2;
	s7 =	sshll.u32 s2, $0x4  }
0x8: {  	_ =	strace $0x8000004A;
	s2 =	ssub.s32 $0x2, s2;
	s7 =	sor.u32 s8, s7  }
0x9: {  	s19 =	sshrl.u32 s2, $0x1;
	s20 =	sshrl.u32 s18, $0x2;
	s8 =	smul.u32 $0x5000, s7  }
0xa: {  	s3 =	sadd.s32 s5, s17;
	s7 =	smul.u32 $0xA00, s7;
	s2 =	ssub.s32 s2, s19  }
0xb: {  	s5 =	sadd.s32 s20, s1;
	s19 =	simm.s32 $0x2800;
	s20 =	simm.s32 $0x5  }
0xc: {  	s3 =	sshrl.u32 s3, $0x3;
	s23 =	smax.u32 s2, $0x1;
	s24 =	sadd.s32 $0x2000, s5  }
0xd: {  	s25 =	sadd.s32 $0x4000, s5;
	s26 =	sadd.s32 $0x6000, s5;
	s13 =	sadd.s32 $0x8000, s5  }
0xe: {  	s14 =	sadd.s32 $0xA000, s5;
	s15 =	sadd.s32 $0xC000, s5;
	s16 =	sadd.s32 $0xE000, s5  }
0xf: {  	s17 =	sadd.s32 $0x10000, s5;
	s18 =	sadd.s32 $0x12000, s5;
	[dreg:$0x6] =	wrdreg s23  }
0x10: {  	s2 =	simm.s32 $0x2640;
	s0 =	sadd.s32 s3, s0;
	[dreg:$0x7] =	wrdreg s24  }
0x11: {  	s8 =	sshrl.u32 s8, $0x3;
	s21 =	sadd.s32 s6, s7;
	[dreg:$0x8] =	wrdreg s25  }
0x12: {  	[dreg:$0x9] =	wrdreg s26;
	s23 =	simm.s32 $0x4800;
	s24 =	simm.s32 $0x100  }
0x13: {  	s25 =	simm.s32 $0x6800;
	s26 =	simm.s32 $0x180;
	s7 =	simm.s32 $0x27C0  }
0x14: {  	[dreg:$0x3] =	wrdreg s21;
	s22 =	sadd.s32 s6, s8;
	s0 =	sadd.s32 $0x7BE00, s0  }
0x15: {  	s21 =	simm.s32 $0x40;
	s6 =	simm.s32 $0x2740;
	s8 =	simm.s32 $0x0  }
0x16: {  	s3 =	sadd.s32 $0x500, s22;
	[dreg:$0x5] =	wrdreg s0;
	s22 =	simm.s32 $0x80  }
0x17: {  	v0 =	vimm.f32 $0.0e+00;
	s0 =	simm.s32 $0x4;
	[dreg:$0x4] =	wrdreg s3;
	s3 =	simm.s32 $0x26C0  }
.LBB2_1:
0x18: {  	s10 =	simm.s32 $0x0  }
0x19: {  	s9 =	sand.u32 $0x7E00, s10  }
0x1a: {  	s10 =	sand.u32 $0x70, s10;
	s11 =	sshrl.u32 s9, $0x2  }
0x1b: {  	s9 =	simm.s32 $0x40;
	s11 =	sor.u32 s10, s11;
	s10 =	simm.s32 $0x0  }
.LBB2_2:
0x1c: {  	p0 =	sne.s32 s9, $0x7FC0  }
0x1d: {  	[tilespmem:s11+$0x2800] =	vst v0;
	s10 =	sadd.s32 $0x10, s10;
	s11 =	smov.u32 s9;
	s9 =	sadd.s32 $0x40, s9  }
.Ltmp0:
0x1e: {  	(pc) =	sbr.rel @p0 .LBB2_2-.Ltmp0, $4  }
0x1f: {  	_ = 	snop  }
0x20: {  	s11 =	sand.u32 $0x7E00, s11  }
0x21: {  	s12 =	sand.u32 $0x70, s10;
	s11 =	sshrl.u32 s11, $0x2  }
0x22: {  	s11 =	sor.u32 s12, s11  }
0x23: {  	[tilespmem:s11+$0x2800] =	vst v0  }
0x24: {  	[spmem:s5] =	stream.linear.scatter [tilespmem:s19], [sflag:$0x5], $0x2000, $0x38;
	[tilespmem:$0x1E800] =	vst v63  }
0x25: {  	_ =	swait.ge [sflag:s20], $0x2000  }
0x26: {  	[sflag:s20] =	ssyncset.done $0x0  }
0x27: {  	s9 =	rddreg [dreg:$0x7];
	[sflag:s20] =	ssyncadd.s32 $0xFFFFE000  }
0x28: {  	[spmem:s9] =	stream.linear.scatter [tilespmem:s19], [sflag:$0x5], $0x2000, $0x38;
	[tilespmem:$0x1E800] =	vst v63  }
0x29: {  	_ =	swait.ge [sflag:s20], $0x2000  }
0x2a: {  	[sflag:s20] =	ssyncset.done $0x0  }
0x2b: {  	s12 =	rddreg [dreg:$0x8];
	[sflag:s20] =	ssyncadd.s32 $0xFFFFE000  }
0x2c: {  	[spmem:s12] =	stream.linear.scatter [tilespmem:s19], [sflag:$0x5], $0x2000, $0x38;
	[tilespmem:$0x1E800] =	vst v63  }
0x2d: {  	_ =	swait.ge [sflag:s20], $0x2000  }
0x2e: {  	[sflag:s20] =	ssyncset.done $0x0  }
0x2f: {  	s10 =	rddreg [dreg:$0x9];
	[sflag:s20] =	ssyncadd.s32 $0xFFFFE000  }
0x30: {  	[spmem:s10] =	stream.linear.scatter [tilespmem:s19], [sflag:$0x5], $0x2000, $0x38;
	[tilespmem:$0x1E800] =	vst v63  }
0x31: {  	_ =	swait.ge [sflag:s20], $0x2000  }
0x32: {  	[sflag:s20] =	ssyncset.done $0x0  }
0x33: {  	[sflag:s20] =	ssyncadd.s32 $0xFFFFE000  }
0x34: {  	[spmem:s13] =	stream.linear.scatter [tilespmem:s19], [sflag:$0x5], $0x2000, $0x38;
	[tilespmem:$0x1E800] =	vst v63  }
0x35: {  	_ =	swait.ge [sflag:s20], $0x2000  }
0x36: {  	[sflag:s20] =	ssyncset.done $0x0  }
0x37: {  	[sflag:s20] =	ssyncadd.s32 $0xFFFFE000  }
0x38: {  	[spmem:s14] =	stream.linear.scatter [tilespmem:s19], [sflag:$0x5], $0x2000, $0x38;
	[tilespmem:$0x1E800] =	vst v63  }
0x39: {  	_ =	swait.ge [sflag:s20], $0x2000  }
0x3a: {  	[sflag:s20] =	ssyncset.done $0x0  }
0x3b: {  	[sflag:s20] =	ssyncadd.s32 $0xFFFFE000  }
0x3c: {  	[spmem:s15] =	stream.linear.scatter [tilespmem:s19], [sflag:$0x5], $0x2000, $0x38;
	[tilespmem:$0x1E800] =	vst v63  }
0x3d: {  	_ =	swait.ge [sflag:s20], $0x2000  }
0x3e: {  	[sflag:s20] =	ssyncset.done $0x0  }
0x3f: {  	[sflag:s20] =	ssyncadd.s32 $0xFFFFE000  }
0x40: {  	[spmem:s16] =	stream.linear.scatter [tilespmem:s19], [sflag:$0x5], $0x2000, $0x38;
	[tilespmem:$0x1E800] =	vst v63  }
0x41: {  	_ =	swait.ge [sflag:s20], $0x2000  }
0x42: {  	[sflag:s20] =	ssyncset.done $0x0  }
0x43: {  	[sflag:s20] =	ssyncadd.s32 $0xFFFFE000  }
0x44: {  	[spmem:s17] =	stream.linear.scatter [tilespmem:s19], [sflag:$0x5], $0x2000, $0x38;
	[tilespmem:$0x1E800] =	vst v63  }
0x45: {  	_ =	swait.ge [sflag:s20], $0x2000  }
0x46: {  	[sflag:s20] =	ssyncset.done $0x0  }
0x47: {  	[sflag:s20] =	ssyncadd.s32 $0xFFFFE000  }
0x48: {  	[spmem:s18] =	stream.linear.scatter [tilespmem:s19], [sflag:$0x5], $0x2000, $0x38;
	[tilespmem:$0x1E800] =	vst v63  }
0x49: {  	_ =	swait.ge [sflag:s20], $0x2000  }
0x4a: {  	[sflag:s20] =	ssyncset.done $0x0  }
0x4b: {  	[sflag:s20] =	ssyncadd.s32 $0xFFFFE000  }
0x4c: {  	[bflag:$0x0] =	sbarrier.arrive $0xFFFF  }
0x4d: {  	s11 =	simm.s32 $0x0;
	s10 =	rddreg [dreg:$0x3]  }
0x4e: {  	[tilespmem:s11], [sflag:$0x5] =	stream.linear.gather [hbm4b:s10+s11], $0x2800, $0x38;
	[tilespmem:$0x1E800] =	vst v63  }
0x4f: {  	_ =	swait.ge [sflag:s20], $0x2800  }
0x50: {  	[sflag:s20] =	ssyncset.done $0x0  }
0x51: {  	[sflag:s20] =	ssyncadd.s32 $0xFFFFD800  }
0x52: {  	[tilespmem:s19], [sflag:$0x1] =	stream.indirect.gather [hbm4b:s4+s21], $0x80, s11, s21, $0xb8;
	[tilespmem:$0x1E800] =	vst v63  }
0x53: {  	_ = 	snop  }
0x54: {  	[tilespmem:s23], [sflag:$0x2] =	stream.indirect.gather [hbm4b:s4+s21], $0x80, s22, s21, $0xb8;
	[tilespmem:$0x1E800] =	vst v63  }
0x55: {  	_ = 	snop  }
0x56: {  	[tilespmem:s25], [sflag:$0x3] =	stream.indirect.gather [hbm4b:s4+s21], $0x80, s24, s21, $0xb8;
	[tilespmem:$0x1E800] =	vst v63  }
0x57: {  	_ = 	snop  }
0x58: {  	[tilespmem:s28], [sflag:$0x4] =	stream.indirect.gather [hbm4b:s4+s21], $0x80, s26, s21, $0xb8;
	[tilespmem:$0x1E800] =	vst v63  }
0x59: {  	_ =	swait.ge [sflag:s29], $0x2000  }
0x5a: {  	[sflag:s29] =	ssyncset.done $0x0  }
0x5b: {  	s12 =	simm.s32 $0x40;
	[sflag:s29] =	ssyncadd.s32 $0xFFFFE000  }
0x5c: {  	[spmem:s1] =	stream.indirect.scatter.add.f32 [tilespmem:s19], [sflag:$0x5], $0x80, s12, s21, $0xb8;
	[tilespmem:$0x1E800] =	vst v63  }
0x5d: {  	_ =	swait.ge [sflag:s20], $0x2000  }
0x5e: {  	[sflag:s20] =	ssyncset.done $0x0  }
0x5f: {  	s10 =	simm.s32 $0x200;
	[sflag:s20] =	ssyncadd.s32 $0xFFFFE000  }
0x60: {  	[tilespmem:s19], [sflag:$0x1] =	stream.indirect.gather [hbm4b:s4+s21], $0x80, s10, s21, $0xb8;
	[tilespmem:$0x1E800] =	vst v63  }
0x61: {  	_ =	swait.ge [sflag:s30], $0x2000  }
0x62: {  	[sflag:s30] =	ssyncset.done $0x0  }
0x63: {  	s11 =	simm.s32 $0xC0;
	[sflag:s30] =	ssyncadd.s32 $0xFFFFE000  }
0x64: {  	[spmem:s1] =	stream.indirect.scatter.add.f32 [tilespmem:s23], [sflag:$0x5], $0x80, s11, s21, $0xb8;
	[tilespmem:$0x1E800] =	vst v63  }
0x65: {  	_ =	swait.ge [sflag:s20], $0x2000  }
0x66: {  	[sflag:s20] =	ssyncset.done $0x0  }
0x67: {  	s12 =	simm.s32 $0x280;
	[sflag:s20] =	ssyncadd.s32 $0xFFFFE000  }
0x68: {  	[tilespmem:s23], [sflag:$0x2] =	stream.indirect.gather [hbm4b:s4+s21], $0x80, s12, s21, $0xb8;
	[tilespmem:$0x1E800] =	vst v63  }
0x69: {  	_ =	swait.ge [sflag:s31], $0x2000  }
0x6a: {  	[sflag:s31] =	ssyncset.done $0x0  }
0x6b: {  	s10 =	simm.s32 $0x140;
	[sflag:s31] =	ssyncadd.s32 $0xFFFFE000  }
0x6c: {  	[spmem:s1] =	stream.indirect.scatter.add.f32 [tilespmem:s25], [sflag:$0x5], $0x80, s10, s21, $0xb8;
	[tilespmem:$0x1E800] =	vst v63  }
0x6d: {  	_ =	swait.ge [sflag:s20], $0x2000  }
0x6e: {  	[sflag:s20] =	ssyncset.done $0x0  }
0x6f: {  	s11 =	simm.s32 $0x300;
	[sflag:s20] =	ssyncadd.s32 $0xFFFFE000  }
0x70: {  	[tilespmem:s25], [sflag:$0x3] =	stream.indirect.gather [hbm4b:s4+s21], $0x80, s11, s21, $0xb8;
	[tilespmem:$0x1E800] =	vst v63  }
0x71: {  	_ =	swait.ge [sflag:s0], $0x2000  }
0x72: {  	[sflag:s0] =	ssyncset.done $0x0  }
0x73: {  	s12 =	simm.s32 $0x1C0;
	[sflag:s0] =	ssyncadd.s32 $0xFFFFE000  }
0x74: {  	[spmem:s1] =	stream.indirect.scatter.add.f32 [tilespmem:s28], [sflag:$0x5], $0x80, s12, s21, $0xb8;
	[tilespmem:$0x1E800] =	vst v63  }
0x75: {  	_ =	swait.ge [sflag:s20], $0x2000  }
0x76: {  	[sflag:s20] =	ssyncset.done $0x0  }
0x77: {  	s9 =	simm.s32 $0x800;
	s10 =	simm.s32 $0x380;
	[sflag:s20] =	ssyncadd.s32 $0xFFFFE000  }
.LBB2_4:
0x78: {  	[tilespmem:s28], [sflag:$0x4] =	stream.indirect.gather [hbm4b:s4+s21], $0x80, s10, s21, $0xb8;
	[tilespmem:$0x1E800] =	vst v63  }
0x79: {  	s10 =	smov.u32 s9  }
0x7a: {  	p0 =	sne.s32 s9, $0x9000;
	s9 =	sadd.s32 $0x800, s9;
	_ =	swait.ge [sflag:s29], $0x2000  }
0x7b: {  	s10 =	sshra.s32 s10, $0x2;
	[sflag:s29] =	ssyncset.done $0x0  }
0x7c: {  	s11 =	sadd.s32 $0x40, s10;
	[sflag:s29] =	ssyncadd.s32 $0xFFFFE000  }
0x7d: {  	[spmem:s1] =	stream.indirect.scatter.add.f32 [tilespmem:s19], [sflag:$0x5], $0x80, s11, s21, $0xb8;
	[tilespmem:$0x1E800] =	vst v63  }
0x7e: {  	_ =	swait.ge [sflag:s20], $0x2000  }
0x7f: {  	[sflag:s20] =	ssyncset.done $0x0  }
0x80: {  	s11 =	sadd.s32 $0x200, s10;
	[sflag:s20] =	ssyncadd.s32 $0xFFFFE000  }
0x81: {  	[tilespmem:s19], [sflag:$0x1] =	stream.indirect.gather [hbm4b:s4+s21], $0x80, s11, s21, $0xb8;
	[tilespmem:$0x1E800] =	vst v63  }
0x82: {  	_ =	swait.ge [sflag:s30], $0x2000  }
0x83: {  	[sflag:s30] =	ssyncset.done $0x0  }
0x84: {  	s11 =	sadd.s32 $0xC0, s10;
	[sflag:s30] =	ssyncadd.s32 $0xFFFFE000  }
0x85: {  	[spmem:s1] =	stream.indirect.scatter.add.f32 [tilespmem:s23], [sflag:$0x5], $0x80, s11, s21, $0xb8;
	[tilespmem:$0x1E800] =	vst v63  }
0x86: {  	_ =	swait.ge [sflag:s20], $0x2000  }
0x87: {  	[sflag:s20] =	ssyncset.done $0x0  }
0x88: {  	s11 =	sadd.s32 $0x280, s10;
	[sflag:s20] =	ssyncadd.s32 $0xFFFFE000  }
0x89: {  	[tilespmem:s23], [sflag:$0x2] =	stream.indirect.gather [hbm4b:s4+s21], $0x80, s11, s21, $0xb8;
	[tilespmem:$0x1E800] =	vst v63  }
0x8a: {  	_ =	swait.ge [sflag:s31], $0x2000  }
0x8b: {  	[sflag:s31] =	ssyncset.done $0x0  }
0x8c: {  	s11 =	sadd.s32 $0x140, s10;
	[sflag:s31] =	ssyncadd.s32 $0xFFFFE000  }
0x8d: {  	[spmem:s1] =	stream.indirect.scatter.add.f32 [tilespmem:s25], [sflag:$0x5], $0x80, s11, s21, $0xb8;
	[tilespmem:$0x1E800] =	vst v63  }
0x8e: {  	_ =	swait.ge [sflag:s20], $0x2000  }
0x8f: {  	[sflag:s20] =	ssyncset.done $0x0  }
0x90: {  	s11 =	sadd.s32 $0x300, s10;
	[sflag:s20] =	ssyncadd.s32 $0xFFFFE000  }
0x91: {  	[tilespmem:s25], [sflag:$0x3] =	stream.indirect.gather [hbm4b:s4+s21], $0x80, s11, s21, $0xb8;
	[tilespmem:$0x1E800] =	vst v63  }
0x92: {  	_ =	swait.ge [sflag:s0], $0x2000  }
0x93: {  	[sflag:s0] =	ssyncset.done $0x0  }
.Ltmp1:
0x94: {  	s11 =	sadd.s32 $0x1C0, s10;
	[sflag:s0] =	ssyncadd.s32 $0xFFFFE000;
	(pc) =	sbr.rel @p0 .LBB2_4-.Ltmp1, $4  }
0x95: {  	[spmem:s1] =	stream.indirect.scatter.add.f32 [tilespmem:s28], [sflag:$0x5], $0x80, s11, s21, $0xb8;
	[tilespmem:$0x1E800] =	vst v63  }
0x96: {  	_ =	swait.ge [sflag:s20], $0x2000  }
0x97: {  	[sflag:s20] =	ssyncset.done $0x0  }
0x98: {  	s10 =	sadd.s32 $0x380, s10;
	[sflag:s20] =	ssyncadd.s32 $0xFFFFE000  }
0x99: {  	[tilespmem:s28], [sflag:$0x4] =	stream.indirect.gather [hbm4b:s4+s21], $0x80, s10, s21, $0xb8;
	[tilespmem:$0x1E800] =	vst v63  }
0x9a: {  	_ =	swait.ge [sflag:s29], $0x2000  }
0x9b: {  	[sflag:s29] =	ssyncset.done $0x0  }
0x9c: {  	[sflag:s29] =	ssyncadd.s32 $0xFFFFE000  }
0x9d: {  	[spmem:s1] =	stream.indirect.scatter.add.f32 [tilespmem:s19], [sflag:$0x5], $0x80, s2, s21, $0xb8;
	[tilespmem:$0x1E800] =	vst v63  }
0x9e: {  	_ =	swait.ge [sflag:s20], $0x2000  }
0x9f: {  	[sflag:s20] =	ssyncset.done $0x0  }
0xa0: {  	[sflag:s20] =	ssyncadd.s32 $0xFFFFE000  }
0xa1: {  	_ =	swait.ge [sflag:s30], $0x2000  }
0xa2: {  	[sflag:s30] =	ssyncset.done $0x0  }
0xa3: {  	[sflag:s30] =	ssyncadd.s32 $0xFFFFE000  }
0xa4: {  	[spmem:s1] =	stream.indirect.scatter.add.f32 [tilespmem:s23], [sflag:$0x5], $0x80, s3, s21, $0xb8;
	[tilespmem:$0x1E800] =	vst v63  }
0xa5: {  	_ =	swait.ge [sflag:s20], $0x2000  }
0xa6: {  	[sflag:s20] =	ssyncset.done $0x0  }
0xa7: {  	[sflag:s20] =	ssyncadd.s32 $0xFFFFE000  }
0xa8: {  	_ =	swait.ge [sflag:s31], $0x2000  }
0xa9: {  	[sflag:s31] =	ssyncset.done $0x0  }
0xaa: {  	[sflag:s31] =	ssyncadd.s32 $0xFFFFE000  }
0xab: {  	[spmem:s1] =	stream.indirect.scatter.add.f32 [tilespmem:s25], [sflag:$0x5], $0x80, s6, s21, $0xb8;
	[tilespmem:$0x1E800] =	vst v63  }
0xac: {  	_ =	swait.ge [sflag:s20], $0x2000  }
0xad: {  	[sflag:s20] =	ssyncset.done $0x0  }
0xae: {  	[sflag:s20] =	ssyncadd.s32 $0xFFFFE000  }
0xaf: {  	_ =	swait.ge [sflag:s0], $0x2000  }
0xb0: {  	[sflag:s0] =	ssyncset.done $0x0  }
0xb1: {  	[sflag:s0] =	ssyncadd.s32 $0xFFFFE000  }
0xb2: {  	[spmem:s1] =	stream.indirect.scatter.add.f32 [tilespmem:s28], [sflag:$0x5], $0x80, s7, s21, $0xb8;
	[tilespmem:$0x1E800] =	vst v63  }
0xb3: {  	_ =	swait.ge [sflag:s20], $0x2000  }
0xb4: {  	[sflag:s20] =	ssyncset.done $0x0  }
0xb5: {  	s9 =	simm.s32 $0x0;
	s11 =	rddreg [dreg:$0x4];
	[sflag:s20] =	ssyncadd.s32 $0xFFFFE000  }
0xb6: {  	[tilespmem:s9], [sflag:$0x5] =	stream.linear.gather [hbm4b:s11+s9], $0x2800, $0x38;
	[tilespmem:$0x1E800] =	vst v63  }
0xb7: {  	_ =	swait.ge [sflag:s20], $0x2800  }
0xb8: {  	[sflag:s20] =	ssyncset.done $0x0  }
0xb9: {  	[sflag:s20] =	ssyncadd.s32 $0xFFFFD800  }
0xba: {  	[tilespmem:s19], [sflag:$0x1] =	stream.indirect.gather [hbm4b:s4+s21], $0x80, s9, s21, $0xb8;
	[tilespmem:$0x1E800] =	vst v63  }
0xbb: {  	_ = 	snop  }
0xbc: {  	[tilespmem:s23], [sflag:$0x2] =	stream.indirect.gather [hbm4b:s4+s21], $0x80, s22, s21, $0xb8;
	[tilespmem:$0x1E800] =	vst v63  }
0xbd: {  	_ = 	snop  }
0xbe: {  	[tilespmem:s25], [sflag:$0x3] =	stream.indirect.gather [hbm4b:s4+s21], $0x80, s24, s21, $0xb8;
	[tilespmem:$0x1E800] =	vst v63  }
0xbf: {  	_ = 	snop  }
0xc0: {  	[tilespmem:s28], [sflag:$0x4] =	stream.indirect.gather [hbm4b:s4+s21], $0x80, s26, s21, $0xb8;
	[tilespmem:$0x1E800] =	vst v63  }
0xc1: {  	_ =	swait.ge [sflag:s29], $0x2000  }
0xc2: {  	[sflag:s29] =	ssyncset.done $0x0  }
0xc3: {  	s12 =	simm.s32 $0x40;
	[sflag:s29] =	ssyncadd.s32 $0xFFFFE000  }
0xc4: {  	[spmem:s1] =	stream.indirect.scatter.add.f32 [tilespmem:s19], [sflag:$0x5], $0x80, s12, s21, $0xb8;
	[tilespmem:$0x1E800] =	vst v63  }
0xc5: {  	_ =	swait.ge [sflag:s20], $0x2000  }
0xc6: {  	[sflag:s20] =	ssyncset.done $0x0  }
0xc7: {  	s10 =	simm.s32 $0x200;
	[sflag:s20] =	ssyncadd.s32 $0xFFFFE000  }
0xc8: {  	[tilespmem:s19], [sflag:$0x1] =	stream.indirect.gather [hbm4b:s4+s21], $0x80, s10, s21, $0xb8;
	[tilespmem:$0x1E800] =	vst v63  }
0xc9: {  	_ =	swait.ge [sflag:s30], $0x2000  }
0xca: {  	[sflag:s30] =	ssyncset.done $0x0  }
0xcb: {  	s11 =	simm.s32 $0xC0;
	[sflag:s30] =	ssyncadd.s32 $0xFFFFE000  }
0xcc: {  	[spmem:s1] =	stream.indirect.scatter.add.f32 [tilespmem:s23], [sflag:$0x5], $0x80, s11, s21, $0xb8;
	[tilespmem:$0x1E800] =	vst v63  }
0xcd: {  	_ =	swait.ge [sflag:s20], $0x2000  }
0xce: {  	[sflag:s20] =	ssyncset.done $0x0  }
0xcf: {  	s12 =	simm.s32 $0x280;
	[sflag:s20] =	ssyncadd.s32 $0xFFFFE000  }
0xd0: {  	[tilespmem:s23], [sflag:$0x2] =	stream.indirect.gather [hbm4b:s4+s21], $0x80, s12, s21, $0xb8;
	[tilespmem:$0x1E800] =	vst v63  }
0xd1: {  	_ =	swait.ge [sflag:s31], $0x2000  }
0xd2: {  	[sflag:s31] =	ssyncset.done $0x0  }
0xd3: {  	s10 =	simm.s32 $0x140;
	[sflag:s31] =	ssyncadd.s32 $0xFFFFE000  }
0xd4: {  	[spmem:s1] =	stream.indirect.scatter.add.f32 [tilespmem:s25], [sflag:$0x5], $0x80, s10, s21, $0xb8;
	[tilespmem:$0x1E800] =	vst v63  }
0xd5: {  	_ =	swait.ge [sflag:s20], $0x2000  }
0xd6: {  	[sflag:s20] =	ssyncset.done $0x0  }
0xd7: {  	s11 =	simm.s32 $0x300;
	[sflag:s20] =	ssyncadd.s32 $0xFFFFE000  }
0xd8: {  	[tilespmem:s25], [sflag:$0x3] =	stream.indirect.gather [hbm4b:s4+s21], $0x80, s11, s21, $0xb8;
	[tilespmem:$0x1E800] =	vst v63  }
0xd9: {  	_ =	swait.ge [sflag:s0], $0x2000  }
0xda: {  	[sflag:s0] =	ssyncset.done $0x0  }
0xdb: {  	s12 =	simm.s32 $0x1C0;
	[sflag:s0] =	ssyncadd.s32 $0xFFFFE000  }
0xdc: {  	[spmem:s1] =	stream.indirect.scatter.add.f32 [tilespmem:s28], [sflag:$0x5], $0x80, s12, s21, $0xb8;
	[tilespmem:$0x1E800] =	vst v63  }
0xdd: {  	_ =	swait.ge [sflag:s20], $0x2000  }
0xde: {  	[sflag:s20] =	ssyncset.done $0x0  }
0xdf: {  	s9 =	simm.s32 $0x800;
	s10 =	simm.s32 $0x380;
	[sflag:s20] =	ssyncadd.s32 $0xFFFFE000  }
.LBB2_6:
0xe0: {  	[tilespmem:s28], [sflag:$0x4] =	stream.indirect.gather [hbm4b:s4+s21], $0x80, s10, s21, $0xb8;
	[tilespmem:$0x1E800] =	vst v63  }
0xe1: {  	s10 =	smov.u32 s9  }
0xe2: {  	p0 =	sne.s32 s9, $0x9000;
	s9 =	sadd.s32 $0x800, s9;
	_ =	swait.ge [sflag:s29], $0x2000  }
0xe3: {  	s10 =	sshra.s32 s10, $0x2;
	[sflag:s29] =	ssyncset.done $0x0  }
0xe4: {  	s11 =	sadd.s32 $0x40, s10;
	[sflag:s29] =	ssyncadd.s32 $0xFFFFE000  }
0xe5: {  	[spmem:s1] =	stream.indirect.scatter.add.f32 [tilespmem:s19], [sflag:$0x5], $0x80, s11, s21, $0xb8;
	[tilespmem:$0x1E800] =	vst v63  }
0xe6: {  	_ =	swait.ge [sflag:s20], $0x2000  }
0xe7: {  	[sflag:s20] =	ssyncset.done $0x0  }
0xe8: {  	s11 =	sadd.s32 $0x200, s10;
	[sflag:s20] =	ssyncadd.s32 $0xFFFFE000  }
0xe9: {  	[tilespmem:s19], [sflag:$0x1] =	stream.indirect.gather [hbm4b:s4+s21], $0x80, s11, s21, $0xb8;
	[tilespmem:$0x1E800] =	vst v63  }
0xea: {  	_ =	swait.ge [sflag:s30], $0x2000  }
0xeb: {  	[sflag:s30] =	ssyncset.done $0x0  }
0xec: {  	s11 =	sadd.s32 $0xC0, s10;
	[sflag:s30] =	ssyncadd.s32 $0xFFFFE000  }
0xed: {  	[spmem:s1] =	stream.indirect.scatter.add.f32 [tilespmem:s23], [sflag:$0x5], $0x80, s11, s21, $0xb8;
	[tilespmem:$0x1E800] =	vst v63  }
0xee: {  	_ =	swait.ge [sflag:s20], $0x2000  }
0xef: {  	[sflag:s20] =	ssyncset.done $0x0  }
0xf0: {  	s11 =	sadd.s32 $0x280, s10;
	[sflag:s20] =	ssyncadd.s32 $0xFFFFE000  }
0xf1: {  	[tilespmem:s23], [sflag:$0x2] =	stream.indirect.gather [hbm4b:s4+s21], $0x80, s11, s21, $0xb8;
	[tilespmem:$0x1E800] =	vst v63  }
0xf2: {  	_ =	swait.ge [sflag:s31], $0x2000  }
0xf3: {  	[sflag:s31] =	ssyncset.done $0x0  }
0xf4: {  	s11 =	sadd.s32 $0x140, s10;
	[sflag:s31] =	ssyncadd.s32 $0xFFFFE000  }
0xf5: {  	[spmem:s1] =	stream.indirect.scatter.add.f32 [tilespmem:s25], [sflag:$0x5], $0x80, s11, s21, $0xb8;
	[tilespmem:$0x1E800] =	vst v63  }
0xf6: {  	_ =	swait.ge [sflag:s20], $0x2000  }
0xf7: {  	[sflag:s20] =	ssyncset.done $0x0  }
0xf8: {  	s11 =	sadd.s32 $0x300, s10;
	[sflag:s20] =	ssyncadd.s32 $0xFFFFE000  }
0xf9: {  	[tilespmem:s25], [sflag:$0x3] =	stream.indirect.gather [hbm4b:s4+s21], $0x80, s11, s21, $0xb8;
	[tilespmem:$0x1E800] =	vst v63  }
0xfa: {  	_ =	swait.ge [sflag:s0], $0x2000  }
0xfb: {  	[sflag:s0] =	ssyncset.done $0x0  }
.Ltmp2:
0xfc: {  	s11 =	sadd.s32 $0x1C0, s10;
	[sflag:s0] =	ssyncadd.s32 $0xFFFFE000;
	(pc) =	sbr.rel @p0 .LBB2_6-.Ltmp2, $4  }
0xfd: {  	[spmem:s1] =	stream.indirect.scatter.add.f32 [tilespmem:s28], [sflag:$0x5], $0x80, s11, s21, $0xb8;
	[tilespmem:$0x1E800] =	vst v63  }
0xfe: {  	_ =	swait.ge [sflag:s20], $0x2000  }
0xff: {  	[sflag:s20] =	ssyncset.done $0x0  }
0x100: {  	s10 =	sadd.s32 $0x380, s10;
	[sflag:s20] =	ssyncadd.s32 $0xFFFFE000  }
0x101: {  	[tilespmem:s28], [sflag:$0x4] =	stream.indirect.gather [hbm4b:s4+s21], $0x80, s10, s21, $0xb8;
	[tilespmem:$0x1E800] =	vst v63  }
0x102: {  	_ =	swait.ge [sflag:s29], $0x2000  }
0x103: {  	[sflag:s29] =	ssyncset.done $0x0  }
0x104: {  	[sflag:s29] =	ssyncadd.s32 $0xFFFFE000  }
0x105: {  	[spmem:s1] =	stream.indirect.scatter.add.f32 [tilespmem:s19], [sflag:$0x5], $0x80, s2, s21, $0xb8;
	[tilespmem:$0x1E800] =	vst v63  }
0x106: {  	_ =	swait.ge [sflag:s20], $0x2000  }
0x107: {  	[sflag:s20] =	ssyncset.done $0x0  }
0x108: {  	[sflag:s20] =	ssyncadd.s32 $0xFFFFE000  }
0x109: {  	_ =	swait.ge [sflag:s30], $0x2000  }
0x10a: {  	[sflag:s30] =	ssyncset.done $0x0  }
0x10b: {  	[sflag:s30] =	ssyncadd.s32 $0xFFFFE000  }
0x10c: {  	[spmem:s1] =	stream.indirect.scatter.add.f32 [tilespmem:s23], [sflag:$0x5], $0x80, s3, s21, $0xb8;
	[tilespmem:$0x1E800] =	vst v63  }
0x10d: {  	_ =	swait.ge [sflag:s20], $0x2000  }
0x10e: {  	[sflag:s20] =	ssyncset.done $0x0  }
0x10f: {  	[sflag:s20] =	ssyncadd.s32 $0xFFFFE000  }
0x110: {  	_ =	swait.ge [sflag:s31], $0x2000  }
0x111: {  	[sflag:s31] =	ssyncset.done $0x0  }
0x112: {  	[sflag:s31] =	ssyncadd.s32 $0xFFFFE000  }
0x113: {  	[spmem:s1] =	stream.indirect.scatter.add.f32 [tilespmem:s25], [sflag:$0x5], $0x80, s6, s21, $0xb8;
	[tilespmem:$0x1E800] =	vst v63  }
0x114: {  	_ =	swait.ge [sflag:s20], $0x2000  }
0x115: {  	[sflag:s20] =	ssyncset.done $0x0  }
0x116: {  	[sflag:s20] =	ssyncadd.s32 $0xFFFFE000  }
0x117: {  	_ =	swait.ge [sflag:s0], $0x2000  }
0x118: {  	[sflag:s0] =	ssyncset.done $0x0  }
0x119: {  	[sflag:s0] =	ssyncadd.s32 $0xFFFFE000  }
0x11a: {  	[spmem:s1] =	stream.indirect.scatter.add.f32 [tilespmem:s28], [sflag:$0x5], $0x80, s7, s21, $0xb8;
	[tilespmem:$0x1E800] =	vst v63  }
0x11b: {  	_ =	swait.ge [sflag:s20], $0x2000  }
0x11c: {  	[sflag:s20] =	ssyncset.done $0x0  }
0x11d: {  	s9 =	stileid.u32;
	[sflag:s20] =	ssyncadd.s32 $0xFFFFE000  }
0x11e: {  	s9 =	sshll.u32 s9, $0x6;
	[bflag:$0x0] =	sbarrier.arrive $0xFFFF  }
0x11f: {  	s12 =	sshrl.u32 s5, $0x3;
	s9 =	sor.u32 $0x1C05, s9;
	s11 =	rddreg [dreg:$0x5]  }
0x120: {  	[hbm:s11], [sflag:s9] =	dma.local [spmem:s12], $0x2800  }
0x121: {  	_ =	swait.ge [sflag:s20], $0x2800  }
0x122: {  	s8 =	sadd.s32 $0x1, s8;
	s12 =	rddreg [dreg:$0x6]  }
0x123: {  	p0 =	sne.s32 s8, s12  }
.Ltmp3:
0x124: {  	_ = 	snop;
	(pc) =	sbr.rel @p0 .LBB2_1-.Ltmp3, $3  }
0x125: {  	_ =	sdelay $0x1  }
0x126: {  	[sflag:s20] =	ssyncset.done $0x0  }
0x127: {  	[sflag:s20] =	ssyncadd.s32 $0xFFFFD800  }
0x128: {  	_ =	sfence.sel $0x180000  }
0x129: {  	[bflag:$0x0] =	sbarrier.arrive $0xFFFF  }
0x12a: {  	_ =	strace $0x9000004A  }
0x12b: {  	s0 =	stileid.u32;
	[bflag:$0x2] =	sbarrier.arrive $0xFFFF  }
0x12c: {  	p0 =	sne.s32 s0, $0x0;
	s0 =	rddreg [dreg:$0x2]  }
0x12d: {  	s0 =	sadd.s32 @!p0 $0x100000, s0  }
0x12e: {  	[sflag:s0] =	ssyncadd.tile.s32 @!p0 $0x1;
	_ =	shalt  }
.Lfunc_end2:
_tile_overlayer_lowered:
.L_overlay_start_2:
0x12f: {  	(tag) =	ssettag $0x2  }
0x130: {  	s0 =	rddreg [dreg:$0x0];
	s2 =	stileid.u32  }
0x131: {  	s1 =	rddreg [dreg:$0x1];
	p0 =	sne.s32 s2, $0x0  }
0x132: {  	s3 =	rddreg [dreg:$0x2];
	[bflag:$0x3] =	sbarrier.arrive $0xFFFF;
	s2 =	simm.s32 @!p0 $0x1C05  }
0x133: {  	[timem:s3], [sflag:s2] =	dma.local @!p0 [hbm:s0], s1  }
0x134: {  	s0 =	simm.s32 @!p0 $0x5  }
0x135: {  	_ =	swait.ge @!p0 [sflag:s0], s1  }
0x136: {  	s1 =	ssub.s32 @!p0 $0x0, s1;
	[sflag:s0] =	ssyncset.done @!p0 $0x0  }
0x137: {  	[sflag:s0] =	ssyncadd.s32 @!p0 s1  }
0x138: {  	[bflag:$0x3] =	sbarrier.arrive $0xFFFF  }
0x139: {  	_ =	shalt  }

// kernel: kernel.17.cloned.1.call-start
scs
__scs_entry_jumppad:
0x0: {  	(pc) =	sbr.rel $0x88, $3  }
0x1: {  	(tag) =	ssettag $0x0;
	lr =	simm.s32 $0x1  }
0x2: {  	[smem:$0x3F95] =	sst lr;
	_ =	strace $0xD0000000  }
0x3: {  	_ = 	snop  }
0x4: {  	_ = 	snop  }
0x5: {  	_ = 	snop  }
0x6: {  	_ = 	snop  }
0x7: {  	_ = 	snop  }
__scs_overlays_trampoline_lowered:
0x8: {  	[smem:$0x3FA4] =	sst s0  }
0x9: {  	[smem:$0x3FA5] =	sst s1  }
0xa: {  	[smem:$0x3FA6] =	sst s2  }
0xb: {  	[smem:$0x3FA7] =	sst s3  }
0xc: {  	[smem:$0x3FA8] =	sst s4  }
0xd: {  	[smem:$0x3FA9] =	sst s5  }
0xe: {  	[smem:$0x3FAA] =	sst s6  }
0xf: {  	[smem:$0x3FAB] =	sst s7  }
0x10: {  	[smem:$0x3FAC] =	sst s8  }
0x11: {  	[smem:$0x3FAD] =	sst s9;
	s0 =	simm.s32 @!p0 $0x0  }
0x12: {  	s1 =	sld [smem:$0x3F93];
	s0 =	simm.s32 @p0 $0x1  }
0x13: {  	[smem:$0x3FAE] =	sst s0;
	s0 =	simm.s32 @!p1 $0x0  }
0x14: {  	s2 =	sld [smem:$0x3F92];
	s0 =	simm.s32 @p1 $0x1  }
0x15: {  	[smem:$0x3FAF] =	sst s0;
	s0 =	simm.s32 @!p2 $0x0  }
0x16: {  	s3 =	sld [smem:$0x3FDB];
	s0 =	simm.s32 @p2 $0x1  }
0x17: {  	s4 =	simm.s32 $0x1BF5;
	[smem:$0x3FB1] =	sst s0  }
0x18: {  	s0 =	sld [smem:$0x3F94];
	_ =	swait.ge [sflag:s4], $0x0  }
0x19: {  	s7 =	sld [smem:$0x3F95]  }
0x1a: {  	s8 =	sadd.s32 $0xFFFFE003, lr  }
0x1b: {  	s9 =	sadd.s32 $0xFFFFFEF7, lr;
	s5 =	simm.s32 $0xFFFFFFFF;
	p2 =	slt.u32 s8, $0xFFFFF086  }
0x1c: {  	p1 =	slt.u32 s9, $0xF7A;
	s5 =	simm.s32 @!p2 $0x0  }
0x1d: {  	s5 =	simm.s32 @p1 $0x1;
	p0 =	seq.s32 s7, s2  }
0x1e: {  	s7 =	smul.u32 @!p0 $0xF7A, s2;
	p2 =	seq.s32 @!p0 s5, $0x0  }
0x1f: {  	s9 =	smul.u32 $0xF7A, s1;
	s8 =	simm.s32 @!p0 $0x1BF5;
	p2 =	por !p2, p0  }
0x20: {  	[sflag:s8] =	ssyncset.s32 @!p0 $0xFFFFF086;
	s6 =	sadd.s32 @!p0 s3, s7;
	s7 =	simm.s32 @!p0 $0x108  }
0x21: {  	s3 =	sadd.s32 s3, s9;
	s6 =	sadd.s32 @!p0 $0x88, s6;
	s7 =	simm.s32 @p2 $0x1082  }
0x22: {  	[simem:s7], [sflag:s8] =	dma.local @!p0 [hbm:s6], $0xF7A  }
0x23: {  	s9 =	sor.u32 $0xD0000000, s2;
	s6 =	simm.s32 $0x108;
	_ =	swait.ge @!p0 [sflag:s8], $0x0  }
0x24: {  	s3 =	sadd.s32 $0x88, s3;
	s6 =	simm.s32 @!p1 $0x1082;
	[sflag:s4] =	ssyncset.s32 $0xFFFFF086  }
0x25: {  	[simem:s6], [sflag:s4] =	dma.local [hbm:s3], $0xF7A  }
0x26: {  	[smem:$0x3F95] =	sst s1;
	(tag) =	ssettag s2;
	_ =	strace s9  }
0x27: {  	s1 =	sld [smem:$0x3FA5]  }
0x28: {  	s2 =	sld [smem:$0x3FA6]  }
0x29: {  	s4 =	sld [smem:$0x3FA8]  }
0x2a: {  	p0 =	seq.s32 s5, $0x0;
	s5 =	sld [smem:$0x3FA9]  }
0x2b: {  	s6 =	sld [smem:$0x3FAA]  }
0x2c: {  	s7 =	sld [smem:$0x3FAB]  }
0x2d: {  	s3 =	simm.s32 $0x108;
	s8 =	sld [smem:$0x3FAC]  }
0x2e: {  	s3 =	simm.s32 @!p0 $0x1082;
	s9 =	sld [smem:$0x3FAD]  }
0x2f: {  	lr =	sadd.s32 s0, s3;
	s0 =	sld [smem:$0x3FA4]  }
0x30: {  	s3 =	sld [smem:$0x3FA7]  }
0x31: {  	[smem:$0x3FB0] =	sst s10  }
0x32: {  	s10 =	sld [smem:$0x3FAE];
	_ =	sdelay $0x3  }
0x33: {  	p0 =	seq.s32 s10, $0x1;
	s10 =	sld [smem:$0x3FB0];
	_ =	sdelay $0x3  }
0x34: {  	[smem:$0x3FB0] =	sst s10  }
0x35: {  	s10 =	sld [smem:$0x3FAF];
	_ =	sdelay $0x3  }
0x36: {  	p1 =	seq.s32 s10, $0x1;
	s10 =	sld [smem:$0x3FB0];
	_ =	sdelay $0x3  }
0x37: {  	[smem:$0x3FB0] =	sst s10  }
0x38: {  	s10 =	sld [smem:$0x3FB1]  }
0x39: {  	_ = 	snop;
	(pc) =	sbr.ind lr, $3  }
0x3a: {  	_ = 	snop  }
0x3b: {  	_ = 	snop  }
0x3c: {  	p2 =	seq.s32 s10, $0x1;
	s10 =	sld [smem:$0x3FB0]  }
0x3d: {  	_ =	shalt  }
0x3e: {  	_ =	shalt  }
0x3f: {  	_ =	shalt  }
0x40: {  	_ =	shalt  }
0x41: {  	_ =	shalt  }
0x42: {  	_ =	shalt  }
0x43: {  	_ =	shalt  }
0x44: {  	_ =	shalt  }
0x45: {  	_ =	shalt  }
0x46: {  	_ =	shalt  }
0x47: {  	_ =	shalt  }
0x48: {  	_ =	shalt  }
0x49: {  	_ =	shalt  }
0x4a: {  	_ =	shalt  }
0x4b: {  	_ =	shalt  }
0x4c: {  	_ =	shalt  }
0x4d: {  	_ =	shalt  }
0x4e: {  	_ =	shalt  }
0x4f: {  	_ =	shalt  }
0x50: {  	_ =	shalt  }
0x51: {  	_ =	shalt  }
0x52: {  	_ =	shalt  }
0x53: {  	_ =	shalt  }
0x54: {  	_ =	shalt  }
0x55: {  	_ =	shalt  }
0x56: {  	_ =	shalt  }
0x57: {  	_ =	shalt  }
0x58: {  	_ =	shalt  }
0x59: {  	_ =	shalt  }
0x5a: {  	_ =	shalt  }
0x5b: {  	_ =	shalt  }
0x5c: {  	_ =	shalt  }
0x5d: {  	_ =	shalt  }
0x5e: {  	_ =	shalt  }
0x5f: {  	_ =	shalt  }
0x60: {  	_ =	shalt  }
0x61: {  	_ =	shalt  }
0x62: {  	_ =	shalt  }
0x63: {  	_ =	shalt  }
0x64: {  	_ =	shalt  }
0x65: {  	_ =	shalt  }
0x66: {  	_ =	shalt  }
0x67: {  	_ =	shalt  }
0x68: {  	_ =	shalt  }
0x69: {  	_ =	shalt  }
0x6a: {  	_ =	shalt  }
0x6b: {  	_ =	shalt  }
0x6c: {  	_ =	shalt  }
0x6d: {  	_ =	shalt  }
0x6e: {  	_ =	shalt  }
0x6f: {  	_ =	shalt  }
0x70: {  	_ =	shalt  }
0x71: {  	_ =	shalt  }
0x72: {  	_ =	shalt  }
0x73: {  	_ =	shalt  }
0x74: {  	_ =	shalt  }
0x75: {  	_ =	shalt  }
0x76: {  	_ =	shalt  }
0x77: {  	_ =	shalt  }
0x78: {  	_ =	shalt  }
0x79: {  	_ =	shalt  }
0x7a: {  	_ =	shalt  }
0x7b: {  	_ =	shalt  }
0x7c: {  	_ =	shalt  }
0x7d: {  	_ =	shalt  }
0x7e: {  	_ =	shalt  }
0x7f: {  	_ =	shalt  }
0x80: {  	_ =	shalt  }
0x81: {  	_ =	shalt  }
0x82: {  	_ =	shalt  }
0x83: {  	_ =	shalt  }
0x84: {  	_ =	shalt  }
0x85: {  	_ =	shalt  }
0x86: {  	_ =	shalt  }
0x87: {  	_ =	shalt  }
.Lfunc_end0:
.L_simem_size_0:
called_computation.2_lowered:
.L_overlay_start_0:
0x88: {  	s2 =	sld [smem:$0x3FD9]  }
0x89: {  	s3 =	sld [smem:$0x3FFE];
	_ =	sdelay $0x1  }
0x8a: {  	s1 =	srdreg.scid  }
0x8b: {  	s0 =	sand.u32 $0x1, s1  }
0x8c: {  	s16 =	sshll.u32 s0, $0xA;
	s2 =	sadd.s32 s3, s2  }
0x8d: {  	s2 =	sadd.s32 s2, s16  }
0x8e: {  	[smem:$0x3FBC] =	sst s2  }
0x8f: {  	_ = 	snop  }
0x90: {  	(tm) =	ssettm $0x1  }
0x91: {  	s17 =	sld [smem:$0x3FFB];
	_ =	sdelay $0x3  }
0x92: {  	_ =	strace s17  }
0x93: {  	s2 =	sld [smem:$0x3FFC];
	_ =	sdelay $0x3  }
0x94: {  	_ =	strace s2  }
0x95: {  	s2 =	sld [smem:$0x3FFD];
	_ =	sdelay $0x3  }
0x96: {  	_ =	strace s2  }
0x97: {  	_ =	strace $0x8FFFFFFF  }
0x98: {  	s18 =	sld [smem:$0x3FDB];
	_ =	sdelay $0x1  }
0x99: {  	s19 =	simm.s32 $_scs_section_size  }
0x9a: {  	s4 =	simm.s32 $_size__tile_overlayer_lowered;
	s5 =	simm.s32 $_tile_overlayer_lowered  }
0x9b: {  	s22 =	simm.s32 $0x1BFF;
	s21 =	sshll.u32 s5, $0x1;
	s2 =	sadd.s32 s19, s18  }
0x9c: {  	s6 =	simm.s32 $0x0;
	s20 =	sshll.u32 s4, $0x1;
	s4 =	sadd.s32 s21, s2  }
0x9d: {  	[timem:s6], [sflag:s22] =	dma.local [hbm:s4], s20  }
0x9e: {  	_ =	swait.ge [sflag:s22], s20  }
0x9f: {  	s3 =	ssub.s32 $0x0, s20;
	[sflag:s22] =	ssyncset.done $0x0  }
0xa0: {  	[sflag:s22] =	ssyncadd.s32 s3;
	_ =	sdelay $0x1  }
0xa1: {  	s23 =	simm.s32 $0x1B8B  }
0xa2: {  	_ =	swait.ge [sflag:s23], $0x1  }
0xa3: {  	[sflag:s23] =	ssyncset.done $0x0  }
0xa4: {  	s25 =	simm.s32 $0x1B8E;
	s24 =	sld [smem:$0x3FFE];
	[sflag:s23] =	ssyncadd.s32 $0xFFFFFFFF  }
0xa5: {  	s26 =	simm.s32 $execute0_lowered;
	[smem:$0x3FD2] =	sst s25  }
0xa6: {  	s4 =	sshll.u32 s26, $0x1;
	_ =	strace $0x8000004C;
	[dreg:$0x1] =	wrdreg $0xFFFFFFFF  }
0xa7: {  	s28 =	simm.s32 $_size_execute0_lowered;
	s2 =	sadd.s32 s2, s4;
	[dreg:$0x0] =	wrdreg $0x0  }
0xa8: {  	s4 =	sshll.u32 s28, $0x1;
	[dreg:$0x2] =	wrdreg s2  }
0xa9: {  	[dreg:$0x3] =	wrdreg s4  }
0xaa: {  	[dreg:$0x4] =	wrdreg $0xC0  }
0xab: {  	_ =	task [dreg:s6], $0x5FFFF  }
0xac: {  	[dreg:$0x1] =	wrdreg $0xFFFFFFFF  }
0xad: {  	[dreg:$0x0] =	wrdreg $0x60  }
0xae: {  	[dreg:$0x2] =	wrdreg s24  }
0xaf: {  	[dreg:$0x3] =	wrdreg $0xA8000  }
0xb0: {  	[dreg:$0x4] =	wrdreg $0x9  }
0xb1: {  	_ =	task.clear_ibuf [dreg:s6], $0x5FFFF;
	_ =	strace $0x9000004C  }
0xb2: {  	s29 =	simm.s32 $0x9;
	_ =	strace $0x8000004E  }
0xb3: {  	_ =	swait.ge [sflag:s29], $0x1  }
0xb4: {  	[sflag:s29] =	ssyncadd.s32 $0xFFFFFFFF  }
0xb5: {  	_ =	strace $0x9000004E  }
0xb6: {  	_ =	sfence  }
0xb7: {  	s30 =	sld [smem:$0x0];
	_ =	sdelay $0x2  }
0xb8: {  	s31 =	sshll.u32 s1, $0xD;
	s1 =	sshrl.u32 s1, $0x2  }
0xb9: {  	s3 =	sand.u32 $0x4000, s31;
	s1 =	sadd.s32 s1, s30  }
0xba: {  	s0 =	sor.u32 s3, s0;
	s1 =	sshll.u32 s1, $0x11  }
0xbb: {  	s0 =	sor.u32 s1, s0  }
0xbc: {  	s0 =	sadd.s32 $0x8F2B, s0  }
0xbd: {  	[sflag:s0] =	ssyncadd.remote.s32 $0x1  }
0xbe: {  	_ =	sfence.sel $0xFFFF  }
0xbf: {  	[dreg:$0x0] =	wrdreg $0xFFFFFFFF;
	(pc) =	sbr.abs _section_cstart, $3  }
0xc0: {  	[dreg:$0x1] =	wrdreg $0xFFFFFFFF  }
0xc1: {  	_ =	task.clear_ibuf [dreg:s6], $0x2FFFF;
	_ =	strace $0x9FFFFFFF  }
0xc2: {  	(tm) =	ssettm $0x7FFFFFFF  }
0xc3: {  	_ =	shalt  }
tec
execute0_lowered:
.L_overlay_start_1:
0x0: {  	(tag) =	ssettag $0x1  }
0x1: {  	s0 =	rddreg [dreg:$0x0]  }
0x2: {  	s1 =	rddreg [dreg:$0x1]  }
0x3: {  	s3 =	simm.s32 $0x0;
	s2 =	srdreg.scid;
	s8 =	stileid.u32  }
0x4: {  	s28 =	simm.s32 $0x8800;
	s29 =	simm.s32 $0x1;
	s30 =	simm.s32 $0x2  }
0x5: {  	s31 =	simm.s32 $0x3;
	[smem:$0x7FF] =	sst s3;
	s5 =	smul.u32 $0x14000, s8  }
0x6: {  	s2 =	sand.u32 $0x1, s2;
	s4 =	sadd.s32 $0x3E00, s0;
	s18 =	smul.u32 $0x50000, s8  }
0x7: {  	s6 =	sadd.s32 $0x67E00, s0;
	s17 =	smul.u32 $0x140000, s2;
	s7 =	sshll.u32 s2, $0x4  }
0x8: {  	_ =	strace $0x8000004D;
	s2 =	ssub.s32 $0x2, s2;
	s7 =	sor.u32 s8, s7  }
0x9: {  	s19 =	sshrl.u32 s2, $0x1;
	s20 =	sshrl.u32 s18, $0x2;
	s8 =	smul.u32 $0x5000, s7  }
0xa: {  	s3 =	sadd.s32 s5, s17;
	s7 =	smul.u32 $0xA00, s7;
	s2 =	ssub.s32 s2, s19  }
0xb: {  	s5 =	sadd.s32 s20, s1;
	s19 =	simm.s32 $0x2800;
	s20 =	simm.s32 $0x5  }
0xc: {  	s3 =	sshrl.u32 s3, $0x3;
	s23 =	smax.u32 s2, $0x1;
	s24 =	sadd.s32 $0x2000, s5  }
0xd: {  	s25 =	sadd.s32 $0x4000, s5;
	s26 =	sadd.s32 $0x6000, s5;
	s13 =	sadd.s32 $0x8000, s5  }
0xe: {  	s14 =	sadd.s32 $0xA000, s5;
	s15 =	sadd.s32 $0xC000, s5;
	s16 =	sadd.s32 $0xE000, s5  }
0xf: {  	s17 =	sadd.s32 $0x10000, s5;
	s18 =	sadd.s32 $0x12000, s5;
	[dreg:$0x6] =	wrdreg s23  }
0x10: {  	s2 =	simm.s32 $0x2640;
	s0 =	sadd.s32 s3, s0;
	[dreg:$0x7] =	wrdreg s24  }
0x11: {  	s8 =	sshrl.u32 s8, $0x3;
	s21 =	sadd.s32 s6, s7;
	[dreg:$0x8] =	wrdreg s25  }
0x12: {  	[dreg:$0x9] =	wrdreg s26;
	s23 =	simm.s32 $0x4800;
	s24 =	simm.s32 $0x100  }
0x13: {  	s25 =	simm.s32 $0x6800;
	s26 =	simm.s32 $0x180;
	s7 =	simm.s32 $0x27C0  }
0x14: {  	[dreg:$0x3] =	wrdreg s21;
	s22 =	sadd.s32 s6, s8;
	s0 =	sadd.s32 $0x7BE00, s0  }
0x15: {  	s21 =	simm.s32 $0x40;
	s6 =	simm.s32 $0x2740;
	s8 =	simm.s32 $0x0  }
0x16: {  	s3 =	sadd.s32 $0x500, s22;
	[dreg:$0x5] =	wrdreg s0;
	s22 =	simm.s32 $0x80  }
0x17: {  	v0 =	vimm.f32 $0.0e+00;
	s0 =	simm.s32 $0x4;
	[dreg:$0x4] =	wrdreg s3;
	s3 =	simm.s32 $0x26C0  }
.LBB2_1:
0x18: {  	s10 =	simm.s32 $0x0  }
0x19: {  	s9 =	sand.u32 $0x7E00, s10  }
0x1a: {  	s10 =	sand.u32 $0x70, s10;
	s11 =	sshrl.u32 s9, $0x2  }
0x1b: {  	s9 =	simm.s32 $0x40;
	s11 =	sor.u32 s10, s11;
	s10 =	simm.s32 $0x0  }
.LBB2_2:
0x1c: {  	p0 =	sne.s32 s9, $0x7FC0  }
0x1d: {  	[tilespmem:s11+$0x2800] =	vst v0;
	s10 =	sadd.s32 $0x10, s10;
	s11 =	smov.u32 s9;
	s9 =	sadd.s32 $0x40, s9  }
.Ltmp0:
0x1e: {  	(pc) =	sbr.rel @p0 .LBB2_2-.Ltmp0, $4  }
0x1f: {  	_ = 	snop  }
0x20: {  	s11 =	sand.u32 $0x7E00, s11  }
0x21: {  	s12 =	sand.u32 $0x70, s10;
	s11 =	sshrl.u32 s11, $0x2  }
0x22: {  	s11 =	sor.u32 s12, s11  }
0x23: {  	[tilespmem:s11+$0x2800] =	vst v0  }
0x24: {  	[spmem:s5] =	stream.linear.scatter [tilespmem:s19], [sflag:$0x5], $0x2000, $0x38;
	[tilespmem:$0x1E800] =	vst v63  }
0x25: {  	_ =	swait.ge [sflag:s20], $0x2000  }
0x26: {  	[sflag:s20] =	ssyncset.done $0x0  }
0x27: {  	s9 =	rddreg [dreg:$0x7];
	[sflag:s20] =	ssyncadd.s32 $0xFFFFE000  }
0x28: {  	[spmem:s9] =	stream.linear.scatter [tilespmem:s19], [sflag:$0x5], $0x2000, $0x38;
	[tilespmem:$0x1E800] =	vst v63  }
0x29: {  	_ =	swait.ge [sflag:s20], $0x2000  }
0x2a: {  	[sflag:s20] =	ssyncset.done $0x0  }
0x2b: {  	s12 =	rddreg [dreg:$0x8];
	[sflag:s20] =	ssyncadd.s32 $0xFFFFE000  }
0x2c: {  	[spmem:s12] =	stream.linear.scatter [tilespmem:s19], [sflag:$0x5], $0x2000, $0x38;
	[tilespmem:$0x1E800] =	vst v63  }
0x2d: {  	_ =	swait.ge [sflag:s20], $0x2000  }
0x2e: {  	[sflag:s20] =	ssyncset.done $0x0  }
0x2f: {  	s10 =	rddreg [dreg:$0x9];
	[sflag:s20] =	ssyncadd.s32 $0xFFFFE000  }
0x30: {  	[spmem:s10] =	stream.linear.scatter [tilespmem:s19], [sflag:$0x5], $0x2000, $0x38;
	[tilespmem:$0x1E800] =	vst v63  }
0x31: {  	_ =	swait.ge [sflag:s20], $0x2000  }
0x32: {  	[sflag:s20] =	ssyncset.done $0x0  }
0x33: {  	[sflag:s20] =	ssyncadd.s32 $0xFFFFE000  }
0x34: {  	[spmem:s13] =	stream.linear.scatter [tilespmem:s19], [sflag:$0x5], $0x2000, $0x38;
	[tilespmem:$0x1E800] =	vst v63  }
0x35: {  	_ =	swait.ge [sflag:s20], $0x2000  }
0x36: {  	[sflag:s20] =	ssyncset.done $0x0  }
0x37: {  	[sflag:s20] =	ssyncadd.s32 $0xFFFFE000  }
0x38: {  	[spmem:s14] =	stream.linear.scatter [tilespmem:s19], [sflag:$0x5], $0x2000, $0x38;
	[tilespmem:$0x1E800] =	vst v63  }
0x39: {  	_ =	swait.ge [sflag:s20], $0x2000  }
0x3a: {  	[sflag:s20] =	ssyncset.done $0x0  }
0x3b: {  	[sflag:s20] =	ssyncadd.s32 $0xFFFFE000  }
0x3c: {  	[spmem:s15] =	stream.linear.scatter [tilespmem:s19], [sflag:$0x5], $0x2000, $0x38;
	[tilespmem:$0x1E800] =	vst v63  }
0x3d: {  	_ =	swait.ge [sflag:s20], $0x2000  }
0x3e: {  	[sflag:s20] =	ssyncset.done $0x0  }
0x3f: {  	[sflag:s20] =	ssyncadd.s32 $0xFFFFE000  }
0x40: {  	[spmem:s16] =	stream.linear.scatter [tilespmem:s19], [sflag:$0x5], $0x2000, $0x38;
	[tilespmem:$0x1E800] =	vst v63  }
0x41: {  	_ =	swait.ge [sflag:s20], $0x2000  }
0x42: {  	[sflag:s20] =	ssyncset.done $0x0  }
0x43: {  	[sflag:s20] =	ssyncadd.s32 $0xFFFFE000  }
0x44: {  	[spmem:s17] =	stream.linear.scatter [tilespmem:s19], [sflag:$0x5], $0x2000, $0x38;
	[tilespmem:$0x1E800] =	vst v63  }
0x45: {  	_ =	swait.ge [sflag:s20], $0x2000  }
0x46: {  	[sflag:s20] =	ssyncset.done $0x0  }
0x47: {  	[sflag:s20] =	ssyncadd.s32 $0xFFFFE000  }
0x48: {  	[spmem:s18] =	stream.linear.scatter [tilespmem:s19], [sflag:$0x5], $0x2000, $0x38;
	[tilespmem:$0x1E800] =	vst v63  }
0x49: {  	_ =	swait.ge [sflag:s20], $0x2000  }
0x4a: {  	[sflag:s20] =	ssyncset.done $0x0  }
0x4b: {  	[sflag:s20] =	ssyncadd.s32 $0xFFFFE000  }
0x4c: {  	[bflag:$0x0] =	sbarrier.arrive $0xFFFF  }
0x4d: {  	s11 =	simm.s32 $0x0;
	s10 =	rddreg [dreg:$0x3]  }
0x4e: {  	[tilespmem:s11], [sflag:$0x5] =	stream.linear.gather [hbm4b:s10+s11], $0x2800, $0x38;
	[tilespmem:$0x1E800] =	vst v63  }
0x4f: {  	_ =	swait.ge [sflag:s20], $0x2800  }
0x50: {  	[sflag:s20] =	ssyncset.done $0x0  }
0x51: {  	[sflag:s20] =	ssyncadd.s32 $0xFFFFD800  }
0x52: {  	[tilespmem:s19], [sflag:$0x1] =	stream.indirect.gather [hbm4b:s4+s21], $0x80, s11, s21, $0xb8;
	[tilespmem:$0x1E800] =	vst v63  }
0x53: {  	_ = 	snop  }
0x54: {  	[tilespmem:s23], [sflag:$0x2] =	stream.indirect.gather [hbm4b:s4+s21], $0x80, s22, s21, $0xb8;
	[tilespmem:$0x1E800] =	vst v63  }
0x55: {  	_ = 	snop  }
0x56: {  	[tilespmem:s25], [sflag:$0x3] =	stream.indirect.gather [hbm4b:s4+s21], $0x80, s24, s21, $0xb8;
	[tilespmem:$0x1E800] =	vst v63  }
0x57: {  	_ = 	snop  }
0x58: {  	[tilespmem:s28], [sflag:$0x4] =	stream.indirect.gather [hbm4b:s4+s21], $0x80, s26, s21, $0xb8;
	[tilespmem:$0x1E800] =	vst v63  }
0x59: {  	_ =	swait.ge [sflag:s29], $0x2000  }
0x5a: {  	[sflag:s29] =	ssyncset.done $0x0  }
0x5b: {  	s12 =	simm.s32 $0x40;
	[sflag:s29] =	ssyncadd.s32 $0xFFFFE000  }
0x5c: {  	[spmem:s1] =	stream.indirect.scatter.add.f32 [tilespmem:s19], [sflag:$0x5], $0x80, s12, s21, $0xb8;
	[tilespmem:$0x1E800] =	vst v63  }
0x5d: {  	_ =	swait.ge [sflag:s20], $0x2000  }
0x5e: {  	[sflag:s20] =	ssyncset.done $0x0  }
0x5f: {  	s10 =	simm.s32 $0x200;
	[sflag:s20] =	ssyncadd.s32 $0xFFFFE000  }
0x60: {  	[tilespmem:s19], [sflag:$0x1] =	stream.indirect.gather [hbm4b:s4+s21], $0x80, s10, s21, $0xb8;
	[tilespmem:$0x1E800] =	vst v63  }
0x61: {  	_ =	swait.ge [sflag:s30], $0x2000  }
0x62: {  	[sflag:s30] =	ssyncset.done $0x0  }
0x63: {  	s11 =	simm.s32 $0xC0;
	[sflag:s30] =	ssyncadd.s32 $0xFFFFE000  }
0x64: {  	[spmem:s1] =	stream.indirect.scatter.add.f32 [tilespmem:s23], [sflag:$0x5], $0x80, s11, s21, $0xb8;
	[tilespmem:$0x1E800] =	vst v63  }
0x65: {  	_ =	swait.ge [sflag:s20], $0x2000  }
0x66: {  	[sflag:s20] =	ssyncset.done $0x0  }
0x67: {  	s12 =	simm.s32 $0x280;
	[sflag:s20] =	ssyncadd.s32 $0xFFFFE000  }
0x68: {  	[tilespmem:s23], [sflag:$0x2] =	stream.indirect.gather [hbm4b:s4+s21], $0x80, s12, s21, $0xb8;
	[tilespmem:$0x1E800] =	vst v63  }
0x69: {  	_ =	swait.ge [sflag:s31], $0x2000  }
0x6a: {  	[sflag:s31] =	ssyncset.done $0x0  }
0x6b: {  	s10 =	simm.s32 $0x140;
	[sflag:s31] =	ssyncadd.s32 $0xFFFFE000  }
0x6c: {  	[spmem:s1] =	stream.indirect.scatter.add.f32 [tilespmem:s25], [sflag:$0x5], $0x80, s10, s21, $0xb8;
	[tilespmem:$0x1E800] =	vst v63  }
0x6d: {  	_ =	swait.ge [sflag:s20], $0x2000  }
0x6e: {  	[sflag:s20] =	ssyncset.done $0x0  }
0x6f: {  	s11 =	simm.s32 $0x300;
	[sflag:s20] =	ssyncadd.s32 $0xFFFFE000  }
0x70: {  	[tilespmem:s25], [sflag:$0x3] =	stream.indirect.gather [hbm4b:s4+s21], $0x80, s11, s21, $0xb8;
	[tilespmem:$0x1E800] =	vst v63  }
0x71: {  	_ =	swait.ge [sflag:s0], $0x2000  }
0x72: {  	[sflag:s0] =	ssyncset.done $0x0  }
0x73: {  	s12 =	simm.s32 $0x1C0;
	[sflag:s0] =	ssyncadd.s32 $0xFFFFE000  }
0x74: {  	[spmem:s1] =	stream.indirect.scatter.add.f32 [tilespmem:s28], [sflag:$0x5], $0x80, s12, s21, $0xb8;
	[tilespmem:$0x1E800] =	vst v63  }
0x75: {  	_ =	swait.ge [sflag:s20], $0x2000  }
0x76: {  	[sflag:s20] =	ssyncset.done $0x0  }
0x77: {  	s9 =	simm.s32 $0x800;
	s10 =	simm.s32 $0x380;
	[sflag:s20] =	ssyncadd.s32 $0xFFFFE000  }
.LBB2_4:
0x78: {  	[tilespmem:s28], [sflag:$0x4] =	stream.indirect.gather [hbm4b:s4+s21], $0x80, s10, s21, $0xb8;
	[tilespmem:$0x1E800] =	vst v63  }
0x79: {  	s10 =	smov.u32 s9  }
0x7a: {  	p0 =	sne.s32 s9, $0x9000;
	s9 =	sadd.s32 $0x800, s9;
	_ =	swait.ge [sflag:s29], $0x2000  }
0x7b: {  	s10 =	sshra.s32 s10, $0x2;
	[sflag:s29] =	ssyncset.done $0x0  }
0x7c: {  	s11 =	sadd.s32 $0x40, s10;
	[sflag:s29] =	ssyncadd.s32 $0xFFFFE000  }
0x7d: {  	[spmem:s1] =	stream.indirect.scatter.add.f32 [tilespmem:s19], [sflag:$0x5], $0x80, s11, s21, $0xb8;
	[tilespmem:$0x1E800] =	vst v63  }
0x7e: {  	_ =	swait.ge [sflag:s20], $0x2000  }
0x7f: {  	[sflag:s20] =	ssyncset.done $0x0  }
0x80: {  	s11 =	sadd.s32 $0x200, s10;
	[sflag:s20] =	ssyncadd.s32 $0xFFFFE000  }
0x81: {  	[tilespmem:s19], [sflag:$0x1] =	stream.indirect.gather [hbm4b:s4+s21], $0x80, s11, s21, $0xb8;
	[tilespmem:$0x1E800] =	vst v63  }
0x82: {  	_ =	swait.ge [sflag:s30], $0x2000  }
0x83: {  	[sflag:s30] =	ssyncset.done $0x0  }
0x84: {  	s11 =	sadd.s32 $0xC0, s10;
	[sflag:s30] =	ssyncadd.s32 $0xFFFFE000  }
0x85: {  	[spmem:s1] =	stream.indirect.scatter.add.f32 [tilespmem:s23], [sflag:$0x5], $0x80, s11, s21, $0xb8;
	[tilespmem:$0x1E800] =	vst v63  }
0x86: {  	_ =	swait.ge [sflag:s20], $0x2000  }
0x87: {  	[sflag:s20] =	ssyncset.done $0x0  }
0x88: {  	s11 =	sadd.s32 $0x280, s10;
	[sflag:s20] =	ssyncadd.s32 $0xFFFFE000  }
0x89: {  	[tilespmem:s23], [sflag:$0x2] =	stream.indirect.gather [hbm4b:s4+s21], $0x80, s11, s21, $0xb8;
	[tilespmem:$0x1E800] =	vst v63  }
0x8a: {  	_ =	swait.ge [sflag:s31], $0x2000  }
0x8b: {  	[sflag:s31] =	ssyncset.done $0x0  }
0x8c: {  	s11 =	sadd.s32 $0x140, s10;
	[sflag:s31] =	ssyncadd.s32 $0xFFFFE000  }
0x8d: {  	[spmem:s1] =	stream.indirect.scatter.add.f32 [tilespmem:s25], [sflag:$0x5], $0x80, s11, s21, $0xb8;
	[tilespmem:$0x1E800] =	vst v63  }
0x8e: {  	_ =	swait.ge [sflag:s20], $0x2000  }
0x8f: {  	[sflag:s20] =	ssyncset.done $0x0  }
0x90: {  	s11 =	sadd.s32 $0x300, s10;
	[sflag:s20] =	ssyncadd.s32 $0xFFFFE000  }
0x91: {  	[tilespmem:s25], [sflag:$0x3] =	stream.indirect.gather [hbm4b:s4+s21], $0x80, s11, s21, $0xb8;
	[tilespmem:$0x1E800] =	vst v63  }
0x92: {  	_ =	swait.ge [sflag:s0], $0x2000  }
0x93: {  	[sflag:s0] =	ssyncset.done $0x0  }
.Ltmp1:
0x94: {  	s11 =	sadd.s32 $0x1C0, s10;
	[sflag:s0] =	ssyncadd.s32 $0xFFFFE000;
	(pc) =	sbr.rel @p0 .LBB2_4-.Ltmp1, $4  }
0x95: {  	[spmem:s1] =	stream.indirect.scatter.add.f32 [tilespmem:s28], [sflag:$0x5], $0x80, s11, s21, $0xb8;
	[tilespmem:$0x1E800] =	vst v63  }
0x96: {  	_ =	swait.ge [sflag:s20], $0x2000  }
0x97: {  	[sflag:s20] =	ssyncset.done $0x0  }
0x98: {  	s10 =	sadd.s32 $0x380, s10;
	[sflag:s20] =	ssyncadd.s32 $0xFFFFE000  }
0x99: {  	[tilespmem:s28], [sflag:$0x4] =	stream.indirect.gather [hbm4b:s4+s21], $0x80, s10, s21, $0xb8;
	[tilespmem:$0x1E800] =	vst v63  }
0x9a: {  	_ =	swait.ge [sflag:s29], $0x2000  }
0x9b: {  	[sflag:s29] =	ssyncset.done $0x0  }
0x9c: {  	[sflag:s29] =	ssyncadd.s32 $0xFFFFE000  }
0x9d: {  	[spmem:s1] =	stream.indirect.scatter.add.f32 [tilespmem:s19], [sflag:$0x5], $0x80, s2, s21, $0xb8;
	[tilespmem:$0x1E800] =	vst v63  }
0x9e: {  	_ =	swait.ge [sflag:s20], $0x2000  }
0x9f: {  	[sflag:s20] =	ssyncset.done $0x0  }
0xa0: {  	[sflag:s20] =	ssyncadd.s32 $0xFFFFE000  }
0xa1: {  	_ =	swait.ge [sflag:s30], $0x2000  }
0xa2: {  	[sflag:s30] =	ssyncset.done $0x0  }
0xa3: {  	[sflag:s30] =	ssyncadd.s32 $0xFFFFE000  }
0xa4: {  	[spmem:s1] =	stream.indirect.scatter.add.f32 [tilespmem:s23], [sflag:$0x5], $0x80, s3, s21, $0xb8;
	[tilespmem:$0x1E800] =	vst v63  }
0xa5: {  	_ =	swait.ge [sflag:s20], $0x2000  }
0xa6: {  	[sflag:s20] =	ssyncset.done $0x0  }
0xa7: {  	[sflag:s20] =	ssyncadd.s32 $0xFFFFE000  }
0xa8: {  	_ =	swait.ge [sflag:s31], $0x2000  }
0xa9: {  	[sflag:s31] =	ssyncset.done $0x0  }
0xaa: {  	[sflag:s31] =	ssyncadd.s32 $0xFFFFE000  }
0xab: {  	[spmem:s1] =	stream.indirect.scatter.add.f32 [tilespmem:s25], [sflag:$0x5], $0x80, s6, s21, $0xb8;
	[tilespmem:$0x1E800] =	vst v63  }
0xac: {  	_ =	swait.ge [sflag:s20], $0x2000  }
0xad: {  	[sflag:s20] =	ssyncset.done $0x0  }
0xae: {  	[sflag:s20] =	ssyncadd.s32 $0xFFFFE000  }
0xaf: {  	_ =	swait.ge [sflag:s0], $0x2000  }
0xb0: {  	[sflag:s0] =	ssyncset.done $0x0  }
0xb1: {  	[sflag:s0] =	ssyncadd.s32 $0xFFFFE000  }
0xb2: {  	[spmem:s1] =	stream.indirect.scatter.add.f32 [tilespmem:s28], [sflag:$0x5], $0x80, s7, s21, $0xb8;
	[tilespmem:$0x1E800] =	vst v63  }
0xb3: {  	_ =	swait.ge [sflag:s20], $0x2000  }
0xb4: {  	[sflag:s20] =	ssyncset.done $0x0  }
0xb5: {  	s9 =	simm.s32 $0x0;
	s11 =	rddreg [dreg:$0x4];
	[sflag:s20] =	ssyncadd.s32 $0xFFFFE000  }
0xb6: {  	[tilespmem:s9], [sflag:$0x5] =	stream.linear.gather [hbm4b:s11+s9], $0x2800, $0x38;
	[tilespmem:$0x1E800] =	vst v63  }
0xb7: {  	_ =	swait.ge [sflag:s20], $0x2800  }
0xb8: {  	[sflag:s20] =	ssyncset.done $0x0  }
0xb9: {  	[sflag:s20] =	ssyncadd.s32 $0xFFFFD800  }
0xba: {  	[tilespmem:s19], [sflag:$0x1] =	stream.indirect.gather [hbm4b:s4+s21], $0x80, s9, s21, $0xb8;
	[tilespmem:$0x1E800] =	vst v63  }
0xbb: {  	_ = 	snop  }
0xbc: {  	[tilespmem:s23], [sflag:$0x2] =	stream.indirect.gather [hbm4b:s4+s21], $0x80, s22, s21, $0xb8;
	[tilespmem:$0x1E800] =	vst v63  }
0xbd: {  	_ = 	snop  }
0xbe: {  	[tilespmem:s25], [sflag:$0x3] =	stream.indirect.gather [hbm4b:s4+s21], $0x80, s24, s21, $0xb8;
	[tilespmem:$0x1E800] =	vst v63  }
0xbf: {  	_ = 	snop  }
0xc0: {  	[tilespmem:s28], [sflag:$0x4] =	stream.indirect.gather [hbm4b:s4+s21], $0x80, s26, s21, $0xb8;
	[tilespmem:$0x1E800] =	vst v63  }
0xc1: {  	_ =	swait.ge [sflag:s29], $0x2000  }
0xc2: {  	[sflag:s29] =	ssyncset.done $0x0  }
0xc3: {  	s12 =	simm.s32 $0x40;
	[sflag:s29] =	ssyncadd.s32 $0xFFFFE000  }
0xc4: {  	[spmem:s1] =	stream.indirect.scatter.add.f32 [tilespmem:s19], [sflag:$0x5], $0x80, s12, s21, $0xb8;
	[tilespmem:$0x1E800] =	vst v63  }
0xc5: {  	_ =	swait.ge [sflag:s20], $0x2000  }
0xc6: {  	[sflag:s20] =	ssyncset.done $0x0  }
0xc7: {  	s10 =	simm.s32 $0x200;
	[sflag:s20] =	ssyncadd.s32 $0xFFFFE000  }
0xc8: {  	[tilespmem:s19], [sflag:$0x1] =	stream.indirect.gather [hbm4b:s4+s21], $0x80, s10, s21, $0xb8;
	[tilespmem:$0x1E800] =	vst v63  }
0xc9: {  	_ =	swait.ge [sflag:s30], $0x2000  }
0xca: {  	[sflag:s30] =	ssyncset.done $0x0  }
0xcb: {  	s11 =	simm.s32 $0xC0;
	[sflag:s30] =	ssyncadd.s32 $0xFFFFE000  }
0xcc: {  	[spmem:s1] =	stream.indirect.scatter.add.f32 [tilespmem:s23], [sflag:$0x5], $0x80, s11, s21, $0xb8;
	[tilespmem:$0x1E800] =	vst v63  }
0xcd: {  	_ =	swait.ge [sflag:s20], $0x2000  }
0xce: {  	[sflag:s20] =	ssyncset.done $0x0  }
0xcf: {  	s12 =	simm.s32 $0x280;
	[sflag:s20] =	ssyncadd.s32 $0xFFFFE000  }
0xd0: {  	[tilespmem:s23], [sflag:$0x2] =	stream.indirect.gather [hbm4b:s4+s21], $0x80, s12, s21, $0xb8;
	[tilespmem:$0x1E800] =	vst v63  }
0xd1: {  	_ =	swait.ge [sflag:s31], $0x2000  }
0xd2: {  	[sflag:s31] =	ssyncset.done $0x0  }
0xd3: {  	s10 =	simm.s32 $0x140;
	[sflag:s31] =	ssyncadd.s32 $0xFFFFE000  }
0xd4: {  	[spmem:s1] =	stream.indirect.scatter.add.f32 [tilespmem:s25], [sflag:$0x5], $0x80, s10, s21, $0xb8;
	[tilespmem:$0x1E800] =	vst v63  }
0xd5: {  	_ =	swait.ge [sflag:s20], $0x2000  }
0xd6: {  	[sflag:s20] =	ssyncset.done $0x0  }
0xd7: {  	s11 =	simm.s32 $0x300;
	[sflag:s20] =	ssyncadd.s32 $0xFFFFE000  }
0xd8: {  	[tilespmem:s25], [sflag:$0x3] =	stream.indirect.gather [hbm4b:s4+s21], $0x80, s11, s21, $0xb8;
	[tilespmem:$0x1E800] =	vst v63  }
0xd9: {  	_ =	swait.ge [sflag:s0], $0x2000  }
0xda: {  	[sflag:s0] =	ssyncset.done $0x0  }
0xdb: {  	s12 =	simm.s32 $0x1C0;
	[sflag:s0] =	ssyncadd.s32 $0xFFFFE000  }
0xdc: {  	[spmem:s1] =	stream.indirect.scatter.add.f32 [tilespmem:s28], [sflag:$0x5], $0x80, s12, s21, $0xb8;
	[tilespmem:$0x1E800] =	vst v63  }
0xdd: {  	_ =	swait.ge [sflag:s20], $0x2000  }
0xde: {  	[sflag:s20] =	ssyncset.done $0x0  }
0xdf: {  	s9 =	simm.s32 $0x800;
	s10 =	simm.s32 $0x380;
	[sflag:s20] =	ssyncadd.s32 $0xFFFFE000  }
.LBB2_6:
0xe0: {  	[tilespmem:s28], [sflag:$0x4] =	stream.indirect.gather [hbm4b:s4+s21], $0x80, s10, s21, $0xb8;
	[tilespmem:$0x1E800] =	vst v63  }
0xe1: {  	s10 =	smov.u32 s9  }
0xe2: {  	p0 =	sne.s32 s9, $0x9000;
	s9 =	sadd.s32 $0x800, s9;
	_ =	swait.ge [sflag:s29], $0x2000  }
0xe3: {  	s10 =	sshra.s32 s10, $0x2;
	[sflag:s29] =	ssyncset.done $0x0  }
0xe4: {  	s11 =	sadd.s32 $0x40, s10;
	[sflag:s29] =	ssyncadd.s32 $0xFFFFE000  }
0xe5: {  	[spmem:s1] =	stream.indirect.scatter.add.f32 [tilespmem:s19], [sflag:$0x5], $0x80, s11, s21, $0xb8;
	[tilespmem:$0x1E800] =	vst v63  }
0xe6: {  	_ =	swait.ge [sflag:s20], $0x2000  }
0xe7: {  	[sflag:s20] =	ssyncset.done $0x0  }
0xe8: {  	s11 =	sadd.s32 $0x200, s10;
	[sflag:s20] =	ssyncadd.s32 $0xFFFFE000  }
0xe9: {  	[tilespmem:s19], [sflag:$0x1] =	stream.indirect.gather [hbm4b:s4+s21], $0x80, s11, s21, $0xb8;
	[tilespmem:$0x1E800] =	vst v63  }
0xea: {  	_ =	swait.ge [sflag:s30], $0x2000  }
0xeb: {  	[sflag:s30] =	ssyncset.done $0x0  }
0xec: {  	s11 =	sadd.s32 $0xC0, s10;
	[sflag:s30] =	ssyncadd.s32 $0xFFFFE000  }
0xed: {  	[spmem:s1] =	stream.indirect.scatter.add.f32 [tilespmem:s23], [sflag:$0x5], $0x80, s11, s21, $0xb8;
	[tilespmem:$0x1E800] =	vst v63  }
0xee: {  	_ =	swait.ge [sflag:s20], $0x2000  }
0xef: {  	[sflag:s20] =	ssyncset.done $0x0  }
0xf0: {  	s11 =	sadd.s32 $0x280, s10;
	[sflag:s20] =	ssyncadd.s32 $0xFFFFE000  }
0xf1: {  	[tilespmem:s23], [sflag:$0x2] =	stream.indirect.gather [hbm4b:s4+s21], $0x80, s11, s21, $0xb8;
	[tilespmem:$0x1E800] =	vst v63  }
0xf2: {  	_ =	swait.ge [sflag:s31], $0x2000  }
0xf3: {  	[sflag:s31] =	ssyncset.done $0x0  }
0xf4: {  	s11 =	sadd.s32 $0x140, s10;
	[sflag:s31] =	ssyncadd.s32 $0xFFFFE000  }
0xf5: {  	[spmem:s1] =	stream.indirect.scatter.add.f32 [tilespmem:s25], [sflag:$0x5], $0x80, s11, s21, $0xb8;
	[tilespmem:$0x1E800] =	vst v63  }
0xf6: {  	_ =	swait.ge [sflag:s20], $0x2000  }
0xf7: {  	[sflag:s20] =	ssyncset.done $0x0  }
0xf8: {  	s11 =	sadd.s32 $0x300, s10;
	[sflag:s20] =	ssyncadd.s32 $0xFFFFE000  }
0xf9: {  	[tilespmem:s25], [sflag:$0x3] =	stream.indirect.gather [hbm4b:s4+s21], $0x80, s11, s21, $0xb8;
	[tilespmem:$0x1E800] =	vst v63  }
0xfa: {  	_ =	swait.ge [sflag:s0], $0x2000  }
0xfb: {  	[sflag:s0] =	ssyncset.done $0x0  }
.Ltmp2:
0xfc: {  	s11 =	sadd.s32 $0x1C0, s10;
	[sflag:s0] =	ssyncadd.s32 $0xFFFFE000;
	(pc) =	sbr.rel @p0 .LBB2_6-.Ltmp2, $4  }
0xfd: {  	[spmem:s1] =	stream.indirect.scatter.add.f32 [tilespmem:s28], [sflag:$0x5], $0x80, s11, s21, $0xb8;
	[tilespmem:$0x1E800] =	vst v63  }
0xfe: {  	_ =	swait.ge [sflag:s20], $0x2000  }
0xff: {  	[sflag:s20] =	ssyncset.done $0x0  }
0x100: {  	s10 =	sadd.s32 $0x380, s10;
	[sflag:s20] =	ssyncadd.s32 $0xFFFFE000  }
0x101: {  	[tilespmem:s28], [sflag:$0x4] =	stream.indirect.gather [hbm4b:s4+s21], $0x80, s10, s21, $0xb8;
	[tilespmem:$0x1E800] =	vst v63  }
0x102: {  	_ =	swait.ge [sflag:s29], $0x2000  }
0x103: {  	[sflag:s29] =	ssyncset.done $0x0  }
0x104: {  	[sflag:s29] =	ssyncadd.s32 $0xFFFFE000  }
0x105: {  	[spmem:s1] =	stream.indirect.scatter.add.f32 [tilespmem:s19], [sflag:$0x5], $0x80, s2, s21, $0xb8;
	[tilespmem:$0x1E800] =	vst v63  }
0x106: {  	_ =	swait.ge [sflag:s20], $0x2000  }
0x107: {  	[sflag:s20] =	ssyncset.done $0x0  }
0x108: {  	[sflag:s20] =	ssyncadd.s32 $0xFFFFE000  }
0x109: {  	_ =	swait.ge [sflag:s30], $0x2000  }
0x10a: {  	[sflag:s30] =	ssyncset.done $0x0  }
0x10b: {  	[sflag:s30] =	ssyncadd.s32 $0xFFFFE000  }
0x10c: {  	[spmem:s1] =	stream.indirect.scatter.add.f32 [tilespmem:s23], [sflag:$0x5], $0x80, s3, s21, $0xb8;
	[tilespmem:$0x1E800] =	vst v63  }
0x10d: {  	_ =	swait.ge [sflag:s20], $0x2000  }
0x10e: {  	[sflag:s20] =	ssyncset.done $0x0  }
0x10f: {  	[sflag:s20] =	ssyncadd.s32 $0xFFFFE000  }
0x110: {  	_ =	swait.ge [sflag:s31], $0x2000  }
0x111: {  	[sflag:s31] =	ssyncset.done $0x0  }
0x112: {  	[sflag:s31] =	ssyncadd.s32 $0xFFFFE000  }
0x113: {  	[spmem:s1] =	stream.indirect.scatter.add.f32 [tilespmem:s25], [sflag:$0x5], $0x80, s6, s21, $0xb8;
	[tilespmem:$0x1E800] =	vst v63  }
0x114: {  	_ =	swait.ge [sflag:s20], $0x2000  }
0x115: {  	[sflag:s20] =	ssyncset.done $0x0  }
0x116: {  	[sflag:s20] =	ssyncadd.s32 $0xFFFFE000  }
0x117: {  	_ =	swait.ge [sflag:s0], $0x2000  }
0x118: {  	[sflag:s0] =	ssyncset.done $0x0  }
0x119: {  	[sflag:s0] =	ssyncadd.s32 $0xFFFFE000  }
0x11a: {  	[spmem:s1] =	stream.indirect.scatter.add.f32 [tilespmem:s28], [sflag:$0x5], $0x80, s7, s21, $0xb8;
	[tilespmem:$0x1E800] =	vst v63  }
0x11b: {  	_ =	swait.ge [sflag:s20], $0x2000  }
0x11c: {  	[sflag:s20] =	ssyncset.done $0x0  }
0x11d: {  	s9 =	stileid.u32;
	[sflag:s20] =	ssyncadd.s32 $0xFFFFE000  }
0x11e: {  	s9 =	sshll.u32 s9, $0x6;
	[bflag:$0x0] =	sbarrier.arrive $0xFFFF  }
0x11f: {  	s12 =	sshrl.u32 s5, $0x3;
	s9 =	sor.u32 $0x1C05, s9;
	s11 =	rddreg [dreg:$0x5]  }
0x120: {  	[hbm:s11], [sflag:s9] =	dma.local [spmem:s12], $0x2800  }
0x121: {  	_ =	swait.ge [sflag:s20], $0x2800  }
0x122: {  	s8 =	sadd.s32 $0x1, s8;
	s12 =	rddreg [dreg:$0x6]  }
0x123: {  	p0 =	sne.s32 s8, s12  }
.Ltmp3:
0x124: {  	_ = 	snop;
	(pc) =	sbr.rel @p0 .LBB2_1-.Ltmp3, $3  }
0x125: {  	_ =	sdelay $0x1  }
0x126: {  	[sflag:s20] =	ssyncset.done $0x0  }
0x127: {  	[sflag:s20] =	ssyncadd.s32 $0xFFFFD800  }
0x128: {  	_ =	sfence.sel $0x180000  }
0x129: {  	[bflag:$0x0] =	sbarrier.arrive $0xFFFF  }
0x12a: {  	_ =	strace $0x9000004D  }
0x12b: {  	s0 =	stileid.u32;
	[bflag:$0x2] =	sbarrier.arrive $0xFFFF  }
0x12c: {  	p0 =	sne.s32 s0, $0x0;
	s0 =	rddreg [dreg:$0x2]  }
0x12d: {  	s0 =	sadd.s32 @!p0 $0x100000, s0  }
0x12e: {  	[sflag:s0] =	ssyncadd.tile.s32 @!p0 $0x1;
	_ =	shalt  }
.Lfunc_end2:
_tile_overlayer_lowered:
.L_overlay_start_2:
0x12f: {  	(tag) =	ssettag $0x2  }
0x130: {  	s0 =	rddreg [dreg:$0x0];
	s2 =	stileid.u32  }
0x131: {  	s1 =	rddreg [dreg:$0x1];
	p0 =	sne.s32 s2, $0x0  }
0x132: {  	s3 =	rddreg [dreg:$0x2];
	[bflag:$0x3] =	sbarrier.arrive $0xFFFF;
	s2 =	simm.s32 @!p0 $0x1C05  }
0x133: {  	[timem:s3], [sflag:s2] =	dma.local @!p0 [hbm:s0], s1  }
0x134: {  	s0 =	simm.s32 @!p0 $0x5  }
0x135: {  	_ =	swait.ge @!p0 [sflag:s0], s1  }
0x136: {  	s1 =	ssub.s32 @!p0 $0x0, s1;
	[sflag:s0] =	ssyncset.done @!p0 $0x0  }
0x137: {  	[sflag:s0] =	ssyncadd.s32 @!p0 s1  }
0x138: {  	[bflag:$0x3] =	sbarrier.arrive $0xFFFF  }
0x139: {  	_ =	shalt  }

// kernel: kernel.20.cloned.1.call-start
scs
__scs_entry_jumppad:
0x0: {  	(pc) =	sbr.rel $0x88, $3  }
0x1: {  	(tag) =	ssettag $0x0;
	lr =	simm.s32 $0x1  }
0x2: {  	[smem:$0x3F95] =	sst lr;
	_ =	strace $0xD0000000  }
0x3: {  	_ = 	snop  }
0x4: {  	_ = 	snop  }
0x5: {  	_ = 	snop  }
0x6: {  	_ = 	snop  }
0x7: {  	_ = 	snop  }
__scs_overlays_trampoline_lowered:
0x8: {  	[smem:$0x3FA4] =	sst s0  }
0x9: {  	[smem:$0x3FA5] =	sst s1  }
0xa: {  	[smem:$0x3FA6] =	sst s2  }
0xb: {  	[smem:$0x3FA7] =	sst s3  }
0xc: {  	[smem:$0x3FA8] =	sst s4  }
0xd: {  	[smem:$0x3FA9] =	sst s5  }
0xe: {  	[smem:$0x3FAA] =	sst s6  }
0xf: {  	[smem:$0x3FAB] =	sst s7  }
0x10: {  	[smem:$0x3FAC] =	sst s8  }
0x11: {  	[smem:$0x3FAD] =	sst s9;
	s0 =	simm.s32 @!p0 $0x0  }
0x12: {  	s1 =	sld [smem:$0x3F93];
	s0 =	simm.s32 @p0 $0x1  }
0x13: {  	[smem:$0x3FAE] =	sst s0;
	s0 =	simm.s32 @!p1 $0x0  }
0x14: {  	s2 =	sld [smem:$0x3F92];
	s0 =	simm.s32 @p1 $0x1  }
0x15: {  	[smem:$0x3FAF] =	sst s0;
	s0 =	simm.s32 @!p2 $0x0  }
0x16: {  	s3 =	sld [smem:$0x3FDB];
	s0 =	simm.s32 @p2 $0x1  }
0x17: {  	s4 =	simm.s32 $0x1BF5;
	[smem:$0x3FB1] =	sst s0  }
0x18: {  	s0 =	sld [smem:$0x3F94];
	_ =	swait.ge [sflag:s4], $0x0  }
0x19: {  	s7 =	sld [smem:$0x3F95]  }
0x1a: {  	s8 =	sadd.s32 $0xFFFFE003, lr  }
0x1b: {  	s9 =	sadd.s32 $0xFFFFFEF7, lr;
	s5 =	simm.s32 $0xFFFFFFFF;
	p2 =	slt.u32 s8, $0xFFFFF086  }
0x1c: {  	p1 =	slt.u32 s9, $0xF7A;
	s5 =	simm.s32 @!p2 $0x0  }
0x1d: {  	s5 =	simm.s32 @p1 $0x1;
	p0 =	seq.s32 s7, s2  }
0x1e: {  	s7 =	smul.u32 @!p0 $0xF7A, s2;
	p2 =	seq.s32 @!p0 s5, $0x0  }
0x1f: {  	s9 =	smul.u32 $0xF7A, s1;
	s8 =	simm.s32 @!p0 $0x1BF5;
	p2 =	por !p2, p0  }
0x20: {  	[sflag:s8] =	ssyncset.s32 @!p0 $0xFFFFF086;
	s6 =	sadd.s32 @!p0 s3, s7;
	s7 =	simm.s32 @!p0 $0x108  }
0x21: {  	s3 =	sadd.s32 s3, s9;
	s6 =	sadd.s32 @!p0 $0x88, s6;
	s7 =	simm.s32 @p2 $0x1082  }
0x22: {  	[simem:s7], [sflag:s8] =	dma.local @!p0 [hbm:s6], $0xF7A  }
0x23: {  	s9 =	sor.u32 $0xD0000000, s2;
	s6 =	simm.s32 $0x108;
	_ =	swait.ge @!p0 [sflag:s8], $0x0  }
0x24: {  	s3 =	sadd.s32 $0x88, s3;
	s6 =	simm.s32 @!p1 $0x1082;
	[sflag:s4] =	ssyncset.s32 $0xFFFFF086  }
0x25: {  	[simem:s6], [sflag:s4] =	dma.local [hbm:s3], $0xF7A  }
0x26: {  	[smem:$0x3F95] =	sst s1;
	(tag) =	ssettag s2;
	_ =	strace s9  }
0x27: {  	s1 =	sld [smem:$0x3FA5]  }
0x28: {  	s2 =	sld [smem:$0x3FA6]  }
0x29: {  	s4 =	sld [smem:$0x3FA8]  }
0x2a: {  	p0 =	seq.s32 s5, $0x0;
	s5 =	sld [smem:$0x3FA9]  }
0x2b: {  	s6 =	sld [smem:$0x3FAA]  }
0x2c: {  	s7 =	sld [smem:$0x3FAB]  }
0x2d: {  	s3 =	simm.s32 $0x108;
	s8 =	sld [smem:$0x3FAC]  }
0x2e: {  	s3 =	simm.s32 @!p0 $0x1082;
	s9 =	sld [smem:$0x3FAD]  }
0x2f: {  	lr =	sadd.s32 s0, s3;
	s0 =	sld [smem:$0x3FA4]  }
0x30: {  	s3 =	sld [smem:$0x3FA7]  }
0x31: {  	[smem:$0x3FB0] =	sst s10  }
0x32: {  	s10 =	sld [smem:$0x3FAE];
	_ =	sdelay $0x3  }
0x33: {  	p0 =	seq.s32 s10, $0x1;
	s10 =	sld [smem:$0x3FB0];
	_ =	sdelay $0x3  }
0x34: {  	[smem:$0x3FB0] =	sst s10  }
0x35: {  	s10 =	sld [smem:$0x3FAF];
	_ =	sdelay $0x3  }
0x36: {  	p1 =	seq.s32 s10, $0x1;
	s10 =	sld [smem:$0x3FB0];
	_ =	sdelay $0x3  }
0x37: {  	[smem:$0x3FB0] =	sst s10  }
0x38: {  	s10 =	sld [smem:$0x3FB1]  }
0x39: {  	_ = 	snop;
	(pc) =	sbr.ind lr, $3  }
0x3a: {  	_ = 	snop  }
0x3b: {  	_ = 	snop  }
0x3c: {  	p2 =	seq.s32 s10, $0x1;
	s10 =	sld [smem:$0x3FB0]  }
0x3d: {  	_ =	shalt  }
0x3e: {  	_ =	shalt  }
0x3f: {  	_ =	shalt  }
0x40: {  	_ =	shalt  }
0x41: {  	_ =	shalt  }
0x42: {  	_ =	shalt  }
0x43: {  	_ =	shalt  }
0x44: {  	_ =	shalt  }
0x45: {  	_ =	shalt  }
0x46: {  	_ =	shalt  }
0x47: {  	_ =	shalt  }
0x48: {  	_ =	shalt  }
0x49: {  	_ =	shalt  }
0x4a: {  	_ =	shalt  }
0x4b: {  	_ =	shalt  }
0x4c: {  	_ =	shalt  }
0x4d: {  	_ =	shalt  }
0x4e: {  	_ =	shalt  }
0x4f: {  	_ =	shalt  }
0x50: {  	_ =	shalt  }
0x51: {  	_ =	shalt  }
0x52: {  	_ =	shalt  }
0x53: {  	_ =	shalt  }
0x54: {  	_ =	shalt  }
0x55: {  	_ =	shalt  }
0x56: {  	_ =	shalt  }
0x57: {  	_ =	shalt  }
0x58: {  	_ =	shalt  }
0x59: {  	_ =	shalt  }
0x5a: {  	_ =	shalt  }
0x5b: {  	_ =	shalt  }
0x5c: {  	_ =	shalt  }
0x5d: {  	_ =	shalt  }
0x5e: {  	_ =	shalt  }
0x5f: {  	_ =	shalt  }
0x60: {  	_ =	shalt  }
0x61: {  	_ =	shalt  }
0x62: {  	_ =	shalt  }
0x63: {  	_ =	shalt  }
0x64: {  	_ =	shalt  }
0x65: {  	_ =	shalt  }
0x66: {  	_ =	shalt  }
0x67: {  	_ =	shalt  }
0x68: {  	_ =	shalt  }
0x69: {  	_ =	shalt  }
0x6a: {  	_ =	shalt  }
0x6b: {  	_ =	shalt  }
0x6c: {  	_ =	shalt  }
0x6d: {  	_ =	shalt  }
0x6e: {  	_ =	shalt  }
0x6f: {  	_ =	shalt  }
0x70: {  	_ =	shalt  }
0x71: {  	_ =	shalt  }
0x72: {  	_ =	shalt  }
0x73: {  	_ =	shalt  }
0x74: {  	_ =	shalt  }
0x75: {  	_ =	shalt  }
0x76: {  	_ =	shalt  }
0x77: {  	_ =	shalt  }
0x78: {  	_ =	shalt  }
0x79: {  	_ =	shalt  }
0x7a: {  	_ =	shalt  }
0x7b: {  	_ =	shalt  }
0x7c: {  	_ =	shalt  }
0x7d: {  	_ =	shalt  }
0x7e: {  	_ =	shalt  }
0x7f: {  	_ =	shalt  }
0x80: {  	_ =	shalt  }
0x81: {  	_ =	shalt  }
0x82: {  	_ =	shalt  }
0x83: {  	_ =	shalt  }
0x84: {  	_ =	shalt  }
0x85: {  	_ =	shalt  }
0x86: {  	_ =	shalt  }
0x87: {  	_ =	shalt  }
.Lfunc_end0:
.L_simem_size_0:
called_computation.3_lowered:
.L_overlay_start_0:
0x88: {  	s2 =	sld [smem:$0x3FD9]  }
0x89: {  	s3 =	sld [smem:$0x3FFE];
	_ =	sdelay $0x1  }
0x8a: {  	s1 =	srdreg.scid  }
0x8b: {  	s0 =	sand.u32 $0x1, s1  }
0x8c: {  	s16 =	sshll.u32 s0, $0xA;
	s2 =	sadd.s32 s3, s2  }
0x8d: {  	s2 =	sadd.s32 s2, s16  }
0x8e: {  	[smem:$0x3FBC] =	sst s2  }
0x8f: {  	_ = 	snop  }
0x90: {  	(tm) =	ssettm $0x1  }
0x91: {  	s17 =	sld [smem:$0x3FFB];
	_ =	sdelay $0x3  }
0x92: {  	_ =	strace s17  }
0x93: {  	s2 =	sld [smem:$0x3FFC];
	_ =	sdelay $0x3  }
0x94: {  	_ =	strace s2  }
0x95: {  	s2 =	sld [smem:$0x3FFD];
	_ =	sdelay $0x3  }
0x96: {  	_ =	strace s2  }
0x97: {  	_ =	strace $0x8FFFFFFF  }
0x98: {  	s18 =	sld [smem:$0x3FDB];
	_ =	sdelay $0x1  }
0x99: {  	s19 =	simm.s32 $_scs_section_size  }
0x9a: {  	s4 =	simm.s32 $_size__tile_overlayer_lowered;
	s5 =	simm.s32 $_tile_overlayer_lowered  }
0x9b: {  	s22 =	simm.s32 $0x1BFF;
	s21 =	sshll.u32 s5, $0x1;
	s2 =	sadd.s32 s19, s18  }
0x9c: {  	s6 =	simm.s32 $0x0;
	s20 =	sshll.u32 s4, $0x1;
	s4 =	sadd.s32 s21, s2  }
0x9d: {  	[timem:s6], [sflag:s22] =	dma.local [hbm:s4], s20  }
0x9e: {  	_ =	swait.ge [sflag:s22], s20  }
0x9f: {  	s3 =	ssub.s32 $0x0, s20;
	[sflag:s22] =	ssyncset.done $0x0  }
0xa0: {  	[sflag:s22] =	ssyncadd.s32 s3;
	_ =	sdelay $0x1  }
0xa1: {  	s23 =	simm.s32 $0x1B8B  }
0xa2: {  	_ =	swait.ge [sflag:s23], $0x1  }
0xa3: {  	[sflag:s23] =	ssyncset.done $0x0  }
0xa4: {  	s25 =	simm.s32 $0x1B8E;
	s24 =	sld [smem:$0x3FFE];
	[sflag:s23] =	ssyncadd.s32 $0xFFFFFFFF  }
0xa5: {  	s26 =	simm.s32 $execute0_lowered;
	[smem:$0x3FD2] =	sst s25  }
0xa6: {  	s4 =	sshll.u32 s26, $0x1;
	_ =	strace $0x8000004F;
	[dreg:$0x1] =	wrdreg $0xFFFFFFFF  }
0xa7: {  	s28 =	simm.s32 $_size_execute0_lowered;
	s2 =	sadd.s32 s2, s4;
	[dreg:$0x0] =	wrdreg $0x0  }
0xa8: {  	s4 =	sshll.u32 s28, $0x1;
	[dreg:$0x2] =	wrdreg s2  }
0xa9: {  	[dreg:$0x3] =	wrdreg s4  }
0xaa: {  	[dreg:$0x4] =	wrdreg $0xC0  }
0xab: {  	_ =	task [dreg:s6], $0x5FFFF  }
0xac: {  	[dreg:$0x1] =	wrdreg $0xFFFFFFFF  }
0xad: {  	[dreg:$0x0] =	wrdreg $0x60  }
0xae: {  	[dreg:$0x2] =	wrdreg s24  }
0xaf: {  	[dreg:$0x3] =	wrdreg $0xA8000  }
0xb0: {  	[dreg:$0x4] =	wrdreg $0x9  }
0xb1: {  	_ =	task.clear_ibuf [dreg:s6], $0x5FFFF;
	_ =	strace $0x9000004F  }
0xb2: {  	s29 =	simm.s32 $0x9;
	_ =	strace $0x80000051  }
0xb3: {  	_ =	swait.ge [sflag:s29], $0x1  }
0xb4: {  	[sflag:s29] =	ssyncadd.s32 $0xFFFFFFFF  }
0xb5: {  	_ =	strace $0x90000051  }
0xb6: {  	_ =	sfence  }
0xb7: {  	s30 =	sld [smem:$0x0];
	_ =	sdelay $0x2  }
0xb8: {  	s31 =	sshll.u32 s1, $0xD;
	s1 =	sshrl.u32 s1, $0x2  }
0xb9: {  	s3 =	sand.u32 $0x4000, s31;
	s1 =	sadd.s32 s1, s30  }
0xba: {  	s0 =	sor.u32 s3, s0;
	s1 =	sshll.u32 s1, $0x11  }
0xbb: {  	s0 =	sor.u32 s1, s0  }
0xbc: {  	s0 =	sadd.s32 $0x8F2B, s0  }
0xbd: {  	[sflag:s0] =	ssyncadd.remote.s32 $0x1  }
0xbe: {  	_ =	sfence.sel $0xFFFF  }
0xbf: {  	[dreg:$0x0] =	wrdreg $0xFFFFFFFF;
	(pc) =	sbr.abs _section_cstart, $3  }
0xc0: {  	[dreg:$0x1] =	wrdreg $0xFFFFFFFF  }
0xc1: {  	_ =	task.clear_ibuf [dreg:s6], $0x2FFFF;
	_ =	strace $0x9FFFFFFF  }
0xc2: {  	(tm) =	ssettm $0x7FFFFFFF  }
0xc3: {  	_ =	shalt  }
tec
execute0_lowered:
.L_overlay_start_1:
0x0: {  	(tag) =	ssettag $0x1  }
0x1: {  	s0 =	rddreg [dreg:$0x0]  }
0x2: {  	s1 =	rddreg [dreg:$0x1]  }
0x3: {  	s3 =	simm.s32 $0x0;
	s2 =	srdreg.scid;
	s8 =	stileid.u32  }
0x4: {  	s28 =	simm.s32 $0x8800;
	s29 =	simm.s32 $0x1;
	s30 =	simm.s32 $0x2  }
0x5: {  	s31 =	simm.s32 $0x3;
	[smem:$0x7FF] =	sst s3;
	s5 =	smul.u32 $0x14000, s8  }
0x6: {  	s2 =	sand.u32 $0x1, s2;
	s4 =	sadd.s32 $0x3E00, s0;
	s18 =	smul.u32 $0x50000, s8  }
0x7: {  	s6 =	sadd.s32 $0x67E00, s0;
	s17 =	smul.u32 $0x140000, s2;
	s7 =	sshll.u32 s2, $0x4  }
0x8: {  	_ =	strace $0x80000050;
	s2 =	ssub.s32 $0x2, s2;
	s7 =	sor.u32 s8, s7  }
0x9: {  	s19 =	sshrl.u32 s2, $0x1;
	s20 =	sshrl.u32 s18, $0x2;
	s8 =	smul.u32 $0x5000, s7  }
0xa: {  	s3 =	sadd.s32 s5, s17;
	s7 =	smul.u32 $0xA00, s7;
	s2 =	ssub.s32 s2, s19  }
0xb: {  	s5 =	sadd.s32 s20, s1;
	s19 =	simm.s32 $0x2800;
	s20 =	simm.s32 $0x5  }
0xc: {  	s3 =	sshrl.u32 s3, $0x3;
	s23 =	smax.u32 s2, $0x1;
	s24 =	sadd.s32 $0x2000, s5  }
0xd: {  	s25 =	sadd.s32 $0x4000, s5;
	s26 =	sadd.s32 $0x6000, s5;
	s13 =	sadd.s32 $0x8000, s5  }
0xe: {  	s14 =	sadd.s32 $0xA000, s5;
	s15 =	sadd.s32 $0xC000, s5;
	s16 =	sadd.s32 $0xE000, s5  }
0xf: {  	s17 =	sadd.s32 $0x10000, s5;
	s18 =	sadd.s32 $0x12000, s5;
	[dreg:$0x6] =	wrdreg s23  }
0x10: {  	s2 =	simm.s32 $0x2640;
	s0 =	sadd.s32 s3, s0;
	[dreg:$0x7] =	wrdreg s24  }
0x11: {  	s8 =	sshrl.u32 s8, $0x3;
	s21 =	sadd.s32 s6, s7;
	[dreg:$0x8] =	wrdreg s25  }
0x12: {  	[dreg:$0x9] =	wrdreg s26;
	s23 =	simm.s32 $0x4800;
	s24 =	simm.s32 $0x100  }
0x13: {  	s25 =	simm.s32 $0x6800;
	s26 =	simm.s32 $0x180;
	s7 =	simm.s32 $0x27C0  }
0x14: {  	[dreg:$0x3] =	wrdreg s21;
	s22 =	sadd.s32 s6, s8;
	s0 =	sadd.s32 $0x7BE00, s0  }
0x15: {  	s21 =	simm.s32 $0x40;
	s6 =	simm.s32 $0x2740;
	s8 =	simm.s32 $0x0  }
0x16: {  	s3 =	sadd.s32 $0x500, s22;
	[dreg:$0x5] =	wrdreg s0;
	s22 =	simm.s32 $0x80  }
0x17: {  	v0 =	vimm.f32 $0.0e+00;
	s0 =	simm.s32 $0x4;
	[dreg:$0x4] =	wrdreg s3;
	s3 =	simm.s32 $0x26C0  }
.LBB2_1:
0x18: {  	s10 =	simm.s32 $0x0  }
0x19: {  	s9 =	sand.u32 $0x7E00, s10  }
0x1a: {  	s10 =	sand.u32 $0x70, s10;
	s11 =	sshrl.u32 s9, $0x2  }
0x1b: {  	s9 =	simm.s32 $0x40;
	s11 =	sor.u32 s10, s11;
	s10 =	simm.s32 $0x0  }
.LBB2_2:
0x1c: {  	p0 =	sne.s32 s9, $0x7FC0  }
0x1d: {  	[tilespmem:s11+$0x2800] =	vst v0;
	s10 =	sadd.s32 $0x10, s10;
	s11 =	smov.u32 s9;
	s9 =	sadd.s32 $0x40, s9  }
.Ltmp0:
0x1e: {  	(pc) =	sbr.rel @p0 .LBB2_2-.Ltmp0, $4  }
0x1f: {  	_ = 	snop  }
0x20: {  	s11 =	sand.u32 $0x7E00, s11  }
0x21: {  	s12 =	sand.u32 $0x70, s10;
	s11 =	sshrl.u32 s11, $0x2  }
0x22: {  	s11 =	sor.u32 s12, s11  }
0x23: {  	[tilespmem:s11+$0x2800] =	vst v0  }
0x24: {  	[spmem:s5] =	stream.linear.scatter [tilespmem:s19], [sflag:$0x5], $0x2000, $0x38;
	[tilespmem:$0x1E800] =	vst v63  }
0x25: {  	_ =	swait.ge [sflag:s20], $0x2000  }
0x26: {  	[sflag:s20] =	ssyncset.done $0x0  }
0x27: {  	s9 =	rddreg [dreg:$0x7];
	[sflag:s20] =	ssyncadd.s32 $0xFFFFE000  }
0x28: {  	[spmem:s9] =	stream.linear.scatter [tilespmem:s19], [sflag:$0x5], $0x2000, $0x38;
	[tilespmem:$0x1E800] =	vst v63  }
0x29: {  	_ =	swait.ge [sflag:s20], $0x2000  }
0x2a: {  	[sflag:s20] =	ssyncset.done $0x0  }
0x2b: {  	s12 =	rddreg [dreg:$0x8];
	[sflag:s20] =	ssyncadd.s32 $0xFFFFE000  }
0x2c: {  	[spmem:s12] =	stream.linear.scatter [tilespmem:s19], [sflag:$0x5], $0x2000, $0x38;
	[tilespmem:$0x1E800] =	vst v63  }
0x2d: {  	_ =	swait.ge [sflag:s20], $0x2000  }
0x2e: {  	[sflag:s20] =	ssyncset.done $0x0  }
0x2f: {  	s10 =	rddreg [dreg:$0x9];
	[sflag:s20] =	ssyncadd.s32 $0xFFFFE000  }
0x30: {  	[spmem:s10] =	stream.linear.scatter [tilespmem:s19], [sflag:$0x5], $0x2000, $0x38;
	[tilespmem:$0x1E800] =	vst v63  }
0x31: {  	_ =	swait.ge [sflag:s20], $0x2000  }
0x32: {  	[sflag:s20] =	ssyncset.done $0x0  }
0x33: {  	[sflag:s20] =	ssyncadd.s32 $0xFFFFE000  }
0x34: {  	[spmem:s13] =	stream.linear.scatter [tilespmem:s19], [sflag:$0x5], $0x2000, $0x38;
	[tilespmem:$0x1E800] =	vst v63  }
0x35: {  	_ =	swait.ge [sflag:s20], $0x2000  }
0x36: {  	[sflag:s20] =	ssyncset.done $0x0  }
0x37: {  	[sflag:s20] =	ssyncadd.s32 $0xFFFFE000  }
0x38: {  	[spmem:s14] =	stream.linear.scatter [tilespmem:s19], [sflag:$0x5], $0x2000, $0x38;
	[tilespmem:$0x1E800] =	vst v63  }
0x39: {  	_ =	swait.ge [sflag:s20], $0x2000  }
0x3a: {  	[sflag:s20] =	ssyncset.done $0x0  }
0x3b: {  	[sflag:s20] =	ssyncadd.s32 $0xFFFFE000  }
0x3c: {  	[spmem:s15] =	stream.linear.scatter [tilespmem:s19], [sflag:$0x5], $0x2000, $0x38;
	[tilespmem:$0x1E800] =	vst v63  }
0x3d: {  	_ =	swait.ge [sflag:s20], $0x2000  }
0x3e: {  	[sflag:s20] =	ssyncset.done $0x0  }
0x3f: {  	[sflag:s20] =	ssyncadd.s32 $0xFFFFE000  }
0x40: {  	[spmem:s16] =	stream.linear.scatter [tilespmem:s19], [sflag:$0x5], $0x2000, $0x38;
	[tilespmem:$0x1E800] =	vst v63  }
0x41: {  	_ =	swait.ge [sflag:s20], $0x2000  }
0x42: {  	[sflag:s20] =	ssyncset.done $0x0  }
0x43: {  	[sflag:s20] =	ssyncadd.s32 $0xFFFFE000  }
0x44: {  	[spmem:s17] =	stream.linear.scatter [tilespmem:s19], [sflag:$0x5], $0x2000, $0x38;
	[tilespmem:$0x1E800] =	vst v63  }
0x45: {  	_ =	swait.ge [sflag:s20], $0x2000  }
0x46: {  	[sflag:s20] =	ssyncset.done $0x0  }
0x47: {  	[sflag:s20] =	ssyncadd.s32 $0xFFFFE000  }
0x48: {  	[spmem:s18] =	stream.linear.scatter [tilespmem:s19], [sflag:$0x5], $0x2000, $0x38;
	[tilespmem:$0x1E800] =	vst v63  }
0x49: {  	_ =	swait.ge [sflag:s20], $0x2000  }
0x4a: {  	[sflag:s20] =	ssyncset.done $0x0  }
0x4b: {  	[sflag:s20] =	ssyncadd.s32 $0xFFFFE000  }
0x4c: {  	[bflag:$0x0] =	sbarrier.arrive $0xFFFF  }
0x4d: {  	s11 =	simm.s32 $0x0;
	s10 =	rddreg [dreg:$0x3]  }
0x4e: {  	[tilespmem:s11], [sflag:$0x5] =	stream.linear.gather [hbm4b:s10+s11], $0x2800, $0x38;
	[tilespmem:$0x1E800] =	vst v63  }
0x4f: {  	_ =	swait.ge [sflag:s20], $0x2800  }
0x50: {  	[sflag:s20] =	ssyncset.done $0x0  }
0x51: {  	[sflag:s20] =	ssyncadd.s32 $0xFFFFD800  }
0x52: {  	[tilespmem:s19], [sflag:$0x1] =	stream.indirect.gather [hbm4b:s4+s21], $0x80, s11, s21, $0xb8;
	[tilespmem:$0x1E800] =	vst v63  }
0x53: {  	_ = 	snop  }
0x54: {  	[tilespmem:s23], [sflag:$0x2] =	stream.indirect.gather [hbm4b:s4+s21], $0x80, s22, s21, $0xb8;
	[tilespmem:$0x1E800] =	vst v63  }
0x55: {  	_ = 	snop  }
0x56: {  	[tilespmem:s25], [sflag:$0x3] =	stream.indirect.gather [hbm4b:s4+s21], $0x80, s24, s21, $0xb8;
	[tilespmem:$0x1E800] =	vst v63  }
0x57: {  	_ = 	snop  }
0x58: {  	[tilespmem:s28], [sflag:$0x4] =	stream.indirect.gather [hbm4b:s4+s21], $0x80, s26, s21, $0xb8;
	[tilespmem:$0x1E800] =	vst v63  }
0x59: {  	_ =	swait.ge [sflag:s29], $0x2000  }
0x5a: {  	[sflag:s29] =	ssyncset.done $0x0  }
0x5b: {  	s12 =	simm.s32 $0x40;
	[sflag:s29] =	ssyncadd.s32 $0xFFFFE000  }
0x5c: {  	[spmem:s1] =	stream.indirect.scatter.add.f32 [tilespmem:s19], [sflag:$0x5], $0x80, s12, s21, $0xb8;
	[tilespmem:$0x1E800] =	vst v63  }
0x5d: {  	_ =	swait.ge [sflag:s20], $0x2000  }
0x5e: {  	[sflag:s20] =	ssyncset.done $0x0  }
0x5f: {  	s10 =	simm.s32 $0x200;
	[sflag:s20] =	ssyncadd.s32 $0xFFFFE000  }
0x60: {  	[tilespmem:s19], [sflag:$0x1] =	stream.indirect.gather [hbm4b:s4+s21], $0x80, s10, s21, $0xb8;
	[tilespmem:$0x1E800] =	vst v63  }
0x61: {  	_ =	swait.ge [sflag:s30], $0x2000  }
0x62: {  	[sflag:s30] =	ssyncset.done $0x0  }
0x63: {  	s11 =	simm.s32 $0xC0;
	[sflag:s30] =	ssyncadd.s32 $0xFFFFE000  }
0x64: {  	[spmem:s1] =	stream.indirect.scatter.add.f32 [tilespmem:s23], [sflag:$0x5], $0x80, s11, s21, $0xb8;
	[tilespmem:$0x1E800] =	vst v63  }
0x65: {  	_ =	swait.ge [sflag:s20], $0x2000  }
0x66: {  	[sflag:s20] =	ssyncset.done $0x0  }
0x67: {  	s12 =	simm.s32 $0x280;
	[sflag:s20] =	ssyncadd.s32 $0xFFFFE000  }
0x68: {  	[tilespmem:s23], [sflag:$0x2] =	stream.indirect.gather [hbm4b:s4+s21], $0x80, s12, s21, $0xb8;
	[tilespmem:$0x1E800] =	vst v63  }
0x69: {  	_ =	swait.ge [sflag:s31], $0x2000  }
0x6a: {  	[sflag:s31] =	ssyncset.done $0x0  }
0x6b: {  	s10 =	simm.s32 $0x140;
	[sflag:s31] =	ssyncadd.s32 $0xFFFFE000  }
0x6c: {  	[spmem:s1] =	stream.indirect.scatter.add.f32 [tilespmem:s25], [sflag:$0x5], $0x80, s10, s21, $0xb8;
	[tilespmem:$0x1E800] =	vst v63  }
0x6d: {  	_ =	swait.ge [sflag:s20], $0x2000  }
0x6e: {  	[sflag:s20] =	ssyncset.done $0x0  }
0x6f: {  	s11 =	simm.s32 $0x300;
	[sflag:s20] =	ssyncadd.s32 $0xFFFFE000  }
0x70: {  	[tilespmem:s25], [sflag:$0x3] =	stream.indirect.gather [hbm4b:s4+s21], $0x80, s11, s21, $0xb8;
	[tilespmem:$0x1E800] =	vst v63  }
0x71: {  	_ =	swait.ge [sflag:s0], $0x2000  }
0x72: {  	[sflag:s0] =	ssyncset.done $0x0  }
0x73: {  	s12 =	simm.s32 $0x1C0;
	[sflag:s0] =	ssyncadd.s32 $0xFFFFE000  }
0x74: {  	[spmem:s1] =	stream.indirect.scatter.add.f32 [tilespmem:s28], [sflag:$0x5], $0x80, s12, s21, $0xb8;
	[tilespmem:$0x1E800] =	vst v63  }
0x75: {  	_ =	swait.ge [sflag:s20], $0x2000  }
0x76: {  	[sflag:s20] =	ssyncset.done $0x0  }
0x77: {  	s9 =	simm.s32 $0x800;
	s10 =	simm.s32 $0x380;
	[sflag:s20] =	ssyncadd.s32 $0xFFFFE000  }
.LBB2_4:
0x78: {  	[tilespmem:s28], [sflag:$0x4] =	stream.indirect.gather [hbm4b:s4+s21], $0x80, s10, s21, $0xb8;
	[tilespmem:$0x1E800] =	vst v63  }
0x79: {  	s10 =	smov.u32 s9  }
0x7a: {  	p0 =	sne.s32 s9, $0x9000;
	s9 =	sadd.s32 $0x800, s9;
	_ =	swait.ge [sflag:s29], $0x2000  }
0x7b: {  	s10 =	sshra.s32 s10, $0x2;
	[sflag:s29] =	ssyncset.done $0x0  }
0x7c: {  	s11 =	sadd.s32 $0x40, s10;
	[sflag:s29] =	ssyncadd.s32 $0xFFFFE000  }
0x7d: {  	[spmem:s1] =	stream.indirect.scatter.add.f32 [tilespmem:s19], [sflag:$0x5], $0x80, s11, s21, $0xb8;
	[tilespmem:$0x1E800] =	vst v63  }
0x7e: {  	_ =	swait.ge [sflag:s20], $0x2000  }
0x7f: {  	[sflag:s20] =	ssyncset.done $0x0  }
0x80: {  	s11 =	sadd.s32 $0x200, s10;
	[sflag:s20] =	ssyncadd.s32 $0xFFFFE000  }
0x81: {  	[tilespmem:s19], [sflag:$0x1] =	stream.indirect.gather [hbm4b:s4+s21], $0x80, s11, s21, $0xb8;
	[tilespmem:$0x1E800] =	vst v63  }
0x82: {  	_ =	swait.ge [sflag:s30], $0x2000  }
0x83: {  	[sflag:s30] =	ssyncset.done $0x0  }
0x84: {  	s11 =	sadd.s32 $0xC0, s10;
	[sflag:s30] =	ssyncadd.s32 $0xFFFFE000  }
0x85: {  	[spmem:s1] =	stream.indirect.scatter.add.f32 [tilespmem:s23], [sflag:$0x5], $0x80, s11, s21, $0xb8;
	[tilespmem:$0x1E800] =	vst v63  }
0x86: {  	_ =	swait.ge [sflag:s20], $0x2000  }
0x87: {  	[sflag:s20] =	ssyncset.done $0x0  }
0x88: {  	s11 =	sadd.s32 $0x280, s10;
	[sflag:s20] =	ssyncadd.s32 $0xFFFFE000  }
0x89: {  	[tilespmem:s23], [sflag:$0x2] =	stream.indirect.gather [hbm4b:s4+s21], $0x80, s11, s21, $0xb8;
	[tilespmem:$0x1E800] =	vst v63  }
0x8a: {  	_ =	swait.ge [sflag:s31], $0x2000  }
0x8b: {  	[sflag:s31] =	ssyncset.done $0x0  }
0x8c: {  	s11 =	sadd.s32 $0x140, s10;
	[sflag:s31] =	ssyncadd.s32 $0xFFFFE000  }
0x8d: {  	[spmem:s1] =	stream.indirect.scatter.add.f32 [tilespmem:s25], [sflag:$0x5], $0x80, s11, s21, $0xb8;
	[tilespmem:$0x1E800] =	vst v63  }
0x8e: {  	_ =	swait.ge [sflag:s20], $0x2000  }
0x8f: {  	[sflag:s20] =	ssyncset.done $0x0  }
0x90: {  	s11 =	sadd.s32 $0x300, s10;
	[sflag:s20] =	ssyncadd.s32 $0xFFFFE000  }
0x91: {  	[tilespmem:s25], [sflag:$0x3] =	stream.indirect.gather [hbm4b:s4+s21], $0x80, s11, s21, $0xb8;
	[tilespmem:$0x1E800] =	vst v63  }
0x92: {  	_ =	swait.ge [sflag:s0], $0x2000  }
0x93: {  	[sflag:s0] =	ssyncset.done $0x0  }
.Ltmp1:
0x94: {  	s11 =	sadd.s32 $0x1C0, s10;
	[sflag:s0] =	ssyncadd.s32 $0xFFFFE000;
	(pc) =	sbr.rel @p0 .LBB2_4-.Ltmp1, $4  }
0x95: {  	[spmem:s1] =	stream.indirect.scatter.add.f32 [tilespmem:s28], [sflag:$0x5], $0x80, s11, s21, $0xb8;
	[tilespmem:$0x1E800] =	vst v63  }
0x96: {  	_ =	swait.ge [sflag:s20], $0x2000  }
0x97: {  	[sflag:s20] =	ssyncset.done $0x0  }
0x98: {  	s10 =	sadd.s32 $0x380, s10;
	[sflag:s20] =	ssyncadd.s32 $0xFFFFE000  }
0x99: {  	[tilespmem:s28], [sflag:$0x4] =	stream.indirect.gather [hbm4b:s4+s21], $0x80, s10, s21, $0xb8;
	[tilespmem:$0x1E800] =	vst v63  }
0x9a: {  	_ =	swait.ge [sflag:s29], $0x2000  }
0x9b: {  	[sflag:s29] =	ssyncset.done $0x0  }
0x9c: {  	[sflag:s29] =	ssyncadd.s32 $0xFFFFE000  }
0x9d: {  	[spmem:s1] =	stream.indirect.scatter.add.f32 [tilespmem:s19], [sflag:$0x5], $0x80, s2, s21, $0xb8;
	[tilespmem:$0x1E800] =	vst v63  }
0x9e: {  	_ =	swait.ge [sflag:s20], $0x2000  }
0x9f: {  	[sflag:s20] =	ssyncset.done $0x0  }
0xa0: {  	[sflag:s20] =	ssyncadd.s32 $0xFFFFE000  }
0xa1: {  	_ =	swait.ge [sflag:s30], $0x2000  }
0xa2: {  	[sflag:s30] =	ssyncset.done $0x0  }
0xa3: {  	[sflag:s30] =	ssyncadd.s32 $0xFFFFE000  }
0xa4: {  	[spmem:s1] =	stream.indirect.scatter.add.f32 [tilespmem:s23], [sflag:$0x5], $0x80, s3, s21, $0xb8;
	[tilespmem:$0x1E800] =	vst v63  }
0xa5: {  	_ =	swait.ge [sflag:s20], $0x2000  }
0xa6: {  	[sflag:s20] =	ssyncset.done $0x0  }
0xa7: {  	[sflag:s20] =	ssyncadd.s32 $0xFFFFE000  }
0xa8: {  	_ =	swait.ge [sflag:s31], $0x2000  }
0xa9: {  	[sflag:s31] =	ssyncset.done $0x0  }
0xaa: {  	[sflag:s31] =	ssyncadd.s32 $0xFFFFE000  }
0xab: {  	[spmem:s1] =	stream.indirect.scatter.add.f32 [tilespmem:s25], [sflag:$0x5], $0x80, s6, s21, $0xb8;
	[tilespmem:$0x1E800] =	vst v63  }
0xac: {  	_ =	swait.ge [sflag:s20], $0x2000  }
0xad: {  	[sflag:s20] =	ssyncset.done $0x0  }
0xae: {  	[sflag:s20] =	ssyncadd.s32 $0xFFFFE000  }
0xaf: {  	_ =	swait.ge [sflag:s0], $0x2000  }
0xb0: {  	[sflag:s0] =	ssyncset.done $0x0  }
0xb1: {  	[sflag:s0] =	ssyncadd.s32 $0xFFFFE000  }
0xb2: {  	[spmem:s1] =	stream.indirect.scatter.add.f32 [tilespmem:s28], [sflag:$0x5], $0x80, s7, s21, $0xb8;
	[tilespmem:$0x1E800] =	vst v63  }
0xb3: {  	_ =	swait.ge [sflag:s20], $0x2000  }
0xb4: {  	[sflag:s20] =	ssyncset.done $0x0  }
0xb5: {  	s9 =	simm.s32 $0x0;
	s11 =	rddreg [dreg:$0x4];
	[sflag:s20] =	ssyncadd.s32 $0xFFFFE000  }
0xb6: {  	[tilespmem:s9], [sflag:$0x5] =	stream.linear.gather [hbm4b:s11+s9], $0x2800, $0x38;
	[tilespmem:$0x1E800] =	vst v63  }
0xb7: {  	_ =	swait.ge [sflag:s20], $0x2800  }
0xb8: {  	[sflag:s20] =	ssyncset.done $0x0  }
0xb9: {  	[sflag:s20] =	ssyncadd.s32 $0xFFFFD800  }
0xba: {  	[tilespmem:s19], [sflag:$0x1] =	stream.indirect.gather [hbm4b:s4+s21], $0x80, s9, s21, $0xb8;
	[tilespmem:$0x1E800] =	vst v63  }
0xbb: {  	_ = 	snop  }
0xbc: {  	[tilespmem:s23], [sflag:$0x2] =	stream.indirect.gather [hbm4b:s4+s21], $0x80, s22, s21, $0xb8;
	[tilespmem:$0x1E800] =	vst v63  }
0xbd: {  	_ = 	snop  }
0xbe: {  	[tilespmem:s25], [sflag:$0x3] =	stream.indirect.gather [hbm4b:s4+s21], $0x80, s24, s21, $0xb8;
	[tilespmem:$0x1E800] =	vst v63  }
0xbf: {  	_ = 	snop  }
0xc0: {  	[tilespmem:s28], [sflag:$0x4] =	stream.indirect.gather [hbm4b:s4+s21], $0x80, s26, s21, $0xb8;
	[tilespmem:$0x1E800] =	vst v63  }
0xc1: {  	_ =	swait.ge [sflag:s29], $0x2000  }
0xc2: {  	[sflag:s29] =	ssyncset.done $0x0  }
0xc3: {  	s12 =	simm.s32 $0x40;
	[sflag:s29] =	ssyncadd.s32 $0xFFFFE000  }
0xc4: {  	[spmem:s1] =	stream.indirect.scatter.add.f32 [tilespmem:s19], [sflag:$0x5], $0x80, s12, s21, $0xb8;
	[tilespmem:$0x1E800] =	vst v63  }
0xc5: {  	_ =	swait.ge [sflag:s20], $0x2000  }
0xc6: {  	[sflag:s20] =	ssyncset.done $0x0  }
0xc7: {  	s10 =	simm.s32 $0x200;
	[sflag:s20] =	ssyncadd.s32 $0xFFFFE000  }
0xc8: {  	[tilespmem:s19], [sflag:$0x1] =	stream.indirect.gather [hbm4b:s4+s21], $0x80, s10, s21, $0xb8;
	[tilespmem:$0x1E800] =	vst v63  }
0xc9: {  	_ =	swait.ge [sflag:s30], $0x2000  }
0xca: {  	[sflag:s30] =	ssyncset.done $0x0  }
0xcb: {  	s11 =	simm.s32 $0xC0;
	[sflag:s30] =	ssyncadd.s32 $0xFFFFE000  }
0xcc: {  	[spmem:s1] =	stream.indirect.scatter.add.f32 [tilespmem:s23], [sflag:$0x5], $0x80, s11, s21, $0xb8;
	[tilespmem:$0x1E800] =	vst v63  }
0xcd: {  	_ =	swait.ge [sflag:s20], $0x2000  }
0xce: {  	[sflag:s20] =	ssyncset.done $0x0  }
0xcf: {  	s12 =	simm.s32 $0x280;
	[sflag:s20] =	ssyncadd.s32 $0xFFFFE000  }
0xd0: {  	[tilespmem:s23], [sflag:$0x2] =	stream.indirect.gather [hbm4b:s4+s21], $0x80, s12, s21, $0xb8;
	[tilespmem:$0x1E800] =	vst v63  }
0xd1: {  	_ =	swait.ge [sflag:s31], $0x2000  }
0xd2: {  	[sflag:s31] =	ssyncset.done $0x0  }
0xd3: {  	s10 =	simm.s32 $0x140;
	[sflag:s31] =	ssyncadd.s32 $0xFFFFE000  }
0xd4: {  	[spmem:s1] =	stream.indirect.scatter.add.f32 [tilespmem:s25], [sflag:$0x5], $0x80, s10, s21, $0xb8;
	[tilespmem:$0x1E800] =	vst v63  }
0xd5: {  	_ =	swait.ge [sflag:s20], $0x2000  }
0xd6: {  	[sflag:s20] =	ssyncset.done $0x0  }
0xd7: {  	s11 =	simm.s32 $0x300;
	[sflag:s20] =	ssyncadd.s32 $0xFFFFE000  }
0xd8: {  	[tilespmem:s25], [sflag:$0x3] =	stream.indirect.gather [hbm4b:s4+s21], $0x80, s11, s21, $0xb8;
	[tilespmem:$0x1E800] =	vst v63  }
0xd9: {  	_ =	swait.ge [sflag:s0], $0x2000  }
0xda: {  	[sflag:s0] =	ssyncset.done $0x0  }
0xdb: {  	s12 =	simm.s32 $0x1C0;
	[sflag:s0] =	ssyncadd.s32 $0xFFFFE000  }
0xdc: {  	[spmem:s1] =	stream.indirect.scatter.add.f32 [tilespmem:s28], [sflag:$0x5], $0x80, s12, s21, $0xb8;
	[tilespmem:$0x1E800] =	vst v63  }
0xdd: {  	_ =	swait.ge [sflag:s20], $0x2000  }
0xde: {  	[sflag:s20] =	ssyncset.done $0x0  }
0xdf: {  	s9 =	simm.s32 $0x800;
	s10 =	simm.s32 $0x380;
	[sflag:s20] =	ssyncadd.s32 $0xFFFFE000  }
.LBB2_6:
0xe0: {  	[tilespmem:s28], [sflag:$0x4] =	stream.indirect.gather [hbm4b:s4+s21], $0x80, s10, s21, $0xb8;
	[tilespmem:$0x1E800] =	vst v63  }
0xe1: {  	s10 =	smov.u32 s9  }
0xe2: {  	p0 =	sne.s32 s9, $0x9000;
	s9 =	sadd.s32 $0x800, s9;
	_ =	swait.ge [sflag:s29], $0x2000  }
0xe3: {  	s10 =	sshra.s32 s10, $0x2;
	[sflag:s29] =	ssyncset.done $0x0  }
0xe4: {  	s11 =	sadd.s32 $0x40, s10;
	[sflag:s29] =	ssyncadd.s32 $0xFFFFE000  }
0xe5: {  	[spmem:s1] =	stream.indirect.scatter.add.f32 [tilespmem:s19], [sflag:$0x5], $0x80, s11, s21, $0xb8;
	[tilespmem:$0x1E800] =	vst v63  }
0xe6: {  	_ =	swait.ge [sflag:s20], $0x2000  }
0xe7: {  	[sflag:s20] =	ssyncset.done $0x0  }
0xe8: {  	s11 =	sadd.s32 $0x200, s10;
	[sflag:s20] =	ssyncadd.s32 $0xFFFFE000  }
0xe9: {  	[tilespmem:s19], [sflag:$0x1] =	stream.indirect.gather [hbm4b:s4+s21], $0x80, s11, s21, $0xb8;
	[tilespmem:$0x1E800] =	vst v63  }
0xea: {  	_ =	swait.ge [sflag:s30], $0x2000  }
0xeb: {  	[sflag:s30] =	ssyncset.done $0x0  }
0xec: {  	s11 =	sadd.s32 $0xC0, s10;
	[sflag:s30] =	ssyncadd.s32 $0xFFFFE000  }
0xed: {  	[spmem:s1] =	stream.indirect.scatter.add.f32 [tilespmem:s23], [sflag:$0x5], $0x80, s11, s21, $0xb8;
	[tilespmem:$0x1E800] =	vst v63  }
0xee: {  	_ =	swait.ge [sflag:s20], $0x2000  }
0xef: {  	[sflag:s20] =	ssyncset.done $0x0  }
0xf0: {  	s11 =	sadd.s32 $0x280, s10;
	[sflag:s20] =	ssyncadd.s32 $0xFFFFE000  }
0xf1: {  	[tilespmem:s23], [sflag:$0x2] =	stream.indirect.gather [hbm4b:s4+s21], $0x80, s11, s21, $0xb8;
	[tilespmem:$0x1E800] =	vst v63  }
0xf2: {  	_ =	swait.ge [sflag:s31], $0x2000  }
0xf3: {  	[sflag:s31] =	ssyncset.done $0x0  }
0xf4: {  	s11 =	sadd.s32 $0x140, s10;
	[sflag:s31] =	ssyncadd.s32 $0xFFFFE000  }
0xf5: {  	[spmem:s1] =	stream.indirect.scatter.add.f32 [tilespmem:s25], [sflag:$0x5], $0x80, s11, s21, $0xb8;
	[tilespmem:$0x1E800] =	vst v63  }
0xf6: {  	_ =	swait.ge [sflag:s20], $0x2000  }
0xf7: {  	[sflag:s20] =	ssyncset.done $0x0  }
0xf8: {  	s11 =	sadd.s32 $0x300, s10;
	[sflag:s20] =	ssyncadd.s32 $0xFFFFE000  }
0xf9: {  	[tilespmem:s25], [sflag:$0x3] =	stream.indirect.gather [hbm4b:s4+s21], $0x80, s11, s21, $0xb8;
	[tilespmem:$0x1E800] =	vst v63  }
0xfa: {  	_ =	swait.ge [sflag:s0], $0x2000  }
0xfb: {  	[sflag:s0] =	ssyncset.done $0x0  }
.Ltmp2:
0xfc: {  	s11 =	sadd.s32 $0x1C0, s10;
	[sflag:s0] =	ssyncadd.s32 $0xFFFFE000;
	(pc) =	sbr.rel @p0 .LBB2_6-.Ltmp2, $4  }
0xfd: {  	[spmem:s1] =	stream.indirect.scatter.add.f32 [tilespmem:s28], [sflag:$0x5], $0x80, s11, s21, $0xb8;
	[tilespmem:$0x1E800] =	vst v63  }
0xfe: {  	_ =	swait.ge [sflag:s20], $0x2000  }
0xff: {  	[sflag:s20] =	ssyncset.done $0x0  }
0x100: {  	s10 =	sadd.s32 $0x380, s10;
	[sflag:s20] =	ssyncadd.s32 $0xFFFFE000  }
0x101: {  	[tilespmem:s28], [sflag:$0x4] =	stream.indirect.gather [hbm4b:s4+s21], $0x80, s10, s21, $0xb8;
	[tilespmem:$0x1E800] =	vst v63  }
0x102: {  	_ =	swait.ge [sflag:s29], $0x2000  }
0x103: {  	[sflag:s29] =	ssyncset.done $0x0  }
0x104: {  	[sflag:s29] =	ssyncadd.s32 $0xFFFFE000  }
0x105: {  	[spmem:s1] =	stream.indirect.scatter.add.f32 [tilespmem:s19], [sflag:$0x5], $0x80, s2, s21, $0xb8;
	[tilespmem:$0x1E800] =	vst v63  }
0x106: {  	_ =	swait.ge [sflag:s20], $0x2000  }
0x107: {  	[sflag:s20] =	ssyncset.done $0x0  }
0x108: {  	[sflag:s20] =	ssyncadd.s32 $0xFFFFE000  }
0x109: {  	_ =	swait.ge [sflag:s30], $0x2000  }
0x10a: {  	[sflag:s30] =	ssyncset.done $0x0  }
0x10b: {  	[sflag:s30] =	ssyncadd.s32 $0xFFFFE000  }
0x10c: {  	[spmem:s1] =	stream.indirect.scatter.add.f32 [tilespmem:s23], [sflag:$0x5], $0x80, s3, s21, $0xb8;
	[tilespmem:$0x1E800] =	vst v63  }
0x10d: {  	_ =	swait.ge [sflag:s20], $0x2000  }
0x10e: {  	[sflag:s20] =	ssyncset.done $0x0  }
0x10f: {  	[sflag:s20] =	ssyncadd.s32 $0xFFFFE000  }
0x110: {  	_ =	swait.ge [sflag:s31], $0x2000  }
0x111: {  	[sflag:s31] =	ssyncset.done $0x0  }
0x112: {  	[sflag:s31] =	ssyncadd.s32 $0xFFFFE000  }
0x113: {  	[spmem:s1] =	stream.indirect.scatter.add.f32 [tilespmem:s25], [sflag:$0x5], $0x80, s6, s21, $0xb8;
	[tilespmem:$0x1E800] =	vst v63  }
0x114: {  	_ =	swait.ge [sflag:s20], $0x2000  }
0x115: {  	[sflag:s20] =	ssyncset.done $0x0  }
0x116: {  	[sflag:s20] =	ssyncadd.s32 $0xFFFFE000  }
0x117: {  	_ =	swait.ge [sflag:s0], $0x2000  }
0x118: {  	[sflag:s0] =	ssyncset.done $0x0  }
0x119: {  	[sflag:s0] =	ssyncadd.s32 $0xFFFFE000  }
0x11a: {  	[spmem:s1] =	stream.indirect.scatter.add.f32 [tilespmem:s28], [sflag:$0x5], $0x80, s7, s21, $0xb8;
	[tilespmem:$0x1E800] =	vst v63  }
0x11b: {  	_ =	swait.ge [sflag:s20], $0x2000  }
0x11c: {  	[sflag:s20] =	ssyncset.done $0x0  }
0x11d: {  	s9 =	stileid.u32;
	[sflag:s20] =	ssyncadd.s32 $0xFFFFE000  }
0x11e: {  	s9 =	sshll.u32 s9, $0x6;
	[bflag:$0x0] =	sbarrier.arrive $0xFFFF  }
0x11f: {  	s12 =	sshrl.u32 s5, $0x3;
	s9 =	sor.u32 $0x1C05, s9;
	s11 =	rddreg [dreg:$0x5]  }
0x120: {  	[hbm:s11], [sflag:s9] =	dma.local [spmem:s12], $0x2800  }
0x121: {  	_ =	swait.ge [sflag:s20], $0x2800  }
0x122: {  	s8 =	sadd.s32 $0x1, s8;
	s12 =	rddreg [dreg:$0x6]  }
0x123: {  	p0 =	sne.s32 s8, s12  }
.Ltmp3:
0x124: {  	_ = 	snop;
	(pc) =	sbr.rel @p0 .LBB2_1-.Ltmp3, $3  }
0x125: {  	_ =	sdelay $0x1  }
0x126: {  	[sflag:s20] =	ssyncset.done $0x0  }
0x127: {  	[sflag:s20] =	ssyncadd.s32 $0xFFFFD800  }
0x128: {  	_ =	sfence.sel $0x180000  }
0x129: {  	[bflag:$0x0] =	sbarrier.arrive $0xFFFF  }
0x12a: {  	_ =	strace $0x90000050  }
0x12b: {  	s0 =	stileid.u32;
	[bflag:$0x2] =	sbarrier.arrive $0xFFFF  }
0x12c: {  	p0 =	sne.s32 s0, $0x0;
	s0 =	rddreg [dreg:$0x2]  }
0x12d: {  	s0 =	sadd.s32 @!p0 $0x100000, s0  }
0x12e: {  	[sflag:s0] =	ssyncadd.tile.s32 @!p0 $0x1;
	_ =	shalt  }
.Lfunc_end2:
_tile_overlayer_lowered:
.L_overlay_start_2:
0x12f: {  	(tag) =	ssettag $0x2  }
0x130: {  	s0 =	rddreg [dreg:$0x0];
	s2 =	stileid.u32  }
0x131: {  	s1 =	rddreg [dreg:$0x1];
	p0 =	sne.s32 s2, $0x0  }
0x132: {  	s3 =	rddreg [dreg:$0x2];
	[bflag:$0x3] =	sbarrier.arrive $0xFFFF;
	s2 =	simm.s32 @!p0 $0x1C05  }
0x133: {  	[timem:s3], [sflag:s2] =	dma.local @!p0 [hbm:s0], s1  }
0x134: {  	s0 =	simm.s32 @!p0 $0x5  }
0x135: {  	_ =	swait.ge @!p0 [sflag:s0], s1  }
0x136: {  	s1 =	ssub.s32 @!p0 $0x0, s1;
	[sflag:s0] =	ssyncset.done @!p0 $0x0  }
0x137: {  	[sflag:s0] =	ssyncadd.s32 @!p0 s1  }
0x138: {  	[bflag:$0x3] =	sbarrier.arrive $0xFFFF  }
0x139: {  	_ =	shalt  }

</sc_bundles>
